<compile_context>
chip_gen: v7x
topology: tpu7x:2x2x1
jax: 0.10.2.dev20260603
libtpu: 0.0.44.dev20260713+nightly
codegen_flags: <defaults>
</compile_context>

<pallas_src>
import functools

import jax
import jax.numpy as jnp
from jax import lax
from jax.experimental import pallas as pl
from jax.experimental.pallas import tpu as pltpu
from jax.experimental.pallas import tpu_sc as plsc

EMB = 256
N_ROWS = 16384
BETA = 0.25

ROW_BLK = 256
K_BLK = 256

SC_WORKERS = 32
SC_CHUNK = 256


def _dist_multi_body(x_ref, *refs, kdims):
    nd = len(kdims)
    d_refs = refs[:nd]
    xn_ref = refs[nd]
    dn_refs = refs[nd + 1:2 * nd + 1]
    idx_refs = refs[2 * nd + 1:]
    xm2 = (x_ref[...] * (-2.0)).astype(jnp.bfloat16)
    xn = xn_ref[...]
    for j in range(nd):
        kdim = kdims[j]
        kb = min(K_BLK, kdim)

        def chunk_score(ci):
            sim2 = lax.dot_general(
                xm2, d_refs[j][:, ci * kb:(ci + 1) * kb],
                (((1,), (0,)), ((), ())),
                preferred_element_type=jnp.float32)
            return (xn + dn_refs[j][0:1, ci * kb:(ci + 1) * kb]) + sim2

        nchunks = kdim // kb

        def fold_pair(ci):
            if ci + 1 < nchunks:
                v1 = chunk_score(ci)
                v2 = chunk_score(ci + 1)
                c12 = jnp.where(v2 < v1, jnp.int32(ci + 1), jnp.int32(ci))
                return jnp.minimum(v1, v2), c12, 2
            return chunk_score(ci), None, 1

        m_vec, c_vec, step = fold_pair(0)
        ci = step
        while ci < nchunks:
            v, c12, step = fold_pair(ci)
            if c12 is None:
                c12 = jnp.full((ROW_BLK, kb), ci, jnp.int32)
            better = v < m_vec
            m_vec = jnp.where(better, v, m_vec)
            if c_vec is None:
                c_vec = jnp.where(better, c12, jnp.int32(0))
            else:
                c_vec = jnp.where(better, c12, c_vec)
            ci += step
        m = jnp.min(m_vec, axis=1, keepdims=True)
        kcand = lax.broadcasted_iota(jnp.int32, (ROW_BLK, kb), 1)
        if c_vec is not None:
            kcand = c_vec * jnp.int32(kb) + kcand
        a = jnp.min(jnp.where(m_vec == m, kcand, jnp.int32(2 ** 30)),
                    axis=1, keepdims=True)
        idx_refs[j][...] = a


def _dist_multi(xf, ds, xn, dns, row0=0, nrows=N_ROWS):
    kdims = tuple(d.shape[1] for d in ds)
    nd = len(ds)
    boff = row0 // ROW_BLK
    return pl.pallas_call(
        functools.partial(_dist_multi_body, kdims=kdims),
        grid=(nrows // ROW_BLK,),
        in_specs=(
            [pl.BlockSpec((ROW_BLK, EMB), lambda i: (i + boff, 0))]
            + [pl.BlockSpec((EMB, k), lambda i: (0, 0)) for k in kdims]
            + [pl.BlockSpec((ROW_BLK, 1), lambda i: (i + boff, 0))]
            + [pl.BlockSpec((1, k), lambda i: (0, 0)) for k in kdims]
        ),
        out_specs=[pl.BlockSpec((ROW_BLK, 1), lambda i: (i, 0))] * nd,
        out_shape=[jax.ShapeDtypeStruct((nrows, 1), jnp.int32)] * nd,
    )(xf, *ds, xn, *dns)


def _sc_gather(table, idx):
    nrows = idx.shape[0]
    b_per_w = nrows // SC_WORKERS
    chunk = min(SC_CHUNK, b_per_w)
    mesh = plsc.VectorSubcoreMesh(core_axis_name="c", subcore_axis_name="s")

    @functools.partial(
        pl.kernel, mesh=mesh,
        out_type=jax.ShapeDtypeStruct((nrows, EMB), jnp.float32),
        scratch_types=[
            pltpu.VMEM((chunk,), jnp.int32),
            pltpu.VMEM((chunk, EMB), jnp.float32),
            pltpu.SemaphoreType.DMA,
        ],
    )
    def k(table_hbm, idx_hbm, out_hbm, idx_v, rows_v, sem):
        wid = lax.axis_index("s") * 2 + lax.axis_index("c")
        base = wid * b_per_w
        for c in range(0, b_per_w, chunk):
            pltpu.sync_copy(idx_hbm.at[pl.ds(base + c, chunk)], idx_v)
            pltpu.async_copy(table_hbm.at[idx_v], rows_v, sem).wait()
            pltpu.sync_copy(rows_v, out_hbm.at[pl.ds(base + c, chunk)])

    return k(table, idx)


def _combine_body(gam_ref, al_ref, x_ref, g0, g1, g2, g3, g4, *rest):
    out_ref, loss_ref = rest[-2], rest[-1]
    i = pl.program_id(0)
    al = al_ref[0]
    x = x_ref[...]
    acc = jnp.zeros(x.shape, jnp.float32)
    lsum = jnp.float32(0.0)
    for j, g_ref in enumerate((g0, g1, g2, g3, g4)):
        q = al * g_ref[...].astype(jnp.bfloat16).astype(jnp.float32)
        acc = acc + gam_ref[j] * q
        dif = x - q
        lsum = lsum + gam_ref[j] * jnp.sum(dif * dif)
    out_ref[...] = acc

    @pl.when(i == 0)
    def _():
        loss_ref[...] = jnp.zeros((1, 1), jnp.float32)

    loss_ref[...] += jnp.reshape(lsum * ((1.0 + BETA) / (N_ROWS * EMB)),
                                 (1, 1))


def _combine(xf, gs, vq_gamma, vq_alpha, row0=0, nrows=N_ROWS, prev=None):
    blk = 1024
    grid = (nrows // blk,)
    boff = row0 // blk

    def spec(g):
        off = boff if g.shape[0] == N_ROWS and nrows != N_ROWS else 0
        return pl.BlockSpec((blk, EMB), lambda i, o=off: (i + o, 0))

    in_specs = [
        pl.BlockSpec(memory_space=pltpu.SMEM),
        pl.BlockSpec(memory_space=pltpu.SMEM),
        pl.BlockSpec((blk, EMB), lambda i: (i + boff, 0)),
    ] + [spec(g) for g in gs]
    args = [vq_gamma, vq_alpha, xf] + list(gs)
    aliases = {}
    if prev is not None:
        in_specs.append(pl.BlockSpec(memory_space=pl.ANY))
        aliases = {len(args): 0}
        args.append(prev)
    out, loss = pl.pallas_call(
        _combine_body,
        grid=grid,
        in_specs=in_specs,
        out_specs=[
            pl.BlockSpec((blk, EMB), lambda i: (i + boff, 0)),
            pl.BlockSpec((1, 1), lambda i: (0, 0)),
        ],
        out_shape=[
            jax.ShapeDtypeStruct((N_ROWS, EMB), jnp.float32),
            jax.ShapeDtypeStruct((1, 1), jnp.float32),
        ],
        input_output_aliases=aliases,
    )(*args)
    return out, loss


def kernel(x, dict0, dict1, dict2, dict3, dict4, vq_alpha, vq_gamma):
    dicts = [dict0, dict1, dict2, dict3, dict4]
    xf = x.reshape(-1, EMB)
    xn = jnp.sum(xf ** 2, axis=1, keepdims=True)
    dns = [jnp.sum(d ** 2, axis=0, keepdims=True) for d in dicts]
    dbs = [d.astype(jnp.bfloat16) for d in dicts]
    idx4, idx3, idx2 = _dist_multi(
        xf, [dbs[4], dbs[3], dbs[2]], xn, [dns[4], dns[3], dns[2]])
    g4 = _sc_gather(dicts[4].T, idx4.reshape(N_ROWS))
    g3 = _sc_gather(dicts[3].T, idx3.reshape(N_ROWS))
    g2 = _sc_gather(dicts[2].T, idx2.reshape(N_ROWS))
    half = N_ROWS // 2
    d1t, d0t = dicts[1].T, dicts[0].T
    al = vq_alpha.reshape(1)
    idx1a, idx0a = _dist_multi(xf, [dbs[1], dbs[0]], xn,
                               [dns[1], dns[0]], 0, half)
    g1a = _sc_gather(d1t, idx1a.reshape(half))
    g0a = _sc_gather(d0t, idx0a.reshape(half))
    idx1b, idx0b = _dist_multi(xf, [dbs[1], dbs[0]], xn,
                               [dns[1], dns[0]], half, half)
    g1b = _sc_gather(d1t, idx1b.reshape(half))
    g0b = _sc_gather(d0t, idx0b.reshape(half))
    out_a, loss_a = _combine(xf, [g0a, g1a, g2, g3, g4], vq_gamma, al,
                             0, half)
    out, loss_b = _combine(xf, [g0b, g1b, g2, g3, g4], vq_gamma, al,
                           half, half, prev=out_a)
    return out.reshape(x.shape), loss_a[0, 0] + loss_b[0, 0]

# --- scband reference (transcript-rebuilt; emitter-appended) ---
"""Pipeline reference for scband-dartsvqblock-58858231824516 (READ-ONLY COPY).

The authoritative reference and input builder live on the scoring server;
editing this copy changes nothing except your own understanding.
"""

import jax, jax.numpy as jnp
import numpy as np

EMBEDDING_DIM = 256
DICT_SIZES = [512, 1024, 2048, 4096, 8192]  # 2^9 .. 2^13 from num_embeddings=[512, 8192]
ALPHA = 1.0
BETA = 0.25
GAMMA = 1.0 / len(DICT_SIZES)


def setup_inputs(seed: int = 0) -> dict:
    key = jax.random.key(seed)
    ks = jax.random.split(key, 1 + len(DICT_SIZES))
    x = jax.random.normal(ks[0], (16, 32, 32, EMBEDDING_DIM), dtype=jnp.float32)
    inp = {"x": x}
    # Keras RandomUniform default range is [-0.05, 0.05]
    for i, K in enumerate(DICT_SIZES):
        inp[f"dict{i}"] = jax.random.uniform(ks[1 + i], (EMBEDDING_DIM, K), dtype=jnp.float32, minval=-0.05, maxval=0.05)
    inp["vq_alpha"] = jnp.asarray(ALPHA, dtype=jnp.float32)
    inp["vq_gamma"] = jnp.full((len(DICT_SIZES),), GAMMA, dtype=jnp.float32)
    return inp


def get_code_indices(flat, dictionary):
    similarity = flat @ dictionary
    distances = (
        jnp.sum(flat ** 2, axis=1, keepdims=True)
        + jnp.sum(dictionary ** 2, axis=0, keepdims=True)
        - 2.0 * similarity
    )
    return jnp.argmin(distances, axis=1)


def reference(x, dict0, dict1, dict2, dict3, dict4, vq_alpha, vq_gamma):
    dicts = [dict0, dict1, dict2, dict3, dict4]
    img_shape = x.shape
    flat = x.reshape(-1, EMBEDDING_DIM)
    weighted_q = jnp.zeros(img_shape, dtype=x.dtype)
    dictionary_loss = jnp.asarray(0.0, dtype=jnp.float32)
    commitment_loss = jnp.asarray(0.0, dtype=jnp.float32)
    for i, d in enumerate(dicts):
        K = d.shape[1]
        code_idx = get_code_indices(flat, d)
        idx_one_hot = jax.nn.one_hot(code_idx, K, dtype=jnp.float32)
        quantized = vq_alpha * (idx_one_hot @ d.T)
        q = quantized.reshape(img_shape)
        weighted_q = weighted_q + vq_gamma[i] * q
        dictionary_loss = dictionary_loss + vq_gamma[i] * jnp.mean(jnp.square(jax.lax.stop_gradient(x) - q))
        commitment_loss = commitment_loss + vq_gamma[i] * jnp.mean(jnp.square(x - jax.lax.stop_gradient(q)))
    vq_loss = dictionary_loss + BETA * commitment_loss
    out = x + jax.lax.stop_gradient(weighted_q - x)
    return out, vq_loss

if __name__ == "__main__":
    import jax
    _d = setup_inputs()
    print(jax.jit(kernel)(*tuple(_d.values())))

</pallas_src>

<mosaic_0001>
#map = affine_map<(d0, d1) -> (0, 0)>
#map1 = affine_map<(d0, d1) -> (0)>
module attributes {stable_mosaic.version = 14 : i64} {
  func.func @k(%arg0: i32, %arg1: i32, %arg2: memref<512x256xf32, #tpu.memory_space<hbm>>, %arg3: memref<8192xi32, #tpu.memory_space<hbm>>, %arg4: memref<8192x256xf32, #tpu.memory_space<hbm>>, %arg5: memref<256xi32, #tpu.memory_space<vmem>>, %arg6: memref<256x256xf32, #tpu.memory_space<vmem>>, %arg7: memref<!tpu.dma_semaphore, #tpu.memory_space<semaphore_mem>>) attributes {dimension_semantics = [#tpu.dimension_semantics<core_parallel>, #tpu.dimension_semantics<subcore_parallel>], iteration_bounds = array<i64: 2, 16>, scalar_prefetch = 0 : i64, scratch_operands = 3 : i64, tpu.core_type = #tpu.core_type<sc_vector_subcore>, window_params = [{transform_indices = #map}, {transform_indices = #map1}, {transform_indices = #map}]} {
    %mul3A = arith.constant 2 : i32
    %mul3A_0 = arith.muli %arg1, %mul3A : i32
    %add3A = arith.addi %mul3A_0, %arg0 : i32
    %mul3A_1 = arith.constant 256 : i32
    %mul3A_2 = arith.muli %add3A, %mul3A_1 : i32
    %add3A_3 = arith.constant 0 : i32
    %add3A_4 = arith.addi %mul3A_2, %add3A_3 : i32
    "tpu.region"() ({
      %run_scoped3A = tpu.sem_alloc : memref<!tpu.dma_semaphore, #tpu.memory_space<semaphore_mem>>
      %dma_start3A_11 = tpu.memref_slice %arg3[%add3A_4] : memref<8192xi32, #tpu.memory_space<hbm>> -> memref<256xi32, #tpu.memory_space<hbm>>
      %dma_start3A_12 = tpu.memref_slice %arg3[%add3A_4] : memref<8192xi32, #tpu.memory_space<hbm>> -> memref<256xi32, #tpu.memory_space<hbm>>
      tpu.enqueue_dma source(%dma_start3A_12 : memref<256xi32, #tpu.memory_space<hbm>>) target(%arg5 : memref<256xi32, #tpu.memory_space<vmem>>) target_semaphore(%run_scoped3A : memref<!tpu.dma_semaphore, #tpu.memory_space<semaphore_mem>>)
      %dma_wait3A_13 = tpu.memref_slice %arg3[%add3A_4] : memref<8192xi32, #tpu.memory_space<hbm>> -> memref<256xi32, #tpu.memory_space<hbm>>
      %dma_wait3A_14 = tpu.memref_slice %arg3[%add3A_4] : memref<8192xi32, #tpu.memory_space<hbm>> -> memref<256xi32, #tpu.memory_space<hbm>>
      tpu.wait_dma2 semaphore(%run_scoped3A : memref<!tpu.dma_semaphore, #tpu.memory_space<semaphore_mem>>) src(%dma_wait3A_14 : memref<256xi32, #tpu.memory_space<hbm>>) dst(%arg5 : memref<256xi32, #tpu.memory_space<vmem>>)
      tpu.yield
    }) : () -> ()
    %dma_start3A = arith.constant 0 : i32
    %dma_start3A_5 = arith.constant 0 : i32
    %dma_start3A_6 = tpu.memref_slice %arg2[%dma_start3A, %dma_start3A_5] : memref<512x256xf32, #tpu.memory_space<hbm>> -> memref<512x256xf32, #tpu.memory_space<hbm>>
    tpu.enqueue_indirect_dma source(%dma_start3A_6 : memref<512x256xf32, #tpu.memory_space<hbm>>) target(%arg6 : memref<256x256xf32, #tpu.memory_space<vmem>>) offsets(%arg5 : memref<256xi32, #tpu.memory_space<vmem>>) semaphore(%arg7 : memref<!tpu.dma_semaphore, #tpu.memory_space<semaphore_mem>>)
    %dma_wait3A = arith.constant 0 : i32
    %dma_wait3A_7 = arith.constant 0 : i32
    %dma_wait3A_8 = tpu.memref_slice %arg2[%dma_wait3A, %dma_wait3A_7] : memref<512x256xf32, #tpu.memory_space<hbm>> -> memref<512x256xf32, #tpu.memory_space<hbm>>
    tpu.wait_indirect_dma semaphore(%arg7 : memref<!tpu.dma_semaphore, #tpu.memory_space<semaphore_mem>>) src(%dma_wait3A_8 : memref<512x256xf32, #tpu.memory_space<hbm>>) dst(%arg6 : memref<256x256xf32, #tpu.memory_space<vmem>>)
    %add3A_9 = arith.constant 0 : i32
    %add3A_10 = arith.addi %mul3A_2, %add3A_9 : i32
    "tpu.region"() ({
      %run_scoped3A = tpu.sem_alloc : memref<!tpu.dma_semaphore, #tpu.memory_space<semaphore_mem>>
      %dma_start3A_11 = arith.constant 0 : i32
      %dma_start3A_12 = tpu.memref_slice %arg4[%add3A_10, %dma_start3A_11] : memref<8192x256xf32, #tpu.memory_space<hbm>> -> memref<256x256xf32, #tpu.memory_space<hbm>>
      %dma_start3A_13 = arith.constant 0 : i32
      %dma_start3A_14 = tpu.memref_slice %arg4[%add3A_10, %dma_start3A_13] : memref<8192x256xf32, #tpu.memory_space<hbm>> -> memref<256x256xf32, #tpu.memory_space<hbm>>
      tpu.enqueue_dma source(%arg6 : memref<256x256xf32, #tpu.memory_space<vmem>>) target(%dma_start3A_14 : memref<256x256xf32, #tpu.memory_space<hbm>>) target_semaphore(%run_scoped3A : memref<!tpu.dma_semaphore, #tpu.memory_space<semaphore_mem>>)
      %dma_wait3A_15 = arith.constant 0 : i32
      %dma_wait3A_16 = tpu.memref_slice %arg4[%add3A_10, %dma_wait3A_15] : memref<8192x256xf32, #tpu.memory_space<hbm>> -> memref<256x256xf32, #tpu.memory_space<hbm>>
      %dma_wait3A_17 = arith.constant 0 : i32
      %dma_wait3A_18 = tpu.memref_slice %arg4[%add3A_10, %dma_wait3A_17] : memref<8192x256xf32, #tpu.memory_space<hbm>> -> memref<256x256xf32, #tpu.memory_space<hbm>>
      tpu.wait_dma2 semaphore(%run_scoped3A : memref<!tpu.dma_semaphore, #tpu.memory_space<semaphore_mem>>) src(%arg6 : memref<256x256xf32, #tpu.memory_space<vmem>>) dst(%dma_wait3A_18 : memref<256x256xf32, #tpu.memory_space<hbm>>)
      tpu.yield
    }) : () -> ()
    return
  }
}

#map = affine_map<(d0, d1) -> (0, 0)>
#map1 = affine_map<(d0, d1) -> (0)>
module attributes {stable_mosaic.version = 14 : i64} {
  func.func @k(%arg0: i32, %arg1: i32, %arg2: memref<8192x256xf32, #tpu.memory_space<hbm>>, %arg3: memref<16384xi32, #tpu.memory_space<hbm>>, %arg4: memref<16384x256xf32, #tpu.memory_space<hbm>>, %arg5: memref<256xi32, #tpu.memory_space<vmem>>, %arg6: memref<256x256xf32, #tpu.memory_space<vmem>>, %arg7: memref<!tpu.dma_semaphore, #tpu.memory_space<semaphore_mem>>) attributes {dimension_semantics = [#tpu.dimension_semantics<core_parallel>, #tpu.dimension_semantics<subcore_parallel>], iteration_bounds = array<i64: 2, 16>, scalar_prefetch = 0 : i64, scratch_operands = 3 : i64, tpu.core_type = #tpu.core_type<sc_vector_subcore>, window_params = [{transform_indices = #map}, {transform_indices = #map1}, {transform_indices = #map}]} {
    %mul3A = arith.constant 2 : i32
    %mul3A_0 = arith.muli %arg1, %mul3A : i32
    %add3A = arith.addi %mul3A_0, %arg0 : i32
    %mul3A_1 = arith.constant 512 : i32
    %mul3A_2 = arith.muli %add3A, %mul3A_1 : i32
    %add3A_3 = arith.constant 0 : i32
    %add3A_4 = arith.addi %mul3A_2, %add3A_3 : i32
    "tpu.region"() ({
      %run_scoped3A = tpu.sem_alloc : memref<!tpu.dma_semaphore, #tpu.memory_space<semaphore_mem>>
      %dma_start3A_21 = tpu.memref_slice %arg3[%add3A_4] : memref<16384xi32, #tpu.memory_space<hbm>> -> memref<256xi32, #tpu.memory_space<hbm>>
      %dma_start3A_22 = tpu.memref_slice %arg3[%add3A_4] : memref<16384xi32, #tpu.memory_space<hbm>> -> memref<256xi32, #tpu.memory_space<hbm>>
      tpu.enqueue_dma source(%dma_start3A_22 : memref<256xi32, #tpu.memory_space<hbm>>) target(%arg5 : memref<256xi32, #tpu.memory_space<vmem>>) target_semaphore(%run_scoped3A : memref<!tpu.dma_semaphore, #tpu.memory_space<semaphore_mem>>)
      %dma_wait3A_23 = tpu.memref_slice %arg3[%add3A_4] : memref<16384xi32, #tpu.memory_space<hbm>> -> memref<256xi32, #tpu.memory_space<hbm>>
      %dma_wait3A_24 = tpu.memref_slice %arg3[%add3A_4] : memref<16384xi32, #tpu.memory_space<hbm>> -> memref<256xi32, #tpu.memory_space<hbm>>
      tpu.wait_dma2 semaphore(%run_scoped3A : memref<!tpu.dma_semaphore, #tpu.memory_space<semaphore_mem>>) src(%dma_wait3A_24 : memref<256xi32, #tpu.memory_space<hbm>>) dst(%arg5 : memref<256xi32, #tpu.memory_space<vmem>>)
      tpu.yield
    }) : () -> ()
    %dma_start3A = arith.constant 0 : i32
    %dma_start3A_5 = arith.constant 0 : i32
    %dma_start3A_6 = tpu.memref_slice %arg2[%dma_start3A, %dma_start3A_5] : memref<8192x256xf32, #tpu.memory_space<hbm>> -> memref<8192x256xf32, #tpu.memory_space<hbm>>
    tpu.enqueue_indirect_dma source(%dma_start3A_6 : memref<8192x256xf32, #tpu.memory_space<hbm>>) target(%arg6 : memref<256x256xf32, #tpu.memory_space<vmem>>) offsets(%arg5 : memref<256xi32, #tpu.memory_space<vmem>>) semaphore(%arg7 : memref<!tpu.dma_semaphore, #tpu.memory_space<semaphore_mem>>)
    %dma_wait3A = arith.constant 0 : i32
    %dma_wait3A_7 = arith.constant 0 : i32
    %dma_wait3A_8 = tpu.memref_slice %arg2[%dma_wait3A, %dma_wait3A_7] : memref<8192x256xf32, #tpu.memory_space<hbm>> -> memref<8192x256xf32, #tpu.memory_space<hbm>>
    tpu.wait_indirect_dma semaphore(%arg7 : memref<!tpu.dma_semaphore, #tpu.memory_space<semaphore_mem>>) src(%dma_wait3A_8 : memref<8192x256xf32, #tpu.memory_space<hbm>>) dst(%arg6 : memref<256x256xf32, #tpu.memory_space<vmem>>)
    %add3A_9 = arith.constant 0 : i32
    %add3A_10 = arith.addi %mul3A_2, %add3A_9 : i32
    "tpu.region"() ({
      %run_scoped3A = tpu.sem_alloc : memref<!tpu.dma_semaphore, #tpu.memory_space<semaphore_mem>>
      %dma_start3A_21 = arith.constant 0 : i32
      %dma_start3A_22 = tpu.memref_slice %arg4[%add3A_10, %dma_start3A_21] : memref<16384x256xf32, #tpu.memory_space<hbm>> -> memref<256x256xf32, #tpu.memory_space<hbm>>
      %dma_start3A_23 = arith.constant 0 : i32
      %dma_start3A_24 = tpu.memref_slice %arg4[%add3A_10, %dma_start3A_23] : memref<16384x256xf32, #tpu.memory_space<hbm>> -> memref<256x256xf32, #tpu.memory_space<hbm>>
      tpu.enqueue_dma source(%arg6 : memref<256x256xf32, #tpu.memory_space<vmem>>) target(%dma_start3A_24 : memref<256x256xf32, #tpu.memory_space<hbm>>) target_semaphore(%run_scoped3A : memref<!tpu.dma_semaphore, #tpu.memory_space<semaphore_mem>>)
      %dma_wait3A_25 = arith.constant 0 : i32
      %dma_wait3A_26 = tpu.memref_slice %arg4[%add3A_10, %dma_wait3A_25] : memref<16384x256xf32, #tpu.memory_space<hbm>> -> memref<256x256xf32, #tpu.memory_space<hbm>>
      %dma_wait3A_27 = arith.constant 0 : i32
      %dma_wait3A_28 = tpu.memref_slice %arg4[%add3A_10, %dma_wait3A_27] : memref<16384x256xf32, #tpu.memory_space<hbm>> -> memref<256x256xf32, #tpu.memory_space<hbm>>
      tpu.wait_dma2 semaphore(%run_scoped3A : memref<!tpu.dma_semaphore, #tpu.memory_space<semaphore_mem>>) src(%arg6 : memref<256x256xf32, #tpu.memory_space<vmem>>) dst(%dma_wait3A_28 : memref<256x256xf32, #tpu.memory_space<hbm>>)
      tpu.yield
    }) : () -> ()
    %add3A_11 = arith.constant 256 : i32
    %add3A_12 = arith.addi %mul3A_2, %add3A_11 : i32
    "tpu.region"() ({
      %run_scoped3A = tpu.sem_alloc : memref<!tpu.dma_semaphore, #tpu.memory_space<semaphore_mem>>
      %dma_start3A_21 = tpu.memref_slice %arg3[%add3A_12] : memref<16384xi32, #tpu.memory_space<hbm>> -> memref<256xi32, #tpu.memory_space<hbm>>
      %dma_start3A_22 = tpu.memref_slice %arg3[%add3A_12] : memref<16384xi32, #tpu.memory_space<hbm>> -> memref<256xi32, #tpu.memory_space<hbm>>
      tpu.enqueue_dma source(%dma_start3A_22 : memref<256xi32, #tpu.memory_space<hbm>>) target(%arg5 : memref<256xi32, #tpu.memory_space<vmem>>) target_semaphore(%run_scoped3A : memref<!tpu.dma_semaphore, #tpu.memory_space<semaphore_mem>>)
      %dma_wait3A_23 = tpu.memref_slice %arg3[%add3A_12] : memref<16384xi32, #tpu.memory_space<hbm>> -> memref<256xi32, #tpu.memory_space<hbm>>
      %dma_wait3A_24 = tpu.memref_slice %arg3[%add3A_12] : memref<16384xi32, #tpu.memory_space<hbm>> -> memref<256xi32, #tpu.memory_space<hbm>>
      tpu.wait_dma2 semaphore(%run_scoped3A : memref<!tpu.dma_semaphore, #tpu.memory_space<semaphore_mem>>) src(%dma_wait3A_24 : memref<256xi32, #tpu.memory_space<hbm>>) dst(%arg5 : memref<256xi32, #tpu.memory_space<vmem>>)
      tpu.yield
    }) : () -> ()
    %dma_start3A_13 = arith.constant 0 : i32
    %dma_start3A_14 = arith.constant 0 : i32
    %dma_start3A_15 = tpu.memref_slice %arg2[%dma_start3A_13, %dma_start3A_14] : memref<8192x256xf32, #tpu.memory_space<hbm>> -> memref<8192x256xf32, #tpu.memory_space<hbm>>
    tpu.enqueue_indirect_dma source(%dma_start3A_15 : memref<8192x256xf32, #tpu.memory_space<hbm>>) target(%arg6 : memref<256x256xf32, #tpu.memory_space<vmem>>) offsets(%arg5 : memref<256xi32, #tpu.memory_space<vmem>>) semaphore(%arg7 : memref<!tpu.dma_semaphore, #tpu.memory_space<semaphore_mem>>)
    %dma_wait3A_16 = arith.constant 0 : i32
    %dma_wait3A_17 = arith.constant 0 : i32
    %dma_wait3A_18 = tpu.memref_slice %arg2[%dma_wait3A_16, %dma_wait3A_17] : memref<8192x256xf32, #tpu.memory_space<hbm>> -> memref<8192x256xf32, #tpu.memory_space<hbm>>
    tpu.wait_indirect_dma semaphore(%arg7 : memref<!tpu.dma_semaphore, #tpu.memory_space<semaphore_mem>>) src(%dma_wait3A_18 : memref<8192x256xf32, #tpu.memory_space<hbm>>) dst(%arg6 : memref<256x256xf32, #tpu.memory_space<vmem>>)
    %add3A_19 = arith.constant 256 : i32
    %add3A_20 = arith.addi %mul3A_2, %add3A_19 : i32
    "tpu.region"() ({
      %run_scoped3A = tpu.sem_alloc : memref<!tpu.dma_semaphore, #tpu.memory_space<semaphore_mem>>
      %dma_start3A_21 = arith.constant 0 : i32
      %dma_start3A_22 = tpu.memref_slice %arg4[%add3A_20, %dma_start3A_21] : memref<16384x256xf32, #tpu.memory_space<hbm>> -> memref<256x256xf32, #tpu.memory_space<hbm>>
      %dma_start3A_23 = arith.constant 0 : i32
      %dma_start3A_24 = tpu.memref_slice %arg4[%add3A_20, %dma_start3A_23] : memref<16384x256xf32, #tpu.memory_space<hbm>> -> memref<256x256xf32, #tpu.memory_space<hbm>>
      tpu.enqueue_dma source(%arg6 : memref<256x256xf32, #tpu.memory_space<vmem>>) target(%dma_start3A_24 : memref<256x256xf32, #tpu.memory_space<hbm>>) target_semaphore(%run_scoped3A : memref<!tpu.dma_semaphore, #tpu.memory_space<semaphore_mem>>)
      %dma_wait3A_25 = arith.constant 0 : i32
      %dma_wait3A_26 = tpu.memref_slice %arg4[%add3A_20, %dma_wait3A_25] : memref<16384x256xf32, #tpu.memory_space<hbm>> -> memref<256x256xf32, #tpu.memory_space<hbm>>
      %dma_wait3A_27 = arith.constant 0 : i32
      %dma_wait3A_28 = tpu.memref_slice %arg4[%add3A_20, %dma_wait3A_27] : memref<16384x256xf32, #tpu.memory_space<hbm>> -> memref<256x256xf32, #tpu.memory_space<hbm>>
      tpu.wait_dma2 semaphore(%run_scoped3A : memref<!tpu.dma_semaphore, #tpu.memory_space<semaphore_mem>>) src(%arg6 : memref<256x256xf32, #tpu.memory_space<vmem>>) dst(%dma_wait3A_28 : memref<256x256xf32, #tpu.memory_space<hbm>>)
      tpu.yield
    }) : () -> ()
    return
  }
}

#map = affine_map<(d0, d1) -> (0, 0)>
#map1 = affine_map<(d0, d1) -> (0)>
module attributes {stable_mosaic.version = 14 : i64} {
  func.func @k(%arg0: i32, %arg1: i32, %arg2: memref<1024x256xf32, #tpu.memory_space<hbm>>, %arg3: memref<8192xi32, #tpu.memory_space<hbm>>, %arg4: memref<8192x256xf32, #tpu.memory_space<hbm>>, %arg5: memref<256xi32, #tpu.memory_space<vmem>>, %arg6: memref<256x256xf32, #tpu.memory_space<vmem>>, %arg7: memref<!tpu.dma_semaphore, #tpu.memory_space<semaphore_mem>>) attributes {dimension_semantics = [#tpu.dimension_semantics<core_parallel>, #tpu.dimension_semantics<subcore_parallel>], iteration_bounds = array<i64: 2, 16>, scalar_prefetch = 0 : i64, scratch_operands = 3 : i64, tpu.core_type = #tpu.core_type<sc_vector_subcore>, window_params = [{transform_indices = #map}, {transform_indices = #map1}, {transform_indices = #map}]} {
    %mul3A = arith.constant 2 : i32
    %mul3A_0 = arith.muli %arg1, %mul3A : i32
    %add3A = arith.addi %mul3A_0, %arg0 : i32
    %mul3A_1 = arith.constant 256 : i32
    %mul3A_2 = arith.muli %add3A, %mul3A_1 : i32
    %add3A_3 = arith.constant 0 : i32
    %add3A_4 = arith.addi %mul3A_2, %add3A_3 : i32
    "tpu.region"() ({
      %run_scoped3A = tpu.sem_alloc : memref<!tpu.dma_semaphore, #tpu.memory_space<semaphore_mem>>
      %dma_start3A_11 = tpu.memref_slice %arg3[%add3A_4] : memref<8192xi32, #tpu.memory_space<hbm>> -> memref<256xi32, #tpu.memory_space<hbm>>
      %dma_start3A_12 = tpu.memref_slice %arg3[%add3A_4] : memref<8192xi32, #tpu.memory_space<hbm>> -> memref<256xi32, #tpu.memory_space<hbm>>
      tpu.enqueue_dma source(%dma_start3A_12 : memref<256xi32, #tpu.memory_space<hbm>>) target(%arg5 : memref<256xi32, #tpu.memory_space<vmem>>) target_semaphore(%run_scoped3A : memref<!tpu.dma_semaphore, #tpu.memory_space<semaphore_mem>>)
      %dma_wait3A_13 = tpu.memref_slice %arg3[%add3A_4] : memref<8192xi32, #tpu.memory_space<hbm>> -> memref<256xi32, #tpu.memory_space<hbm>>
      %dma_wait3A_14 = tpu.memref_slice %arg3[%add3A_4] : memref<8192xi32, #tpu.memory_space<hbm>> -> memref<256xi32, #tpu.memory_space<hbm>>
      tpu.wait_dma2 semaphore(%run_scoped3A : memref<!tpu.dma_semaphore, #tpu.memory_space<semaphore_mem>>) src(%dma_wait3A_14 : memref<256xi32, #tpu.memory_space<hbm>>) dst(%arg5 : memref<256xi32, #tpu.memory_space<vmem>>)
      tpu.yield
    }) : () -> ()
    %dma_start3A = arith.constant 0 : i32
    %dma_start3A_5 = arith.constant 0 : i32
    %dma_start3A_6 = tpu.memref_slice %arg2[%dma_start3A, %dma_start3A_5] : memref<1024x256xf32, #tpu.memory_space<hbm>> -> memref<1024x256xf32, #tpu.memory_space<hbm>>
    tpu.enqueue_indirect_dma source(%dma_start3A_6 : memref<1024x256xf32, #tpu.memory_space<hbm>>) target(%arg6 : memref<256x256xf32, #tpu.memory_space<vmem>>) offsets(%arg5 : memref<256xi32, #tpu.memory_space<vmem>>) semaphore(%arg7 : memref<!tpu.dma_semaphore, #tpu.memory_space<semaphore_mem>>)
    %dma_wait3A = arith.constant 0 : i32
    %dma_wait3A_7 = arith.constant 0 : i32
    %dma_wait3A_8 = tpu.memref_slice %arg2[%dma_wait3A, %dma_wait3A_7] : memref<1024x256xf32, #tpu.memory_space<hbm>> -> memref<1024x256xf32, #tpu.memory_space<hbm>>
    tpu.wait_indirect_dma semaphore(%arg7 : memref<!tpu.dma_semaphore, #tpu.memory_space<semaphore_mem>>) src(%dma_wait3A_8 : memref<1024x256xf32, #tpu.memory_space<hbm>>) dst(%arg6 : memref<256x256xf32, #tpu.memory_space<vmem>>)
    %add3A_9 = arith.constant 0 : i32
    %add3A_10 = arith.addi %mul3A_2, %add3A_9 : i32
    "tpu.region"() ({
      %run_scoped3A = tpu.sem_alloc : memref<!tpu.dma_semaphore, #tpu.memory_space<semaphore_mem>>
      %dma_start3A_11 = arith.constant 0 : i32
      %dma_start3A_12 = tpu.memref_slice %arg4[%add3A_10, %dma_start3A_11] : memref<8192x256xf32, #tpu.memory_space<hbm>> -> memref<256x256xf32, #tpu.memory_space<hbm>>
      %dma_start3A_13 = arith.constant 0 : i32
      %dma_start3A_14 = tpu.memref_slice %arg4[%add3A_10, %dma_start3A_13] : memref<8192x256xf32, #tpu.memory_space<hbm>> -> memref<256x256xf32, #tpu.memory_space<hbm>>
      tpu.enqueue_dma source(%arg6 : memref<256x256xf32, #tpu.memory_space<vmem>>) target(%dma_start3A_14 : memref<256x256xf32, #tpu.memory_space<hbm>>) target_semaphore(%run_scoped3A : memref<!tpu.dma_semaphore, #tpu.memory_space<semaphore_mem>>)
      %dma_wait3A_15 = arith.constant 0 : i32
      %dma_wait3A_16 = tpu.memref_slice %arg4[%add3A_10, %dma_wait3A_15] : memref<8192x256xf32, #tpu.memory_space<hbm>> -> memref<256x256xf32, #tpu.memory_space<hbm>>
      %dma_wait3A_17 = arith.constant 0 : i32
      %dma_wait3A_18 = tpu.memref_slice %arg4[%add3A_10, %dma_wait3A_17] : memref<8192x256xf32, #tpu.memory_space<hbm>> -> memref<256x256xf32, #tpu.memory_space<hbm>>
      tpu.wait_dma2 semaphore(%run_scoped3A : memref<!tpu.dma_semaphore, #tpu.memory_space<semaphore_mem>>) src(%arg6 : memref<256x256xf32, #tpu.memory_space<vmem>>) dst(%dma_wait3A_18 : memref<256x256xf32, #tpu.memory_space<hbm>>)
      tpu.yield
    }) : () -> ()
    return
  }
}

#map = affine_map<(d0, d1) -> (0, 0)>
#map1 = affine_map<(d0, d1) -> (0)>
module attributes {stable_mosaic.version = 14 : i64} {
  func.func @k(%arg0: i32, %arg1: i32, %arg2: memref<4096x256xf32, #tpu.memory_space<hbm>>, %arg3: memref<16384xi32, #tpu.memory_space<hbm>>, %arg4: memref<16384x256xf32, #tpu.memory_space<hbm>>, %arg5: memref<256xi32, #tpu.memory_space<vmem>>, %arg6: memref<256x256xf32, #tpu.memory_space<vmem>>, %arg7: memref<!tpu.dma_semaphore, #tpu.memory_space<semaphore_mem>>) attributes {dimension_semantics = [#tpu.dimension_semantics<core_parallel>, #tpu.dimension_semantics<subcore_parallel>], iteration_bounds = array<i64: 2, 16>, scalar_prefetch = 0 : i64, scratch_operands = 3 : i64, tpu.core_type = #tpu.core_type<sc_vector_subcore>, window_params = [{transform_indices = #map}, {transform_indices = #map1}, {transform_indices = #map}]} {
    %mul3A = arith.constant 2 : i32
    %mul3A_0 = arith.muli %arg1, %mul3A : i32
    %add3A = arith.addi %mul3A_0, %arg0 : i32
    %mul3A_1 = arith.constant 512 : i32
    %mul3A_2 = arith.muli %add3A, %mul3A_1 : i32
    %add3A_3 = arith.constant 0 : i32
    %add3A_4 = arith.addi %mul3A_2, %add3A_3 : i32
    "tpu.region"() ({
      %run_scoped3A = tpu.sem_alloc : memref<!tpu.dma_semaphore, #tpu.memory_space<semaphore_mem>>
      %dma_start3A_21 = tpu.memref_slice %arg3[%add3A_4] : memref<16384xi32, #tpu.memory_space<hbm>> -> memref<256xi32, #tpu.memory_space<hbm>>
      %dma_start3A_22 = tpu.memref_slice %arg3[%add3A_4] : memref<16384xi32, #tpu.memory_space<hbm>> -> memref<256xi32, #tpu.memory_space<hbm>>
      tpu.enqueue_dma source(%dma_start3A_22 : memref<256xi32, #tpu.memory_space<hbm>>) target(%arg5 : memref<256xi32, #tpu.memory_space<vmem>>) target_semaphore(%run_scoped3A : memref<!tpu.dma_semaphore, #tpu.memory_space<semaphore_mem>>)
      %dma_wait3A_23 = tpu.memref_slice %arg3[%add3A_4] : memref<16384xi32, #tpu.memory_space<hbm>> -> memref<256xi32, #tpu.memory_space<hbm>>
      %dma_wait3A_24 = tpu.memref_slice %arg3[%add3A_4] : memref<16384xi32, #tpu.memory_space<hbm>> -> memref<256xi32, #tpu.memory_space<hbm>>
      tpu.wait_dma2 semaphore(%run_scoped3A : memref<!tpu.dma_semaphore, #tpu.memory_space<semaphore_mem>>) src(%dma_wait3A_24 : memref<256xi32, #tpu.memory_space<hbm>>) dst(%arg5 : memref<256xi32, #tpu.memory_space<vmem>>)
      tpu.yield
    }) : () -> ()
    %dma_start3A = arith.constant 0 : i32
    %dma_start3A_5 = arith.constant 0 : i32
    %dma_start3A_6 = tpu.memref_slice %arg2[%dma_start3A, %dma_start3A_5] : memref<4096x256xf32, #tpu.memory_space<hbm>> -> memref<4096x256xf32, #tpu.memory_space<hbm>>
    tpu.enqueue_indirect_dma source(%dma_start3A_6 : memref<4096x256xf32, #tpu.memory_space<hbm>>) target(%arg6 : memref<256x256xf32, #tpu.memory_space<vmem>>) offsets(%arg5 : memref<256xi32, #tpu.memory_space<vmem>>) semaphore(%arg7 : memref<!tpu.dma_semaphore, #tpu.memory_space<semaphore_mem>>)
    %dma_wait3A = arith.constant 0 : i32
    %dma_wait3A_7 = arith.constant 0 : i32
    %dma_wait3A_8 = tpu.memref_slice %arg2[%dma_wait3A, %dma_wait3A_7] : memref<4096x256xf32, #tpu.memory_space<hbm>> -> memref<4096x256xf32, #tpu.memory_space<hbm>>
    tpu.wait_indirect_dma semaphore(%arg7 : memref<!tpu.dma_semaphore, #tpu.memory_space<semaphore_mem>>) src(%dma_wait3A_8 : memref<4096x256xf32, #tpu.memory_space<hbm>>) dst(%arg6 : memref<256x256xf32, #tpu.memory_space<vmem>>)
    %add3A_9 = arith.constant 0 : i32
    %add3A_10 = arith.addi %mul3A_2, %add3A_9 : i32
    "tpu.region"() ({
      %run_scoped3A = tpu.sem_alloc : memref<!tpu.dma_semaphore, #tpu.memory_space<semaphore_mem>>
      %dma_start3A_21 = arith.constant 0 : i32
      %dma_start3A_22 = tpu.memref_slice %arg4[%add3A_10, %dma_start3A_21] : memref<16384x256xf32, #tpu.memory_space<hbm>> -> memref<256x256xf32, #tpu.memory_space<hbm>>
      %dma_start3A_23 = arith.constant 0 : i32
      %dma_start3A_24 = tpu.memref_slice %arg4[%add3A_10, %dma_start3A_23] : memref<16384x256xf32, #tpu.memory_space<hbm>> -> memref<256x256xf32, #tpu.memory_space<hbm>>
      tpu.enqueue_dma source(%arg6 : memref<256x256xf32, #tpu.memory_space<vmem>>) target(%dma_start3A_24 : memref<256x256xf32, #tpu.memory_space<hbm>>) target_semaphore(%run_scoped3A : memref<!tpu.dma_semaphore, #tpu.memory_space<semaphore_mem>>)
      %dma_wait3A_25 = arith.constant 0 : i32
      %dma_wait3A_26 = tpu.memref_slice %arg4[%add3A_10, %dma_wait3A_25] : memref<16384x256xf32, #tpu.memory_space<hbm>> -> memref<256x256xf32, #tpu.memory_space<hbm>>
      %dma_wait3A_27 = arith.constant 0 : i32
      %dma_wait3A_28 = tpu.memref_slice %arg4[%add3A_10, %dma_wait3A_27] : memref<16384x256xf32, #tpu.memory_space<hbm>> -> memref<256x256xf32, #tpu.memory_space<hbm>>
      tpu.wait_dma2 semaphore(%run_scoped3A : memref<!tpu.dma_semaphore, #tpu.memory_space<semaphore_mem>>) src(%arg6 : memref<256x256xf32, #tpu.memory_space<vmem>>) dst(%dma_wait3A_28 : memref<256x256xf32, #tpu.memory_space<hbm>>)
      tpu.yield
    }) : () -> ()
    %add3A_11 = arith.constant 256 : i32
    %add3A_12 = arith.addi %mul3A_2, %add3A_11 : i32
    "tpu.region"() ({
      %run_scoped3A = tpu.sem_alloc : memref<!tpu.dma_semaphore, #tpu.memory_space<semaphore_mem>>
      %dma_start3A_21 = tpu.memref_slice %arg3[%add3A_12] : memref<16384xi32, #tpu.memory_space<hbm>> -> memref<256xi32, #tpu.memory_space<hbm>>
      %dma_start3A_22 = tpu.memref_slice %arg3[%add3A_12] : memref<16384xi32, #tpu.memory_space<hbm>> -> memref<256xi32, #tpu.memory_space<hbm>>
      tpu.enqueue_dma source(%dma_start3A_22 : memref<256xi32, #tpu.memory_space<hbm>>) target(%arg5 : memref<256xi32, #tpu.memory_space<vmem>>) target_semaphore(%run_scoped3A : memref<!tpu.dma_semaphore, #tpu.memory_space<semaphore_mem>>)
      %dma_wait3A_23 = tpu.memref_slice %arg3[%add3A_12] : memref<16384xi32, #tpu.memory_space<hbm>> -> memref<256xi32, #tpu.memory_space<hbm>>
      %dma_wait3A_24 = tpu.memref_slice %arg3[%add3A_12] : memref<16384xi32, #tpu.memory_space<hbm>> -> memref<256xi32, #tpu.memory_space<hbm>>
      tpu.wait_dma2 semaphore(%run_scoped3A : memref<!tpu.dma_semaphore, #tpu.memory_space<semaphore_mem>>) src(%dma_wait3A_24 : memref<256xi32, #tpu.memory_space<hbm>>) dst(%arg5 : memref<256xi32, #tpu.memory_space<vmem>>)
      tpu.yield
    }) : () -> ()
    %dma_start3A_13 = arith.constant 0 : i32
    %dma_start3A_14 = arith.constant 0 : i32
    %dma_start3A_15 = tpu.memref_slice %arg2[%dma_start3A_13, %dma_start3A_14] : memref<4096x256xf32, #tpu.memory_space<hbm>> -> memref<4096x256xf32, #tpu.memory_space<hbm>>
    tpu.enqueue_indirect_dma source(%dma_start3A_15 : memref<4096x256xf32, #tpu.memory_space<hbm>>) target(%arg6 : memref<256x256xf32, #tpu.memory_space<vmem>>) offsets(%arg5 : memref<256xi32, #tpu.memory_space<vmem>>) semaphore(%arg7 : memref<!tpu.dma_semaphore, #tpu.memory_space<semaphore_mem>>)
    %dma_wait3A_16 = arith.constant 0 : i32
    %dma_wait3A_17 = arith.constant 0 : i32
    %dma_wait3A_18 = tpu.memref_slice %arg2[%dma_wait3A_16, %dma_wait3A_17] : memref<4096x256xf32, #tpu.memory_space<hbm>> -> memref<4096x256xf32, #tpu.memory_space<hbm>>
    tpu.wait_indirect_dma semaphore(%arg7 : memref<!tpu.dma_semaphore, #tpu.memory_space<semaphore_mem>>) src(%dma_wait3A_18 : memref<4096x256xf32, #tpu.memory_space<hbm>>) dst(%arg6 : memref<256x256xf32, #tpu.memory_space<vmem>>)
    %add3A_19 = arith.constant 256 : i32
    %add3A_20 = arith.addi %mul3A_2, %add3A_19 : i32
    "tpu.region"() ({
      %run_scoped3A = tpu.sem_alloc : memref<!tpu.dma_semaphore, #tpu.memory_space<semaphore_mem>>
      %dma_start3A_21 = arith.constant 0 : i32
      %dma_start3A_22 = tpu.memref_slice %arg4[%add3A_20, %dma_start3A_21] : memref<16384x256xf32, #tpu.memory_space<hbm>> -> memref<256x256xf32, #tpu.memory_space<hbm>>
      %dma_start3A_23 = arith.constant 0 : i32
      %dma_start3A_24 = tpu.memref_slice %arg4[%add3A_20, %dma_start3A_23] : memref<16384x256xf32, #tpu.memory_space<hbm>> -> memref<256x256xf32, #tpu.memory_space<hbm>>
      tpu.enqueue_dma source(%arg6 : memref<256x256xf32, #tpu.memory_space<vmem>>) target(%dma_start3A_24 : memref<256x256xf32, #tpu.memory_space<hbm>>) target_semaphore(%run_scoped3A : memref<!tpu.dma_semaphore, #tpu.memory_space<semaphore_mem>>)
      %dma_wait3A_25 = arith.constant 0 : i32
      %dma_wait3A_26 = tpu.memref_slice %arg4[%add3A_20, %dma_wait3A_25] : memref<16384x256xf32, #tpu.memory_space<hbm>> -> memref<256x256xf32, #tpu.memory_space<hbm>>
      %dma_wait3A_27 = arith.constant 0 : i32
      %dma_wait3A_28 = tpu.memref_slice %arg4[%add3A_20, %dma_wait3A_27] : memref<16384x256xf32, #tpu.memory_space<hbm>> -> memref<256x256xf32, #tpu.memory_space<hbm>>
      tpu.wait_dma2 semaphore(%run_scoped3A : memref<!tpu.dma_semaphore, #tpu.memory_space<semaphore_mem>>) src(%arg6 : memref<256x256xf32, #tpu.memory_space<vmem>>) dst(%dma_wait3A_28 : memref<256x256xf32, #tpu.memory_space<hbm>>)
      tpu.yield
    }) : () -> ()
    return
  }
}

#map = affine_map<(d0, d1) -> (0, 0)>
#map1 = affine_map<(d0, d1) -> (0)>
module attributes {stable_mosaic.version = 14 : i64} {
  func.func @k(%arg0: i32, %arg1: i32, %arg2: memref<2048x256xf32, #tpu.memory_space<hbm>>, %arg3: memref<16384xi32, #tpu.memory_space<hbm>>, %arg4: memref<16384x256xf32, #tpu.memory_space<hbm>>, %arg5: memref<256xi32, #tpu.memory_space<vmem>>, %arg6: memref<256x256xf32, #tpu.memory_space<vmem>>, %arg7: memref<!tpu.dma_semaphore, #tpu.memory_space<semaphore_mem>>) attributes {dimension_semantics = [#tpu.dimension_semantics<core_parallel>, #tpu.dimension_semantics<subcore_parallel>], iteration_bounds = array<i64: 2, 16>, scalar_prefetch = 0 : i64, scratch_operands = 3 : i64, tpu.core_type = #tpu.core_type<sc_vector_subcore>, window_params = [{transform_indices = #map}, {transform_indices = #map1}, {transform_indices = #map}]} {
    %mul3A = arith.constant 2 : i32
    %mul3A_0 = arith.muli %arg1, %mul3A : i32
    %add3A = arith.addi %mul3A_0, %arg0 : i32
    %mul3A_1 = arith.constant 512 : i32
    %mul3A_2 = arith.muli %add3A, %mul3A_1 : i32
    %add3A_3 = arith.constant 0 : i32
    %add3A_4 = arith.addi %mul3A_2, %add3A_3 : i32
    "tpu.region"() ({
      %run_scoped3A = tpu.sem_alloc : memref<!tpu.dma_semaphore, #tpu.memory_space<semaphore_mem>>
      %dma_start3A_21 = tpu.memref_slice %arg3[%add3A_4] : memref<16384xi32, #tpu.memory_space<hbm>> -> memref<256xi32, #tpu.memory_space<hbm>>
      %dma_start3A_22 = tpu.memref_slice %arg3[%add3A_4] : memref<16384xi32, #tpu.memory_space<hbm>> -> memref<256xi32, #tpu.memory_space<hbm>>
      tpu.enqueue_dma source(%dma_start3A_22 : memref<256xi32, #tpu.memory_space<hbm>>) target(%arg5 : memref<256xi32, #tpu.memory_space<vmem>>) target_semaphore(%run_scoped3A : memref<!tpu.dma_semaphore, #tpu.memory_space<semaphore_mem>>)
      %dma_wait3A_23 = tpu.memref_slice %arg3[%add3A_4] : memref<16384xi32, #tpu.memory_space<hbm>> -> memref<256xi32, #tpu.memory_space<hbm>>
      %dma_wait3A_24 = tpu.memref_slice %arg3[%add3A_4] : memref<16384xi32, #tpu.memory_space<hbm>> -> memref<256xi32, #tpu.memory_space<hbm>>
      tpu.wait_dma2 semaphore(%run_scoped3A : memref<!tpu.dma_semaphore, #tpu.memory_space<semaphore_mem>>) src(%dma_wait3A_24 : memref<256xi32, #tpu.memory_space<hbm>>) dst(%arg5 : memref<256xi32, #tpu.memory_space<vmem>>)
      tpu.yield
    }) : () -> ()
    %dma_start3A = arith.constant 0 : i32
    %dma_start3A_5 = arith.constant 0 : i32
    %dma_start3A_6 = tpu.memref_slice %arg2[%dma_start3A, %dma_start3A_5] : memref<2048x256xf32, #tpu.memory_space<hbm>> -> memref<2048x256xf32, #tpu.memory_space<hbm>>
    tpu.enqueue_indirect_dma source(%dma_start3A_6 : memref<2048x256xf32, #tpu.memory_space<hbm>>) target(%arg6 : memref<256x256xf32, #tpu.memory_space<vmem>>) offsets(%arg5 : memref<256xi32, #tpu.memory_space<vmem>>) semaphore(%arg7 : memref<!tpu.dma_semaphore, #tpu.memory_space<semaphore_mem>>)
    %dma_wait3A = arith.constant 0 : i32
    %dma_wait3A_7 = arith.constant 0 : i32
    %dma_wait3A_8 = tpu.memref_slice %arg2[%dma_wait3A, %dma_wait3A_7] : memref<2048x256xf32, #tpu.memory_space<hbm>> -> memref<2048x256xf32, #tpu.memory_space<hbm>>
    tpu.wait_indirect_dma semaphore(%arg7 : memref<!tpu.dma_semaphore, #tpu.memory_space<semaphore_mem>>) src(%dma_wait3A_8 : memref<2048x256xf32, #tpu.memory_space<hbm>>) dst(%arg6 : memref<256x256xf32, #tpu.memory_space<vmem>>)
    %add3A_9 = arith.constant 0 : i32
    %add3A_10 = arith.addi %mul3A_2, %add3A_9 : i32
    "tpu.region"() ({
      %run_scoped3A = tpu.sem_alloc : memref<!tpu.dma_semaphore, #tpu.memory_space<semaphore_mem>>
      %dma_start3A_21 = arith.constant 0 : i32
      %dma_start3A_22 = tpu.memref_slice %arg4[%add3A_10, %dma_start3A_21] : memref<16384x256xf32, #tpu.memory_space<hbm>> -> memref<256x256xf32, #tpu.memory_space<hbm>>
      %dma_start3A_23 = arith.constant 0 : i32
      %dma_start3A_24 = tpu.memref_slice %arg4[%add3A_10, %dma_start3A_23] : memref<16384x256xf32, #tpu.memory_space<hbm>> -> memref<256x256xf32, #tpu.memory_space<hbm>>
      tpu.enqueue_dma source(%arg6 : memref<256x256xf32, #tpu.memory_space<vmem>>) target(%dma_start3A_24 : memref<256x256xf32, #tpu.memory_space<hbm>>) target_semaphore(%run_scoped3A : memref<!tpu.dma_semaphore, #tpu.memory_space<semaphore_mem>>)
      %dma_wait3A_25 = arith.constant 0 : i32
      %dma_wait3A_26 = tpu.memref_slice %arg4[%add3A_10, %dma_wait3A_25] : memref<16384x256xf32, #tpu.memory_space<hbm>> -> memref<256x256xf32, #tpu.memory_space<hbm>>
      %dma_wait3A_27 = arith.constant 0 : i32
      %dma_wait3A_28 = tpu.memref_slice %arg4[%add3A_10, %dma_wait3A_27] : memref<16384x256xf32, #tpu.memory_space<hbm>> -> memref<256x256xf32, #tpu.memory_space<hbm>>
      tpu.wait_dma2 semaphore(%run_scoped3A : memref<!tpu.dma_semaphore, #tpu.memory_space<semaphore_mem>>) src(%arg6 : memref<256x256xf32, #tpu.memory_space<vmem>>) dst(%dma_wait3A_28 : memref<256x256xf32, #tpu.memory_space<hbm>>)
      tpu.yield
    }) : () -> ()
    %add3A_11 = arith.constant 256 : i32
    %add3A_12 = arith.addi %mul3A_2, %add3A_11 : i32
    "tpu.region"() ({
      %run_scoped3A = tpu.sem_alloc : memref<!tpu.dma_semaphore, #tpu.memory_space<semaphore_mem>>
      %dma_start3A_21 = tpu.memref_slice %arg3[%add3A_12] : memref<16384xi32, #tpu.memory_space<hbm>> -> memref<256xi32, #tpu.memory_space<hbm>>
      %dma_start3A_22 = tpu.memref_slice %arg3[%add3A_12] : memref<16384xi32, #tpu.memory_space<hbm>> -> memref<256xi32, #tpu.memory_space<hbm>>
      tpu.enqueue_dma source(%dma_start3A_22 : memref<256xi32, #tpu.memory_space<hbm>>) target(%arg5 : memref<256xi32, #tpu.memory_space<vmem>>) target_semaphore(%run_scoped3A : memref<!tpu.dma_semaphore, #tpu.memory_space<semaphore_mem>>)
      %dma_wait3A_23 = tpu.memref_slice %arg3[%add3A_12] : memref<16384xi32, #tpu.memory_space<hbm>> -> memref<256xi32, #tpu.memory_space<hbm>>
      %dma_wait3A_24 = tpu.memref_slice %arg3[%add3A_12] : memref<16384xi32, #tpu.memory_space<hbm>> -> memref<256xi32, #tpu.memory_space<hbm>>
      tpu.wait_dma2 semaphore(%run_scoped3A : memref<!tpu.dma_semaphore, #tpu.memory_space<semaphore_mem>>) src(%dma_wait3A_24 : memref<256xi32, #tpu.memory_space<hbm>>) dst(%arg5 : memref<256xi32, #tpu.memory_space<vmem>>)
      tpu.yield
    }) : () -> ()
    %dma_start3A_13 = arith.constant 0 : i32
    %dma_start3A_14 = arith.constant 0 : i32
    %dma_start3A_15 = tpu.memref_slice %arg2[%dma_start3A_13, %dma_start3A_14] : memref<2048x256xf32, #tpu.memory_space<hbm>> -> memref<2048x256xf32, #tpu.memory_space<hbm>>
    tpu.enqueue_indirect_dma source(%dma_start3A_15 : memref<2048x256xf32, #tpu.memory_space<hbm>>) target(%arg6 : memref<256x256xf32, #tpu.memory_space<vmem>>) offsets(%arg5 : memref<256xi32, #tpu.memory_space<vmem>>) semaphore(%arg7 : memref<!tpu.dma_semaphore, #tpu.memory_space<semaphore_mem>>)
    %dma_wait3A_16 = arith.constant 0 : i32
    %dma_wait3A_17 = arith.constant 0 : i32
    %dma_wait3A_18 = tpu.memref_slice %arg2[%dma_wait3A_16, %dma_wait3A_17] : memref<2048x256xf32, #tpu.memory_space<hbm>> -> memref<2048x256xf32, #tpu.memory_space<hbm>>
    tpu.wait_indirect_dma semaphore(%arg7 : memref<!tpu.dma_semaphore, #tpu.memory_space<semaphore_mem>>) src(%dma_wait3A_18 : memref<2048x256xf32, #tpu.memory_space<hbm>>) dst(%arg6 : memref<256x256xf32, #tpu.memory_space<vmem>>)
    %add3A_19 = arith.constant 256 : i32
    %add3A_20 = arith.addi %mul3A_2, %add3A_19 : i32
    "tpu.region"() ({
      %run_scoped3A = tpu.sem_alloc : memref<!tpu.dma_semaphore, #tpu.memory_space<semaphore_mem>>
      %dma_start3A_21 = arith.constant 0 : i32
      %dma_start3A_22 = tpu.memref_slice %arg4[%add3A_20, %dma_start3A_21] : memref<16384x256xf32, #tpu.memory_space<hbm>> -> memref<256x256xf32, #tpu.memory_space<hbm>>
      %dma_start3A_23 = arith.constant 0 : i32
      %dma_start3A_24 = tpu.memref_slice %arg4[%add3A_20, %dma_start3A_23] : memref<16384x256xf32, #tpu.memory_space<hbm>> -> memref<256x256xf32, #tpu.memory_space<hbm>>
      tpu.enqueue_dma source(%arg6 : memref<256x256xf32, #tpu.memory_space<vmem>>) target(%dma_start3A_24 : memref<256x256xf32, #tpu.memory_space<hbm>>) target_semaphore(%run_scoped3A : memref<!tpu.dma_semaphore, #tpu.memory_space<semaphore_mem>>)
      %dma_wait3A_25 = arith.constant 0 : i32
      %dma_wait3A_26 = tpu.memref_slice %arg4[%add3A_20, %dma_wait3A_25] : memref<16384x256xf32, #tpu.memory_space<hbm>> -> memref<256x256xf32, #tpu.memory_space<hbm>>
      %dma_wait3A_27 = arith.constant 0 : i32
      %dma_wait3A_28 = tpu.memref_slice %arg4[%add3A_20, %dma_wait3A_27] : memref<16384x256xf32, #tpu.memory_space<hbm>> -> memref<256x256xf32, #tpu.memory_space<hbm>>
      tpu.wait_dma2 semaphore(%run_scoped3A : memref<!tpu.dma_semaphore, #tpu.memory_space<semaphore_mem>>) src(%arg6 : memref<256x256xf32, #tpu.memory_space<vmem>>) dst(%dma_wait3A_28 : memref<256x256xf32, #tpu.memory_space<hbm>>)
      tpu.yield
    }) : () -> ()
    return
  }
}

#map = affine_map<(d0, d1) -> (0, 0)>
#map1 = affine_map<(d0, d1) -> (0)>
module attributes {stable_mosaic.version = 14 : i64} {
  func.func @k(%arg0: i32, %arg1: i32, %arg2: memref<1024x256xf32, #tpu.memory_space<hbm>>, %arg3: memref<8192xi32, #tpu.memory_space<hbm>>, %arg4: memref<8192x256xf32, #tpu.memory_space<hbm>>, %arg5: memref<256xi32, #tpu.memory_space<vmem>>, %arg6: memref<256x256xf32, #tpu.memory_space<vmem>>, %arg7: memref<!tpu.dma_semaphore, #tpu.memory_space<semaphore_mem>>) attributes {dimension_semantics = [#tpu.dimension_semantics<core_parallel>, #tpu.dimension_semantics<subcore_parallel>], iteration_bounds = array<i64: 2, 16>, scalar_prefetch = 0 : i64, scratch_operands = 3 : i64, tpu.core_type = #tpu.core_type<sc_vector_subcore>, window_params = [{transform_indices = #map}, {transform_indices = #map1}, {transform_indices = #map}]} {
    %mul3A = arith.constant 2 : i32
    %mul3A_0 = arith.muli %arg1, %mul3A : i32
    %add3A = arith.addi %mul3A_0, %arg0 : i32
    %mul3A_1 = arith.constant 256 : i32
    %mul3A_2 = arith.muli %add3A, %mul3A_1 : i32
    %add3A_3 = arith.constant 0 : i32
    %add3A_4 = arith.addi %mul3A_2, %add3A_3 : i32
    "tpu.region"() ({
      %run_scoped3A = tpu.sem_alloc : memref<!tpu.dma_semaphore, #tpu.memory_space<semaphore_mem>>
      %dma_start3A_11 = tpu.memref_slice %arg3[%add3A_4] : memref<8192xi32, #tpu.memory_space<hbm>> -> memref<256xi32, #tpu.memory_space<hbm>>
      %dma_start3A_12 = tpu.memref_slice %arg3[%add3A_4] : memref<8192xi32, #tpu.memory_space<hbm>> -> memref<256xi32, #tpu.memory_space<hbm>>
      tpu.enqueue_dma source(%dma_start3A_12 : memref<256xi32, #tpu.memory_space<hbm>>) target(%arg5 : memref<256xi32, #tpu.memory_space<vmem>>) target_semaphore(%run_scoped3A : memref<!tpu.dma_semaphore, #tpu.memory_space<semaphore_mem>>)
      %dma_wait3A_13 = tpu.memref_slice %arg3[%add3A_4] : memref<8192xi32, #tpu.memory_space<hbm>> -> memref<256xi32, #tpu.memory_space<hbm>>
      %dma_wait3A_14 = tpu.memref_slice %arg3[%add3A_4] : memref<8192xi32, #tpu.memory_space<hbm>> -> memref<256xi32, #tpu.memory_space<hbm>>
      tpu.wait_dma2 semaphore(%run_scoped3A : memref<!tpu.dma_semaphore, #tpu.memory_space<semaphore_mem>>) src(%dma_wait3A_14 : memref<256xi32, #tpu.memory_space<hbm>>) dst(%arg5 : memref<256xi32, #tpu.memory_space<vmem>>)
      tpu.yield
    }) : () -> ()
    %dma_start3A = arith.constant 0 : i32
    %dma_start3A_5 = arith.constant 0 : i32
    %dma_start3A_6 = tpu.memref_slice %arg2[%dma_start3A, %dma_start3A_5] : memref<1024x256xf32, #tpu.memory_space<hbm>> -> memref<1024x256xf32, #tpu.memory_space<hbm>>
    tpu.enqueue_indirect_dma source(%dma_start3A_6 : memref<1024x256xf32, #tpu.memory_space<hbm>>) target(%arg6 : memref<256x256xf32, #tpu.memory_space<vmem>>) offsets(%arg5 : memref<256xi32, #tpu.memory_space<vmem>>) semaphore(%arg7 : memref<!tpu.dma_semaphore, #tpu.memory_space<semaphore_mem>>)
    %dma_wait3A = arith.constant 0 : i32
    %dma_wait3A_7 = arith.constant 0 : i32
    %dma_wait3A_8 = tpu.memref_slice %arg2[%dma_wait3A, %dma_wait3A_7] : memref<1024x256xf32, #tpu.memory_space<hbm>> -> memref<1024x256xf32, #tpu.memory_space<hbm>>
    tpu.wait_indirect_dma semaphore(%arg7 : memref<!tpu.dma_semaphore, #tpu.memory_space<semaphore_mem>>) src(%dma_wait3A_8 : memref<1024x256xf32, #tpu.memory_space<hbm>>) dst(%arg6 : memref<256x256xf32, #tpu.memory_space<vmem>>)
    %add3A_9 = arith.constant 0 : i32
    %add3A_10 = arith.addi %mul3A_2, %add3A_9 : i32
    "tpu.region"() ({
      %run_scoped3A = tpu.sem_alloc : memref<!tpu.dma_semaphore, #tpu.memory_space<semaphore_mem>>
      %dma_start3A_11 = arith.constant 0 : i32
      %dma_start3A_12 = tpu.memref_slice %arg4[%add3A_10, %dma_start3A_11] : memref<8192x256xf32, #tpu.memory_space<hbm>> -> memref<256x256xf32, #tpu.memory_space<hbm>>
      %dma_start3A_13 = arith.constant 0 : i32
      %dma_start3A_14 = tpu.memref_slice %arg4[%add3A_10, %dma_start3A_13] : memref<8192x256xf32, #tpu.memory_space<hbm>> -> memref<256x256xf32, #tpu.memory_space<hbm>>
      tpu.enqueue_dma source(%arg6 : memref<256x256xf32, #tpu.memory_space<vmem>>) target(%dma_start3A_14 : memref<256x256xf32, #tpu.memory_space<hbm>>) target_semaphore(%run_scoped3A : memref<!tpu.dma_semaphore, #tpu.memory_space<semaphore_mem>>)
      %dma_wait3A_15 = arith.constant 0 : i32
      %dma_wait3A_16 = tpu.memref_slice %arg4[%add3A_10, %dma_wait3A_15] : memref<8192x256xf32, #tpu.memory_space<hbm>> -> memref<256x256xf32, #tpu.memory_space<hbm>>
      %dma_wait3A_17 = arith.constant 0 : i32
      %dma_wait3A_18 = tpu.memref_slice %arg4[%add3A_10, %dma_wait3A_17] : memref<8192x256xf32, #tpu.memory_space<hbm>> -> memref<256x256xf32, #tpu.memory_space<hbm>>
      tpu.wait_dma2 semaphore(%run_scoped3A : memref<!tpu.dma_semaphore, #tpu.memory_space<semaphore_mem>>) src(%arg6 : memref<256x256xf32, #tpu.memory_space<vmem>>) dst(%dma_wait3A_18 : memref<256x256xf32, #tpu.memory_space<hbm>>)
      tpu.yield
    }) : () -> ()
    return
  }
}

#map = affine_map<(d0, d1) -> (0, 0)>
#map1 = affine_map<(d0, d1) -> (0)>
module attributes {stable_mosaic.version = 14 : i64} {
  func.func @k(%arg0: i32, %arg1: i32, %arg2: memref<512x256xf32, #tpu.memory_space<hbm>>, %arg3: memref<8192xi32, #tpu.memory_space<hbm>>, %arg4: memref<8192x256xf32, #tpu.memory_space<hbm>>, %arg5: memref<256xi32, #tpu.memory_space<vmem>>, %arg6: memref<256x256xf32, #tpu.memory_space<vmem>>, %arg7: memref<!tpu.dma_semaphore, #tpu.memory_space<semaphore_mem>>) attributes {dimension_semantics = [#tpu.dimension_semantics<core_parallel>, #tpu.dimension_semantics<subcore_parallel>], iteration_bounds = array<i64: 2, 16>, scalar_prefetch = 0 : i64, scratch_operands = 3 : i64, tpu.core_type = #tpu.core_type<sc_vector_subcore>, window_params = [{transform_indices = #map}, {transform_indices = #map1}, {transform_indices = #map}]} {
    %mul3A = arith.constant 2 : i32
    %mul3A_0 = arith.muli %arg1, %mul3A : i32
    %add3A = arith.addi %mul3A_0, %arg0 : i32
    %mul3A_1 = arith.constant 256 : i32
    %mul3A_2 = arith.muli %add3A, %mul3A_1 : i32
    %add3A_3 = arith.constant 0 : i32
    %add3A_4 = arith.addi %mul3A_2, %add3A_3 : i32
    "tpu.region"() ({
      %run_scoped3A = tpu.sem_alloc : memref<!tpu.dma_semaphore, #tpu.memory_space<semaphore_mem>>
      %dma_start3A_11 = tpu.memref_slice %arg3[%add3A_4] : memref<8192xi32, #tpu.memory_space<hbm>> -> memref<256xi32, #tpu.memory_space<hbm>>
      %dma_start3A_12 = tpu.memref_slice %arg3[%add3A_4] : memref<8192xi32, #tpu.memory_space<hbm>> -> memref<256xi32, #tpu.memory_space<hbm>>
      tpu.enqueue_dma source(%dma_start3A_12 : memref<256xi32, #tpu.memory_space<hbm>>) target(%arg5 : memref<256xi32, #tpu.memory_space<vmem>>) target_semaphore(%run_scoped3A : memref<!tpu.dma_semaphore, #tpu.memory_space<semaphore_mem>>)
      %dma_wait3A_13 = tpu.memref_slice %arg3[%add3A_4] : memref<8192xi32, #tpu.memory_space<hbm>> -> memref<256xi32, #tpu.memory_space<hbm>>
      %dma_wait3A_14 = tpu.memref_slice %arg3[%add3A_4] : memref<8192xi32, #tpu.memory_space<hbm>> -> memref<256xi32, #tpu.memory_space<hbm>>
      tpu.wait_dma2 semaphore(%run_scoped3A : memref<!tpu.dma_semaphore, #tpu.memory_space<semaphore_mem>>) src(%dma_wait3A_14 : memref<256xi32, #tpu.memory_space<hbm>>) dst(%arg5 : memref<256xi32, #tpu.memory_space<vmem>>)
      tpu.yield
    }) : () -> ()
    %dma_start3A = arith.constant 0 : i32
    %dma_start3A_5 = arith.constant 0 : i32
    %dma_start3A_6 = tpu.memref_slice %arg2[%dma_start3A, %dma_start3A_5] : memref<512x256xf32, #tpu.memory_space<hbm>> -> memref<512x256xf32, #tpu.memory_space<hbm>>
    tpu.enqueue_indirect_dma source(%dma_start3A_6 : memref<512x256xf32, #tpu.memory_space<hbm>>) target(%arg6 : memref<256x256xf32, #tpu.memory_space<vmem>>) offsets(%arg5 : memref<256xi32, #tpu.memory_space<vmem>>) semaphore(%arg7 : memref<!tpu.dma_semaphore, #tpu.memory_space<semaphore_mem>>)
    %dma_wait3A = arith.constant 0 : i32
    %dma_wait3A_7 = arith.constant 0 : i32
    %dma_wait3A_8 = tpu.memref_slice %arg2[%dma_wait3A, %dma_wait3A_7] : memref<512x256xf32, #tpu.memory_space<hbm>> -> memref<512x256xf32, #tpu.memory_space<hbm>>
    tpu.wait_indirect_dma semaphore(%arg7 : memref<!tpu.dma_semaphore, #tpu.memory_space<semaphore_mem>>) src(%dma_wait3A_8 : memref<512x256xf32, #tpu.memory_space<hbm>>) dst(%arg6 : memref<256x256xf32, #tpu.memory_space<vmem>>)
    %add3A_9 = arith.constant 0 : i32
    %add3A_10 = arith.addi %mul3A_2, %add3A_9 : i32
    "tpu.region"() ({
      %run_scoped3A = tpu.sem_alloc : memref<!tpu.dma_semaphore, #tpu.memory_space<semaphore_mem>>
      %dma_start3A_11 = arith.constant 0 : i32
      %dma_start3A_12 = tpu.memref_slice %arg4[%add3A_10, %dma_start3A_11] : memref<8192x256xf32, #tpu.memory_space<hbm>> -> memref<256x256xf32, #tpu.memory_space<hbm>>
      %dma_start3A_13 = arith.constant 0 : i32
      %dma_start3A_14 = tpu.memref_slice %arg4[%add3A_10, %dma_start3A_13] : memref<8192x256xf32, #tpu.memory_space<hbm>> -> memref<256x256xf32, #tpu.memory_space<hbm>>
      tpu.enqueue_dma source(%arg6 : memref<256x256xf32, #tpu.memory_space<vmem>>) target(%dma_start3A_14 : memref<256x256xf32, #tpu.memory_space<hbm>>) target_semaphore(%run_scoped3A : memref<!tpu.dma_semaphore, #tpu.memory_space<semaphore_mem>>)
      %dma_wait3A_15 = arith.constant 0 : i32
      %dma_wait3A_16 = tpu.memref_slice %arg4[%add3A_10, %dma_wait3A_15] : memref<8192x256xf32, #tpu.memory_space<hbm>> -> memref<256x256xf32, #tpu.memory_space<hbm>>
      %dma_wait3A_17 = arith.constant 0 : i32
      %dma_wait3A_18 = tpu.memref_slice %arg4[%add3A_10, %dma_wait3A_17] : memref<8192x256xf32, #tpu.memory_space<hbm>> -> memref<256x256xf32, #tpu.memory_space<hbm>>
      tpu.wait_dma2 semaphore(%run_scoped3A : memref<!tpu.dma_semaphore, #tpu.memory_space<semaphore_mem>>) src(%arg6 : memref<256x256xf32, #tpu.memory_space<vmem>>) dst(%dma_wait3A_18 : memref<256x256xf32, #tpu.memory_space<hbm>>)
      tpu.yield
    }) : () -> ()
    return
  }
}

module attributes {stable_mosaic.version = 14 : i64} {
  func.func @_dist_multi_body(%arg0: i32, %arg1: memref<256x256xf32, #tpu.memory_space<vmem>>, %arg2: memref<256x1024xbf16, #tpu.memory_space<vmem>>, %arg3: memref<256x512xbf16, #tpu.memory_space<vmem>>, %arg4: memref<256x1xf32, #tpu.memory_space<vmem>>, %arg5: memref<1x1024xf32, #tpu.memory_space<vmem>>, %arg6: memref<1x512xf32, #tpu.memory_space<vmem>>, %arg7: memref<256x1xi32, #tpu.memory_space<vmem>>, %arg8: memref<256x1xi32, #tpu.memory_space<vmem>>) attributes {dimension_semantics = [#tpu.dimension_semantics<arbitrary>], iteration_bounds = array<i64: 32>, scalar_prefetch = 0 : i64, scratch_operands = 0 : i64, tpu.core_type = #tpu.core_type<tc>, window_params = [{transform_indices = @transform_0, window_bounds = array<i64: 256, 256>}, {pipeline_mode = #tpu.pipeline_mode<synchronous>, transform_indices = @transform_1, window_bounds = array<i64: 256, 1024>}, {pipeline_mode = #tpu.pipeline_mode<synchronous>, transform_indices = @transform_2, window_bounds = array<i64: 256, 512>}, {transform_indices = @transform_3, window_bounds = array<i64: 256, 1>}, {pipeline_mode = #tpu.pipeline_mode<synchronous>, transform_indices = @transform_4, window_bounds = array<i64: 1, 1024>}, {pipeline_mode = #tpu.pipeline_mode<synchronous>, transform_indices = @transform_5, window_bounds = array<i64: 1, 512>}, {transform_indices = @transform_6, window_bounds = array<i64: 256, 1>}, {transform_indices = @transform_7, window_bounds = array<i64: 256, 1>}]} {
    %get3A = arith.constant 0 : index
    %get3A_0 = arith.constant 0 : index
    %get3A_1 = vector.load %arg1[%get3A, %get3A_0] : memref<256x256xf32, #tpu.memory_space<vmem>>, vector<256x256xf32>
    %mul3A = arith.constant -2.000000e+00 : f32
    %mul3A_2 = vector.broadcast %mul3A : f32 to vector<256x256xf32>
    %mul3A_3 = arith.mulf %get3A_1, %mul3A_2 : vector<256x256xf32>
    %convert_element_type3A = arith.truncf %mul3A_3 : vector<256x256xf32> to vector<256x256xbf16>
    %get3A_4 = arith.constant 0 : index
    %get3A_5 = arith.constant 0 : index
    %get3A_6 = vector.load %arg4[%get3A_4, %get3A_5] : memref<256x1xf32, #tpu.memory_space<vmem>>, vector<256x1xf32>
    %get3A_7 = arith.constant 0 : index
    %get3A_8 = arith.constant 0 : index
    %get3A_9 = vector.load %arg2[%get3A_7, %get3A_8] : memref<256x1024xbf16, #tpu.memory_space<vmem>>, vector<256x256xbf16>
    %dot_general3A = arith.constant dense<0.000000e+00> : vector<256x256xf32>
    %dot_general3A_10 = tpu.matmul %convert_element_type3A, %get3A_9, %dot_general3A {dimension_numbers = #tpu.dot_dimension_numbers<[1], [0], [0], [1], [0, 0, 1, 1], [], []>, transpose_lhs_hint = false} : vector<256x256xbf16>, vector<256x256xbf16>, vector<256x256xf32> -> vector<256x256xf32>
    %get3A_11 = arith.constant 0 : index
    %get3A_12 = arith.constant 0 : index
    %get3A_13 = vector.load %arg5[%get3A_11, %get3A_12] : memref<1x1024xf32, #tpu.memory_space<vmem>>, vector<1x256xf32>
    %add3A = vector.broadcast %get3A_6 : vector<256x1xf32> to vector<256x256xf32>
    %add3A_14 = vector.broadcast %get3A_13 : vector<1x256xf32> to vector<256x256xf32>
    %add3A_15 = arith.addf %add3A, %add3A_14 : vector<256x256xf32>
    %add3A_16 = arith.addf %add3A_15, %dot_general3A_10 : vector<256x256xf32>
    %get3A_17 = arith.constant 0 : index
    %get3A_18 = arith.constant 256 : index
    %get3A_19 = vector.load %arg2[%get3A_17, %get3A_18] : memref<256x1024xbf16, #tpu.memory_space<vmem>>, vector<256x256xbf16>
    %dot_general3A_20 = arith.constant dense<0.000000e+00> : vector<256x256xf32>
    %dot_general3A_21 = tpu.matmul %convert_element_type3A, %get3A_19, %dot_general3A_20 {dimension_numbers = #tpu.dot_dimension_numbers<[1], [0], [0], [1], [0, 0, 1, 1], [], []>, transpose_lhs_hint = false} : vector<256x256xbf16>, vector<256x256xbf16>, vector<256x256xf32> -> vector<256x256xf32>
    %get3A_22 = arith.constant 0 : index
    %get3A_23 = arith.constant 256 : index
    %get3A_24 = vector.load %arg5[%get3A_22, %get3A_23] : memref<1x1024xf32, #tpu.memory_space<vmem>>, vector<1x256xf32>
    %add3A_25 = vector.broadcast %get3A_6 : vector<256x1xf32> to vector<256x256xf32>
    %add3A_26 = vector.broadcast %get3A_24 : vector<1x256xf32> to vector<256x256xf32>
    %add3A_27 = arith.addf %add3A_25, %add3A_26 : vector<256x256xf32>
    %add3A_28 = arith.addf %add3A_27, %dot_general3A_21 : vector<256x256xf32>
    %lt3A = arith.cmpf olt, %add3A_28, %add3A_16 : vector<256x256xf32>
    %jit3A = arith.constant 1 : i32
    %jit3A_29 = arith.constant 0 : i32
    %broadcast_in_dim3A = vector.broadcast %jit3A : i32 to vector<256x256xi32>
    %broadcast_in_dim3A_30 = vector.broadcast %jit3A_29 : i32 to vector<256x256xi32>
    %select_n3A = arith.select %lt3A, %broadcast_in_dim3A, %broadcast_in_dim3A_30 : vector<256x256xi1>, vector<256x256xi32>
    %min3A = arith.minimumf %add3A_16, %add3A_28 : vector<256x256xf32>
    %get3A_31 = arith.constant 0 : index
    %get3A_32 = arith.constant 512 : index
    %get3A_33 = vector.load %arg2[%get3A_31, %get3A_32] : memref<256x1024xbf16, #tpu.memory_space<vmem>>, vector<256x256xbf16>
    %dot_general3A_34 = arith.constant dense<0.000000e+00> : vector<256x256xf32>
    %dot_general3A_35 = tpu.matmul %convert_element_type3A, %get3A_33, %dot_general3A_34 {dimension_numbers = #tpu.dot_dimension_numbers<[1], [0], [0], [1], [0, 0, 1, 1], [], []>, transpose_lhs_hint = false} : vector<256x256xbf16>, vector<256x256xbf16>, vector<256x256xf32> -> vector<256x256xf32>
    %get3A_36 = arith.constant 0 : index
    %get3A_37 = arith.constant 512 : index
    %get3A_38 = vector.load %arg5[%get3A_36, %get3A_37] : memref<1x1024xf32, #tpu.memory_space<vmem>>, vector<1x256xf32>
    %add3A_39 = vector.broadcast %get3A_6 : vector<256x1xf32> to vector<256x256xf32>
    %add3A_40 = vector.broadcast %get3A_38 : vector<1x256xf32> to vector<256x256xf32>
    %add3A_41 = arith.addf %add3A_39, %add3A_40 : vector<256x256xf32>
    %add3A_42 = arith.addf %add3A_41, %dot_general3A_35 : vector<256x256xf32>
    %get3A_43 = arith.constant 0 : index
    %get3A_44 = arith.constant 768 : index
    %get3A_45 = vector.load %arg2[%get3A_43, %get3A_44] : memref<256x1024xbf16, #tpu.memory_space<vmem>>, vector<256x256xbf16>
    %dot_general3A_46 = arith.constant dense<0.000000e+00> : vector<256x256xf32>
    %dot_general3A_47 = tpu.matmul %convert_element_type3A, %get3A_45, %dot_general3A_46 {dimension_numbers = #tpu.dot_dimension_numbers<[1], [0], [0], [1], [0, 0, 1, 1], [], []>, transpose_lhs_hint = false} : vector<256x256xbf16>, vector<256x256xbf16>, vector<256x256xf32> -> vector<256x256xf32>
    %get3A_48 = arith.constant 0 : index
    %get3A_49 = arith.constant 768 : index
    %get3A_50 = vector.load %arg5[%get3A_48, %get3A_49] : memref<1x1024xf32, #tpu.memory_space<vmem>>, vector<1x256xf32>
    %add3A_51 = vector.broadcast %get3A_6 : vector<256x1xf32> to vector<256x256xf32>
    %add3A_52 = vector.broadcast %get3A_50 : vector<1x256xf32> to vector<256x256xf32>
    %add3A_53 = arith.addf %add3A_51, %add3A_52 : vector<256x256xf32>
    %add3A_54 = arith.addf %add3A_53, %dot_general3A_47 : vector<256x256xf32>
    %lt3A_55 = arith.cmpf olt, %add3A_54, %add3A_42 : vector<256x256xf32>
    %jit3A_56 = arith.constant 3 : i32
    %jit3A_57 = arith.constant 2 : i32
    %broadcast_in_dim3A_58 = vector.broadcast %jit3A_56 : i32 to vector<256x256xi32>
    %broadcast_in_dim3A_59 = vector.broadcast %jit3A_57 : i32 to vector<256x256xi32>
    %select_n3A_60 = arith.select %lt3A_55, %broadcast_in_dim3A_58, %broadcast_in_dim3A_59 : vector<256x256xi1>, vector<256x256xi32>
    %min3A_61 = arith.minimumf %add3A_42, %add3A_54 : vector<256x256xf32>
    %lt3A_62 = arith.cmpf olt, %min3A_61, %min3A : vector<256x256xf32>
    %select_n3A_63 = arith.select %lt3A_62, %min3A_61, %min3A : vector<256x256xi1>, vector<256x256xf32>
    %select_n3A_64 = arith.select %lt3A_62, %select_n3A_60, %select_n3A : vector<256x256xi1>, vector<256x256xi32>
    %reduce_min3A = arith.constant dense<0x7F800000> : vector<256xf32>
    %reduce_min3A_65 = vector.multi_reduction <minimumf>, %select_n3A_63, %reduce_min3A [1] : vector<256x256xf32> to vector<256xf32>
    %broadcast_in_dim3A_66 = vector.shape_cast %reduce_min3A_65 : vector<256xf32> to vector<256x1xf32>
    %iota3A = tpu.iota {dimensions = array<i32: 1>} : vector<256x256xi32>
    %mul3A_67 = arith.constant 256 : i32
    %mul3A_68 = vector.broadcast %mul3A_67 : i32 to vector<256x256xi32>
    %mul3A_69 = arith.muli %select_n3A_64, %mul3A_68 : vector<256x256xi32>
    %add3A_70 = arith.addi %mul3A_69, %iota3A : vector<256x256xi32>
    %eq3A = vector.broadcast %broadcast_in_dim3A_66 : vector<256x1xf32> to vector<256x256xf32>
    %eq3A_71 = arith.cmpf oeq, %select_n3A_63, %eq3A : vector<256x256xf32>
    %jit3A_72 = arith.constant 1073741824 : i32
    %broadcast_in_dim3A_73 = vector.broadcast %jit3A_72 : i32 to vector<256x256xi32>
    %select_n3A_74 = arith.select %eq3A_71, %add3A_70, %broadcast_in_dim3A_73 : vector<256x256xi1>, vector<256x256xi32>
    %reduce_min3A_75 = arith.constant dense<2147483647> : vector<256xi32>
    %reduce_min3A_76 = vector.multi_reduction <minsi>, %select_n3A_74, %reduce_min3A_75 [1] : vector<256x256xi32> to vector<256xi32>
    %broadcast_in_dim3A_77 = vector.shape_cast %reduce_min3A_76 : vector<256xi32> to vector<256x1xi32>
    %swap3A = arith.constant 0 : index
    %swap3A_78 = arith.constant 0 : index
    %swap3A_79 = vector.load %arg7[%swap3A, %swap3A_78] : memref<256x1xi32, #tpu.memory_space<vmem>>, vector<256x1xi32>
    tpu.vector_store %arg7[%swap3A, %swap3A_78], %broadcast_in_dim3A_77 {strides = array<i32>} : memref<256x1xi32, #tpu.memory_space<vmem>>, vector<256x1xi32>,
    %get3A_80 = arith.constant 0 : index
    %get3A_81 = arith.constant 0 : index
    %get3A_82 = vector.load %arg3[%get3A_80, %get3A_81] : memref<256x512xbf16, #tpu.memory_space<vmem>>, vector<256x256xbf16>
    %dot_general3A_83 = arith.constant dense<0.000000e+00> : vector<256x256xf32>
    %dot_general3A_84 = tpu.matmul %convert_element_type3A, %get3A_82, %dot_general3A_83 {dimension_numbers = #tpu.dot_dimension_numbers<[1], [0], [0], [1], [0, 0, 1, 1], [], []>, transpose_lhs_hint = false} : vector<256x256xbf16>, vector<256x256xbf16>, vector<256x256xf32> -> vector<256x256xf32>
    %get3A_85 = arith.constant 0 : index
    %get3A_86 = arith.constant 0 : index
    %get3A_87 = vector.load %arg6[%get3A_85, %get3A_86] : memref<1x512xf32, #tpu.memory_space<vmem>>, vector<1x256xf32>
    %add3A_88 = vector.broadcast %get3A_6 : vector<256x1xf32> to vector<256x256xf32>
    %add3A_89 = vector.broadcast %get3A_87 : vector<1x256xf32> to vector<256x256xf32>
    %add3A_90 = arith.addf %add3A_88, %add3A_89 : vector<256x256xf32>
    %add3A_91 = arith.addf %add3A_90, %dot_general3A_84 : vector<256x256xf32>
    %get3A_92 = arith.constant 0 : index
    %get3A_93 = arith.constant 256 : index
    %get3A_94 = vector.load %arg3[%get3A_92, %get3A_93] : memref<256x512xbf16, #tpu.memory_space<vmem>>, vector<256x256xbf16>
    %dot_general3A_95 = arith.constant dense<0.000000e+00> : vector<256x256xf32>
    %dot_general3A_96 = tpu.matmul %convert_element_type3A, %get3A_94, %dot_general3A_95 {dimension_numbers = #tpu.dot_dimension_numbers<[1], [0], [0], [1], [0, 0, 1, 1], [], []>, transpose_lhs_hint = false} : vector<256x256xbf16>, vector<256x256xbf16>, vector<256x256xf32> -> vector<256x256xf32>
    %get3A_97 = arith.constant 0 : index
    %get3A_98 = arith.constant 256 : index
    %get3A_99 = vector.load %arg6[%get3A_97, %get3A_98] : memref<1x512xf32, #tpu.memory_space<vmem>>, vector<1x256xf32>
    %add3A_100 = vector.broadcast %get3A_6 : vector<256x1xf32> to vector<256x256xf32>
    %add3A_101 = vector.broadcast %get3A_99 : vector<1x256xf32> to vector<256x256xf32>
    %add3A_102 = arith.addf %add3A_100, %add3A_101 : vector<256x256xf32>
    %add3A_103 = arith.addf %add3A_102, %dot_general3A_96 : vector<256x256xf32>
    %lt3A_104 = arith.cmpf olt, %add3A_103, %add3A_91 : vector<256x256xf32>
    %jit3A_105 = arith.constant 1 : i32
    %jit3A_106 = arith.constant 0 : i32
    %broadcast_in_dim3A_107 = vector.broadcast %jit3A_105 : i32 to vector<256x256xi32>
    %broadcast_in_dim3A_108 = vector.broadcast %jit3A_106 : i32 to vector<256x256xi32>
    %select_n3A_109 = arith.select %lt3A_104, %broadcast_in_dim3A_107, %broadcast_in_dim3A_108 : vector<256x256xi1>, vector<256x256xi32>
    %min3A_110 = arith.minimumf %add3A_91, %add3A_103 : vector<256x256xf32>
    %reduce_min3A_111 = arith.constant dense<0x7F800000> : vector<256xf32>
    %reduce_min3A_112 = vector.multi_reduction <minimumf>, %min3A_110, %reduce_min3A_111 [1] : vector<256x256xf32> to vector<256xf32>
    %broadcast_in_dim3A_113 = vector.shape_cast %reduce_min3A_112 : vector<256xf32> to vector<256x1xf32>
    %iota3A_114 = tpu.iota {dimensions = array<i32: 1>} : vector<256x256xi32>
    %mul3A_115 = arith.constant 256 : i32
    %mul3A_116 = vector.broadcast %mul3A_115 : i32 to vector<256x256xi32>
    %mul3A_117 = arith.muli %select_n3A_109, %mul3A_116 : vector<256x256xi32>
    %add3A_118 = arith.addi %mul3A_117, %iota3A_114 : vector<256x256xi32>
    %eq3A_119 = vector.broadcast %broadcast_in_dim3A_113 : vector<256x1xf32> to vector<256x256xf32>
    %eq3A_120 = arith.cmpf oeq, %min3A_110, %eq3A_119 : vector<256x256xf32>
    %jit3A_121 = arith.constant 1073741824 : i32
    %broadcast_in_dim3A_122 = vector.broadcast %jit3A_121 : i32 to vector<256x256xi32>
    %select_n3A_123 = arith.select %eq3A_120, %add3A_118, %broadcast_in_dim3A_122 : vector<256x256xi1>, vector<256x256xi32>
    %reduce_min3A_124 = arith.constant dense<2147483647> : vector<256xi32>
    %reduce_min3A_125 = vector.multi_reduction <minsi>, %select_n3A_123, %reduce_min3A_124 [1] : vector<256x256xi32> to vector<256xi32>
    %broadcast_in_dim3A_126 = vector.shape_cast %reduce_min3A_125 : vector<256xi32> to vector<256x1xi32>
    %swap3A_127 = arith.constant 0 : index
    %swap3A_128 = arith.constant 0 : index
    %swap3A_129 = vector.load %arg8[%swap3A_127, %swap3A_128] : memref<256x1xi32, #tpu.memory_space<vmem>>, vector<256x1xi32>
    tpu.vector_store %arg8[%swap3A_127, %swap3A_128], %broadcast_in_dim3A_126 {strides = array<i32>} : memref<256x1xi32, #tpu.memory_space<vmem>>, vector<256x1xi32>,
    return
  }
  func.func @transform_0(%arg0: i32) -> (i32, i32) {
    %add3A = arith.constant 0 : i32
    %add3A_0 = arith.addi %arg0, %add3A : i32
    %c0_i32 = arith.constant 0 : i32
    %c0_i32_1 = arith.constant 0 : i32
    return %add3A_0, %c0_i32 : i32, i32
  }
  func.func @transform_1(%arg0: i32) -> (i32, i32) {
    %c0_i32 = arith.constant 0 : i32
    %c0_i32_0 = arith.constant 0 : i32
    %c0_i32_1 = arith.constant 0 : i32
    return %c0_i32, %c0_i32_0 : i32, i32
  }
  func.func @transform_2(%arg0: i32) -> (i32, i32) {
    %c0_i32 = arith.constant 0 : i32
    %c0_i32_0 = arith.constant 0 : i32
    %c0_i32_1 = arith.constant 0 : i32
    return %c0_i32, %c0_i32_0 : i32, i32
  }
  func.func @transform_3(%arg0: i32) -> (i32, i32) {
    %add3A = arith.constant 0 : i32
    %add3A_0 = arith.addi %arg0, %add3A : i32
    %c0_i32 = arith.constant 0 : i32
    %c0_i32_1 = arith.constant 0 : i32
    return %add3A_0, %c0_i32 : i32, i32
  }
  func.func @transform_4(%arg0: i32) -> (i32, i32) {
    %c0_i32 = arith.constant 0 : i32
    %c0_i32_0 = arith.constant 0 : i32
    %c0_i32_1 = arith.constant 0 : i32
    return %c0_i32, %c0_i32_0 : i32, i32
  }
  func.func @transform_5(%arg0: i32) -> (i32, i32) {
    %c0_i32 = arith.constant 0 : i32
    %c0_i32_0 = arith.constant 0 : i32
    %c0_i32_1 = arith.constant 0 : i32
    return %c0_i32, %c0_i32_0 : i32, i32
  }
  func.func @transform_6(%arg0: i32) -> (i32, i32) {
    %c0_i32 = arith.constant 0 : i32
    %c0_i32_0 = arith.constant 0 : i32
    return %arg0, %c0_i32 : i32, i32
  }
  func.func @transform_7(%arg0: i32) -> (i32, i32) {
    %c0_i32 = arith.constant 0 : i32
    %c0_i32_0 = arith.constant 0 : i32
    return %arg0, %c0_i32 : i32, i32
  }
}

module attributes {stable_mosaic.version = 14 : i64} {
  func.func @_dist_multi_body(%arg0: i32, %arg1: memref<256x256xf32, #tpu.memory_space<vmem>>, %arg2: memref<256x8192xbf16, #tpu.memory_space<vmem>>, %arg3: memref<256x4096xbf16, #tpu.memory_space<vmem>>, %arg4: memref<256x2048xbf16, #tpu.memory_space<vmem>>, %arg5: memref<256x1xf32, #tpu.memory_space<vmem>>, %arg6: memref<1x8192xf32, #tpu.memory_space<vmem>>, %arg7: memref<1x4096xf32, #tpu.memory_space<vmem>>, %arg8: memref<1x2048xf32, #tpu.memory_space<vmem>>, %arg9: memref<256x1xi32, #tpu.memory_space<vmem>>, %arg10: memref<256x1xi32, #tpu.memory_space<vmem>>, %arg11: memref<256x1xi32, #tpu.memory_space<vmem>>) attributes {dimension_semantics = [#tpu.dimension_semantics<arbitrary>], iteration_bounds = array<i64: 64>, scalar_prefetch = 0 : i64, scratch_operands = 0 : i64, tpu.core_type = #tpu.core_type<tc>, window_params = [{transform_indices = @transform_0, window_bounds = array<i64: 256, 256>}, {pipeline_mode = #tpu.pipeline_mode<synchronous>, transform_indices = @transform_1, window_bounds = array<i64: 256, 8192>}, {pipeline_mode = #tpu.pipeline_mode<synchronous>, transform_indices = @transform_2, window_bounds = array<i64: 256, 4096>}, {pipeline_mode = #tpu.pipeline_mode<synchronous>, transform_indices = @transform_3, window_bounds = array<i64: 256, 2048>}, {transform_indices = @transform_4, window_bounds = array<i64: 256, 1>}, {pipeline_mode = #tpu.pipeline_mode<synchronous>, transform_indices = @transform_5, window_bounds = array<i64: 1, 8192>}, {pipeline_mode = #tpu.pipeline_mode<synchronous>, transform_indices = @transform_6, window_bounds = array<i64: 1, 4096>}, {pipeline_mode = #tpu.pipeline_mode<synchronous>, transform_indices = @transform_7, window_bounds = array<i64: 1, 2048>}, {transform_indices = @transform_8, window_bounds = array<i64: 256, 1>}, {transform_indices = @transform_9, window_bounds = array<i64: 256, 1>}, {transform_indices = @transform_10, window_bounds = array<i64: 256, 1>}]} {
    %get3A = arith.constant 0 : index
    %get3A_0 = arith.constant 0 : index
    %get3A_1 = vector.load %arg1[%get3A, %get3A_0] : memref<256x256xf32, #tpu.memory_space<vmem>>, vector<256x256xf32>
    %mul3A = arith.constant -2.000000e+00 : f32
    %mul3A_2 = vector.broadcast %mul3A : f32 to vector<256x256xf32>
    %mul3A_3 = arith.mulf %get3A_1, %mul3A_2 : vector<256x256xf32>
    %convert_element_type3A = arith.truncf %mul3A_3 : vector<256x256xf32> to vector<256x256xbf16>
    %get3A_4 = arith.constant 0 : index
    %get3A_5 = arith.constant 0 : index
    %get3A_6 = vector.load %arg5[%get3A_4, %get3A_5] : memref<256x1xf32, #tpu.memory_space<vmem>>, vector<256x1xf32>
    %get3A_7 = arith.constant 0 : index
    %get3A_8 = arith.constant 0 : index
    %get3A_9 = vector.load %arg2[%get3A_7, %get3A_8] : memref<256x8192xbf16, #tpu.memory_space<vmem>>, vector<256x256xbf16>
    %dot_general3A = arith.constant dense<0.000000e+00> : vector<256x256xf32>
    %dot_general3A_10 = tpu.matmul %convert_element_type3A, %get3A_9, %dot_general3A {dimension_numbers = #tpu.dot_dimension_numbers<[1], [0], [0], [1], [0, 0, 1, 1], [], []>, transpose_lhs_hint = false} : vector<256x256xbf16>, vector<256x256xbf16>, vector<256x256xf32> -> vector<256x256xf32>
    %get3A_11 = arith.constant 0 : index
    %get3A_12 = arith.constant 0 : index
    %get3A_13 = vector.load %arg6[%get3A_11, %get3A_12] : memref<1x8192xf32, #tpu.memory_space<vmem>>, vector<1x256xf32>
    %add3A = vector.broadcast %get3A_6 : vector<256x1xf32> to vector<256x256xf32>
    %add3A_14 = vector.broadcast %get3A_13 : vector<1x256xf32> to vector<256x256xf32>
    %add3A_15 = arith.addf %add3A, %add3A_14 : vector<256x256xf32>
    %add3A_16 = arith.addf %add3A_15, %dot_general3A_10 : vector<256x256xf32>
    %get3A_17 = arith.constant 0 : index
    %get3A_18 = arith.constant 256 : index
    %get3A_19 = vector.load %arg2[%get3A_17, %get3A_18] : memref<256x8192xbf16, #tpu.memory_space<vmem>>, vector<256x256xbf16>
    %dot_general3A_20 = arith.constant dense<0.000000e+00> : vector<256x256xf32>
    %dot_general3A_21 = tpu.matmul %convert_element_type3A, %get3A_19, %dot_general3A_20 {dimension_numbers = #tpu.dot_dimension_numbers<[1], [0], [0], [1], [0, 0, 1, 1], [], []>, transpose_lhs_hint = false} : vector<256x256xbf16>, vector<256x256xbf16>, vector<256x256xf32> -> vector<256x256xf32>
    %get3A_22 = arith.constant 0 : index
    %get3A_23 = arith.constant 256 : index
    %get3A_24 = vector.load %arg6[%get3A_22, %get3A_23] : memref<1x8192xf32, #tpu.memory_space<vmem>>, vector<1x256xf32>
    %add3A_25 = vector.broadcast %get3A_6 : vector<256x1xf32> to vector<256x256xf32>
    %add3A_26 = vector.broadcast %get3A_24 : vector<1x256xf32> to vector<256x256xf32>
    %add3A_27 = arith.addf %add3A_25, %add3A_26 : vector<256x256xf32>
    %add3A_28 = arith.addf %add3A_27, %dot_general3A_21 : vector<256x256xf32>
    %lt3A = arith.cmpf olt, %add3A_28, %add3A_16 : vector<256x256xf32>
    %jit3A = arith.constant 1 : i32
    %jit3A_29 = arith.constant 0 : i32
    %broadcast_in_dim3A = vector.broadcast %jit3A : i32 to vector<256x256xi32>
    %broadcast_in_dim3A_30 = vector.broadcast %jit3A_29 : i32 to vector<256x256xi32>
    %select_n3A = arith.select %lt3A, %broadcast_in_dim3A, %broadcast_in_dim3A_30 : vector<256x256xi1>, vector<256x256xi32>
    %min3A = arith.minimumf %add3A_16, %add3A_28 : vector<256x256xf32>
    %get3A_31 = arith.constant 0 : index
    %get3A_32 = arith.constant 512 : index
    %get3A_33 = vector.load %arg2[%get3A_31, %get3A_32] : memref<256x8192xbf16, #tpu.memory_space<vmem>>, vector<256x256xbf16>
    %dot_general3A_34 = arith.constant dense<0.000000e+00> : vector<256x256xf32>
    %dot_general3A_35 = tpu.matmul %convert_element_type3A, %get3A_33, %dot_general3A_34 {dimension_numbers = #tpu.dot_dimension_numbers<[1], [0], [0], [1], [0, 0, 1, 1], [], []>, transpose_lhs_hint = false} : vector<256x256xbf16>, vector<256x256xbf16>, vector<256x256xf32> -> vector<256x256xf32>
    %get3A_36 = arith.constant 0 : index
    %get3A_37 = arith.constant 512 : index
    %get3A_38 = vector.load %arg6[%get3A_36, %get3A_37] : memref<1x8192xf32, #tpu.memory_space<vmem>>, vector<1x256xf32>
    %add3A_39 = vector.broadcast %get3A_6 : vector<256x1xf32> to vector<256x256xf32>
    %add3A_40 = vector.broadcast %get3A_38 : vector<1x256xf32> to vector<256x256xf32>
    %add3A_41 = arith.addf %add3A_39, %add3A_40 : vector<256x256xf32>
    %add3A_42 = arith.addf %add3A_41, %dot_general3A_35 : vector<256x256xf32>
    %get3A_43 = arith.constant 0 : index
    %get3A_44 = arith.constant 768 : index
    %get3A_45 = vector.load %arg2[%get3A_43, %get3A_44] : memref<256x8192xbf16, #tpu.memory_space<vmem>>, vector<256x256xbf16>
    %dot_general3A_46 = arith.constant dense<0.000000e+00> : vector<256x256xf32>
    %dot_general3A_47 = tpu.matmul %convert_element_type3A, %get3A_45, %dot_general3A_46 {dimension_numbers = #tpu.dot_dimension_numbers<[1], [0], [0], [1], [0, 0, 1, 1], [], []>, transpose_lhs_hint = false} : vector<256x256xbf16>, vector<256x256xbf16>, vector<256x256xf32> -> vector<256x256xf32>
    %get3A_48 = arith.constant 0 : index
    %get3A_49 = arith.constant 768 : index
    %get3A_50 = vector.load %arg6[%get3A_48, %get3A_49] : memref<1x8192xf32, #tpu.memory_space<vmem>>, vector<1x256xf32>
    %add3A_51 = vector.broadcast %get3A_6 : vector<256x1xf32> to vector<256x256xf32>
    %add3A_52 = vector.broadcast %get3A_50 : vector<1x256xf32> to vector<256x256xf32>
    %add3A_53 = arith.addf %add3A_51, %add3A_52 : vector<256x256xf32>
    %add3A_54 = arith.addf %add3A_53, %dot_general3A_47 : vector<256x256xf32>
    %lt3A_55 = arith.cmpf olt, %add3A_54, %add3A_42 : vector<256x256xf32>
    %jit3A_56 = arith.constant 3 : i32
    %jit3A_57 = arith.constant 2 : i32
    %broadcast_in_dim3A_58 = vector.broadcast %jit3A_56 : i32 to vector<256x256xi32>
    %broadcast_in_dim3A_59 = vector.broadcast %jit3A_57 : i32 to vector<256x256xi32>
    %select_n3A_60 = arith.select %lt3A_55, %broadcast_in_dim3A_58, %broadcast_in_dim3A_59 : vector<256x256xi1>, vector<256x256xi32>
    %min3A_61 = arith.minimumf %add3A_42, %add3A_54 : vector<256x256xf32>
    %lt3A_62 = arith.cmpf olt, %min3A_61, %min3A : vector<256x256xf32>
    %select_n3A_63 = arith.select %lt3A_62, %min3A_61, %min3A : vector<256x256xi1>, vector<256x256xf32>
    %select_n3A_64 = arith.select %lt3A_62, %select_n3A_60, %select_n3A : vector<256x256xi1>, vector<256x256xi32>
    %get3A_65 = arith.constant 0 : index
    %get3A_66 = arith.constant 1024 : index
    %get3A_67 = vector.load %arg2[%get3A_65, %get3A_66] : memref<256x8192xbf16, #tpu.memory_space<vmem>>, vector<256x256xbf16>
    %dot_general3A_68 = arith.constant dense<0.000000e+00> : vector<256x256xf32>
    %dot_general3A_69 = tpu.matmul %convert_element_type3A, %get3A_67, %dot_general3A_68 {dimension_numbers = #tpu.dot_dimension_numbers<[1], [0], [0], [1], [0, 0, 1, 1], [], []>, transpose_lhs_hint = false} : vector<256x256xbf16>, vector<256x256xbf16>, vector<256x256xf32> -> vector<256x256xf32>
    %get3A_70 = arith.constant 0 : index
    %get3A_71 = arith.constant 1024 : index
    %get3A_72 = vector.load %arg6[%get3A_70, %get3A_71] : memref<1x8192xf32, #tpu.memory_space<vmem>>, vector<1x256xf32>
    %add3A_73 = vector.broadcast %get3A_6 : vector<256x1xf32> to vector<256x256xf32>
    %add3A_74 = vector.broadcast %get3A_72 : vector<1x256xf32> to vector<256x256xf32>
    %add3A_75 = arith.addf %add3A_73, %add3A_74 : vector<256x256xf32>
    %add3A_76 = arith.addf %add3A_75, %dot_general3A_69 : vector<256x256xf32>
    %get3A_77 = arith.constant 0 : index
    %get3A_78 = arith.constant 1280 : index
    %get3A_79 = vector.load %arg2[%get3A_77, %get3A_78] : memref<256x8192xbf16, #tpu.memory_space<vmem>>, vector<256x256xbf16>
    %dot_general3A_80 = arith.constant dense<0.000000e+00> : vector<256x256xf32>
    %dot_general3A_81 = tpu.matmul %convert_element_type3A, %get3A_79, %dot_general3A_80 {dimension_numbers = #tpu.dot_dimension_numbers<[1], [0], [0], [1], [0, 0, 1, 1], [], []>, transpose_lhs_hint = false} : vector<256x256xbf16>, vector<256x256xbf16>, vector<256x256xf32> -> vector<256x256xf32>
    %get3A_82 = arith.constant 0 : index
    %get3A_83 = arith.constant 1280 : index
    %get3A_84 = vector.load %arg6[%get3A_82, %get3A_83] : memref<1x8192xf32, #tpu.memory_space<vmem>>, vector<1x256xf32>
    %add3A_85 = vector.broadcast %get3A_6 : vector<256x1xf32> to vector<256x256xf32>
    %add3A_86 = vector.broadcast %get3A_84 : vector<1x256xf32> to vector<256x256xf32>
    %add3A_87 = arith.addf %add3A_85, %add3A_86 : vector<256x256xf32>
    %add3A_88 = arith.addf %add3A_87, %dot_general3A_81 : vector<256x256xf32>
    %lt3A_89 = arith.cmpf olt, %add3A_88, %add3A_76 : vector<256x256xf32>
    %jit3A_90 = arith.constant 5 : i32
    %jit3A_91 = arith.constant 4 : i32
    %broadcast_in_dim3A_92 = vector.broadcast %jit3A_90 : i32 to vector<256x256xi32>
    %broadcast_in_dim3A_93 = vector.broadcast %jit3A_91 : i32 to vector<256x256xi32>
    %select_n3A_94 = arith.select %lt3A_89, %broadcast_in_dim3A_92, %broadcast_in_dim3A_93 : vector<256x256xi1>, vector<256x256xi32>
    %min3A_95 = arith.minimumf %add3A_76, %add3A_88 : vector<256x256xf32>
    %lt3A_96 = arith.cmpf olt, %min3A_95, %select_n3A_63 : vector<256x256xf32>
    %select_n3A_97 = arith.select %lt3A_96, %min3A_95, %select_n3A_63 : vector<256x256xi1>, vector<256x256xf32>
    %select_n3A_98 = arith.select %lt3A_96, %select_n3A_94, %select_n3A_64 : vector<256x256xi1>, vector<256x256xi32>
    %get3A_99 = arith.constant 0 : index
    %get3A_100 = arith.constant 1536 : index
    %get3A_101 = vector.load %arg2[%get3A_99, %get3A_100] : memref<256x8192xbf16, #tpu.memory_space<vmem>>, vector<256x256xbf16>
    %dot_general3A_102 = arith.constant dense<0.000000e+00> : vector<256x256xf32>
    %dot_general3A_103 = tpu.matmul %convert_element_type3A, %get3A_101, %dot_general3A_102 {dimension_numbers = #tpu.dot_dimension_numbers<[1], [0], [0], [1], [0, 0, 1, 1], [], []>, transpose_lhs_hint = false} : vector<256x256xbf16>, vector<256x256xbf16>, vector<256x256xf32> -> vector<256x256xf32>
    %get3A_104 = arith.constant 0 : index
    %get3A_105 = arith.constant 1536 : index
    %get3A_106 = vector.load %arg6[%get3A_104, %get3A_105] : memref<1x8192xf32, #tpu.memory_space<vmem>>, vector<1x256xf32>
    %add3A_107 = vector.broadcast %get3A_6 : vector<256x1xf32> to vector<256x256xf32>
    %add3A_108 = vector.broadcast %get3A_106 : vector<1x256xf32> to vector<256x256xf32>
    %add3A_109 = arith.addf %add3A_107, %add3A_108 : vector<256x256xf32>
    %add3A_110 = arith.addf %add3A_109, %dot_general3A_103 : vector<256x256xf32>
    %get3A_111 = arith.constant 0 : index
    %get3A_112 = arith.constant 1792 : index
    %get3A_113 = vector.load %arg2[%get3A_111, %get3A_112] : memref<256x8192xbf16, #tpu.memory_space<vmem>>, vector<256x256xbf16>
    %dot_general3A_114 = arith.constant dense<0.000000e+00> : vector<256x256xf32>
    %dot_general3A_115 = tpu.matmul %convert_element_type3A, %get3A_113, %dot_general3A_114 {dimension_numbers = #tpu.dot_dimension_numbers<[1], [0], [0], [1], [0, 0, 1, 1], [], []>, transpose_lhs_hint = false} : vector<256x256xbf16>, vector<256x256xbf16>, vector<256x256xf32> -> vector<256x256xf32>
    %get3A_116 = arith.constant 0 : index
    %get3A_117 = arith.constant 1792 : index
    %get3A_118 = vector.load %arg6[%get3A_116, %get3A_117] : memref<1x8192xf32, #tpu.memory_space<vmem>>, vector<1x256xf32>
    %add3A_119 = vector.broadcast %get3A_6 : vector<256x1xf32> to vector<256x256xf32>
    %add3A_120 = vector.broadcast %get3A_118 : vector<1x256xf32> to vector<256x256xf32>
    %add3A_121 = arith.addf %add3A_119, %add3A_120 : vector<256x256xf32>
    %add3A_122 = arith.addf %add3A_121, %dot_general3A_115 : vector<256x256xf32>
    %lt3A_123 = arith.cmpf olt, %add3A_122, %add3A_110 : vector<256x256xf32>
    %jit3A_124 = arith.constant 7 : i32
    %jit3A_125 = arith.constant 6 : i32
    %broadcast_in_dim3A_126 = vector.broadcast %jit3A_124 : i32 to vector<256x256xi32>
    %broadcast_in_dim3A_127 = vector.broadcast %jit3A_125 : i32 to vector<256x256xi32>
    %select_n3A_128 = arith.select %lt3A_123, %broadcast_in_dim3A_126, %broadcast_in_dim3A_127 : vector<256x256xi1>, vector<256x256xi32>
    %min3A_129 = arith.minimumf %add3A_110, %add3A_122 : vector<256x256xf32>
    %lt3A_130 = arith.cmpf olt, %min3A_129, %select_n3A_97 : vector<256x256xf32>
    %select_n3A_131 = arith.select %lt3A_130, %min3A_129, %select_n3A_97 : vector<256x256xi1>, vector<256x256xf32>
    %select_n3A_132 = arith.select %lt3A_130, %select_n3A_128, %select_n3A_98 : vector<256x256xi1>, vector<256x256xi32>
    %get3A_133 = arith.constant 0 : index
    %get3A_134 = arith.constant 2048 : index
    %get3A_135 = vector.load %arg2[%get3A_133, %get3A_134] : memref<256x8192xbf16, #tpu.memory_space<vmem>>, vector<256x256xbf16>
    %dot_general3A_136 = arith.constant dense<0.000000e+00> : vector<256x256xf32>
    %dot_general3A_137 = tpu.matmul %convert_element_type3A, %get3A_135, %dot_general3A_136 {dimension_numbers = #tpu.dot_dimension_numbers<[1], [0], [0], [1], [0, 0, 1, 1], [], []>, transpose_lhs_hint = false} : vector<256x256xbf16>, vector<256x256xbf16>, vector<256x256xf32> -> vector<256x256xf32>
    %get3A_138 = arith.constant 0 : index
    %get3A_139 = arith.constant 2048 : index
    %get3A_140 = vector.load %arg6[%get3A_138, %get3A_139] : memref<1x8192xf32, #tpu.memory_space<vmem>>, vector<1x256xf32>
    %add3A_141 = vector.broadcast %get3A_6 : vector<256x1xf32> to vector<256x256xf32>
    %add3A_142 = vector.broadcast %get3A_140 : vector<1x256xf32> to vector<256x256xf32>
    %add3A_143 = arith.addf %add3A_141, %add3A_142 : vector<256x256xf32>
    %add3A_144 = arith.addf %add3A_143, %dot_general3A_137 : vector<256x256xf32>
    %get3A_145 = arith.constant 0 : index
    %get3A_146 = arith.constant 2304 : index
    %get3A_147 = vector.load %arg2[%get3A_145, %get3A_146] : memref<256x8192xbf16, #tpu.memory_space<vmem>>, vector<256x256xbf16>
    %dot_general3A_148 = arith.constant dense<0.000000e+00> : vector<256x256xf32>
    %dot_general3A_149 = tpu.matmul %convert_element_type3A, %get3A_147, %dot_general3A_148 {dimension_numbers = #tpu.dot_dimension_numbers<[1], [0], [0], [1], [0, 0, 1, 1], [], []>, transpose_lhs_hint = false} : vector<256x256xbf16>, vector<256x256xbf16>, vector<256x256xf32> -> vector<256x256xf32>
    %get3A_150 = arith.constant 0 : index
    %get3A_151 = arith.constant 2304 : index
    %get3A_152 = vector.load %arg6[%get3A_150, %get3A_151] : memref<1x8192xf32, #tpu.memory_space<vmem>>, vector<1x256xf32>
    %add3A_153 = vector.broadcast %get3A_6 : vector<256x1xf32> to vector<256x256xf32>
    %add3A_154 = vector.broadcast %get3A_152 : vector<1x256xf32> to vector<256x256xf32>
    %add3A_155 = arith.addf %add3A_153, %add3A_154 : vector<256x256xf32>
    %add3A_156 = arith.addf %add3A_155, %dot_general3A_149 : vector<256x256xf32>
    %lt3A_157 = arith.cmpf olt, %add3A_156, %add3A_144 : vector<256x256xf32>
    %jit3A_158 = arith.constant 9 : i32
    %jit3A_159 = arith.constant 8 : i32
    %broadcast_in_dim3A_160 = vector.broadcast %jit3A_158 : i32 to vector<256x256xi32>
    %broadcast_in_dim3A_161 = vector.broadcast %jit3A_159 : i32 to vector<256x256xi32>
    %select_n3A_162 = arith.select %lt3A_157, %broadcast_in_dim3A_160, %broadcast_in_dim3A_161 : vector<256x256xi1>, vector<256x256xi32>
    %min3A_163 = arith.minimumf %add3A_144, %add3A_156 : vector<256x256xf32>
    %lt3A_164 = arith.cmpf olt, %min3A_163, %select_n3A_131 : vector<256x256xf32>
    %select_n3A_165 = arith.select %lt3A_164, %min3A_163, %select_n3A_131 : vector<256x256xi1>, vector<256x256xf32>
    %select_n3A_166 = arith.select %lt3A_164, %select_n3A_162, %select_n3A_132 : vector<256x256xi1>, vector<256x256xi32>
    %get3A_167 = arith.constant 0 : index
    %get3A_168 = arith.constant 2560 : index
    %get3A_169 = vector.load %arg2[%get3A_167, %get3A_168] : memref<256x8192xbf16, #tpu.memory_space<vmem>>, vector<256x256xbf16>
    %dot_general3A_170 = arith.constant dense<0.000000e+00> : vector<256x256xf32>
    %dot_general3A_171 = tpu.matmul %convert_element_type3A, %get3A_169, %dot_general3A_170 {dimension_numbers = #tpu.dot_dimension_numbers<[1], [0], [0], [1], [0, 0, 1, 1], [], []>, transpose_lhs_hint = false} : vector<256x256xbf16>, vector<256x256xbf16>, vector<256x256xf32> -> vector<256x256xf32>
    %get3A_172 = arith.constant 0 : index
    %get3A_173 = arith.constant 2560 : index
    %get3A_174 = vector.load %arg6[%get3A_172, %get3A_173] : memref<1x8192xf32, #tpu.memory_space<vmem>>, vector<1x256xf32>
    %add3A_175 = vector.broadcast %get3A_6 : vector<256x1xf32> to vector<256x256xf32>
    %add3A_176 = vector.broadcast %get3A_174 : vector<1x256xf32> to vector<256x256xf32>
    %add3A_177 = arith.addf %add3A_175, %add3A_176 : vector<256x256xf32>
    %add3A_178 = arith.addf %add3A_177, %dot_general3A_171 : vector<256x256xf32>
    %get3A_179 = arith.constant 0 : index
    %get3A_180 = arith.constant 2816 : index
    %get3A_181 = vector.load %arg2[%get3A_179, %get3A_180] : memref<256x8192xbf16, #tpu.memory_space<vmem>>, vector<256x256xbf16>
    %dot_general3A_182 = arith.constant dense<0.000000e+00> : vector<256x256xf32>
    %dot_general3A_183 = tpu.matmul %convert_element_type3A, %get3A_181, %dot_general3A_182 {dimension_numbers = #tpu.dot_dimension_numbers<[1], [0], [0], [1], [0, 0, 1, 1], [], []>, transpose_lhs_hint = false} : vector<256x256xbf16>, vector<256x256xbf16>, vector<256x256xf32> -> vector<256x256xf32>
    %get3A_184 = arith.constant 0 : index
    %get3A_185 = arith.constant 2816 : index
    %get3A_186 = vector.load %arg6[%get3A_184, %get3A_185] : memref<1x8192xf32, #tpu.memory_space<vmem>>, vector<1x256xf32>
    %add3A_187 = vector.broadcast %get3A_6 : vector<256x1xf32> to vector<256x256xf32>
    %add3A_188 = vector.broadcast %get3A_186 : vector<1x256xf32> to vector<256x256xf32>
    %add3A_189 = arith.addf %add3A_187, %add3A_188 : vector<256x256xf32>
    %add3A_190 = arith.addf %add3A_189, %dot_general3A_183 : vector<256x256xf32>
    %lt3A_191 = arith.cmpf olt, %add3A_190, %add3A_178 : vector<256x256xf32>
    %jit3A_192 = arith.constant 11 : i32
    %jit3A_193 = arith.constant 10 : i32
    %broadcast_in_dim3A_194 = vector.broadcast %jit3A_192 : i32 to vector<256x256xi32>
    %broadcast_in_dim3A_195 = vector.broadcast %jit3A_193 : i32 to vector<256x256xi32>
    %select_n3A_196 = arith.select %lt3A_191, %broadcast_in_dim3A_194, %broadcast_in_dim3A_195 : vector<256x256xi1>, vector<256x256xi32>
    %min3A_197 = arith.minimumf %add3A_178, %add3A_190 : vector<256x256xf32>
    %lt3A_198 = arith.cmpf olt, %min3A_197, %select_n3A_165 : vector<256x256xf32>
    %select_n3A_199 = arith.select %lt3A_198, %min3A_197, %select_n3A_165 : vector<256x256xi1>, vector<256x256xf32>
    %select_n3A_200 = arith.select %lt3A_198, %select_n3A_196, %select_n3A_166 : vector<256x256xi1>, vector<256x256xi32>
    %get3A_201 = arith.constant 0 : index
    %get3A_202 = arith.constant 3072 : index
    %get3A_203 = vector.load %arg2[%get3A_201, %get3A_202] : memref<256x8192xbf16, #tpu.memory_space<vmem>>, vector<256x256xbf16>
    %dot_general3A_204 = arith.constant dense<0.000000e+00> : vector<256x256xf32>
    %dot_general3A_205 = tpu.matmul %convert_element_type3A, %get3A_203, %dot_general3A_204 {dimension_numbers = #tpu.dot_dimension_numbers<[1], [0], [0], [1], [0, 0, 1, 1], [], []>, transpose_lhs_hint = false} : vector<256x256xbf16>, vector<256x256xbf16>, vector<256x256xf32> -> vector<256x256xf32>
    %get3A_206 = arith.constant 0 : index
    %get3A_207 = arith.constant 3072 : index
    %get3A_208 = vector.load %arg6[%get3A_206, %get3A_207] : memref<1x8192xf32, #tpu.memory_space<vmem>>, vector<1x256xf32>
    %add3A_209 = vector.broadcast %get3A_6 : vector<256x1xf32> to vector<256x256xf32>
    %add3A_210 = vector.broadcast %get3A_208 : vector<1x256xf32> to vector<256x256xf32>
    %add3A_211 = arith.addf %add3A_209, %add3A_210 : vector<256x256xf32>
    %add3A_212 = arith.addf %add3A_211, %dot_general3A_205 : vector<256x256xf32>
    %get3A_213 = arith.constant 0 : index
    %get3A_214 = arith.constant 3328 : index
    %get3A_215 = vector.load %arg2[%get3A_213, %get3A_214] : memref<256x8192xbf16, #tpu.memory_space<vmem>>, vector<256x256xbf16>
    %dot_general3A_216 = arith.constant dense<0.000000e+00> : vector<256x256xf32>
    %dot_general3A_217 = tpu.matmul %convert_element_type3A, %get3A_215, %dot_general3A_216 {dimension_numbers = #tpu.dot_dimension_numbers<[1], [0], [0], [1], [0, 0, 1, 1], [], []>, transpose_lhs_hint = false} : vector<256x256xbf16>, vector<256x256xbf16>, vector<256x256xf32> -> vector<256x256xf32>
    %get3A_218 = arith.constant 0 : index
    %get3A_219 = arith.constant 3328 : index
    %get3A_220 = vector.load %arg6[%get3A_218, %get3A_219] : memref<1x8192xf32, #tpu.memory_space<vmem>>, vector<1x256xf32>
    %add3A_221 = vector.broadcast %get3A_6 : vector<256x1xf32> to vector<256x256xf32>
    %add3A_222 = vector.broadcast %get3A_220 : vector<1x256xf32> to vector<256x256xf32>
    %add3A_223 = arith.addf %add3A_221, %add3A_222 : vector<256x256xf32>
    %add3A_224 = arith.addf %add3A_223, %dot_general3A_217 : vector<256x256xf32>
    %lt3A_225 = arith.cmpf olt, %add3A_224, %add3A_212 : vector<256x256xf32>
    %jit3A_226 = arith.constant 13 : i32
    %jit3A_227 = arith.constant 12 : i32
    %broadcast_in_dim3A_228 = vector.broadcast %jit3A_226 : i32 to vector<256x256xi32>
    %broadcast_in_dim3A_229 = vector.broadcast %jit3A_227 : i32 to vector<256x256xi32>
    %select_n3A_230 = arith.select %lt3A_225, %broadcast_in_dim3A_228, %broadcast_in_dim3A_229 : vector<256x256xi1>, vector<256x256xi32>
    %min3A_231 = arith.minimumf %add3A_212, %add3A_224 : vector<256x256xf32>
    %lt3A_232 = arith.cmpf olt, %min3A_231, %select_n3A_199 : vector<256x256xf32>
    %select_n3A_233 = arith.select %lt3A_232, %min3A_231, %select_n3A_199 : vector<256x256xi1>, vector<256x256xf32>
    %select_n3A_234 = arith.select %lt3A_232, %select_n3A_230, %select_n3A_200 : vector<256x256xi1>, vector<256x256xi32>
    %get3A_235 = arith.constant 0 : index
    %get3A_236 = arith.constant 3584 : index
    %get3A_237 = vector.load %arg2[%get3A_235, %get3A_236] : memref<256x8192xbf16, #tpu.memory_space<vmem>>, vector<256x256xbf16>
    %dot_general3A_238 = arith.constant dense<0.000000e+00> : vector<256x256xf32>
    %dot_general3A_239 = tpu.matmul %convert_element_type3A, %get3A_237, %dot_general3A_238 {dimension_numbers = #tpu.dot_dimension_numbers<[1], [0], [0], [1], [0, 0, 1, 1], [], []>, transpose_lhs_hint = false} : vector<256x256xbf16>, vector<256x256xbf16>, vector<256x256xf32> -> vector<256x256xf32>
    %get3A_240 = arith.constant 0 : index
    %get3A_241 = arith.constant 3584 : index
    %get3A_242 = vector.load %arg6[%get3A_240, %get3A_241] : memref<1x8192xf32, #tpu.memory_space<vmem>>, vector<1x256xf32>
    %add3A_243 = vector.broadcast %get3A_6 : vector<256x1xf32> to vector<256x256xf32>
    %add3A_244 = vector.broadcast %get3A_242 : vector<1x256xf32> to vector<256x256xf32>
    %add3A_245 = arith.addf %add3A_243, %add3A_244 : vector<256x256xf32>
    %add3A_246 = arith.addf %add3A_245, %dot_general3A_239 : vector<256x256xf32>
    %get3A_247 = arith.constant 0 : index
    %get3A_248 = arith.constant 3840 : index
    %get3A_249 = vector.load %arg2[%get3A_247, %get3A_248] : memref<256x8192xbf16, #tpu.memory_space<vmem>>, vector<256x256xbf16>
    %dot_general3A_250 = arith.constant dense<0.000000e+00> : vector<256x256xf32>
    %dot_general3A_251 = tpu.matmul %convert_element_type3A, %get3A_249, %dot_general3A_250 {dimension_numbers = #tpu.dot_dimension_numbers<[1], [0], [0], [1], [0, 0, 1, 1], [], []>, transpose_lhs_hint = false} : vector<256x256xbf16>, vector<256x256xbf16>, vector<256x256xf32> -> vector<256x256xf32>
    %get3A_252 = arith.constant 0 : index
    %get3A_253 = arith.constant 3840 : index
    %get3A_254 = vector.load %arg6[%get3A_252, %get3A_253] : memref<1x8192xf32, #tpu.memory_space<vmem>>, vector<1x256xf32>
    %add3A_255 = vector.broadcast %get3A_6 : vector<256x1xf32> to vector<256x256xf32>
    %add3A_256 = vector.broadcast %get3A_254 : vector<1x256xf32> to vector<256x256xf32>
    %add3A_257 = arith.addf %add3A_255, %add3A_256 : vector<256x256xf32>
    %add3A_258 = arith.addf %add3A_257, %dot_general3A_251 : vector<256x256xf32>
    %lt3A_259 = arith.cmpf olt, %add3A_258, %add3A_246 : vector<256x256xf32>
    %jit3A_260 = arith.constant 15 : i32
    %jit3A_261 = arith.constant 14 : i32
    %broadcast_in_dim3A_262 = vector.broadcast %jit3A_260 : i32 to vector<256x256xi32>
    %broadcast_in_dim3A_263 = vector.broadcast %jit3A_261 : i32 to vector<256x256xi32>
    %select_n3A_264 = arith.select %lt3A_259, %broadcast_in_dim3A_262, %broadcast_in_dim3A_263 : vector<256x256xi1>, vector<256x256xi32>
    %min3A_265 = arith.minimumf %add3A_246, %add3A_258 : vector<256x256xf32>
    %lt3A_266 = arith.cmpf olt, %min3A_265, %select_n3A_233 : vector<256x256xf32>
    %select_n3A_267 = arith.select %lt3A_266, %min3A_265, %select_n3A_233 : vector<256x256xi1>, vector<256x256xf32>
    %select_n3A_268 = arith.select %lt3A_266, %select_n3A_264, %select_n3A_234 : vector<256x256xi1>, vector<256x256xi32>
    %get3A_269 = arith.constant 0 : index
    %get3A_270 = arith.constant 4096 : index
    %get3A_271 = vector.load %arg2[%get3A_269, %get3A_270] : memref<256x8192xbf16, #tpu.memory_space<vmem>>, vector<256x256xbf16>
    %dot_general3A_272 = arith.constant dense<0.000000e+00> : vector<256x256xf32>
    %dot_general3A_273 = tpu.matmul %convert_element_type3A, %get3A_271, %dot_general3A_272 {dimension_numbers = #tpu.dot_dimension_numbers<[1], [0], [0], [1], [0, 0, 1, 1], [], []>, transpose_lhs_hint = false} : vector<256x256xbf16>, vector<256x256xbf16>, vector<256x256xf32> -> vector<256x256xf32>
    %get3A_274 = arith.constant 0 : index
    %get3A_275 = arith.constant 4096 : index
    %get3A_276 = vector.load %arg6[%get3A_274, %get3A_275] : memref<1x8192xf32, #tpu.memory_space<vmem>>, vector<1x256xf32>
    %add3A_277 = vector.broadcast %get3A_6 : vector<256x1xf32> to vector<256x256xf32>
    %add3A_278 = vector.broadcast %get3A_276 : vector<1x256xf32> to vector<256x256xf32>
    %add3A_279 = arith.addf %add3A_277, %add3A_278 : vector<256x256xf32>
    %add3A_280 = arith.addf %add3A_279, %dot_general3A_273 : vector<256x256xf32>
    %get3A_281 = arith.constant 0 : index
    %get3A_282 = arith.constant 4352 : index
    %get3A_283 = vector.load %arg2[%get3A_281, %get3A_282] : memref<256x8192xbf16, #tpu.memory_space<vmem>>, vector<256x256xbf16>
    %dot_general3A_284 = arith.constant dense<0.000000e+00> : vector<256x256xf32>
    %dot_general3A_285 = tpu.matmul %convert_element_type3A, %get3A_283, %dot_general3A_284 {dimension_numbers = #tpu.dot_dimension_numbers<[1], [0], [0], [1], [0, 0, 1, 1], [], []>, transpose_lhs_hint = false} : vector<256x256xbf16>, vector<256x256xbf16>, vector<256x256xf32> -> vector<256x256xf32>
    %get3A_286 = arith.constant 0 : index
    %get3A_287 = arith.constant 4352 : index
    %get3A_288 = vector.load %arg6[%get3A_286, %get3A_287] : memref<1x8192xf32, #tpu.memory_space<vmem>>, vector<1x256xf32>
    %add3A_289 = vector.broadcast %get3A_6 : vector<256x1xf32> to vector<256x256xf32>
    %add3A_290 = vector.broadcast %get3A_288 : vector<1x256xf32> to vector<256x256xf32>
    %add3A_291 = arith.addf %add3A_289, %add3A_290 : vector<256x256xf32>
    %add3A_292 = arith.addf %add3A_291, %dot_general3A_285 : vector<256x256xf32>
    %lt3A_293 = arith.cmpf olt, %add3A_292, %add3A_280 : vector<256x256xf32>
    %jit3A_294 = arith.constant 17 : i32
    %jit3A_295 = arith.constant 16 : i32
    %broadcast_in_dim3A_296 = vector.broadcast %jit3A_294 : i32 to vector<256x256xi32>
    %broadcast_in_dim3A_297 = vector.broadcast %jit3A_295 : i32 to vector<256x256xi32>
    %select_n3A_298 = arith.select %lt3A_293, %broadcast_in_dim3A_296, %broadcast_in_dim3A_297 : vector<256x256xi1>, vector<256x256xi32>
    %min3A_299 = arith.minimumf %add3A_280, %add3A_292 : vector<256x256xf32>
    %lt3A_300 = arith.cmpf olt, %min3A_299, %select_n3A_267 : vector<256x256xf32>
    %select_n3A_301 = arith.select %lt3A_300, %min3A_299, %select_n3A_267 : vector<256x256xi1>, vector<256x256xf32>
    %select_n3A_302 = arith.select %lt3A_300, %select_n3A_298, %select_n3A_268 : vector<256x256xi1>, vector<256x256xi32>
    %get3A_303 = arith.constant 0 : index
    %get3A_304 = arith.constant 4608 : index
    %get3A_305 = vector.load %arg2[%get3A_303, %get3A_304] : memref<256x8192xbf16, #tpu.memory_space<vmem>>, vector<256x256xbf16>
    %dot_general3A_306 = arith.constant dense<0.000000e+00> : vector<256x256xf32>
    %dot_general3A_307 = tpu.matmul %convert_element_type3A, %get3A_305, %dot_general3A_306 {dimension_numbers = #tpu.dot_dimension_numbers<[1], [0], [0], [1], [0, 0, 1, 1], [], []>, transpose_lhs_hint = false} : vector<256x256xbf16>, vector<256x256xbf16>, vector<256x256xf32> -> vector<256x256xf32>
    %get3A_308 = arith.constant 0 : index
    %get3A_309 = arith.constant 4608 : index
    %get3A_310 = vector.load %arg6[%get3A_308, %get3A_309] : memref<1x8192xf32, #tpu.memory_space<vmem>>, vector<1x256xf32>
    %add3A_311 = vector.broadcast %get3A_6 : vector<256x1xf32> to vector<256x256xf32>
    %add3A_312 = vector.broadcast %get3A_310 : vector<1x256xf32> to vector<256x256xf32>
    %add3A_313 = arith.addf %add3A_311, %add3A_312 : vector<256x256xf32>
    %add3A_314 = arith.addf %add3A_313, %dot_general3A_307 : vector<256x256xf32>
    %get3A_315 = arith.constant 0 : index
    %get3A_316 = arith.constant 4864 : index
    %get3A_317 = vector.load %arg2[%get3A_315, %get3A_316] : memref<256x8192xbf16, #tpu.memory_space<vmem>>, vector<256x256xbf16>
    %dot_general3A_318 = arith.constant dense<0.000000e+00> : vector<256x256xf32>
    %dot_general3A_319 = tpu.matmul %convert_element_type3A, %get3A_317, %dot_general3A_318 {dimension_numbers = #tpu.dot_dimension_numbers<[1], [0], [0], [1], [0, 0, 1, 1], [], []>, transpose_lhs_hint = false} : vector<256x256xbf16>, vector<256x256xbf16>, vector<256x256xf32> -> vector<256x256xf32>
    %get3A_320 = arith.constant 0 : index
    %get3A_321 = arith.constant 4864 : index
    %get3A_322 = vector.load %arg6[%get3A_320, %get3A_321] : memref<1x8192xf32, #tpu.memory_space<vmem>>, vector<1x256xf32>
    %add3A_323 = vector.broadcast %get3A_6 : vector<256x1xf32> to vector<256x256xf32>
    %add3A_324 = vector.broadcast %get3A_322 : vector<1x256xf32> to vector<256x256xf32>
    %add3A_325 = arith.addf %add3A_323, %add3A_324 : vector<256x256xf32>
    %add3A_326 = arith.addf %add3A_325, %dot_general3A_319 : vector<256x256xf32>
    %lt3A_327 = arith.cmpf olt, %add3A_326, %add3A_314 : vector<256x256xf32>
    %jit3A_328 = arith.constant 19 : i32
    %jit3A_329 = arith.constant 18 : i32
    %broadcast_in_dim3A_330 = vector.broadcast %jit3A_328 : i32 to vector<256x256xi32>
    %broadcast_in_dim3A_331 = vector.broadcast %jit3A_329 : i32 to vector<256x256xi32>
    %select_n3A_332 = arith.select %lt3A_327, %broadcast_in_dim3A_330, %broadcast_in_dim3A_331 : vector<256x256xi1>, vector<256x256xi32>
    %min3A_333 = arith.minimumf %add3A_314, %add3A_326 : vector<256x256xf32>
    %lt3A_334 = arith.cmpf olt, %min3A_333, %select_n3A_301 : vector<256x256xf32>
    %select_n3A_335 = arith.select %lt3A_334, %min3A_333, %select_n3A_301 : vector<256x256xi1>, vector<256x256xf32>
    %select_n3A_336 = arith.select %lt3A_334, %select_n3A_332, %select_n3A_302 : vector<256x256xi1>, vector<256x256xi32>
    %get3A_337 = arith.constant 0 : index
    %get3A_338 = arith.constant 5120 : index
    %get3A_339 = vector.load %arg2[%get3A_337, %get3A_338] : memref<256x8192xbf16, #tpu.memory_space<vmem>>, vector<256x256xbf16>
    %dot_general3A_340 = arith.constant dense<0.000000e+00> : vector<256x256xf32>
    %dot_general3A_341 = tpu.matmul %convert_element_type3A, %get3A_339, %dot_general3A_340 {dimension_numbers = #tpu.dot_dimension_numbers<[1], [0], [0], [1], [0, 0, 1, 1], [], []>, transpose_lhs_hint = false} : vector<256x256xbf16>, vector<256x256xbf16>, vector<256x256xf32> -> vector<256x256xf32>
    %get3A_342 = arith.constant 0 : index
    %get3A_343 = arith.constant 5120 : index
    %get3A_344 = vector.load %arg6[%get3A_342, %get3A_343] : memref<1x8192xf32, #tpu.memory_space<vmem>>, vector<1x256xf32>
    %add3A_345 = vector.broadcast %get3A_6 : vector<256x1xf32> to vector<256x256xf32>
    %add3A_346 = vector.broadcast %get3A_344 : vector<1x256xf32> to vector<256x256xf32>
    %add3A_347 = arith.addf %add3A_345, %add3A_346 : vector<256x256xf32>
    %add3A_348 = arith.addf %add3A_347, %dot_general3A_341 : vector<256x256xf32>
    %get3A_349 = arith.constant 0 : index
    %get3A_350 = arith.constant 5376 : index
    %get3A_351 = vector.load %arg2[%get3A_349, %get3A_350] : memref<256x8192xbf16, #tpu.memory_space<vmem>>, vector<256x256xbf16>
    %dot_general3A_352 = arith.constant dense<0.000000e+00> : vector<256x256xf32>
    %dot_general3A_353 = tpu.matmul %convert_element_type3A, %get3A_351, %dot_general3A_352 {dimension_numbers = #tpu.dot_dimension_numbers<[1], [0], [0], [1], [0, 0, 1, 1], [], []>, transpose_lhs_hint = false} : vector<256x256xbf16>, vector<256x256xbf16>, vector<256x256xf32> -> vector<256x256xf32>
    %get3A_354 = arith.constant 0 : index
    %get3A_355 = arith.constant 5376 : index
    %get3A_356 = vector.load %arg6[%get3A_354, %get3A_355] : memref<1x8192xf32, #tpu.memory_space<vmem>>, vector<1x256xf32>
    %add3A_357 = vector.broadcast %get3A_6 : vector<256x1xf32> to vector<256x256xf32>
    %add3A_358 = vector.broadcast %get3A_356 : vector<1x256xf32> to vector<256x256xf32>
    %add3A_359 = arith.addf %add3A_357, %add3A_358 : vector<256x256xf32>
    %add3A_360 = arith.addf %add3A_359, %dot_general3A_353 : vector<256x256xf32>
    %lt3A_361 = arith.cmpf olt, %add3A_360, %add3A_348 : vector<256x256xf32>
    %jit3A_362 = arith.constant 21 : i32
    %jit3A_363 = arith.constant 20 : i32
    %broadcast_in_dim3A_364 = vector.broadcast %jit3A_362 : i32 to vector<256x256xi32>
    %broadcast_in_dim3A_365 = vector.broadcast %jit3A_363 : i32 to vector<256x256xi32>
    %select_n3A_366 = arith.select %lt3A_361, %broadcast_in_dim3A_364, %broadcast_in_dim3A_365 : vector<256x256xi1>, vector<256x256xi32>
    %min3A_367 = arith.minimumf %add3A_348, %add3A_360 : vector<256x256xf32>
    %lt3A_368 = arith.cmpf olt, %min3A_367, %select_n3A_335 : vector<256x256xf32>
    %select_n3A_369 = arith.select %lt3A_368, %min3A_367, %select_n3A_335 : vector<256x256xi1>, vector<256x256xf32>
    %select_n3A_370 = arith.select %lt3A_368, %select_n3A_366, %select_n3A_336 : vector<256x256xi1>, vector<256x256xi32>
    %get3A_371 = arith.constant 0 : index
    %get3A_372 = arith.constant 5632 : index
    %get3A_373 = vector.load %arg2[%get3A_371, %get3A_372] : memref<256x8192xbf16, #tpu.memory_space<vmem>>, vector<256x256xbf16>
    %dot_general3A_374 = arith.constant dense<0.000000e+00> : vector<256x256xf32>
    %dot_general3A_375 = tpu.matmul %convert_element_type3A, %get3A_373, %dot_general3A_374 {dimension_numbers = #tpu.dot_dimension_numbers<[1], [0], [0], [1], [0, 0, 1, 1], [], []>, transpose_lhs_hint = false} : vector<256x256xbf16>, vector<256x256xbf16>, vector<256x256xf32> -> vector<256x256xf32>
    %get3A_376 = arith.constant 0 : index
    %get3A_377 = arith.constant 5632 : index
    %get3A_378 = vector.load %arg6[%get3A_376, %get3A_377] : memref<1x8192xf32, #tpu.memory_space<vmem>>, vector<1x256xf32>
    %add3A_379 = vector.broadcast %get3A_6 : vector<256x1xf32> to vector<256x256xf32>
    %add3A_380 = vector.broadcast %get3A_378 : vector<1x256xf32> to vector<256x256xf32>
    %add3A_381 = arith.addf %add3A_379, %add3A_380 : vector<256x256xf32>
    %add3A_382 = arith.addf %add3A_381, %dot_general3A_375 : vector<256x256xf32>
    %get3A_383 = arith.constant 0 : index
    %get3A_384 = arith.constant 5888 : index
    %get3A_385 = vector.load %arg2[%get3A_383, %get3A_384] : memref<256x8192xbf16, #tpu.memory_space<vmem>>, vector<256x256xbf16>
    %dot_general3A_386 = arith.constant dense<0.000000e+00> : vector<256x256xf32>
    %dot_general3A_387 = tpu.matmul %convert_element_type3A, %get3A_385, %dot_general3A_386 {dimension_numbers = #tpu.dot_dimension_numbers<[1], [0], [0], [1], [0, 0, 1, 1], [], []>, transpose_lhs_hint = false} : vector<256x256xbf16>, vector<256x256xbf16>, vector<256x256xf32> -> vector<256x256xf32>
    %get3A_388 = arith.constant 0 : index
    %get3A_389 = arith.constant 5888 : index
    %get3A_390 = vector.load %arg6[%get3A_388, %get3A_389] : memref<1x8192xf32, #tpu.memory_space<vmem>>, vector<1x256xf32>
    %add3A_391 = vector.broadcast %get3A_6 : vector<256x1xf32> to vector<256x256xf32>
    %add3A_392 = vector.broadcast %get3A_390 : vector<1x256xf32> to vector<256x256xf32>
    %add3A_393 = arith.addf %add3A_391, %add3A_392 : vector<256x256xf32>
    %add3A_394 = arith.addf %add3A_393, %dot_general3A_387 : vector<256x256xf32>
    %lt3A_395 = arith.cmpf olt, %add3A_394, %add3A_382 : vector<256x256xf32>
    %jit3A_396 = arith.constant 23 : i32
    %jit3A_397 = arith.constant 22 : i32
    %broadcast_in_dim3A_398 = vector.broadcast %jit3A_396 : i32 to vector<256x256xi32>
    %broadcast_in_dim3A_399 = vector.broadcast %jit3A_397 : i32 to vector<256x256xi32>
    %select_n3A_400 = arith.select %lt3A_395, %broadcast_in_dim3A_398, %broadcast_in_dim3A_399 : vector<256x256xi1>, vector<256x256xi32>
    %min3A_401 = arith.minimumf %add3A_382, %add3A_394 : vector<256x256xf32>
    %lt3A_402 = arith.cmpf olt, %min3A_401, %select_n3A_369 : vector<256x256xf32>
    %select_n3A_403 = arith.select %lt3A_402, %min3A_401, %select_n3A_369 : vector<256x256xi1>, vector<256x256xf32>
    %select_n3A_404 = arith.select %lt3A_402, %select_n3A_400, %select_n3A_370 : vector<256x256xi1>, vector<256x256xi32>
    %get3A_405 = arith.constant 0 : index
    %get3A_406 = arith.constant 6144 : index
    %get3A_407 = vector.load %arg2[%get3A_405, %get3A_406] : memref<256x8192xbf16, #tpu.memory_space<vmem>>, vector<256x256xbf16>
    %dot_general3A_408 = arith.constant dense<0.000000e+00> : vector<256x256xf32>
    %dot_general3A_409 = tpu.matmul %convert_element_type3A, %get3A_407, %dot_general3A_408 {dimension_numbers = #tpu.dot_dimension_numbers<[1], [0], [0], [1], [0, 0, 1, 1], [], []>, transpose_lhs_hint = false} : vector<256x256xbf16>, vector<256x256xbf16>, vector<256x256xf32> -> vector<256x256xf32>
    %get3A_410 = arith.constant 0 : index
    %get3A_411 = arith.constant 6144 : index
    %get3A_412 = vector.load %arg6[%get3A_410, %get3A_411] : memref<1x8192xf32, #tpu.memory_space<vmem>>, vector<1x256xf32>
    %add3A_413 = vector.broadcast %get3A_6 : vector<256x1xf32> to vector<256x256xf32>
    %add3A_414 = vector.broadcast %get3A_412 : vector<1x256xf32> to vector<256x256xf32>
    %add3A_415 = arith.addf %add3A_413, %add3A_414 : vector<256x256xf32>
    %add3A_416 = arith.addf %add3A_415, %dot_general3A_409 : vector<256x256xf32>
    %get3A_417 = arith.constant 0 : index
    %get3A_418 = arith.constant 6400 : index
    %get3A_419 = vector.load %arg2[%get3A_417, %get3A_418] : memref<256x8192xbf16, #tpu.memory_space<vmem>>, vector<256x256xbf16>
    %dot_general3A_420 = arith.constant dense<0.000000e+00> : vector<256x256xf32>
    %dot_general3A_421 = tpu.matmul %convert_element_type3A, %get3A_419, %dot_general3A_420 {dimension_numbers = #tpu.dot_dimension_numbers<[1], [0], [0], [1], [0, 0, 1, 1], [], []>, transpose_lhs_hint = false} : vector<256x256xbf16>, vector<256x256xbf16>, vector<256x256xf32> -> vector<256x256xf32>
    %get3A_422 = arith.constant 0 : index
    %get3A_423 = arith.constant 6400 : index
    %get3A_424 = vector.load %arg6[%get3A_422, %get3A_423] : memref<1x8192xf32, #tpu.memory_space<vmem>>, vector<1x256xf32>
    %add3A_425 = vector.broadcast %get3A_6 : vector<256x1xf32> to vector<256x256xf32>
    %add3A_426 = vector.broadcast %get3A_424 : vector<1x256xf32> to vector<256x256xf32>
    %add3A_427 = arith.addf %add3A_425, %add3A_426 : vector<256x256xf32>
    %add3A_428 = arith.addf %add3A_427, %dot_general3A_421 : vector<256x256xf32>
    %lt3A_429 = arith.cmpf olt, %add3A_428, %add3A_416 : vector<256x256xf32>
    %jit3A_430 = arith.constant 25 : i32
    %jit3A_431 = arith.constant 24 : i32
    %broadcast_in_dim3A_432 = vector.broadcast %jit3A_430 : i32 to vector<256x256xi32>
    %broadcast_in_dim3A_433 = vector.broadcast %jit3A_431 : i32 to vector<256x256xi32>
    %select_n3A_434 = arith.select %lt3A_429, %broadcast_in_dim3A_432, %broadcast_in_dim3A_433 : vector<256x256xi1>, vector<256x256xi32>
    %min3A_435 = arith.minimumf %add3A_416, %add3A_428 : vector<256x256xf32>
    %lt3A_436 = arith.cmpf olt, %min3A_435, %select_n3A_403 : vector<256x256xf32>
    %select_n3A_437 = arith.select %lt3A_436, %min3A_435, %select_n3A_403 : vector<256x256xi1>, vector<256x256xf32>
    %select_n3A_438 = arith.select %lt3A_436, %select_n3A_434, %select_n3A_404 : vector<256x256xi1>, vector<256x256xi32>
    %get3A_439 = arith.constant 0 : index
    %get3A_440 = arith.constant 6656 : index
    %get3A_441 = vector.load %arg2[%get3A_439, %get3A_440] : memref<256x8192xbf16, #tpu.memory_space<vmem>>, vector<256x256xbf16>
    %dot_general3A_442 = arith.constant dense<0.000000e+00> : vector<256x256xf32>
    %dot_general3A_443 = tpu.matmul %convert_element_type3A, %get3A_441, %dot_general3A_442 {dimension_numbers = #tpu.dot_dimension_numbers<[1], [0], [0], [1], [0, 0, 1, 1], [], []>, transpose_lhs_hint = false} : vector<256x256xbf16>, vector<256x256xbf16>, vector<256x256xf32> -> vector<256x256xf32>
    %get3A_444 = arith.constant 0 : index
    %get3A_445 = arith.constant 6656 : index
    %get3A_446 = vector.load %arg6[%get3A_444, %get3A_445] : memref<1x8192xf32, #tpu.memory_space<vmem>>, vector<1x256xf32>
    %add3A_447 = vector.broadcast %get3A_6 : vector<256x1xf32> to vector<256x256xf32>
    %add3A_448 = vector.broadcast %get3A_446 : vector<1x256xf32> to vector<256x256xf32>
    %add3A_449 = arith.addf %add3A_447, %add3A_448 : vector<256x256xf32>
    %add3A_450 = arith.addf %add3A_449, %dot_general3A_443 : vector<256x256xf32>
    %get3A_451 = arith.constant 0 : index
    %get3A_452 = arith.constant 6912 : index
    %get3A_453 = vector.load %arg2[%get3A_451, %get3A_452] : memref<256x8192xbf16, #tpu.memory_space<vmem>>, vector<256x256xbf16>
    %dot_general3A_454 = arith.constant dense<0.000000e+00> : vector<256x256xf32>
    %dot_general3A_455 = tpu.matmul %convert_element_type3A, %get3A_453, %dot_general3A_454 {dimension_numbers = #tpu.dot_dimension_numbers<[1], [0], [0], [1], [0, 0, 1, 1], [], []>, transpose_lhs_hint = false} : vector<256x256xbf16>, vector<256x256xbf16>, vector<256x256xf32> -> vector<256x256xf32>
    %get3A_456 = arith.constant 0 : index
    %get3A_457 = arith.constant 6912 : index
    %get3A_458 = vector.load %arg6[%get3A_456, %get3A_457] : memref<1x8192xf32, #tpu.memory_space<vmem>>, vector<1x256xf32>
    %add3A_459 = vector.broadcast %get3A_6 : vector<256x1xf32> to vector<256x256xf32>
    %add3A_460 = vector.broadcast %get3A_458 : vector<1x256xf32> to vector<256x256xf32>
    %add3A_461 = arith.addf %add3A_459, %add3A_460 : vector<256x256xf32>
    %add3A_462 = arith.addf %add3A_461, %dot_general3A_455 : vector<256x256xf32>
    %lt3A_463 = arith.cmpf olt, %add3A_462, %add3A_450 : vector<256x256xf32>
    %jit3A_464 = arith.constant 27 : i32
    %jit3A_465 = arith.constant 26 : i32
    %broadcast_in_dim3A_466 = vector.broadcast %jit3A_464 : i32 to vector<256x256xi32>
    %broadcast_in_dim3A_467 = vector.broadcast %jit3A_465 : i32 to vector<256x256xi32>
    %select_n3A_468 = arith.select %lt3A_463, %broadcast_in_dim3A_466, %broadcast_in_dim3A_467 : vector<256x256xi1>, vector<256x256xi32>
    %min3A_469 = arith.minimumf %add3A_450, %add3A_462 : vector<256x256xf32>
    %lt3A_470 = arith.cmpf olt, %min3A_469, %select_n3A_437 : vector<256x256xf32>
    %select_n3A_471 = arith.select %lt3A_470, %min3A_469, %select_n3A_437 : vector<256x256xi1>, vector<256x256xf32>
    %select_n3A_472 = arith.select %lt3A_470, %select_n3A_468, %select_n3A_438 : vector<256x256xi1>, vector<256x256xi32>
    %get3A_473 = arith.constant 0 : index
    %get3A_474 = arith.constant 7168 : index
    %get3A_475 = vector.load %arg2[%get3A_473, %get3A_474] : memref<256x8192xbf16, #tpu.memory_space<vmem>>, vector<256x256xbf16>
    %dot_general3A_476 = arith.constant dense<0.000000e+00> : vector<256x256xf32>
    %dot_general3A_477 = tpu.matmul %convert_element_type3A, %get3A_475, %dot_general3A_476 {dimension_numbers = #tpu.dot_dimension_numbers<[1], [0], [0], [1], [0, 0, 1, 1], [], []>, transpose_lhs_hint = false} : vector<256x256xbf16>, vector<256x256xbf16>, vector<256x256xf32> -> vector<256x256xf32>
    %get3A_478 = arith.constant 0 : index
    %get3A_479 = arith.constant 7168 : index
    %get3A_480 = vector.load %arg6[%get3A_478, %get3A_479] : memref<1x8192xf32, #tpu.memory_space<vmem>>, vector<1x256xf32>
    %add3A_481 = vector.broadcast %get3A_6 : vector<256x1xf32> to vector<256x256xf32>
    %add3A_482 = vector.broadcast %get3A_480 : vector<1x256xf32> to vector<256x256xf32>
    %add3A_483 = arith.addf %add3A_481, %add3A_482 : vector<256x256xf32>
    %add3A_484 = arith.addf %add3A_483, %dot_general3A_477 : vector<256x256xf32>
    %get3A_485 = arith.constant 0 : index
    %get3A_486 = arith.constant 7424 : index
    %get3A_487 = vector.load %arg2[%get3A_485, %get3A_486] : memref<256x8192xbf16, #tpu.memory_space<vmem>>, vector<256x256xbf16>
    %dot_general3A_488 = arith.constant dense<0.000000e+00> : vector<256x256xf32>
    %dot_general3A_489 = tpu.matmul %convert_element_type3A, %get3A_487, %dot_general3A_488 {dimension_numbers = #tpu.dot_dimension_numbers<[1], [0], [0], [1], [0, 0, 1, 1], [], []>, transpose_lhs_hint = false} : vector<256x256xbf16>, vector<256x256xbf16>, vector<256x256xf32> -> vector<256x256xf32>
    %get3A_490 = arith.constant 0 : index
    %get3A_491 = arith.constant 7424 : index
    %get3A_492 = vector.load %arg6[%get3A_490, %get3A_491] : memref<1x8192xf32, #tpu.memory_space<vmem>>, vector<1x256xf32>
    %add3A_493 = vector.broadcast %get3A_6 : vector<256x1xf32> to vector<256x256xf32>
    %add3A_494 = vector.broadcast %get3A_492 : vector<1x256xf32> to vector<256x256xf32>
    %add3A_495 = arith.addf %add3A_493, %add3A_494 : vector<256x256xf32>
    %add3A_496 = arith.addf %add3A_495, %dot_general3A_489 : vector<256x256xf32>
    %lt3A_497 = arith.cmpf olt, %add3A_496, %add3A_484 : vector<256x256xf32>
    %jit3A_498 = arith.constant 29 : i32
    %jit3A_499 = arith.constant 28 : i32
    %broadcast_in_dim3A_500 = vector.broadcast %jit3A_498 : i32 to vector<256x256xi32>
    %broadcast_in_dim3A_501 = vector.broadcast %jit3A_499 : i32 to vector<256x256xi32>
    %select_n3A_502 = arith.select %lt3A_497, %broadcast_in_dim3A_500, %broadcast_in_dim3A_501 : vector<256x256xi1>, vector<256x256xi32>
    %min3A_503 = arith.minimumf %add3A_484, %add3A_496 : vector<256x256xf32>
    %lt3A_504 = arith.cmpf olt, %min3A_503, %select_n3A_471 : vector<256x256xf32>
    %select_n3A_505 = arith.select %lt3A_504, %min3A_503, %select_n3A_471 : vector<256x256xi1>, vector<256x256xf32>
    %select_n3A_506 = arith.select %lt3A_504, %select_n3A_502, %select_n3A_472 : vector<256x256xi1>, vector<256x256xi32>
    %get3A_507 = arith.constant 0 : index
    %get3A_508 = arith.constant 7680 : index
    %get3A_509 = vector.load %arg2[%get3A_507, %get3A_508] : memref<256x8192xbf16, #tpu.memory_space<vmem>>, vector<256x256xbf16>
    %dot_general3A_510 = arith.constant dense<0.000000e+00> : vector<256x256xf32>
    %dot_general3A_511 = tpu.matmul %convert_element_type3A, %get3A_509, %dot_general3A_510 {dimension_numbers = #tpu.dot_dimension_numbers<[1], [0], [0], [1], [0, 0, 1, 1], [], []>, transpose_lhs_hint = false} : vector<256x256xbf16>, vector<256x256xbf16>, vector<256x256xf32> -> vector<256x256xf32>
    %get3A_512 = arith.constant 0 : index
    %get3A_513 = arith.constant 7680 : index
    %get3A_514 = vector.load %arg6[%get3A_512, %get3A_513] : memref<1x8192xf32, #tpu.memory_space<vmem>>, vector<1x256xf32>
    %add3A_515 = vector.broadcast %get3A_6 : vector<256x1xf32> to vector<256x256xf32>
    %add3A_516 = vector.broadcast %get3A_514 : vector<1x256xf32> to vector<256x256xf32>
    %add3A_517 = arith.addf %add3A_515, %add3A_516 : vector<256x256xf32>
    %add3A_518 = arith.addf %add3A_517, %dot_general3A_511 : vector<256x256xf32>
    %get3A_519 = arith.constant 0 : index
    %get3A_520 = arith.constant 7936 : index
    %get3A_521 = vector.load %arg2[%get3A_519, %get3A_520] : memref<256x8192xbf16, #tpu.memory_space<vmem>>, vector<256x256xbf16>
    %dot_general3A_522 = arith.constant dense<0.000000e+00> : vector<256x256xf32>
    %dot_general3A_523 = tpu.matmul %convert_element_type3A, %get3A_521, %dot_general3A_522 {dimension_numbers = #tpu.dot_dimension_numbers<[1], [0], [0], [1], [0, 0, 1, 1], [], []>, transpose_lhs_hint = false} : vector<256x256xbf16>, vector<256x256xbf16>, vector<256x256xf32> -> vector<256x256xf32>
    %get3A_524 = arith.constant 0 : index
    %get3A_525 = arith.constant 7936 : index
    %get3A_526 = vector.load %arg6[%get3A_524, %get3A_525] : memref<1x8192xf32, #tpu.memory_space<vmem>>, vector<1x256xf32>
    %add3A_527 = vector.broadcast %get3A_6 : vector<256x1xf32> to vector<256x256xf32>
    %add3A_528 = vector.broadcast %get3A_526 : vector<1x256xf32> to vector<256x256xf32>
    %add3A_529 = arith.addf %add3A_527, %add3A_528 : vector<256x256xf32>
    %add3A_530 = arith.addf %add3A_529, %dot_general3A_523 : vector<256x256xf32>
    %lt3A_531 = arith.cmpf olt, %add3A_530, %add3A_518 : vector<256x256xf32>
    %jit3A_532 = arith.constant 31 : i32
    %jit3A_533 = arith.constant 30 : i32
    %broadcast_in_dim3A_534 = vector.broadcast %jit3A_532 : i32 to vector<256x256xi32>
    %broadcast_in_dim3A_535 = vector.broadcast %jit3A_533 : i32 to vector<256x256xi32>
    %select_n3A_536 = arith.select %lt3A_531, %broadcast_in_dim3A_534, %broadcast_in_dim3A_535 : vector<256x256xi1>, vector<256x256xi32>
    %min3A_537 = arith.minimumf %add3A_518, %add3A_530 : vector<256x256xf32>
    %lt3A_538 = arith.cmpf olt, %min3A_537, %select_n3A_505 : vector<256x256xf32>
    %select_n3A_539 = arith.select %lt3A_538, %min3A_537, %select_n3A_505 : vector<256x256xi1>, vector<256x256xf32>
    %select_n3A_540 = arith.select %lt3A_538, %select_n3A_536, %select_n3A_506 : vector<256x256xi1>, vector<256x256xi32>
    %reduce_min3A = arith.constant dense<0x7F800000> : vector<256xf32>
    %reduce_min3A_541 = vector.multi_reduction <minimumf>, %select_n3A_539, %reduce_min3A [1] : vector<256x256xf32> to vector<256xf32>
    %broadcast_in_dim3A_542 = vector.shape_cast %reduce_min3A_541 : vector<256xf32> to vector<256x1xf32>
    %iota3A = tpu.iota {dimensions = array<i32: 1>} : vector<256x256xi32>
    %mul3A_543 = arith.constant 256 : i32
    %mul3A_544 = vector.broadcast %mul3A_543 : i32 to vector<256x256xi32>
    %mul3A_545 = arith.muli %select_n3A_540, %mul3A_544 : vector<256x256xi32>
    %add3A_546 = arith.addi %mul3A_545, %iota3A : vector<256x256xi32>
    %eq3A = vector.broadcast %broadcast_in_dim3A_542 : vector<256x1xf32> to vector<256x256xf32>
    %eq3A_547 = arith.cmpf oeq, %select_n3A_539, %eq3A : vector<256x256xf32>
    %jit3A_548 = arith.constant 1073741824 : i32
    %broadcast_in_dim3A_549 = vector.broadcast %jit3A_548 : i32 to vector<256x256xi32>
    %select_n3A_550 = arith.select %eq3A_547, %add3A_546, %broadcast_in_dim3A_549 : vector<256x256xi1>, vector<256x256xi32>
    %reduce_min3A_551 = arith.constant dense<2147483647> : vector<256xi32>
    %reduce_min3A_552 = vector.multi_reduction <minsi>, %select_n3A_550, %reduce_min3A_551 [1] : vector<256x256xi32> to vector<256xi32>
    %broadcast_in_dim3A_553 = vector.shape_cast %reduce_min3A_552 : vector<256xi32> to vector<256x1xi32>
    %swap3A = arith.constant 0 : index
    %swap3A_554 = arith.constant 0 : index
    %swap3A_555 = vector.load %arg9[%swap3A, %swap3A_554] : memref<256x1xi32, #tpu.memory_space<vmem>>, vector<256x1xi32>
    tpu.vector_store %arg9[%swap3A, %swap3A_554], %broadcast_in_dim3A_553 {strides = array<i32>} : memref<256x1xi32, #tpu.memory_space<vmem>>, vector<256x1xi32>,
    %get3A_556 = arith.constant 0 : index
    %get3A_557 = arith.constant 0 : index
    %get3A_558 = vector.load %arg3[%get3A_556, %get3A_557] : memref<256x4096xbf16, #tpu.memory_space<vmem>>, vector<256x256xbf16>
    %dot_general3A_559 = arith.constant dense<0.000000e+00> : vector<256x256xf32>
    %dot_general3A_560 = tpu.matmul %convert_element_type3A, %get3A_558, %dot_general3A_559 {dimension_numbers = #tpu.dot_dimension_numbers<[1], [0], [0], [1], [0, 0, 1, 1], [], []>, transpose_lhs_hint = false} : vector<256x256xbf16>, vector<256x256xbf16>, vector<256x256xf32> -> vector<256x256xf32>
    %get3A_561 = arith.constant 0 : index
    %get3A_562 = arith.constant 0 : index
    %get3A_563 = vector.load %arg7[%get3A_561, %get3A_562] : memref<1x4096xf32, #tpu.memory_space<vmem>>, vector<1x256xf32>
    %add3A_564 = vector.broadcast %get3A_6 : vector<256x1xf32> to vector<256x256xf32>
    %add3A_565 = vector.broadcast %get3A_563 : vector<1x256xf32> to vector<256x256xf32>
    %add3A_566 = arith.addf %add3A_564, %add3A_565 : vector<256x256xf32>
    %add3A_567 = arith.addf %add3A_566, %dot_general3A_560 : vector<256x256xf32>
    %get3A_568 = arith.constant 0 : index
    %get3A_569 = arith.constant 256 : index
    %get3A_570 = vector.load %arg3[%get3A_568, %get3A_569] : memref<256x4096xbf16, #tpu.memory_space<vmem>>, vector<256x256xbf16>
    %dot_general3A_571 = arith.constant dense<0.000000e+00> : vector<256x256xf32>
    %dot_general3A_572 = tpu.matmul %convert_element_type3A, %get3A_570, %dot_general3A_571 {dimension_numbers = #tpu.dot_dimension_numbers<[1], [0], [0], [1], [0, 0, 1, 1], [], []>, transpose_lhs_hint = false} : vector<256x256xbf16>, vector<256x256xbf16>, vector<256x256xf32> -> vector<256x256xf32>
    %get3A_573 = arith.constant 0 : index
    %get3A_574 = arith.constant 256 : index
    %get3A_575 = vector.load %arg7[%get3A_573, %get3A_574] : memref<1x4096xf32, #tpu.memory_space<vmem>>, vector<1x256xf32>
    %add3A_576 = vector.broadcast %get3A_6 : vector<256x1xf32> to vector<256x256xf32>
    %add3A_577 = vector.broadcast %get3A_575 : vector<1x256xf32> to vector<256x256xf32>
    %add3A_578 = arith.addf %add3A_576, %add3A_577 : vector<256x256xf32>
    %add3A_579 = arith.addf %add3A_578, %dot_general3A_572 : vector<256x256xf32>
    %lt3A_580 = arith.cmpf olt, %add3A_579, %add3A_567 : vector<256x256xf32>
    %jit3A_581 = arith.constant 1 : i32
    %jit3A_582 = arith.constant 0 : i32
    %broadcast_in_dim3A_583 = vector.broadcast %jit3A_581 : i32 to vector<256x256xi32>
    %broadcast_in_dim3A_584 = vector.broadcast %jit3A_582 : i32 to vector<256x256xi32>
    %select_n3A_585 = arith.select %lt3A_580, %broadcast_in_dim3A_583, %broadcast_in_dim3A_584 : vector<256x256xi1>, vector<256x256xi32>
    %min3A_586 = arith.minimumf %add3A_567, %add3A_579 : vector<256x256xf32>
    %get3A_587 = arith.constant 0 : index
    %get3A_588 = arith.constant 512 : index
    %get3A_589 = vector.load %arg3[%get3A_587, %get3A_588] : memref<256x4096xbf16, #tpu.memory_space<vmem>>, vector<256x256xbf16>
    %dot_general3A_590 = arith.constant dense<0.000000e+00> : vector<256x256xf32>
    %dot_general3A_591 = tpu.matmul %convert_element_type3A, %get3A_589, %dot_general3A_590 {dimension_numbers = #tpu.dot_dimension_numbers<[1], [0], [0], [1], [0, 0, 1, 1], [], []>, transpose_lhs_hint = false} : vector<256x256xbf16>, vector<256x256xbf16>, vector<256x256xf32> -> vector<256x256xf32>
    %get3A_592 = arith.constant 0 : index
    %get3A_593 = arith.constant 512 : index
    %get3A_594 = vector.load %arg7[%get3A_592, %get3A_593] : memref<1x4096xf32, #tpu.memory_space<vmem>>, vector<1x256xf32>
    %add3A_595 = vector.broadcast %get3A_6 : vector<256x1xf32> to vector<256x256xf32>
    %add3A_596 = vector.broadcast %get3A_594 : vector<1x256xf32> to vector<256x256xf32>
    %add3A_597 = arith.addf %add3A_595, %add3A_596 : vector<256x256xf32>
    %add3A_598 = arith.addf %add3A_597, %dot_general3A_591 : vector<256x256xf32>
    %get3A_599 = arith.constant 0 : index
    %get3A_600 = arith.constant 768 : index
    %get3A_601 = vector.load %arg3[%get3A_599, %get3A_600] : memref<256x4096xbf16, #tpu.memory_space<vmem>>, vector<256x256xbf16>
    %dot_general3A_602 = arith.constant dense<0.000000e+00> : vector<256x256xf32>
    %dot_general3A_603 = tpu.matmul %convert_element_type3A, %get3A_601, %dot_general3A_602 {dimension_numbers = #tpu.dot_dimension_numbers<[1], [0], [0], [1], [0, 0, 1, 1], [], []>, transpose_lhs_hint = false} : vector<256x256xbf16>, vector<256x256xbf16>, vector<256x256xf32> -> vector<256x256xf32>
    %get3A_604 = arith.constant 0 : index
    %get3A_605 = arith.constant 768 : index
    %get3A_606 = vector.load %arg7[%get3A_604, %get3A_605] : memref<1x4096xf32, #tpu.memory_space<vmem>>, vector<1x256xf32>
    %add3A_607 = vector.broadcast %get3A_6 : vector<256x1xf32> to vector<256x256xf32>
    %add3A_608 = vector.broadcast %get3A_606 : vector<1x256xf32> to vector<256x256xf32>
    %add3A_609 = arith.addf %add3A_607, %add3A_608 : vector<256x256xf32>
    %add3A_610 = arith.addf %add3A_609, %dot_general3A_603 : vector<256x256xf32>
    %lt3A_611 = arith.cmpf olt, %add3A_610, %add3A_598 : vector<256x256xf32>
    %jit3A_612 = arith.constant 3 : i32
    %jit3A_613 = arith.constant 2 : i32
    %broadcast_in_dim3A_614 = vector.broadcast %jit3A_612 : i32 to vector<256x256xi32>
    %broadcast_in_dim3A_615 = vector.broadcast %jit3A_613 : i32 to vector<256x256xi32>
    %select_n3A_616 = arith.select %lt3A_611, %broadcast_in_dim3A_614, %broadcast_in_dim3A_615 : vector<256x256xi1>, vector<256x256xi32>
    %min3A_617 = arith.minimumf %add3A_598, %add3A_610 : vector<256x256xf32>
    %lt3A_618 = arith.cmpf olt, %min3A_617, %min3A_586 : vector<256x256xf32>
    %select_n3A_619 = arith.select %lt3A_618, %min3A_617, %min3A_586 : vector<256x256xi1>, vector<256x256xf32>
    %select_n3A_620 = arith.select %lt3A_618, %select_n3A_616, %select_n3A_585 : vector<256x256xi1>, vector<256x256xi32>
    %get3A_621 = arith.constant 0 : index
    %get3A_622 = arith.constant 1024 : index
    %get3A_623 = vector.load %arg3[%get3A_621, %get3A_622] : memref<256x4096xbf16, #tpu.memory_space<vmem>>, vector<256x256xbf16>
    %dot_general3A_624 = arith.constant dense<0.000000e+00> : vector<256x256xf32>
    %dot_general3A_625 = tpu.matmul %convert_element_type3A, %get3A_623, %dot_general3A_624 {dimension_numbers = #tpu.dot_dimension_numbers<[1], [0], [0], [1], [0, 0, 1, 1], [], []>, transpose_lhs_hint = false} : vector<256x256xbf16>, vector<256x256xbf16>, vector<256x256xf32> -> vector<256x256xf32>
    %get3A_626 = arith.constant 0 : index
    %get3A_627 = arith.constant 1024 : index
    %get3A_628 = vector.load %arg7[%get3A_626, %get3A_627] : memref<1x4096xf32, #tpu.memory_space<vmem>>, vector<1x256xf32>
    %add3A_629 = vector.broadcast %get3A_6 : vector<256x1xf32> to vector<256x256xf32>
    %add3A_630 = vector.broadcast %get3A_628 : vector<1x256xf32> to vector<256x256xf32>
    %add3A_631 = arith.addf %add3A_629, %add3A_630 : vector<256x256xf32>
    %add3A_632 = arith.addf %add3A_631, %dot_general3A_625 : vector<256x256xf32>
    %get3A_633 = arith.constant 0 : index
    %get3A_634 = arith.constant 1280 : index
    %get3A_635 = vector.load %arg3[%get3A_633, %get3A_634] : memref<256x4096xbf16, #tpu.memory_space<vmem>>, vector<256x256xbf16>
    %dot_general3A_636 = arith.constant dense<0.000000e+00> : vector<256x256xf32>
    %dot_general3A_637 = tpu.matmul %convert_element_type3A, %get3A_635, %dot_general3A_636 {dimension_numbers = #tpu.dot_dimension_numbers<[1], [0], [0], [1], [0, 0, 1, 1], [], []>, transpose_lhs_hint = false} : vector<256x256xbf16>, vector<256x256xbf16>, vector<256x256xf32> -> vector<256x256xf32>
    %get3A_638 = arith.constant 0 : index
    %get3A_639 = arith.constant 1280 : index
    %get3A_640 = vector.load %arg7[%get3A_638, %get3A_639] : memref<1x4096xf32, #tpu.memory_space<vmem>>, vector<1x256xf32>
    %add3A_641 = vector.broadcast %get3A_6 : vector<256x1xf32> to vector<256x256xf32>
    %add3A_642 = vector.broadcast %get3A_640 : vector<1x256xf32> to vector<256x256xf32>
    %add3A_643 = arith.addf %add3A_641, %add3A_642 : vector<256x256xf32>
    %add3A_644 = arith.addf %add3A_643, %dot_general3A_637 : vector<256x256xf32>
    %lt3A_645 = arith.cmpf olt, %add3A_644, %add3A_632 : vector<256x256xf32>
    %jit3A_646 = arith.constant 5 : i32
    %jit3A_647 = arith.constant 4 : i32
    %broadcast_in_dim3A_648 = vector.broadcast %jit3A_646 : i32 to vector<256x256xi32>
    %broadcast_in_dim3A_649 = vector.broadcast %jit3A_647 : i32 to vector<256x256xi32>
    %select_n3A_650 = arith.select %lt3A_645, %broadcast_in_dim3A_648, %broadcast_in_dim3A_649 : vector<256x256xi1>, vector<256x256xi32>
    %min3A_651 = arith.minimumf %add3A_632, %add3A_644 : vector<256x256xf32>
    %lt3A_652 = arith.cmpf olt, %min3A_651, %select_n3A_619 : vector<256x256xf32>
    %select_n3A_653 = arith.select %lt3A_652, %min3A_651, %select_n3A_619 : vector<256x256xi1>, vector<256x256xf32>
    %select_n3A_654 = arith.select %lt3A_652, %select_n3A_650, %select_n3A_620 : vector<256x256xi1>, vector<256x256xi32>
    %get3A_655 = arith.constant 0 : index
    %get3A_656 = arith.constant 1536 : index
    %get3A_657 = vector.load %arg3[%get3A_655, %get3A_656] : memref<256x4096xbf16, #tpu.memory_space<vmem>>, vector<256x256xbf16>
    %dot_general3A_658 = arith.constant dense<0.000000e+00> : vector<256x256xf32>
    %dot_general3A_659 = tpu.matmul %convert_element_type3A, %get3A_657, %dot_general3A_658 {dimension_numbers = #tpu.dot_dimension_numbers<[1], [0], [0], [1], [0, 0, 1, 1], [], []>, transpose_lhs_hint = false} : vector<256x256xbf16>, vector<256x256xbf16>, vector<256x256xf32> -> vector<256x256xf32>
    %get3A_660 = arith.constant 0 : index
    %get3A_661 = arith.constant 1536 : index
    %get3A_662 = vector.load %arg7[%get3A_660, %get3A_661] : memref<1x4096xf32, #tpu.memory_space<vmem>>, vector<1x256xf32>
    %add3A_663 = vector.broadcast %get3A_6 : vector<256x1xf32> to vector<256x256xf32>
    %add3A_664 = vector.broadcast %get3A_662 : vector<1x256xf32> to vector<256x256xf32>
    %add3A_665 = arith.addf %add3A_663, %add3A_664 : vector<256x256xf32>
    %add3A_666 = arith.addf %add3A_665, %dot_general3A_659 : vector<256x256xf32>
    %get3A_667 = arith.constant 0 : index
    %get3A_668 = arith.constant 1792 : index
    %get3A_669 = vector.load %arg3[%get3A_667, %get3A_668] : memref<256x4096xbf16, #tpu.memory_space<vmem>>, vector<256x256xbf16>
    %dot_general3A_670 = arith.constant dense<0.000000e+00> : vector<256x256xf32>
    %dot_general3A_671 = tpu.matmul %convert_element_type3A, %get3A_669, %dot_general3A_670 {dimension_numbers = #tpu.dot_dimension_numbers<[1], [0], [0], [1], [0, 0, 1, 1], [], []>, transpose_lhs_hint = false} : vector<256x256xbf16>, vector<256x256xbf16>, vector<256x256xf32> -> vector<256x256xf32>
    %get3A_672 = arith.constant 0 : index
    %get3A_673 = arith.constant 1792 : index
    %get3A_674 = vector.load %arg7[%get3A_672, %get3A_673] : memref<1x4096xf32, #tpu.memory_space<vmem>>, vector<1x256xf32>
    %add3A_675 = vector.broadcast %get3A_6 : vector<256x1xf32> to vector<256x256xf32>
    %add3A_676 = vector.broadcast %get3A_674 : vector<1x256xf32> to vector<256x256xf32>
    %add3A_677 = arith.addf %add3A_675, %add3A_676 : vector<256x256xf32>
    %add3A_678 = arith.addf %add3A_677, %dot_general3A_671 : vector<256x256xf32>
    %lt3A_679 = arith.cmpf olt, %add3A_678, %add3A_666 : vector<256x256xf32>
    %jit3A_680 = arith.constant 7 : i32
    %jit3A_681 = arith.constant 6 : i32
    %broadcast_in_dim3A_682 = vector.broadcast %jit3A_680 : i32 to vector<256x256xi32>
    %broadcast_in_dim3A_683 = vector.broadcast %jit3A_681 : i32 to vector<256x256xi32>
    %select_n3A_684 = arith.select %lt3A_679, %broadcast_in_dim3A_682, %broadcast_in_dim3A_683 : vector<256x256xi1>, vector<256x256xi32>
    %min3A_685 = arith.minimumf %add3A_666, %add3A_678 : vector<256x256xf32>
    %lt3A_686 = arith.cmpf olt, %min3A_685, %select_n3A_653 : vector<256x256xf32>
    %select_n3A_687 = arith.select %lt3A_686, %min3A_685, %select_n3A_653 : vector<256x256xi1>, vector<256x256xf32>
    %select_n3A_688 = arith.select %lt3A_686, %select_n3A_684, %select_n3A_654 : vector<256x256xi1>, vector<256x256xi32>
    %get3A_689 = arith.constant 0 : index
    %get3A_690 = arith.constant 2048 : index
    %get3A_691 = vector.load %arg3[%get3A_689, %get3A_690] : memref<256x4096xbf16, #tpu.memory_space<vmem>>, vector<256x256xbf16>
    %dot_general3A_692 = arith.constant dense<0.000000e+00> : vector<256x256xf32>
    %dot_general3A_693 = tpu.matmul %convert_element_type3A, %get3A_691, %dot_general3A_692 {dimension_numbers = #tpu.dot_dimension_numbers<[1], [0], [0], [1], [0, 0, 1, 1], [], []>, transpose_lhs_hint = false} : vector<256x256xbf16>, vector<256x256xbf16>, vector<256x256xf32> -> vector<256x256xf32>
    %get3A_694 = arith.constant 0 : index
    %get3A_695 = arith.constant 2048 : index
    %get3A_696 = vector.load %arg7[%get3A_694, %get3A_695] : memref<1x4096xf32, #tpu.memory_space<vmem>>, vector<1x256xf32>
    %add3A_697 = vector.broadcast %get3A_6 : vector<256x1xf32> to vector<256x256xf32>
    %add3A_698 = vector.broadcast %get3A_696 : vector<1x256xf32> to vector<256x256xf32>
    %add3A_699 = arith.addf %add3A_697, %add3A_698 : vector<256x256xf32>
    %add3A_700 = arith.addf %add3A_699, %dot_general3A_693 : vector<256x256xf32>
    %get3A_701 = arith.constant 0 : index
    %get3A_702 = arith.constant 2304 : index
    %get3A_703 = vector.load %arg3[%get3A_701, %get3A_702] : memref<256x4096xbf16, #tpu.memory_space<vmem>>, vector<256x256xbf16>
    %dot_general3A_704 = arith.constant dense<0.000000e+00> : vector<256x256xf32>
    %dot_general3A_705 = tpu.matmul %convert_element_type3A, %get3A_703, %dot_general3A_704 {dimension_numbers = #tpu.dot_dimension_numbers<[1], [0], [0], [1], [0, 0, 1, 1], [], []>, transpose_lhs_hint = false} : vector<256x256xbf16>, vector<256x256xbf16>, vector<256x256xf32> -> vector<256x256xf32>
    %get3A_706 = arith.constant 0 : index
    %get3A_707 = arith.constant 2304 : index
    %get3A_708 = vector.load %arg7[%get3A_706, %get3A_707] : memref<1x4096xf32, #tpu.memory_space<vmem>>, vector<1x256xf32>
    %add3A_709 = vector.broadcast %get3A_6 : vector<256x1xf32> to vector<256x256xf32>
    %add3A_710 = vector.broadcast %get3A_708 : vector<1x256xf32> to vector<256x256xf32>
    %add3A_711 = arith.addf %add3A_709, %add3A_710 : vector<256x256xf32>
    %add3A_712 = arith.addf %add3A_711, %dot_general3A_705 : vector<256x256xf32>
    %lt3A_713 = arith.cmpf olt, %add3A_712, %add3A_700 : vector<256x256xf32>
    %jit3A_714 = arith.constant 9 : i32
    %jit3A_715 = arith.constant 8 : i32
    %broadcast_in_dim3A_716 = vector.broadcast %jit3A_714 : i32 to vector<256x256xi32>
    %broadcast_in_dim3A_717 = vector.broadcast %jit3A_715 : i32 to vector<256x256xi32>
    %select_n3A_718 = arith.select %lt3A_713, %broadcast_in_dim3A_716, %broadcast_in_dim3A_717 : vector<256x256xi1>, vector<256x256xi32>
    %min3A_719 = arith.minimumf %add3A_700, %add3A_712 : vector<256x256xf32>
    %lt3A_720 = arith.cmpf olt, %min3A_719, %select_n3A_687 : vector<256x256xf32>
    %select_n3A_721 = arith.select %lt3A_720, %min3A_719, %select_n3A_687 : vector<256x256xi1>, vector<256x256xf32>
    %select_n3A_722 = arith.select %lt3A_720, %select_n3A_718, %select_n3A_688 : vector<256x256xi1>, vector<256x256xi32>
    %get3A_723 = arith.constant 0 : index
    %get3A_724 = arith.constant 2560 : index
    %get3A_725 = vector.load %arg3[%get3A_723, %get3A_724] : memref<256x4096xbf16, #tpu.memory_space<vmem>>, vector<256x256xbf16>
    %dot_general3A_726 = arith.constant dense<0.000000e+00> : vector<256x256xf32>
    %dot_general3A_727 = tpu.matmul %convert_element_type3A, %get3A_725, %dot_general3A_726 {dimension_numbers = #tpu.dot_dimension_numbers<[1], [0], [0], [1], [0, 0, 1, 1], [], []>, transpose_lhs_hint = false} : vector<256x256xbf16>, vector<256x256xbf16>, vector<256x256xf32> -> vector<256x256xf32>
    %get3A_728 = arith.constant 0 : index
    %get3A_729 = arith.constant 2560 : index
    %get3A_730 = vector.load %arg7[%get3A_728, %get3A_729] : memref<1x4096xf32, #tpu.memory_space<vmem>>, vector<1x256xf32>
    %add3A_731 = vector.broadcast %get3A_6 : vector<256x1xf32> to vector<256x256xf32>
    %add3A_732 = vector.broadcast %get3A_730 : vector<1x256xf32> to vector<256x256xf32>
    %add3A_733 = arith.addf %add3A_731, %add3A_732 : vector<256x256xf32>
    %add3A_734 = arith.addf %add3A_733, %dot_general3A_727 : vector<256x256xf32>
    %get3A_735 = arith.constant 0 : index
    %get3A_736 = arith.constant 2816 : index
    %get3A_737 = vector.load %arg3[%get3A_735, %get3A_736] : memref<256x4096xbf16, #tpu.memory_space<vmem>>, vector<256x256xbf16>
    %dot_general3A_738 = arith.constant dense<0.000000e+00> : vector<256x256xf32>
    %dot_general3A_739 = tpu.matmul %convert_element_type3A, %get3A_737, %dot_general3A_738 {dimension_numbers = #tpu.dot_dimension_numbers<[1], [0], [0], [1], [0, 0, 1, 1], [], []>, transpose_lhs_hint = false} : vector<256x256xbf16>, vector<256x256xbf16>, vector<256x256xf32> -> vector<256x256xf32>
    %get3A_740 = arith.constant 0 : index
    %get3A_741 = arith.constant 2816 : index
    %get3A_742 = vector.load %arg7[%get3A_740, %get3A_741] : memref<1x4096xf32, #tpu.memory_space<vmem>>, vector<1x256xf32>
    %add3A_743 = vector.broadcast %get3A_6 : vector<256x1xf32> to vector<256x256xf32>
    %add3A_744 = vector.broadcast %get3A_742 : vector<1x256xf32> to vector<256x256xf32>
    %add3A_745 = arith.addf %add3A_743, %add3A_744 : vector<256x256xf32>
    %add3A_746 = arith.addf %add3A_745, %dot_general3A_739 : vector<256x256xf32>
    %lt3A_747 = arith.cmpf olt, %add3A_746, %add3A_734 : vector<256x256xf32>
    %jit3A_748 = arith.constant 11 : i32
    %jit3A_749 = arith.constant 10 : i32
    %broadcast_in_dim3A_750 = vector.broadcast %jit3A_748 : i32 to vector<256x256xi32>
    %broadcast_in_dim3A_751 = vector.broadcast %jit3A_749 : i32 to vector<256x256xi32>
    %select_n3A_752 = arith.select %lt3A_747, %broadcast_in_dim3A_750, %broadcast_in_dim3A_751 : vector<256x256xi1>, vector<256x256xi32>
    %min3A_753 = arith.minimumf %add3A_734, %add3A_746 : vector<256x256xf32>
    %lt3A_754 = arith.cmpf olt, %min3A_753, %select_n3A_721 : vector<256x256xf32>
    %select_n3A_755 = arith.select %lt3A_754, %min3A_753, %select_n3A_721 : vector<256x256xi1>, vector<256x256xf32>
    %select_n3A_756 = arith.select %lt3A_754, %select_n3A_752, %select_n3A_722 : vector<256x256xi1>, vector<256x256xi32>
    %get3A_757 = arith.constant 0 : index
    %get3A_758 = arith.constant 3072 : index
    %get3A_759 = vector.load %arg3[%get3A_757, %get3A_758] : memref<256x4096xbf16, #tpu.memory_space<vmem>>, vector<256x256xbf16>
    %dot_general3A_760 = arith.constant dense<0.000000e+00> : vector<256x256xf32>
    %dot_general3A_761 = tpu.matmul %convert_element_type3A, %get3A_759, %dot_general3A_760 {dimension_numbers = #tpu.dot_dimension_numbers<[1], [0], [0], [1], [0, 0, 1, 1], [], []>, transpose_lhs_hint = false} : vector<256x256xbf16>, vector<256x256xbf16>, vector<256x256xf32> -> vector<256x256xf32>
    %get3A_762 = arith.constant 0 : index
    %get3A_763 = arith.constant 3072 : index
    %get3A_764 = vector.load %arg7[%get3A_762, %get3A_763] : memref<1x4096xf32, #tpu.memory_space<vmem>>, vector<1x256xf32>
    %add3A_765 = vector.broadcast %get3A_6 : vector<256x1xf32> to vector<256x256xf32>
    %add3A_766 = vector.broadcast %get3A_764 : vector<1x256xf32> to vector<256x256xf32>
    %add3A_767 = arith.addf %add3A_765, %add3A_766 : vector<256x256xf32>
    %add3A_768 = arith.addf %add3A_767, %dot_general3A_761 : vector<256x256xf32>
    %get3A_769 = arith.constant 0 : index
    %get3A_770 = arith.constant 3328 : index
    %get3A_771 = vector.load %arg3[%get3A_769, %get3A_770] : memref<256x4096xbf16, #tpu.memory_space<vmem>>, vector<256x256xbf16>
    %dot_general3A_772 = arith.constant dense<0.000000e+00> : vector<256x256xf32>
    %dot_general3A_773 = tpu.matmul %convert_element_type3A, %get3A_771, %dot_general3A_772 {dimension_numbers = #tpu.dot_dimension_numbers<[1], [0], [0], [1], [0, 0, 1, 1], [], []>, transpose_lhs_hint = false} : vector<256x256xbf16>, vector<256x256xbf16>, vector<256x256xf32> -> vector<256x256xf32>
    %get3A_774 = arith.constant 0 : index
    %get3A_775 = arith.constant 3328 : index
    %get3A_776 = vector.load %arg7[%get3A_774, %get3A_775] : memref<1x4096xf32, #tpu.memory_space<vmem>>, vector<1x256xf32>
    %add3A_777 = vector.broadcast %get3A_6 : vector<256x1xf32> to vector<256x256xf32>
    %add3A_778 = vector.broadcast %get3A_776 : vector<1x256xf32> to vector<256x256xf32>
    %add3A_779 = arith.addf %add3A_777, %add3A_778 : vector<256x256xf32>
    %add3A_780 = arith.addf %add3A_779, %dot_general3A_773 : vector<256x256xf32>
    %lt3A_781 = arith.cmpf olt, %add3A_780, %add3A_768 : vector<256x256xf32>
    %jit3A_782 = arith.constant 13 : i32
    %jit3A_783 = arith.constant 12 : i32
    %broadcast_in_dim3A_784 = vector.broadcast %jit3A_782 : i32 to vector<256x256xi32>
    %broadcast_in_dim3A_785 = vector.broadcast %jit3A_783 : i32 to vector<256x256xi32>
    %select_n3A_786 = arith.select %lt3A_781, %broadcast_in_dim3A_784, %broadcast_in_dim3A_785 : vector<256x256xi1>, vector<256x256xi32>
    %min3A_787 = arith.minimumf %add3A_768, %add3A_780 : vector<256x256xf32>
    %lt3A_788 = arith.cmpf olt, %min3A_787, %select_n3A_755 : vector<256x256xf32>
    %select_n3A_789 = arith.select %lt3A_788, %min3A_787, %select_n3A_755 : vector<256x256xi1>, vector<256x256xf32>
    %select_n3A_790 = arith.select %lt3A_788, %select_n3A_786, %select_n3A_756 : vector<256x256xi1>, vector<256x256xi32>
    %get3A_791 = arith.constant 0 : index
    %get3A_792 = arith.constant 3584 : index
    %get3A_793 = vector.load %arg3[%get3A_791, %get3A_792] : memref<256x4096xbf16, #tpu.memory_space<vmem>>, vector<256x256xbf16>
    %dot_general3A_794 = arith.constant dense<0.000000e+00> : vector<256x256xf32>
    %dot_general3A_795 = tpu.matmul %convert_element_type3A, %get3A_793, %dot_general3A_794 {dimension_numbers = #tpu.dot_dimension_numbers<[1], [0], [0], [1], [0, 0, 1, 1], [], []>, transpose_lhs_hint = false} : vector<256x256xbf16>, vector<256x256xbf16>, vector<256x256xf32> -> vector<256x256xf32>
    %get3A_796 = arith.constant 0 : index
    %get3A_797 = arith.constant 3584 : index
    %get3A_798 = vector.load %arg7[%get3A_796, %get3A_797] : memref<1x4096xf32, #tpu.memory_space<vmem>>, vector<1x256xf32>
    %add3A_799 = vector.broadcast %get3A_6 : vector<256x1xf32> to vector<256x256xf32>
    %add3A_800 = vector.broadcast %get3A_798 : vector<1x256xf32> to vector<256x256xf32>
    %add3A_801 = arith.addf %add3A_799, %add3A_800 : vector<256x256xf32>
    %add3A_802 = arith.addf %add3A_801, %dot_general3A_795 : vector<256x256xf32>
    %get3A_803 = arith.constant 0 : index
    %get3A_804 = arith.constant 3840 : index
    %get3A_805 = vector.load %arg3[%get3A_803, %get3A_804] : memref<256x4096xbf16, #tpu.memory_space<vmem>>, vector<256x256xbf16>
    %dot_general3A_806 = arith.constant dense<0.000000e+00> : vector<256x256xf32>
    %dot_general3A_807 = tpu.matmul %convert_element_type3A, %get3A_805, %dot_general3A_806 {dimension_numbers = #tpu.dot_dimension_numbers<[1], [0], [0], [1], [0, 0, 1, 1], [], []>, transpose_lhs_hint = false} : vector<256x256xbf16>, vector<256x256xbf16>, vector<256x256xf32> -> vector<256x256xf32>
    %get3A_808 = arith.constant 0 : index
    %get3A_809 = arith.constant 3840 : index
    %get3A_810 = vector.load %arg7[%get3A_808, %get3A_809] : memref<1x4096xf32, #tpu.memory_space<vmem>>, vector<1x256xf32>
    %add3A_811 = vector.broadcast %get3A_6 : vector<256x1xf32> to vector<256x256xf32>
    %add3A_812 = vector.broadcast %get3A_810 : vector<1x256xf32> to vector<256x256xf32>
    %add3A_813 = arith.addf %add3A_811, %add3A_812 : vector<256x256xf32>
    %add3A_814 = arith.addf %add3A_813, %dot_general3A_807 : vector<256x256xf32>
    %lt3A_815 = arith.cmpf olt, %add3A_814, %add3A_802 : vector<256x256xf32>
    %jit3A_816 = arith.constant 15 : i32
    %jit3A_817 = arith.constant 14 : i32
    %broadcast_in_dim3A_818 = vector.broadcast %jit3A_816 : i32 to vector<256x256xi32>
    %broadcast_in_dim3A_819 = vector.broadcast %jit3A_817 : i32 to vector<256x256xi32>
    %select_n3A_820 = arith.select %lt3A_815, %broadcast_in_dim3A_818, %broadcast_in_dim3A_819 : vector<256x256xi1>, vector<256x256xi32>
    %min3A_821 = arith.minimumf %add3A_802, %add3A_814 : vector<256x256xf32>
    %lt3A_822 = arith.cmpf olt, %min3A_821, %select_n3A_789 : vector<256x256xf32>
    %select_n3A_823 = arith.select %lt3A_822, %min3A_821, %select_n3A_789 : vector<256x256xi1>, vector<256x256xf32>
    %select_n3A_824 = arith.select %lt3A_822, %select_n3A_820, %select_n3A_790 : vector<256x256xi1>, vector<256x256xi32>
    %reduce_min3A_825 = arith.constant dense<0x7F800000> : vector<256xf32>
    %reduce_min3A_826 = vector.multi_reduction <minimumf>, %select_n3A_823, %reduce_min3A_825 [1] : vector<256x256xf32> to vector<256xf32>
    %broadcast_in_dim3A_827 = vector.shape_cast %reduce_min3A_826 : vector<256xf32> to vector<256x1xf32>
    %iota3A_828 = tpu.iota {dimensions = array<i32: 1>} : vector<256x256xi32>
    %mul3A_829 = arith.constant 256 : i32
    %mul3A_830 = vector.broadcast %mul3A_829 : i32 to vector<256x256xi32>
    %mul3A_831 = arith.muli %select_n3A_824, %mul3A_830 : vector<256x256xi32>
    %add3A_832 = arith.addi %mul3A_831, %iota3A_828 : vector<256x256xi32>
    %eq3A_833 = vector.broadcast %broadcast_in_dim3A_827 : vector<256x1xf32> to vector<256x256xf32>
    %eq3A_834 = arith.cmpf oeq, %select_n3A_823, %eq3A_833 : vector<256x256xf32>
    %jit3A_835 = arith.constant 1073741824 : i32
    %broadcast_in_dim3A_836 = vector.broadcast %jit3A_835 : i32 to vector<256x256xi32>
    %select_n3A_837 = arith.select %eq3A_834, %add3A_832, %broadcast_in_dim3A_836 : vector<256x256xi1>, vector<256x256xi32>
    %reduce_min3A_838 = arith.constant dense<2147483647> : vector<256xi32>
    %reduce_min3A_839 = vector.multi_reduction <minsi>, %select_n3A_837, %reduce_min3A_838 [1] : vector<256x256xi32> to vector<256xi32>
    %broadcast_in_dim3A_840 = vector.shape_cast %reduce_min3A_839 : vector<256xi32> to vector<256x1xi32>
    %swap3A_841 = arith.constant 0 : index
    %swap3A_842 = arith.constant 0 : index
    %swap3A_843 = vector.load %arg10[%swap3A_841, %swap3A_842] : memref<256x1xi32, #tpu.memory_space<vmem>>, vector<256x1xi32>
    tpu.vector_store %arg10[%swap3A_841, %swap3A_842], %broadcast_in_dim3A_840 {strides = array<i32>} : memref<256x1xi32, #tpu.memory_space<vmem>>, vector<256x1xi32>,
    %get3A_844 = arith.constant 0 : index
    %get3A_845 = arith.constant 0 : index
    %get3A_846 = vector.load %arg4[%get3A_844, %get3A_845] : memref<256x2048xbf16, #tpu.memory_space<vmem>>, vector<256x256xbf16>
    %dot_general3A_847 = arith.constant dense<0.000000e+00> : vector<256x256xf32>
    %dot_general3A_848 = tpu.matmul %convert_element_type3A, %get3A_846, %dot_general3A_847 {dimension_numbers = #tpu.dot_dimension_numbers<[1], [0], [0], [1], [0, 0, 1, 1], [], []>, transpose_lhs_hint = false} : vector<256x256xbf16>, vector<256x256xbf16>, vector<256x256xf32> -> vector<256x256xf32>
    %get3A_849 = arith.constant 0 : index
    %get3A_850 = arith.constant 0 : index
    %get3A_851 = vector.load %arg8[%get3A_849, %get3A_850] : memref<1x2048xf32, #tpu.memory_space<vmem>>, vector<1x256xf32>
    %add3A_852 = vector.broadcast %get3A_6 : vector<256x1xf32> to vector<256x256xf32>
    %add3A_853 = vector.broadcast %get3A_851 : vector<1x256xf32> to vector<256x256xf32>
    %add3A_854 = arith.addf %add3A_852, %add3A_853 : vector<256x256xf32>
    %add3A_855 = arith.addf %add3A_854, %dot_general3A_848 : vector<256x256xf32>
    %get3A_856 = arith.constant 0 : index
    %get3A_857 = arith.constant 256 : index
    %get3A_858 = vector.load %arg4[%get3A_856, %get3A_857] : memref<256x2048xbf16, #tpu.memory_space<vmem>>, vector<256x256xbf16>
    %dot_general3A_859 = arith.constant dense<0.000000e+00> : vector<256x256xf32>
    %dot_general3A_860 = tpu.matmul %convert_element_type3A, %get3A_858, %dot_general3A_859 {dimension_numbers = #tpu.dot_dimension_numbers<[1], [0], [0], [1], [0, 0, 1, 1], [], []>, transpose_lhs_hint = false} : vector<256x256xbf16>, vector<256x256xbf16>, vector<256x256xf32> -> vector<256x256xf32>
    %get3A_861 = arith.constant 0 : index
    %get3A_862 = arith.constant 256 : index
    %get3A_863 = vector.load %arg8[%get3A_861, %get3A_862] : memref<1x2048xf32, #tpu.memory_space<vmem>>, vector<1x256xf32>
    %add3A_864 = vector.broadcast %get3A_6 : vector<256x1xf32> to vector<256x256xf32>
    %add3A_865 = vector.broadcast %get3A_863 : vector<1x256xf32> to vector<256x256xf32>
    %add3A_866 = arith.addf %add3A_864, %add3A_865 : vector<256x256xf32>
    %add3A_867 = arith.addf %add3A_866, %dot_general3A_860 : vector<256x256xf32>
    %lt3A_868 = arith.cmpf olt, %add3A_867, %add3A_855 : vector<256x256xf32>
    %jit3A_869 = arith.constant 1 : i32
    %jit3A_870 = arith.constant 0 : i32
    %broadcast_in_dim3A_871 = vector.broadcast %jit3A_869 : i32 to vector<256x256xi32>
    %broadcast_in_dim3A_872 = vector.broadcast %jit3A_870 : i32 to vector<256x256xi32>
    %select_n3A_873 = arith.select %lt3A_868, %broadcast_in_dim3A_871, %broadcast_in_dim3A_872 : vector<256x256xi1>, vector<256x256xi32>
    %min3A_874 = arith.minimumf %add3A_855, %add3A_867 : vector<256x256xf32>
    %get3A_875 = arith.constant 0 : index
    %get3A_876 = arith.constant 512 : index
    %get3A_877 = vector.load %arg4[%get3A_875, %get3A_876] : memref<256x2048xbf16, #tpu.memory_space<vmem>>, vector<256x256xbf16>
    %dot_general3A_878 = arith.constant dense<0.000000e+00> : vector<256x256xf32>
    %dot_general3A_879 = tpu.matmul %convert_element_type3A, %get3A_877, %dot_general3A_878 {dimension_numbers = #tpu.dot_dimension_numbers<[1], [0], [0], [1], [0, 0, 1, 1], [], []>, transpose_lhs_hint = false} : vector<256x256xbf16>, vector<256x256xbf16>, vector<256x256xf32> -> vector<256x256xf32>
    %get3A_880 = arith.constant 0 : index
    %get3A_881 = arith.constant 512 : index
    %get3A_882 = vector.load %arg8[%get3A_880, %get3A_881] : memref<1x2048xf32, #tpu.memory_space<vmem>>, vector<1x256xf32>
    %add3A_883 = vector.broadcast %get3A_6 : vector<256x1xf32> to vector<256x256xf32>
    %add3A_884 = vector.broadcast %get3A_882 : vector<1x256xf32> to vector<256x256xf32>
    %add3A_885 = arith.addf %add3A_883, %add3A_884 : vector<256x256xf32>
    %add3A_886 = arith.addf %add3A_885, %dot_general3A_879 : vector<256x256xf32>
    %get3A_887 = arith.constant 0 : index
    %get3A_888 = arith.constant 768 : index
    %get3A_889 = vector.load %arg4[%get3A_887, %get3A_888] : memref<256x2048xbf16, #tpu.memory_space<vmem>>, vector<256x256xbf16>
    %dot_general3A_890 = arith.constant dense<0.000000e+00> : vector<256x256xf32>
    %dot_general3A_891 = tpu.matmul %convert_element_type3A, %get3A_889, %dot_general3A_890 {dimension_numbers = #tpu.dot_dimension_numbers<[1], [0], [0], [1], [0, 0, 1, 1], [], []>, transpose_lhs_hint = false} : vector<256x256xbf16>, vector<256x256xbf16>, vector<256x256xf32> -> vector<256x256xf32>
    %get3A_892 = arith.constant 0 : index
    %get3A_893 = arith.constant 768 : index
    %get3A_894 = vector.load %arg8[%get3A_892, %get3A_893] : memref<1x2048xf32, #tpu.memory_space<vmem>>, vector<1x256xf32>
    %add3A_895 = vector.broadcast %get3A_6 : vector<256x1xf32> to vector<256x256xf32>
    %add3A_896 = vector.broadcast %get3A_894 : vector<1x256xf32> to vector<256x256xf32>
    %add3A_897 = arith.addf %add3A_895, %add3A_896 : vector<256x256xf32>
    %add3A_898 = arith.addf %add3A_897, %dot_general3A_891 : vector<256x256xf32>
    %lt3A_899 = arith.cmpf olt, %add3A_898, %add3A_886 : vector<256x256xf32>
    %jit3A_900 = arith.constant 3 : i32
    %jit3A_901 = arith.constant 2 : i32
    %broadcast_in_dim3A_902 = vector.broadcast %jit3A_900 : i32 to vector<256x256xi32>
    %broadcast_in_dim3A_903 = vector.broadcast %jit3A_901 : i32 to vector<256x256xi32>
    %select_n3A_904 = arith.select %lt3A_899, %broadcast_in_dim3A_902, %broadcast_in_dim3A_903 : vector<256x256xi1>, vector<256x256xi32>
    %min3A_905 = arith.minimumf %add3A_886, %add3A_898 : vector<256x256xf32>
    %lt3A_906 = arith.cmpf olt, %min3A_905, %min3A_874 : vector<256x256xf32>
    %select_n3A_907 = arith.select %lt3A_906, %min3A_905, %min3A_874 : vector<256x256xi1>, vector<256x256xf32>
    %select_n3A_908 = arith.select %lt3A_906, %select_n3A_904, %select_n3A_873 : vector<256x256xi1>, vector<256x256xi32>
    %get3A_909 = arith.constant 0 : index
    %get3A_910 = arith.constant 1024 : index
    %get3A_911 = vector.load %arg4[%get3A_909, %get3A_910] : memref<256x2048xbf16, #tpu.memory_space<vmem>>, vector<256x256xbf16>
    %dot_general3A_912 = arith.constant dense<0.000000e+00> : vector<256x256xf32>
    %dot_general3A_913 = tpu.matmul %convert_element_type3A, %get3A_911, %dot_general3A_912 {dimension_numbers = #tpu.dot_dimension_numbers<[1], [0], [0], [1], [0, 0, 1, 1], [], []>, transpose_lhs_hint = false} : vector<256x256xbf16>, vector<256x256xbf16>, vector<256x256xf32> -> vector<256x256xf32>
    %get3A_914 = arith.constant 0 : index
    %get3A_915 = arith.constant 1024 : index
    %get3A_916 = vector.load %arg8[%get3A_914, %get3A_915] : memref<1x2048xf32, #tpu.memory_space<vmem>>, vector<1x256xf32>
    %add3A_917 = vector.broadcast %get3A_6 : vector<256x1xf32> to vector<256x256xf32>
    %add3A_918 = vector.broadcast %get3A_916 : vector<1x256xf32> to vector<256x256xf32>
    %add3A_919 = arith.addf %add3A_917, %add3A_918 : vector<256x256xf32>
    %add3A_920 = arith.addf %add3A_919, %dot_general3A_913 : vector<256x256xf32>
    %get3A_921 = arith.constant 0 : index
    %get3A_922 = arith.constant 1280 : index
    %get3A_923 = vector.load %arg4[%get3A_921, %get3A_922] : memref<256x2048xbf16, #tpu.memory_space<vmem>>, vector<256x256xbf16>
    %dot_general3A_924 = arith.constant dense<0.000000e+00> : vector<256x256xf32>
    %dot_general3A_925 = tpu.matmul %convert_element_type3A, %get3A_923, %dot_general3A_924 {dimension_numbers = #tpu.dot_dimension_numbers<[1], [0], [0], [1], [0, 0, 1, 1], [], []>, transpose_lhs_hint = false} : vector<256x256xbf16>, vector<256x256xbf16>, vector<256x256xf32> -> vector<256x256xf32>
    %get3A_926 = arith.constant 0 : index
    %get3A_927 = arith.constant 1280 : index
    %get3A_928 = vector.load %arg8[%get3A_926, %get3A_927] : memref<1x2048xf32, #tpu.memory_space<vmem>>, vector<1x256xf32>
    %add3A_929 = vector.broadcast %get3A_6 : vector<256x1xf32> to vector<256x256xf32>
    %add3A_930 = vector.broadcast %get3A_928 : vector<1x256xf32> to vector<256x256xf32>
    %add3A_931 = arith.addf %add3A_929, %add3A_930 : vector<256x256xf32>
    %add3A_932 = arith.addf %add3A_931, %dot_general3A_925 : vector<256x256xf32>
    %lt3A_933 = arith.cmpf olt, %add3A_932, %add3A_920 : vector<256x256xf32>
    %jit3A_934 = arith.constant 5 : i32
    %jit3A_935 = arith.constant 4 : i32
    %broadcast_in_dim3A_936 = vector.broadcast %jit3A_934 : i32 to vector<256x256xi32>
    %broadcast_in_dim3A_937 = vector.broadcast %jit3A_935 : i32 to vector<256x256xi32>
    %select_n3A_938 = arith.select %lt3A_933, %broadcast_in_dim3A_936, %broadcast_in_dim3A_937 : vector<256x256xi1>, vector<256x256xi32>
    %min3A_939 = arith.minimumf %add3A_920, %add3A_932 : vector<256x256xf32>
    %lt3A_940 = arith.cmpf olt, %min3A_939, %select_n3A_907 : vector<256x256xf32>
    %select_n3A_941 = arith.select %lt3A_940, %min3A_939, %select_n3A_907 : vector<256x256xi1>, vector<256x256xf32>
    %select_n3A_942 = arith.select %lt3A_940, %select_n3A_938, %select_n3A_908 : vector<256x256xi1>, vector<256x256xi32>
    %get3A_943 = arith.constant 0 : index
    %get3A_944 = arith.constant 1536 : index
    %get3A_945 = vector.load %arg4[%get3A_943, %get3A_944] : memref<256x2048xbf16, #tpu.memory_space<vmem>>, vector<256x256xbf16>
    %dot_general3A_946 = arith.constant dense<0.000000e+00> : vector<256x256xf32>
    %dot_general3A_947 = tpu.matmul %convert_element_type3A, %get3A_945, %dot_general3A_946 {dimension_numbers = #tpu.dot_dimension_numbers<[1], [0], [0], [1], [0, 0, 1, 1], [], []>, transpose_lhs_hint = false} : vector<256x256xbf16>, vector<256x256xbf16>, vector<256x256xf32> -> vector<256x256xf32>
    %get3A_948 = arith.constant 0 : index
    %get3A_949 = arith.constant 1536 : index
    %get3A_950 = vector.load %arg8[%get3A_948, %get3A_949] : memref<1x2048xf32, #tpu.memory_space<vmem>>, vector<1x256xf32>
    %add3A_951 = vector.broadcast %get3A_6 : vector<256x1xf32> to vector<256x256xf32>
    %add3A_952 = vector.broadcast %get3A_950 : vector<1x256xf32> to vector<256x256xf32>
    %add3A_953 = arith.addf %add3A_951, %add3A_952 : vector<256x256xf32>
    %add3A_954 = arith.addf %add3A_953, %dot_general3A_947 : vector<256x256xf32>
    %get3A_955 = arith.constant 0 : index
    %get3A_956 = arith.constant 1792 : index
    %get3A_957 = vector.load %arg4[%get3A_955, %get3A_956] : memref<256x2048xbf16, #tpu.memory_space<vmem>>, vector<256x256xbf16>
    %dot_general3A_958 = arith.constant dense<0.000000e+00> : vector<256x256xf32>
    %dot_general3A_959 = tpu.matmul %convert_element_type3A, %get3A_957, %dot_general3A_958 {dimension_numbers = #tpu.dot_dimension_numbers<[1], [0], [0], [1], [0, 0, 1, 1], [], []>, transpose_lhs_hint = false} : vector<256x256xbf16>, vector<256x256xbf16>, vector<256x256xf32> -> vector<256x256xf32>
    %get3A_960 = arith.constant 0 : index
    %get3A_961 = arith.constant 1792 : index
    %get3A_962 = vector.load %arg8[%get3A_960, %get3A_961] : memref<1x2048xf32, #tpu.memory_space<vmem>>, vector<1x256xf32>
    %add3A_963 = vector.broadcast %get3A_6 : vector<256x1xf32> to vector<256x256xf32>
    %add3A_964 = vector.broadcast %get3A_962 : vector<1x256xf32> to vector<256x256xf32>
    %add3A_965 = arith.addf %add3A_963, %add3A_964 : vector<256x256xf32>
    %add3A_966 = arith.addf %add3A_965, %dot_general3A_959 : vector<256x256xf32>
    %lt3A_967 = arith.cmpf olt, %add3A_966, %add3A_954 : vector<256x256xf32>
    %jit3A_968 = arith.constant 7 : i32
    %jit3A_969 = arith.constant 6 : i32
    %broadcast_in_dim3A_970 = vector.broadcast %jit3A_968 : i32 to vector<256x256xi32>
    %broadcast_in_dim3A_971 = vector.broadcast %jit3A_969 : i32 to vector<256x256xi32>
    %select_n3A_972 = arith.select %lt3A_967, %broadcast_in_dim3A_970, %broadcast_in_dim3A_971 : vector<256x256xi1>, vector<256x256xi32>
    %min3A_973 = arith.minimumf %add3A_954, %add3A_966 : vector<256x256xf32>
    %lt3A_974 = arith.cmpf olt, %min3A_973, %select_n3A_941 : vector<256x256xf32>
    %select_n3A_975 = arith.select %lt3A_974, %min3A_973, %select_n3A_941 : vector<256x256xi1>, vector<256x256xf32>
    %select_n3A_976 = arith.select %lt3A_974, %select_n3A_972, %select_n3A_942 : vector<256x256xi1>, vector<256x256xi32>
    %reduce_min3A_977 = arith.constant dense<0x7F800000> : vector<256xf32>
    %reduce_min3A_978 = vector.multi_reduction <minimumf>, %select_n3A_975, %reduce_min3A_977 [1] : vector<256x256xf32> to vector<256xf32>
    %broadcast_in_dim3A_979 = vector.shape_cast %reduce_min3A_978 : vector<256xf32> to vector<256x1xf32>
    %iota3A_980 = tpu.iota {dimensions = array<i32: 1>} : vector<256x256xi32>
    %mul3A_981 = arith.constant 256 : i32
    %mul3A_982 = vector.broadcast %mul3A_981 : i32 to vector<256x256xi32>
    %mul3A_983 = arith.muli %select_n3A_976, %mul3A_982 : vector<256x256xi32>
    %add3A_984 = arith.addi %mul3A_983, %iota3A_980 : vector<256x256xi32>
    %eq3A_985 = vector.broadcast %broadcast_in_dim3A_979 : vector<256x1xf32> to vector<256x256xf32>
    %eq3A_986 = arith.cmpf oeq, %select_n3A_975, %eq3A_985 : vector<256x256xf32>
    %jit3A_987 = arith.constant 1073741824 : i32
    %broadcast_in_dim3A_988 = vector.broadcast %jit3A_987 : i32 to vector<256x256xi32>
    %select_n3A_989 = arith.select %eq3A_986, %add3A_984, %broadcast_in_dim3A_988 : vector<256x256xi1>, vector<256x256xi32>
    %reduce_min3A_990 = arith.constant dense<2147483647> : vector<256xi32>
    %reduce_min3A_991 = vector.multi_reduction <minsi>, %select_n3A_989, %reduce_min3A_990 [1] : vector<256x256xi32> to vector<256xi32>
    %broadcast_in_dim3A_992 = vector.shape_cast %reduce_min3A_991 : vector<256xi32> to vector<256x1xi32>
    %swap3A_993 = arith.constant 0 : index
    %swap3A_994 = arith.constant 0 : index
    %swap3A_995 = vector.load %arg11[%swap3A_993, %swap3A_994] : memref<256x1xi32, #tpu.memory_space<vmem>>, vector<256x1xi32>
    tpu.vector_store %arg11[%swap3A_993, %swap3A_994], %broadcast_in_dim3A_992 {strides = array<i32>} : memref<256x1xi32, #tpu.memory_space<vmem>>, vector<256x1xi32>,
    return
  }
  func.func @transform_0(%arg0: i32) -> (i32, i32) {
    %add3A = arith.constant 0 : i32
    %add3A_0 = arith.addi %arg0, %add3A : i32
    %c0_i32 = arith.constant 0 : i32
    %c0_i32_1 = arith.constant 0 : i32
    return %add3A_0, %c0_i32 : i32, i32
  }
  func.func @transform_1(%arg0: i32) -> (i32, i32) {
    %c0_i32 = arith.constant 0 : i32
    %c0_i32_0 = arith.constant 0 : i32
    %c0_i32_1 = arith.constant 0 : i32
    return %c0_i32, %c0_i32_0 : i32, i32
  }
  func.func @transform_2(%arg0: i32) -> (i32, i32) {
    %c0_i32 = arith.constant 0 : i32
    %c0_i32_0 = arith.constant 0 : i32
    %c0_i32_1 = arith.constant 0 : i32
    return %c0_i32, %c0_i32_0 : i32, i32
  }
  func.func @transform_3(%arg0: i32) -> (i32, i32) {
    %c0_i32 = arith.constant 0 : i32
    %c0_i32_0 = arith.constant 0 : i32
    %c0_i32_1 = arith.constant 0 : i32
    return %c0_i32, %c0_i32_0 : i32, i32
  }
  func.func @transform_4(%arg0: i32) -> (i32, i32) {
    %add3A = arith.constant 0 : i32
    %add3A_0 = arith.addi %arg0, %add3A : i32
    %c0_i32 = arith.constant 0 : i32
    %c0_i32_1 = arith.constant 0 : i32
    return %add3A_0, %c0_i32 : i32, i32
  }
  func.func @transform_5(%arg0: i32) -> (i32, i32) {
    %c0_i32 = arith.constant 0 : i32
    %c0_i32_0 = arith.constant 0 : i32
    %c0_i32_1 = arith.constant 0 : i32
    return %c0_i32, %c0_i32_0 : i32, i32
  }
  func.func @transform_6(%arg0: i32) -> (i32, i32) {
    %c0_i32 = arith.constant 0 : i32
    %c0_i32_0 = arith.constant 0 : i32
    %c0_i32_1 = arith.constant 0 : i32
    return %c0_i32, %c0_i32_0 : i32, i32
  }
  func.func @transform_7(%arg0: i32) -> (i32, i32) {
    %c0_i32 = arith.constant 0 : i32
    %c0_i32_0 = arith.constant 0 : i32
    %c0_i32_1 = arith.constant 0 : i32
    return %c0_i32, %c0_i32_0 : i32, i32
  }
  func.func @transform_8(%arg0: i32) -> (i32, i32) {
    %c0_i32 = arith.constant 0 : i32
    %c0_i32_0 = arith.constant 0 : i32
    return %arg0, %c0_i32 : i32, i32
  }
  func.func @transform_9(%arg0: i32) -> (i32, i32) {
    %c0_i32 = arith.constant 0 : i32
    %c0_i32_0 = arith.constant 0 : i32
    return %arg0, %c0_i32 : i32, i32
  }
  func.func @transform_10(%arg0: i32) -> (i32, i32) {
    %c0_i32 = arith.constant 0 : i32
    %c0_i32_0 = arith.constant 0 : i32
    return %arg0, %c0_i32 : i32, i32
  }
}

module attributes {stable_mosaic.version = 14 : i64} {
  func.func @_dist_multi_body(%arg0: i32, %arg1: memref<256x256xf32, #tpu.memory_space<vmem>>, %arg2: memref<256x1024xbf16, #tpu.memory_space<vmem>>, %arg3: memref<256x512xbf16, #tpu.memory_space<vmem>>, %arg4: memref<256x1xf32, #tpu.memory_space<vmem>>, %arg5: memref<1x1024xf32, #tpu.memory_space<vmem>>, %arg6: memref<1x512xf32, #tpu.memory_space<vmem>>, %arg7: memref<256x1xi32, #tpu.memory_space<vmem>>, %arg8: memref<256x1xi32, #tpu.memory_space<vmem>>) attributes {dimension_semantics = [#tpu.dimension_semantics<arbitrary>], iteration_bounds = array<i64: 32>, scalar_prefetch = 0 : i64, scratch_operands = 0 : i64, tpu.core_type = #tpu.core_type<tc>, window_params = [{transform_indices = @transform_0, window_bounds = array<i64: 256, 256>}, {pipeline_mode = #tpu.pipeline_mode<synchronous>, transform_indices = @transform_1, window_bounds = array<i64: 256, 1024>}, {pipeline_mode = #tpu.pipeline_mode<synchronous>, transform_indices = @transform_2, window_bounds = array<i64: 256, 512>}, {transform_indices = @transform_3, window_bounds = array<i64: 256, 1>}, {pipeline_mode = #tpu.pipeline_mode<synchronous>, transform_indices = @transform_4, window_bounds = array<i64: 1, 1024>}, {pipeline_mode = #tpu.pipeline_mode<synchronous>, transform_indices = @transform_5, window_bounds = array<i64: 1, 512>}, {transform_indices = @transform_6, window_bounds = array<i64: 256, 1>}, {transform_indices = @transform_7, window_bounds = array<i64: 256, 1>}]} {
    %get3A = arith.constant 0 : index
    %get3A_0 = arith.constant 0 : index
    %get3A_1 = vector.load %arg1[%get3A, %get3A_0] : memref<256x256xf32, #tpu.memory_space<vmem>>, vector<256x256xf32>
    %mul3A = arith.constant -2.000000e+00 : f32
    %mul3A_2 = vector.broadcast %mul3A : f32 to vector<256x256xf32>
    %mul3A_3 = arith.mulf %get3A_1, %mul3A_2 : vector<256x256xf32>
    %convert_element_type3A = arith.truncf %mul3A_3 : vector<256x256xf32> to vector<256x256xbf16>
    %get3A_4 = arith.constant 0 : index
    %get3A_5 = arith.constant 0 : index
    %get3A_6 = vector.load %arg4[%get3A_4, %get3A_5] : memref<256x1xf32, #tpu.memory_space<vmem>>, vector<256x1xf32>
    %get3A_7 = arith.constant 0 : index
    %get3A_8 = arith.constant 0 : index
    %get3A_9 = vector.load %arg2[%get3A_7, %get3A_8] : memref<256x1024xbf16, #tpu.memory_space<vmem>>, vector<256x256xbf16>
    %dot_general3A = arith.constant dense<0.000000e+00> : vector<256x256xf32>
    %dot_general3A_10 = tpu.matmul %convert_element_type3A, %get3A_9, %dot_general3A {dimension_numbers = #tpu.dot_dimension_numbers<[1], [0], [0], [1], [0, 0, 1, 1], [], []>, transpose_lhs_hint = false} : vector<256x256xbf16>, vector<256x256xbf16>, vector<256x256xf32> -> vector<256x256xf32>
    %get3A_11 = arith.constant 0 : index
    %get3A_12 = arith.constant 0 : index
    %get3A_13 = vector.load %arg5[%get3A_11, %get3A_12] : memref<1x1024xf32, #tpu.memory_space<vmem>>, vector<1x256xf32>
    %add3A = vector.broadcast %get3A_6 : vector<256x1xf32> to vector<256x256xf32>
    %add3A_14 = vector.broadcast %get3A_13 : vector<1x256xf32> to vector<256x256xf32>
    %add3A_15 = arith.addf %add3A, %add3A_14 : vector<256x256xf32>
    %add3A_16 = arith.addf %add3A_15, %dot_general3A_10 : vector<256x256xf32>
    %get3A_17 = arith.constant 0 : index
    %get3A_18 = arith.constant 256 : index
    %get3A_19 = vector.load %arg2[%get3A_17, %get3A_18] : memref<256x1024xbf16, #tpu.memory_space<vmem>>, vector<256x256xbf16>
    %dot_general3A_20 = arith.constant dense<0.000000e+00> : vector<256x256xf32>
    %dot_general3A_21 = tpu.matmul %convert_element_type3A, %get3A_19, %dot_general3A_20 {dimension_numbers = #tpu.dot_dimension_numbers<[1], [0], [0], [1], [0, 0, 1, 1], [], []>, transpose_lhs_hint = false} : vector<256x256xbf16>, vector<256x256xbf16>, vector<256x256xf32> -> vector<256x256xf32>
    %get3A_22 = arith.constant 0 : index
    %get3A_23 = arith.constant 256 : index
    %get3A_24 = vector.load %arg5[%get3A_22, %get3A_23] : memref<1x1024xf32, #tpu.memory_space<vmem>>, vector<1x256xf32>
    %add3A_25 = vector.broadcast %get3A_6 : vector<256x1xf32> to vector<256x256xf32>
    %add3A_26 = vector.broadcast %get3A_24 : vector<1x256xf32> to vector<256x256xf32>
    %add3A_27 = arith.addf %add3A_25, %add3A_26 : vector<256x256xf32>
    %add3A_28 = arith.addf %add3A_27, %dot_general3A_21 : vector<256x256xf32>
    %lt3A = arith.cmpf olt, %add3A_28, %add3A_16 : vector<256x256xf32>
    %jit3A = arith.constant 1 : i32
    %jit3A_29 = arith.constant 0 : i32
    %broadcast_in_dim3A = vector.broadcast %jit3A : i32 to vector<256x256xi32>
    %broadcast_in_dim3A_30 = vector.broadcast %jit3A_29 : i32 to vector<256x256xi32>
    %select_n3A = arith.select %lt3A, %broadcast_in_dim3A, %broadcast_in_dim3A_30 : vector<256x256xi1>, vector<256x256xi32>
    %min3A = arith.minimumf %add3A_16, %add3A_28 : vector<256x256xf32>
    %get3A_31 = arith.constant 0 : index
    %get3A_32 = arith.constant 512 : index
    %get3A_33 = vector.load %arg2[%get3A_31, %get3A_32] : memref<256x1024xbf16, #tpu.memory_space<vmem>>, vector<256x256xbf16>
    %dot_general3A_34 = arith.constant dense<0.000000e+00> : vector<256x256xf32>
    %dot_general3A_35 = tpu.matmul %convert_element_type3A, %get3A_33, %dot_general3A_34 {dimension_numbers = #tpu.dot_dimension_numbers<[1], [0], [0], [1], [0, 0, 1, 1], [], []>, transpose_lhs_hint = false} : vector<256x256xbf16>, vector<256x256xbf16>, vector<256x256xf32> -> vector<256x256xf32>
    %get3A_36 = arith.constant 0 : index
    %get3A_37 = arith.constant 512 : index
    %get3A_38 = vector.load %arg5[%get3A_36, %get3A_37] : memref<1x1024xf32, #tpu.memory_space<vmem>>, vector<1x256xf32>
    %add3A_39 = vector.broadcast %get3A_6 : vector<256x1xf32> to vector<256x256xf32>
    %add3A_40 = vector.broadcast %get3A_38 : vector<1x256xf32> to vector<256x256xf32>
    %add3A_41 = arith.addf %add3A_39, %add3A_40 : vector<256x256xf32>
    %add3A_42 = arith.addf %add3A_41, %dot_general3A_35 : vector<256x256xf32>
    %get3A_43 = arith.constant 0 : index
    %get3A_44 = arith.constant 768 : index
    %get3A_45 = vector.load %arg2[%get3A_43, %get3A_44] : memref<256x1024xbf16, #tpu.memory_space<vmem>>, vector<256x256xbf16>
    %dot_general3A_46 = arith.constant dense<0.000000e+00> : vector<256x256xf32>
    %dot_general3A_47 = tpu.matmul %convert_element_type3A, %get3A_45, %dot_general3A_46 {dimension_numbers = #tpu.dot_dimension_numbers<[1], [0], [0], [1], [0, 0, 1, 1], [], []>, transpose_lhs_hint = false} : vector<256x256xbf16>, vector<256x256xbf16>, vector<256x256xf32> -> vector<256x256xf32>
    %get3A_48 = arith.constant 0 : index
    %get3A_49 = arith.constant 768 : index
    %get3A_50 = vector.load %arg5[%get3A_48, %get3A_49] : memref<1x1024xf32, #tpu.memory_space<vmem>>, vector<1x256xf32>
    %add3A_51 = vector.broadcast %get3A_6 : vector<256x1xf32> to vector<256x256xf32>
    %add3A_52 = vector.broadcast %get3A_50 : vector<1x256xf32> to vector<256x256xf32>
    %add3A_53 = arith.addf %add3A_51, %add3A_52 : vector<256x256xf32>
    %add3A_54 = arith.addf %add3A_53, %dot_general3A_47 : vector<256x256xf32>
    %lt3A_55 = arith.cmpf olt, %add3A_54, %add3A_42 : vector<256x256xf32>
    %jit3A_56 = arith.constant 3 : i32
    %jit3A_57 = arith.constant 2 : i32
    %broadcast_in_dim3A_58 = vector.broadcast %jit3A_56 : i32 to vector<256x256xi32>
    %broadcast_in_dim3A_59 = vector.broadcast %jit3A_57 : i32 to vector<256x256xi32>
    %select_n3A_60 = arith.select %lt3A_55, %broadcast_in_dim3A_58, %broadcast_in_dim3A_59 : vector<256x256xi1>, vector<256x256xi32>
    %min3A_61 = arith.minimumf %add3A_42, %add3A_54 : vector<256x256xf32>
    %lt3A_62 = arith.cmpf olt, %min3A_61, %min3A : vector<256x256xf32>
    %select_n3A_63 = arith.select %lt3A_62, %min3A_61, %min3A : vector<256x256xi1>, vector<256x256xf32>
    %select_n3A_64 = arith.select %lt3A_62, %select_n3A_60, %select_n3A : vector<256x256xi1>, vector<256x256xi32>
    %reduce_min3A = arith.constant dense<0x7F800000> : vector<256xf32>
    %reduce_min3A_65 = vector.multi_reduction <minimumf>, %select_n3A_63, %reduce_min3A [1] : vector<256x256xf32> to vector<256xf32>
    %broadcast_in_dim3A_66 = vector.shape_cast %reduce_min3A_65 : vector<256xf32> to vector<256x1xf32>
    %iota3A = tpu.iota {dimensions = array<i32: 1>} : vector<256x256xi32>
    %mul3A_67 = arith.constant 256 : i32
    %mul3A_68 = vector.broadcast %mul3A_67 : i32 to vector<256x256xi32>
    %mul3A_69 = arith.muli %select_n3A_64, %mul3A_68 : vector<256x256xi32>
    %add3A_70 = arith.addi %mul3A_69, %iota3A : vector<256x256xi32>
    %eq3A = vector.broadcast %broadcast_in_dim3A_66 : vector<256x1xf32> to vector<256x256xf32>
    %eq3A_71 = arith.cmpf oeq, %select_n3A_63, %eq3A : vector<256x256xf32>
    %jit3A_72 = arith.constant 1073741824 : i32
    %broadcast_in_dim3A_73 = vector.broadcast %jit3A_72 : i32 to vector<256x256xi32>
    %select_n3A_74 = arith.select %eq3A_71, %add3A_70, %broadcast_in_dim3A_73 : vector<256x256xi1>, vector<256x256xi32>
    %reduce_min3A_75 = arith.constant dense<2147483647> : vector<256xi32>
    %reduce_min3A_76 = vector.multi_reduction <minsi>, %select_n3A_74, %reduce_min3A_75 [1] : vector<256x256xi32> to vector<256xi32>
    %broadcast_in_dim3A_77 = vector.shape_cast %reduce_min3A_76 : vector<256xi32> to vector<256x1xi32>
    %swap3A = arith.constant 0 : index
    %swap3A_78 = arith.constant 0 : index
    %swap3A_79 = vector.load %arg7[%swap3A, %swap3A_78] : memref<256x1xi32, #tpu.memory_space<vmem>>, vector<256x1xi32>
    tpu.vector_store %arg7[%swap3A, %swap3A_78], %broadcast_in_dim3A_77 {strides = array<i32>} : memref<256x1xi32, #tpu.memory_space<vmem>>, vector<256x1xi32>,
    %get3A_80 = arith.constant 0 : index
    %get3A_81 = arith.constant 0 : index
    %get3A_82 = vector.load %arg3[%get3A_80, %get3A_81] : memref<256x512xbf16, #tpu.memory_space<vmem>>, vector<256x256xbf16>
    %dot_general3A_83 = arith.constant dense<0.000000e+00> : vector<256x256xf32>
    %dot_general3A_84 = tpu.matmul %convert_element_type3A, %get3A_82, %dot_general3A_83 {dimension_numbers = #tpu.dot_dimension_numbers<[1], [0], [0], [1], [0, 0, 1, 1], [], []>, transpose_lhs_hint = false} : vector<256x256xbf16>, vector<256x256xbf16>, vector<256x256xf32> -> vector<256x256xf32>
    %get3A_85 = arith.constant 0 : index
    %get3A_86 = arith.constant 0 : index
    %get3A_87 = vector.load %arg6[%get3A_85, %get3A_86] : memref<1x512xf32, #tpu.memory_space<vmem>>, vector<1x256xf32>
    %add3A_88 = vector.broadcast %get3A_6 : vector<256x1xf32> to vector<256x256xf32>
    %add3A_89 = vector.broadcast %get3A_87 : vector<1x256xf32> to vector<256x256xf32>
    %add3A_90 = arith.addf %add3A_88, %add3A_89 : vector<256x256xf32>
    %add3A_91 = arith.addf %add3A_90, %dot_general3A_84 : vector<256x256xf32>
    %get3A_92 = arith.constant 0 : index
    %get3A_93 = arith.constant 256 : index
    %get3A_94 = vector.load %arg3[%get3A_92, %get3A_93] : memref<256x512xbf16, #tpu.memory_space<vmem>>, vector<256x256xbf16>
    %dot_general3A_95 = arith.constant dense<0.000000e+00> : vector<256x256xf32>
    %dot_general3A_96 = tpu.matmul %convert_element_type3A, %get3A_94, %dot_general3A_95 {dimension_numbers = #tpu.dot_dimension_numbers<[1], [0], [0], [1], [0, 0, 1, 1], [], []>, transpose_lhs_hint = false} : vector<256x256xbf16>, vector<256x256xbf16>, vector<256x256xf32> -> vector<256x256xf32>
    %get3A_97 = arith.constant 0 : index
    %get3A_98 = arith.constant 256 : index
    %get3A_99 = vector.load %arg6[%get3A_97, %get3A_98] : memref<1x512xf32, #tpu.memory_space<vmem>>, vector<1x256xf32>
    %add3A_100 = vector.broadcast %get3A_6 : vector<256x1xf32> to vector<256x256xf32>
    %add3A_101 = vector.broadcast %get3A_99 : vector<1x256xf32> to vector<256x256xf32>
    %add3A_102 = arith.addf %add3A_100, %add3A_101 : vector<256x256xf32>
    %add3A_103 = arith.addf %add3A_102, %dot_general3A_96 : vector<256x256xf32>
    %lt3A_104 = arith.cmpf olt, %add3A_103, %add3A_91 : vector<256x256xf32>
    %jit3A_105 = arith.constant 1 : i32
    %jit3A_106 = arith.constant 0 : i32
    %broadcast_in_dim3A_107 = vector.broadcast %jit3A_105 : i32 to vector<256x256xi32>
    %broadcast_in_dim3A_108 = vector.broadcast %jit3A_106 : i32 to vector<256x256xi32>
    %select_n3A_109 = arith.select %lt3A_104, %broadcast_in_dim3A_107, %broadcast_in_dim3A_108 : vector<256x256xi1>, vector<256x256xi32>
    %min3A_110 = arith.minimumf %add3A_91, %add3A_103 : vector<256x256xf32>
    %reduce_min3A_111 = arith.constant dense<0x7F800000> : vector<256xf32>
    %reduce_min3A_112 = vector.multi_reduction <minimumf>, %min3A_110, %reduce_min3A_111 [1] : vector<256x256xf32> to vector<256xf32>
    %broadcast_in_dim3A_113 = vector.shape_cast %reduce_min3A_112 : vector<256xf32> to vector<256x1xf32>
    %iota3A_114 = tpu.iota {dimensions = array<i32: 1>} : vector<256x256xi32>
    %mul3A_115 = arith.constant 256 : i32
    %mul3A_116 = vector.broadcast %mul3A_115 : i32 to vector<256x256xi32>
    %mul3A_117 = arith.muli %select_n3A_109, %mul3A_116 : vector<256x256xi32>
    %add3A_118 = arith.addi %mul3A_117, %iota3A_114 : vector<256x256xi32>
    %eq3A_119 = vector.broadcast %broadcast_in_dim3A_113 : vector<256x1xf32> to vector<256x256xf32>
    %eq3A_120 = arith.cmpf oeq, %min3A_110, %eq3A_119 : vector<256x256xf32>
    %jit3A_121 = arith.constant 1073741824 : i32
    %broadcast_in_dim3A_122 = vector.broadcast %jit3A_121 : i32 to vector<256x256xi32>
    %select_n3A_123 = arith.select %eq3A_120, %add3A_118, %broadcast_in_dim3A_122 : vector<256x256xi1>, vector<256x256xi32>
    %reduce_min3A_124 = arith.constant dense<2147483647> : vector<256xi32>
    %reduce_min3A_125 = vector.multi_reduction <minsi>, %select_n3A_123, %reduce_min3A_124 [1] : vector<256x256xi32> to vector<256xi32>
    %broadcast_in_dim3A_126 = vector.shape_cast %reduce_min3A_125 : vector<256xi32> to vector<256x1xi32>
    %swap3A_127 = arith.constant 0 : index
    %swap3A_128 = arith.constant 0 : index
    %swap3A_129 = vector.load %arg8[%swap3A_127, %swap3A_128] : memref<256x1xi32, #tpu.memory_space<vmem>>, vector<256x1xi32>
    tpu.vector_store %arg8[%swap3A_127, %swap3A_128], %broadcast_in_dim3A_126 {strides = array<i32>} : memref<256x1xi32, #tpu.memory_space<vmem>>, vector<256x1xi32>,
    return
  }
  func.func @transform_0(%arg0: i32) -> (i32, i32) {
    %add3A = arith.constant 32 : i32
    %add3A_0 = arith.addi %arg0, %add3A : i32
    %c0_i32 = arith.constant 0 : i32
    %c0_i32_1 = arith.constant 0 : i32
    return %add3A_0, %c0_i32 : i32, i32
  }
  func.func @transform_1(%arg0: i32) -> (i32, i32) {
    %c0_i32 = arith.constant 0 : i32
    %c0_i32_0 = arith.constant 0 : i32
    %c0_i32_1 = arith.constant 0 : i32
    return %c0_i32, %c0_i32_0 : i32, i32
  }
  func.func @transform_2(%arg0: i32) -> (i32, i32) {
    %c0_i32 = arith.constant 0 : i32
    %c0_i32_0 = arith.constant 0 : i32
    %c0_i32_1 = arith.constant 0 : i32
    return %c0_i32, %c0_i32_0 : i32, i32
  }
  func.func @transform_3(%arg0: i32) -> (i32, i32) {
    %add3A = arith.constant 32 : i32
    %add3A_0 = arith.addi %arg0, %add3A : i32
    %c0_i32 = arith.constant 0 : i32
    %c0_i32_1 = arith.constant 0 : i32
    return %add3A_0, %c0_i32 : i32, i32
  }
  func.func @transform_4(%arg0: i32) -> (i32, i32) {
    %c0_i32 = arith.constant 0 : i32
    %c0_i32_0 = arith.constant 0 : i32
    %c0_i32_1 = arith.constant 0 : i32
    return %c0_i32, %c0_i32_0 : i32, i32
  }
  func.func @transform_5(%arg0: i32) -> (i32, i32) {
    %c0_i32 = arith.constant 0 : i32
    %c0_i32_0 = arith.constant 0 : i32
    %c0_i32_1 = arith.constant 0 : i32
    return %c0_i32, %c0_i32_0 : i32, i32
  }
  func.func @transform_6(%arg0: i32) -> (i32, i32) {
    %c0_i32 = arith.constant 0 : i32
    %c0_i32_0 = arith.constant 0 : i32
    return %arg0, %c0_i32 : i32, i32
  }
  func.func @transform_7(%arg0: i32) -> (i32, i32) {
    %c0_i32 = arith.constant 0 : i32
    %c0_i32_0 = arith.constant 0 : i32
    return %arg0, %c0_i32 : i32, i32
  }
}

module attributes {stable_mosaic.version = 14 : i64} {
  func.func @_combine_body(%arg0: i32, %arg1: memref<5xf32, #tpu.memory_space<smem>>, %arg2: memref<1xf32, #tpu.memory_space<smem>>, %arg3: memref<1024x256xf32, #tpu.memory_space<vmem>>, %arg4: memref<1024x256xf32, #tpu.memory_space<vmem>>, %arg5: memref<1024x256xf32, #tpu.memory_space<vmem>>, %arg6: memref<1024x256xf32, #tpu.memory_space<vmem>>, %arg7: memref<1024x256xf32, #tpu.memory_space<vmem>>, %arg8: memref<1024x256xf32, #tpu.memory_space<vmem>>, %arg9: memref<16384x256xf32, #tpu.memory_space<any>>, %arg10: memref<1024x256xf32, #tpu.memory_space<vmem>>, %arg11: memref<1x1xf32, #tpu.memory_space<vmem>>) attributes {dimension_semantics = [#tpu.dimension_semantics<arbitrary>], iteration_bounds = array<i64: 8>, scalar_prefetch = 0 : i64, scratch_operands = 0 : i64, tpu.core_type = #tpu.core_type<tc>, window_params = [{transform_indices = @transform_0, window_bounds = array<i64: 5>}, {transform_indices = @transform_1, window_bounds = array<i64: 1>}, {transform_indices = @transform_2, window_bounds = array<i64: 1024, 256>}, {transform_indices = @transform_3, window_bounds = array<i64: 1024, 256>}, {transform_indices = @transform_4, window_bounds = array<i64: 1024, 256>}, {transform_indices = @transform_5, window_bounds = array<i64: 1024, 256>}, {transform_indices = @transform_6, window_bounds = array<i64: 1024, 256>}, {transform_indices = @transform_7, window_bounds = array<i64: 1024, 256>}, {}, {transform_indices = @transform_9, window_bounds = array<i64: 1024, 256>}, {pipeline_mode = #tpu.pipeline_mode<synchronous>, transform_indices = @transform_10, window_bounds = array<i64: 1, 1>}]} {
    %get3A = arith.constant 0 : index
    %get3A_0 = memref.load %arg2[%get3A] : memref<1xf32, #tpu.memory_space<smem>>
    %get3A_1 = arith.constant 0 : index
    %get3A_2 = arith.constant 0 : index
    %get3A_3 = vector.load %arg3[%get3A_1, %get3A_2] : memref<1024x256xf32, #tpu.memory_space<vmem>>, vector<1024x256xf32>
    %broadcast_in_dim3A = arith.constant 0.000000e+00 : f32
    %broadcast_in_dim3A_4 = vector.broadcast %broadcast_in_dim3A : f32 to vector<1024x256xf32>
    %get3A_5 = arith.constant 0 : index
    %get3A_6 = arith.constant 0 : index
    %get3A_7 = vector.load %arg4[%get3A_5, %get3A_6] : memref<1024x256xf32, #tpu.memory_space<vmem>>, vector<1024x256xf32>
    %convert_element_type3A = arith.truncf %get3A_7 : vector<1024x256xf32> to vector<1024x256xbf16>
    %convert_element_type3A_8 = arith.extf %convert_element_type3A : vector<1024x256xbf16> to vector<1024x256xf32>
    %mul3A = vector.broadcast %get3A_0 : f32 to vector<1024x256xf32>
    %mul3A_9 = arith.mulf %mul3A, %convert_element_type3A_8 : vector<1024x256xf32>
    %get3A_10 = arith.constant 0 : index
    %get3A_11 = memref.load %arg1[%get3A_10] : memref<5xf32, #tpu.memory_space<smem>>
    %mul3A_12 = vector.broadcast %get3A_11 : f32 to vector<1024x256xf32>
    %mul3A_13 = arith.mulf %mul3A_12, %mul3A_9 : vector<1024x256xf32>
    %add3A = arith.addf %broadcast_in_dim3A_4, %mul3A_13 : vector<1024x256xf32>
    %sub3A = arith.subf %get3A_3, %mul3A_9 : vector<1024x256xf32>
    %get3A_14 = arith.constant 0 : index
    %get3A_15 = memref.load %arg1[%get3A_14] : memref<5xf32, #tpu.memory_space<smem>>
    %mul3A_16 = arith.mulf %sub3A, %sub3A : vector<1024x256xf32>
    %reduce_sum3A = vector.shape_cast %mul3A_16 : vector<1024x256xf32> to vector<1x1024x256xf32>
    %reduce_sum3A_17 = arith.constant dense<0.000000e+00> : vector<1xf32>
    %reduce_sum3A_18 = vector.multi_reduction <add>, %reduce_sum3A, %reduce_sum3A_17 [1, 2] : vector<1x1024x256xf32> to vector<1xf32>
    %reduce_sum3A_19 = vector.shape_cast %reduce_sum3A_18 : vector<1xf32> to vector<1x1x1xf32>
    %reduce_sum3A_20 = vector.extract %reduce_sum3A_19[0, 0, 0] : f32 from vector<1x1x1xf32>
    %mul3A_21 = arith.mulf %get3A_15, %reduce_sum3A_20 : f32
    %add3A_22 = arith.constant 0.000000e+00 : f32
    %add3A_23 = arith.addf %add3A_22, %mul3A_21 : f32
    %get3A_24 = arith.constant 0 : index
    %get3A_25 = arith.constant 0 : index
    %get3A_26 = vector.load %arg5[%get3A_24, %get3A_25] : memref<1024x256xf32, #tpu.memory_space<vmem>>, vector<1024x256xf32>
    %convert_element_type3A_27 = arith.truncf %get3A_26 : vector<1024x256xf32> to vector<1024x256xbf16>
    %convert_element_type3A_28 = arith.extf %convert_element_type3A_27 : vector<1024x256xbf16> to vector<1024x256xf32>
    %mul3A_29 = vector.broadcast %get3A_0 : f32 to vector<1024x256xf32>
    %mul3A_30 = arith.mulf %mul3A_29, %convert_element_type3A_28 : vector<1024x256xf32>
    %get3A_31 = arith.constant 1 : index
    %get3A_32 = memref.load %arg1[%get3A_31] : memref<5xf32, #tpu.memory_space<smem>>
    %mul3A_33 = vector.broadcast %get3A_32 : f32 to vector<1024x256xf32>
    %mul3A_34 = arith.mulf %mul3A_33, %mul3A_30 : vector<1024x256xf32>
    %add3A_35 = arith.addf %add3A, %mul3A_34 : vector<1024x256xf32>
    %sub3A_36 = arith.subf %get3A_3, %mul3A_30 : vector<1024x256xf32>
    %get3A_37 = arith.constant 1 : index
    %get3A_38 = memref.load %arg1[%get3A_37] : memref<5xf32, #tpu.memory_space<smem>>
    %mul3A_39 = arith.mulf %sub3A_36, %sub3A_36 : vector<1024x256xf32>
    %reduce_sum3A_40 = vector.shape_cast %mul3A_39 : vector<1024x256xf32> to vector<1x1024x256xf32>
    %reduce_sum3A_41 = arith.constant dense<0.000000e+00> : vector<1xf32>
    %reduce_sum3A_42 = vector.multi_reduction <add>, %reduce_sum3A_40, %reduce_sum3A_41 [1, 2] : vector<1x1024x256xf32> to vector<1xf32>
    %reduce_sum3A_43 = vector.shape_cast %reduce_sum3A_42 : vector<1xf32> to vector<1x1x1xf32>
    %reduce_sum3A_44 = vector.extract %reduce_sum3A_43[0, 0, 0] : f32 from vector<1x1x1xf32>
    %mul3A_45 = arith.mulf %get3A_38, %reduce_sum3A_44 : f32
    %add3A_46 = arith.addf %add3A_23, %mul3A_45 : f32
    %get3A_47 = arith.constant 0 : index
    %get3A_48 = arith.constant 0 : index
    %get3A_49 = vector.load %arg6[%get3A_47, %get3A_48] : memref<1024x256xf32, #tpu.memory_space<vmem>>, vector<1024x256xf32>
    %convert_element_type3A_50 = arith.truncf %get3A_49 : vector<1024x256xf32> to vector<1024x256xbf16>
    %convert_element_type3A_51 = arith.extf %convert_element_type3A_50 : vector<1024x256xbf16> to vector<1024x256xf32>
    %mul3A_52 = vector.broadcast %get3A_0 : f32 to vector<1024x256xf32>
    %mul3A_53 = arith.mulf %mul3A_52, %convert_element_type3A_51 : vector<1024x256xf32>
    %get3A_54 = arith.constant 2 : index
    %get3A_55 = memref.load %arg1[%get3A_54] : memref<5xf32, #tpu.memory_space<smem>>
    %mul3A_56 = vector.broadcast %get3A_55 : f32 to vector<1024x256xf32>
    %mul3A_57 = arith.mulf %mul3A_56, %mul3A_53 : vector<1024x256xf32>
    %add3A_58 = arith.addf %add3A_35, %mul3A_57 : vector<1024x256xf32>
    %sub3A_59 = arith.subf %get3A_3, %mul3A_53 : vector<1024x256xf32>
    %get3A_60 = arith.constant 2 : index
    %get3A_61 = memref.load %arg1[%get3A_60] : memref<5xf32, #tpu.memory_space<smem>>
    %mul3A_62 = arith.mulf %sub3A_59, %sub3A_59 : vector<1024x256xf32>
    %reduce_sum3A_63 = vector.shape_cast %mul3A_62 : vector<1024x256xf32> to vector<1x1024x256xf32>
    %reduce_sum3A_64 = arith.constant dense<0.000000e+00> : vector<1xf32>
    %reduce_sum3A_65 = vector.multi_reduction <add>, %reduce_sum3A_63, %reduce_sum3A_64 [1, 2] : vector<1x1024x256xf32> to vector<1xf32>
    %reduce_sum3A_66 = vector.shape_cast %reduce_sum3A_65 : vector<1xf32> to vector<1x1x1xf32>
    %reduce_sum3A_67 = vector.extract %reduce_sum3A_66[0, 0, 0] : f32 from vector<1x1x1xf32>
    %mul3A_68 = arith.mulf %get3A_61, %reduce_sum3A_67 : f32
    %add3A_69 = arith.addf %add3A_46, %mul3A_68 : f32
    %get3A_70 = arith.constant 0 : index
    %get3A_71 = arith.constant 0 : index
    %get3A_72 = vector.load %arg7[%get3A_70, %get3A_71] : memref<1024x256xf32, #tpu.memory_space<vmem>>, vector<1024x256xf32>
    %convert_element_type3A_73 = arith.truncf %get3A_72 : vector<1024x256xf32> to vector<1024x256xbf16>
    %convert_element_type3A_74 = arith.extf %convert_element_type3A_73 : vector<1024x256xbf16> to vector<1024x256xf32>
    %mul3A_75 = vector.broadcast %get3A_0 : f32 to vector<1024x256xf32>
    %mul3A_76 = arith.mulf %mul3A_75, %convert_element_type3A_74 : vector<1024x256xf32>
    %get3A_77 = arith.constant 3 : index
    %get3A_78 = memref.load %arg1[%get3A_77] : memref<5xf32, #tpu.memory_space<smem>>
    %mul3A_79 = vector.broadcast %get3A_78 : f32 to vector<1024x256xf32>
    %mul3A_80 = arith.mulf %mul3A_79, %mul3A_76 : vector<1024x256xf32>
    %add3A_81 = arith.addf %add3A_58, %mul3A_80 : vector<1024x256xf32>
    %sub3A_82 = arith.subf %get3A_3, %mul3A_76 : vector<1024x256xf32>
    %get3A_83 = arith.constant 3 : index
    %get3A_84 = memref.load %arg1[%get3A_83] : memref<5xf32, #tpu.memory_space<smem>>
    %mul3A_85 = arith.mulf %sub3A_82, %sub3A_82 : vector<1024x256xf32>
    %reduce_sum3A_86 = vector.shape_cast %mul3A_85 : vector<1024x256xf32> to vector<1x1024x256xf32>
    %reduce_sum3A_87 = arith.constant dense<0.000000e+00> : vector<1xf32>
    %reduce_sum3A_88 = vector.multi_reduction <add>, %reduce_sum3A_86, %reduce_sum3A_87 [1, 2] : vector<1x1024x256xf32> to vector<1xf32>
    %reduce_sum3A_89 = vector.shape_cast %reduce_sum3A_88 : vector<1xf32> to vector<1x1x1xf32>
    %reduce_sum3A_90 = vector.extract %reduce_sum3A_89[0, 0, 0] : f32 from vector<1x1x1xf32>
    %mul3A_91 = arith.mulf %get3A_84, %reduce_sum3A_90 : f32
    %add3A_92 = arith.addf %add3A_69, %mul3A_91 : f32
    %get3A_93 = arith.constant 0 : index
    %get3A_94 = arith.constant 0 : index
    %get3A_95 = vector.load %arg8[%get3A_93, %get3A_94] : memref<1024x256xf32, #tpu.memory_space<vmem>>, vector<1024x256xf32>
    %convert_element_type3A_96 = arith.truncf %get3A_95 : vector<1024x256xf32> to vector<1024x256xbf16>
    %convert_element_type3A_97 = arith.extf %convert_element_type3A_96 : vector<1024x256xbf16> to vector<1024x256xf32>
    %mul3A_98 = vector.broadcast %get3A_0 : f32 to vector<1024x256xf32>
    %mul3A_99 = arith.mulf %mul3A_98, %convert_element_type3A_97 : vector<1024x256xf32>
    %get3A_100 = arith.constant 4 : index
    %get3A_101 = memref.load %arg1[%get3A_100] : memref<5xf32, #tpu.memory_space<smem>>
    %mul3A_102 = vector.broadcast %get3A_101 : f32 to vector<1024x256xf32>
    %mul3A_103 = arith.mulf %mul3A_102, %mul3A_99 : vector<1024x256xf32>
    %add3A_104 = arith.addf %add3A_81, %mul3A_103 : vector<1024x256xf32>
    %sub3A_105 = arith.subf %get3A_3, %mul3A_99 : vector<1024x256xf32>
    %get3A_106 = arith.constant 4 : index
    %get3A_107 = memref.load %arg1[%get3A_106] : memref<5xf32, #tpu.memory_space<smem>>
    %mul3A_108 = arith.mulf %sub3A_105, %sub3A_105 : vector<1024x256xf32>
    %reduce_sum3A_109 = vector.shape_cast %mul3A_108 : vector<1024x256xf32> to vector<1x1024x256xf32>
    %reduce_sum3A_110 = arith.constant dense<0.000000e+00> : vector<1xf32>
    %reduce_sum3A_111 = vector.multi_reduction <add>, %reduce_sum3A_109, %reduce_sum3A_110 [1, 2] : vector<1x1024x256xf32> to vector<1xf32>
    %reduce_sum3A_112 = vector.shape_cast %reduce_sum3A_111 : vector<1xf32> to vector<1x1x1xf32>
    %reduce_sum3A_113 = vector.extract %reduce_sum3A_112[0, 0, 0] : f32 from vector<1x1x1xf32>
    %mul3A_114 = arith.mulf %get3A_107, %reduce_sum3A_113 : f32
    %add3A_115 = arith.addf %add3A_92, %mul3A_114 : f32
    %swap3A = arith.constant 0 : index
    %swap3A_116 = arith.constant 0 : index
    %swap3A_117 = vector.load %arg10[%swap3A, %swap3A_116] : memref<1024x256xf32, #tpu.memory_space<vmem>>, vector<1024x256xf32>
    tpu.vector_store %arg10[%swap3A, %swap3A_116], %add3A_104 {strides = array<i32>} : memref<1024x256xf32, #tpu.memory_space<vmem>>, vector<1024x256xf32>,
    %eq3A = arith.constant 0 : i32
    %eq3A_118 = arith.cmpi eq, %arg0, %eq3A : i32
    %convert_element_type3A_119 = arith.extui %eq3A_118 : i1 to i32
    %cond3A = arith.constant 0 : i32
    %cond3A_120 = arith.cmpi ne, %convert_element_type3A_119, %cond3A : i32
    scf.if %cond3A_120 {
      %broadcast_in_dim3A_130 = arith.constant 0.000000e+00 : f32
      %broadcast_in_dim3A_131 = vector.broadcast %broadcast_in_dim3A_130 : f32 to vector<1x1xf32>
      %swap3A_132 = arith.constant 0 : index
      %swap3A_133 = arith.constant 0 : index
      %swap3A_134 = vector.load %arg11[%swap3A_132, %swap3A_133] : memref<1x1xf32, #tpu.memory_space<vmem>>, vector<1x1xf32>
      tpu.vector_store %arg11[%swap3A_132, %swap3A_133], %broadcast_in_dim3A_131 {strides = array<i32>} : memref<1x1xf32, #tpu.memory_space<vmem>>, vector<1x1xf32>,
    } else {
    }
    %get3A_121 = arith.constant 0 : index
    %get3A_122 = arith.constant 0 : index
    %get3A_123 = vector.load %arg11[%get3A_121, %get3A_122] : memref<1x1xf32, #tpu.memory_space<vmem>>, vector<1x1xf32>
    %mul3A_124 = arith.constant 2.98023224E-7 : f32
    %mul3A_125 = arith.mulf %add3A_115, %mul3A_124 : f32
    %reshape3A = vector.broadcast %mul3A_125 : f32 to vector<1x1xf32>
    %add3A_126 = arith.addf %get3A_123, %reshape3A : vector<1x1xf32>
    %swap3A_127 = arith.constant 0 : index
    %swap3A_128 = arith.constant 0 : index
    %swap3A_129 = vector.load %arg11[%swap3A_127, %swap3A_128] : memref<1x1xf32, #tpu.memory_space<vmem>>, vector<1x1xf32>
    tpu.vector_store %arg11[%swap3A_127, %swap3A_128], %add3A_126 {strides = array<i32>} : memref<1x1xf32, #tpu.memory_space<vmem>>, vector<1x1xf32>,
    return
  }
  func.func @transform_0(%arg0: i32) -> i32 {
    %c0_i32 = arith.constant 0 : i32
    %c0_i32_0 = arith.constant 0 : i32
    return %c0_i32 : i32
  }
  func.func @transform_1(%arg0: i32) -> i32 {
    %c0_i32 = arith.constant 0 : i32
    %c0_i32_0 = arith.constant 0 : i32
    return %c0_i32 : i32
  }
  func.func @transform_2(%arg0: i32) -> (i32, i32) {
    %add3A = arith.constant 8 : i32
    %add3A_0 = arith.addi %arg0, %add3A : i32
    %c0_i32 = arith.constant 0 : i32
    %c0_i32_1 = arith.constant 0 : i32
    return %add3A_0, %c0_i32 : i32, i32
  }
  func.func @transform_3(%arg0: i32) -> (i32, i32) {
    %add3A = arith.constant 0 : i32
    %add3A_0 = arith.addi %arg0, %add3A : i32
    %c0_i32 = arith.constant 0 : i32
    %c0_i32_1 = arith.constant 0 : i32
    return %add3A_0, %c0_i32 : i32, i32
  }
  func.func @transform_4(%arg0: i32) -> (i32, i32) {
    %add3A = arith.constant 0 : i32
    %add3A_0 = arith.addi %arg0, %add3A : i32
    %c0_i32 = arith.constant 0 : i32
    %c0_i32_1 = arith.constant 0 : i32
    return %add3A_0, %c0_i32 : i32, i32
  }
  func.func @transform_5(%arg0: i32) -> (i32, i32) {
    %add3A = arith.constant 8 : i32
    %add3A_0 = arith.addi %arg0, %add3A : i32
    %c0_i32 = arith.constant 0 : i32
    %c0_i32_1 = arith.constant 0 : i32
    return %add3A_0, %c0_i32 : i32, i32
  }
  func.func @transform_6(%arg0: i32) -> (i32, i32) {
    %add3A = arith.constant 8 : i32
    %add3A_0 = arith.addi %arg0, %add3A : i32
    %c0_i32 = arith.constant 0 : i32
    %c0_i32_1 = arith.constant 0 : i32
    return %add3A_0, %c0_i32 : i32, i32
  }
  func.func @transform_7(%arg0: i32) -> (i32, i32) {
    %add3A = arith.constant 8 : i32
    %add3A_0 = arith.addi %arg0, %add3A : i32
    %c0_i32 = arith.constant 0 : i32
    %c0_i32_1 = arith.constant 0 : i32
    return %add3A_0, %c0_i32 : i32, i32
  }
  func.func @transform_9(%arg0: i32) -> (i32, i32) {
    %add3A = arith.constant 8 : i32
    %add3A_0 = arith.addi %arg0, %add3A : i32
    %c0_i32 = arith.constant 0 : i32
    %c0_i32_1 = arith.constant 0 : i32
    return %add3A_0, %c0_i32 : i32, i32
  }
  func.func @transform_10(%arg0: i32) -> (i32, i32) {
    %c0_i32 = arith.constant 0 : i32
    %c0_i32_0 = arith.constant 0 : i32
    %c0_i32_1 = arith.constant 0 : i32
    return %c0_i32, %c0_i32_0 : i32, i32
  }
}

module attributes {stable_mosaic.version = 14 : i64} {
  func.func @_combine_body(%arg0: i32, %arg1: memref<5xf32, #tpu.memory_space<smem>>, %arg2: memref<1xf32, #tpu.memory_space<smem>>, %arg3: memref<1024x256xf32, #tpu.memory_space<vmem>>, %arg4: memref<1024x256xf32, #tpu.memory_space<vmem>>, %arg5: memref<1024x256xf32, #tpu.memory_space<vmem>>, %arg6: memref<1024x256xf32, #tpu.memory_space<vmem>>, %arg7: memref<1024x256xf32, #tpu.memory_space<vmem>>, %arg8: memref<1024x256xf32, #tpu.memory_space<vmem>>, %arg9: memref<1024x256xf32, #tpu.memory_space<vmem>>, %arg10: memref<1x1xf32, #tpu.memory_space<vmem>>) attributes {dimension_semantics = [#tpu.dimension_semantics<arbitrary>], iteration_bounds = array<i64: 8>, scalar_prefetch = 0 : i64, scratch_operands = 0 : i64, tpu.core_type = #tpu.core_type<tc>, window_params = [{transform_indices = @transform_0, window_bounds = array<i64: 5>}, {transform_indices = @transform_1, window_bounds = array<i64: 1>}, {transform_indices = @transform_2, window_bounds = array<i64: 1024, 256>}, {transform_indices = @transform_3, window_bounds = array<i64: 1024, 256>}, {transform_indices = @transform_4, window_bounds = array<i64: 1024, 256>}, {transform_indices = @transform_5, window_bounds = array<i64: 1024, 256>}, {transform_indices = @transform_6, window_bounds = array<i64: 1024, 256>}, {transform_indices = @transform_7, window_bounds = array<i64: 1024, 256>}, {transform_indices = @transform_8, window_bounds = array<i64: 1024, 256>}, {pipeline_mode = #tpu.pipeline_mode<synchronous>, transform_indices = @transform_9, window_bounds = array<i64: 1, 1>}]} {
    %get3A = arith.constant 0 : index
    %get3A_0 = memref.load %arg2[%get3A] : memref<1xf32, #tpu.memory_space<smem>>
    %get3A_1 = arith.constant 0 : index
    %get3A_2 = arith.constant 0 : index
    %get3A_3 = vector.load %arg3[%get3A_1, %get3A_2] : memref<1024x256xf32, #tpu.memory_space<vmem>>, vector<1024x256xf32>
    %broadcast_in_dim3A = arith.constant 0.000000e+00 : f32
    %broadcast_in_dim3A_4 = vector.broadcast %broadcast_in_dim3A : f32 to vector<1024x256xf32>
    %get3A_5 = arith.constant 0 : index
    %get3A_6 = arith.constant 0 : index
    %get3A_7 = vector.load %arg4[%get3A_5, %get3A_6] : memref<1024x256xf32, #tpu.memory_space<vmem>>, vector<1024x256xf32>
    %convert_element_type3A = arith.truncf %get3A_7 : vector<1024x256xf32> to vector<1024x256xbf16>
    %convert_element_type3A_8 = arith.extf %convert_element_type3A : vector<1024x256xbf16> to vector<1024x256xf32>
    %mul3A = vector.broadcast %get3A_0 : f32 to vector<1024x256xf32>
    %mul3A_9 = arith.mulf %mul3A, %convert_element_type3A_8 : vector<1024x256xf32>
    %get3A_10 = arith.constant 0 : index
    %get3A_11 = memref.load %arg1[%get3A_10] : memref<5xf32, #tpu.memory_space<smem>>
    %mul3A_12 = vector.broadcast %get3A_11 : f32 to vector<1024x256xf32>
    %mul3A_13 = arith.mulf %mul3A_12, %mul3A_9 : vector<1024x256xf32>
    %add3A = arith.addf %broadcast_in_dim3A_4, %mul3A_13 : vector<1024x256xf32>
    %sub3A = arith.subf %get3A_3, %mul3A_9 : vector<1024x256xf32>
    %get3A_14 = arith.constant 0 : index
    %get3A_15 = memref.load %arg1[%get3A_14] : memref<5xf32, #tpu.memory_space<smem>>
    %mul3A_16 = arith.mulf %sub3A, %sub3A : vector<1024x256xf32>
    %reduce_sum3A = vector.shape_cast %mul3A_16 : vector<1024x256xf32> to vector<1x1024x256xf32>
    %reduce_sum3A_17 = arith.constant dense<0.000000e+00> : vector<1xf32>
    %reduce_sum3A_18 = vector.multi_reduction <add>, %reduce_sum3A, %reduce_sum3A_17 [1, 2] : vector<1x1024x256xf32> to vector<1xf32>
    %reduce_sum3A_19 = vector.shape_cast %reduce_sum3A_18 : vector<1xf32> to vector<1x1x1xf32>
    %reduce_sum3A_20 = vector.extract %reduce_sum3A_19[0, 0, 0] : f32 from vector<1x1x1xf32>
    %mul3A_21 = arith.mulf %get3A_15, %reduce_sum3A_20 : f32
    %add3A_22 = arith.constant 0.000000e+00 : f32
    %add3A_23 = arith.addf %add3A_22, %mul3A_21 : f32
    %get3A_24 = arith.constant 0 : index
    %get3A_25 = arith.constant 0 : index
    %get3A_26 = vector.load %arg5[%get3A_24, %get3A_25] : memref<1024x256xf32, #tpu.memory_space<vmem>>, vector<1024x256xf32>
    %convert_element_type3A_27 = arith.truncf %get3A_26 : vector<1024x256xf32> to vector<1024x256xbf16>
    %convert_element_type3A_28 = arith.extf %convert_element_type3A_27 : vector<1024x256xbf16> to vector<1024x256xf32>
    %mul3A_29 = vector.broadcast %get3A_0 : f32 to vector<1024x256xf32>
    %mul3A_30 = arith.mulf %mul3A_29, %convert_element_type3A_28 : vector<1024x256xf32>
    %get3A_31 = arith.constant 1 : index
    %get3A_32 = memref.load %arg1[%get3A_31] : memref<5xf32, #tpu.memory_space<smem>>
    %mul3A_33 = vector.broadcast %get3A_32 : f32 to vector<1024x256xf32>
    %mul3A_34 = arith.mulf %mul3A_33, %mul3A_30 : vector<1024x256xf32>
    %add3A_35 = arith.addf %add3A, %mul3A_34 : vector<1024x256xf32>
    %sub3A_36 = arith.subf %get3A_3, %mul3A_30 : vector<1024x256xf32>
    %get3A_37 = arith.constant 1 : index
    %get3A_38 = memref.load %arg1[%get3A_37] : memref<5xf32, #tpu.memory_space<smem>>
    %mul3A_39 = arith.mulf %sub3A_36, %sub3A_36 : vector<1024x256xf32>
    %reduce_sum3A_40 = vector.shape_cast %mul3A_39 : vector<1024x256xf32> to vector<1x1024x256xf32>
    %reduce_sum3A_41 = arith.constant dense<0.000000e+00> : vector<1xf32>
    %reduce_sum3A_42 = vector.multi_reduction <add>, %reduce_sum3A_40, %reduce_sum3A_41 [1, 2] : vector<1x1024x256xf32> to vector<1xf32>
    %reduce_sum3A_43 = vector.shape_cast %reduce_sum3A_42 : vector<1xf32> to vector<1x1x1xf32>
    %reduce_sum3A_44 = vector.extract %reduce_sum3A_43[0, 0, 0] : f32 from vector<1x1x1xf32>
    %mul3A_45 = arith.mulf %get3A_38, %reduce_sum3A_44 : f32
    %add3A_46 = arith.addf %add3A_23, %mul3A_45 : f32
    %get3A_47 = arith.constant 0 : index
    %get3A_48 = arith.constant 0 : index
    %get3A_49 = vector.load %arg6[%get3A_47, %get3A_48] : memref<1024x256xf32, #tpu.memory_space<vmem>>, vector<1024x256xf32>
    %convert_element_type3A_50 = arith.truncf %get3A_49 : vector<1024x256xf32> to vector<1024x256xbf16>
    %convert_element_type3A_51 = arith.extf %convert_element_type3A_50 : vector<1024x256xbf16> to vector<1024x256xf32>
    %mul3A_52 = vector.broadcast %get3A_0 : f32 to vector<1024x256xf32>
    %mul3A_53 = arith.mulf %mul3A_52, %convert_element_type3A_51 : vector<1024x256xf32>
    %get3A_54 = arith.constant 2 : index
    %get3A_55 = memref.load %arg1[%get3A_54] : memref<5xf32, #tpu.memory_space<smem>>
    %mul3A_56 = vector.broadcast %get3A_55 : f32 to vector<1024x256xf32>
    %mul3A_57 = arith.mulf %mul3A_56, %mul3A_53 : vector<1024x256xf32>
    %add3A_58 = arith.addf %add3A_35, %mul3A_57 : vector<1024x256xf32>
    %sub3A_59 = arith.subf %get3A_3, %mul3A_53 : vector<1024x256xf32>
    %get3A_60 = arith.constant 2 : index
    %get3A_61 = memref.load %arg1[%get3A_60] : memref<5xf32, #tpu.memory_space<smem>>
    %mul3A_62 = arith.mulf %sub3A_59, %sub3A_59 : vector<1024x256xf32>
    %reduce_sum3A_63 = vector.shape_cast %mul3A_62 : vector<1024x256xf32> to vector<1x1024x256xf32>
    %reduce_sum3A_64 = arith.constant dense<0.000000e+00> : vector<1xf32>
    %reduce_sum3A_65 = vector.multi_reduction <add>, %reduce_sum3A_63, %reduce_sum3A_64 [1, 2] : vector<1x1024x256xf32> to vector<1xf32>
    %reduce_sum3A_66 = vector.shape_cast %reduce_sum3A_65 : vector<1xf32> to vector<1x1x1xf32>
    %reduce_sum3A_67 = vector.extract %reduce_sum3A_66[0, 0, 0] : f32 from vector<1x1x1xf32>
    %mul3A_68 = arith.mulf %get3A_61, %reduce_sum3A_67 : f32
    %add3A_69 = arith.addf %add3A_46, %mul3A_68 : f32
    %get3A_70 = arith.constant 0 : index
    %get3A_71 = arith.constant 0 : index
    %get3A_72 = vector.load %arg7[%get3A_70, %get3A_71] : memref<1024x256xf32, #tpu.memory_space<vmem>>, vector<1024x256xf32>
    %convert_element_type3A_73 = arith.truncf %get3A_72 : vector<1024x256xf32> to vector<1024x256xbf16>
    %convert_element_type3A_74 = arith.extf %convert_element_type3A_73 : vector<1024x256xbf16> to vector<1024x256xf32>
    %mul3A_75 = vector.broadcast %get3A_0 : f32 to vector<1024x256xf32>
    %mul3A_76 = arith.mulf %mul3A_75, %convert_element_type3A_74 : vector<1024x256xf32>
    %get3A_77 = arith.constant 3 : index
    %get3A_78 = memref.load %arg1[%get3A_77] : memref<5xf32, #tpu.memory_space<smem>>
    %mul3A_79 = vector.broadcast %get3A_78 : f32 to vector<1024x256xf32>
    %mul3A_80 = arith.mulf %mul3A_79, %mul3A_76 : vector<1024x256xf32>
    %add3A_81 = arith.addf %add3A_58, %mul3A_80 : vector<1024x256xf32>
    %sub3A_82 = arith.subf %get3A_3, %mul3A_76 : vector<1024x256xf32>
    %get3A_83 = arith.constant 3 : index
    %get3A_84 = memref.load %arg1[%get3A_83] : memref<5xf32, #tpu.memory_space<smem>>
    %mul3A_85 = arith.mulf %sub3A_82, %sub3A_82 : vector<1024x256xf32>
    %reduce_sum3A_86 = vector.shape_cast %mul3A_85 : vector<1024x256xf32> to vector<1x1024x256xf32>
    %reduce_sum3A_87 = arith.constant dense<0.000000e+00> : vector<1xf32>
    %reduce_sum3A_88 = vector.multi_reduction <add>, %reduce_sum3A_86, %reduce_sum3A_87 [1, 2] : vector<1x1024x256xf32> to vector<1xf32>
    %reduce_sum3A_89 = vector.shape_cast %reduce_sum3A_88 : vector<1xf32> to vector<1x1x1xf32>
    %reduce_sum3A_90 = vector.extract %reduce_sum3A_89[0, 0, 0] : f32 from vector<1x1x1xf32>
    %mul3A_91 = arith.mulf %get3A_84, %reduce_sum3A_90 : f32
    %add3A_92 = arith.addf %add3A_69, %mul3A_91 : f32
    %get3A_93 = arith.constant 0 : index
    %get3A_94 = arith.constant 0 : index
    %get3A_95 = vector.load %arg8[%get3A_93, %get3A_94] : memref<1024x256xf32, #tpu.memory_space<vmem>>, vector<1024x256xf32>
    %convert_element_type3A_96 = arith.truncf %get3A_95 : vector<1024x256xf32> to vector<1024x256xbf16>
    %convert_element_type3A_97 = arith.extf %convert_element_type3A_96 : vector<1024x256xbf16> to vector<1024x256xf32>
    %mul3A_98 = vector.broadcast %get3A_0 : f32 to vector<1024x256xf32>
    %mul3A_99 = arith.mulf %mul3A_98, %convert_element_type3A_97 : vector<1024x256xf32>
    %get3A_100 = arith.constant 4 : index
    %get3A_101 = memref.load %arg1[%get3A_100] : memref<5xf32, #tpu.memory_space<smem>>
    %mul3A_102 = vector.broadcast %get3A_101 : f32 to vector<1024x256xf32>
    %mul3A_103 = arith.mulf %mul3A_102, %mul3A_99 : vector<1024x256xf32>
    %add3A_104 = arith.addf %add3A_81, %mul3A_103 : vector<1024x256xf32>
    %sub3A_105 = arith.subf %get3A_3, %mul3A_99 : vector<1024x256xf32>
    %get3A_106 = arith.constant 4 : index
    %get3A_107 = memref.load %arg1[%get3A_106] : memref<5xf32, #tpu.memory_space<smem>>
    %mul3A_108 = arith.mulf %sub3A_105, %sub3A_105 : vector<1024x256xf32>
    %reduce_sum3A_109 = vector.shape_cast %mul3A_108 : vector<1024x256xf32> to vector<1x1024x256xf32>
    %reduce_sum3A_110 = arith.constant dense<0.000000e+00> : vector<1xf32>
    %reduce_sum3A_111 = vector.multi_reduction <add>, %reduce_sum3A_109, %reduce_sum3A_110 [1, 2] : vector<1x1024x256xf32> to vector<1xf32>
    %reduce_sum3A_112 = vector.shape_cast %reduce_sum3A_111 : vector<1xf32> to vector<1x1x1xf32>
    %reduce_sum3A_113 = vector.extract %reduce_sum3A_112[0, 0, 0] : f32 from vector<1x1x1xf32>
    %mul3A_114 = arith.mulf %get3A_107, %reduce_sum3A_113 : f32
    %add3A_115 = arith.addf %add3A_92, %mul3A_114 : f32
    %swap3A = arith.constant 0 : index
    %swap3A_116 = arith.constant 0 : index
    %swap3A_117 = vector.load %arg9[%swap3A, %swap3A_116] : memref<1024x256xf32, #tpu.memory_space<vmem>>, vector<1024x256xf32>
    tpu.vector_store %arg9[%swap3A, %swap3A_116], %add3A_104 {strides = array<i32>} : memref<1024x256xf32, #tpu.memory_space<vmem>>, vector<1024x256xf32>,
    %eq3A = arith.constant 0 : i32
    %eq3A_118 = arith.cmpi eq, %arg0, %eq3A : i32
    %convert_element_type3A_119 = arith.extui %eq3A_118 : i1 to i32
    %cond3A = arith.constant 0 : i32
    %cond3A_120 = arith.cmpi ne, %convert_element_type3A_119, %cond3A : i32
    scf.if %cond3A_120 {
      %broadcast_in_dim3A_130 = arith.constant 0.000000e+00 : f32
      %broadcast_in_dim3A_131 = vector.broadcast %broadcast_in_dim3A_130 : f32 to vector<1x1xf32>
      %swap3A_132 = arith.constant 0 : index
      %swap3A_133 = arith.constant 0 : index
      %swap3A_134 = vector.load %arg10[%swap3A_132, %swap3A_133] : memref<1x1xf32, #tpu.memory_space<vmem>>, vector<1x1xf32>
      tpu.vector_store %arg10[%swap3A_132, %swap3A_133], %broadcast_in_dim3A_131 {strides = array<i32>} : memref<1x1xf32, #tpu.memory_space<vmem>>, vector<1x1xf32>,
    } else {
    }
    %get3A_121 = arith.constant 0 : index
    %get3A_122 = arith.constant 0 : index
    %get3A_123 = vector.load %arg10[%get3A_121, %get3A_122] : memref<1x1xf32, #tpu.memory_space<vmem>>, vector<1x1xf32>
    %mul3A_124 = arith.constant 2.98023224E-7 : f32
    %mul3A_125 = arith.mulf %add3A_115, %mul3A_124 : f32
    %reshape3A = vector.broadcast %mul3A_125 : f32 to vector<1x1xf32>
    %add3A_126 = arith.addf %get3A_123, %reshape3A : vector<1x1xf32>
    %swap3A_127 = arith.constant 0 : index
    %swap3A_128 = arith.constant 0 : index
    %swap3A_129 = vector.load %arg10[%swap3A_127, %swap3A_128] : memref<1x1xf32, #tpu.memory_space<vmem>>, vector<1x1xf32>
    tpu.vector_store %arg10[%swap3A_127, %swap3A_128], %add3A_126 {strides = array<i32>} : memref<1x1xf32, #tpu.memory_space<vmem>>, vector<1x1xf32>,
    return
  }
  func.func @transform_0(%arg0: i32) -> i32 {
    %c0_i32 = arith.constant 0 : i32
    %c0_i32_0 = arith.constant 0 : i32
    return %c0_i32 : i32
  }
  func.func @transform_1(%arg0: i32) -> i32 {
    %c0_i32 = arith.constant 0 : i32
    %c0_i32_0 = arith.constant 0 : i32
    return %c0_i32 : i32
  }
  func.func @transform_2(%arg0: i32) -> (i32, i32) {
    %add3A = arith.constant 0 : i32
    %add3A_0 = arith.addi %arg0, %add3A : i32
    %c0_i32 = arith.constant 0 : i32
    %c0_i32_1 = arith.constant 0 : i32
    return %add3A_0, %c0_i32 : i32, i32
  }
  func.func @transform_3(%arg0: i32) -> (i32, i32) {
    %add3A = arith.constant 0 : i32
    %add3A_0 = arith.addi %arg0, %add3A : i32
    %c0_i32 = arith.constant 0 : i32
    %c0_i32_1 = arith.constant 0 : i32
    return %add3A_0, %c0_i32 : i32, i32
  }
  func.func @transform_4(%arg0: i32) -> (i32, i32) {
    %add3A = arith.constant 0 : i32
    %add3A_0 = arith.addi %arg0, %add3A : i32
    %c0_i32 = arith.constant 0 : i32
    %c0_i32_1 = arith.constant 0 : i32
    return %add3A_0, %c0_i32 : i32, i32
  }
  func.func @transform_5(%arg0: i32) -> (i32, i32) {
    %add3A = arith.constant 0 : i32
    %add3A_0 = arith.addi %arg0, %add3A : i32
    %c0_i32 = arith.constant 0 : i32
    %c0_i32_1 = arith.constant 0 : i32
    return %add3A_0, %c0_i32 : i32, i32
  }
  func.func @transform_6(%arg0: i32) -> (i32, i32) {
    %add3A = arith.constant 0 : i32
    %add3A_0 = arith.addi %arg0, %add3A : i32
    %c0_i32 = arith.constant 0 : i32
    %c0_i32_1 = arith.constant 0 : i32
    return %add3A_0, %c0_i32 : i32, i32
  }
  func.func @transform_7(%arg0: i32) -> (i32, i32) {
    %add3A = arith.constant 0 : i32
    %add3A_0 = arith.addi %arg0, %add3A : i32
    %c0_i32 = arith.constant 0 : i32
    %c0_i32_1 = arith.constant 0 : i32
    return %add3A_0, %c0_i32 : i32, i32
  }
  func.func @transform_8(%arg0: i32) -> (i32, i32) {
    %add3A = arith.constant 0 : i32
    %add3A_0 = arith.addi %arg0, %add3A : i32
    %c0_i32 = arith.constant 0 : i32
    %c0_i32_1 = arith.constant 0 : i32
    return %add3A_0, %c0_i32 : i32, i32
  }
  func.func @transform_9(%arg0: i32) -> (i32, i32) {
    %c0_i32 = arith.constant 0 : i32
    %c0_i32_0 = arith.constant 0 : i32
    %c0_i32_1 = arith.constant 0 : i32
    return %c0_i32, %c0_i32_0 : i32, i32
  }
}

</mosaic_0001>

<sc_bundles>
// kernel: kernel.14.cloned.1.call-start
scs
__scs_entry_jumppad:
0x0: {  	(pc) =	sbr.rel $0x88, $3  }
0x1: {  	(tag) =	ssettag $0x0;
	lr =	simm.s32 $0x1  }
0x2: {  	[smem:$0x3F99] =	sst lr;
	_ =	strace $0xD0000000  }
0x3: {  	_ = 	snop  }
0x4: {  	_ = 	snop  }
0x5: {  	_ = 	snop  }
0x6: {  	_ = 	snop  }
0x7: {  	_ = 	snop  }
__scs_overlays_trampoline_lowered:
0x8: {  	[smem:$0x3FA8] =	sst s0  }
0x9: {  	[smem:$0x3FA9] =	sst s1  }
0xa: {  	[smem:$0x3FAA] =	sst s2  }
0xb: {  	[smem:$0x3FAB] =	sst s3  }
0xc: {  	[smem:$0x3FAC] =	sst s4  }
0xd: {  	[smem:$0x3FAD] =	sst s5  }
0xe: {  	[smem:$0x3FAE] =	sst s6  }
0xf: {  	[smem:$0x3FAF] =	sst s7  }
0x10: {  	[smem:$0x3FB0] =	sst s8  }
0x11: {  	[smem:$0x3FB1] =	sst s9;
	s0 =	simm.s32 @!p0 $0x0  }
0x12: {  	s1 =	sld [smem:$0x3F97];
	s0 =	simm.s32 @p0 $0x1  }
0x13: {  	[smem:$0x3FB2] =	sst s0;
	s0 =	simm.s32 @!p1 $0x0  }
0x14: {  	s2 =	sld [smem:$0x3F96];
	s0 =	simm.s32 @p1 $0x1  }
0x15: {  	[smem:$0x3FB3] =	sst s0;
	s0 =	simm.s32 @!p2 $0x0  }
0x16: {  	s3 =	sld [smem:$0x3FDB];
	s0 =	simm.s32 @p2 $0x1  }
0x17: {  	s4 =	simm.s32 $0x1BF5;
	[smem:$0x3FB5] =	sst s0  }
0x18: {  	s0 =	sld [smem:$0x3F98];
	_ =	swait.ge [sflag:s4], $0x0  }
0x19: {  	s7 =	sld [smem:$0x3F99]  }
0x1a: {  	s8 =	sadd.s32 $0xFFFFE003, lr  }
0x1b: {  	s9 =	sadd.s32 $0xFFFFFEF7, lr;
	s5 =	simm.s32 $0xFFFFFFFF;
	p2 =	slt.u32 s8, $0xFFFFF086  }
0x1c: {  	p1 =	slt.u32 s9, $0xF7A;
	s5 =	simm.s32 @!p2 $0x0  }
0x1d: {  	s5 =	simm.s32 @p1 $0x1;
	p0 =	seq.s32 s7, s2  }
0x1e: {  	s7 =	smul.u32 @!p0 $0xF7A, s2;
	p2 =	seq.s32 @!p0 s5, $0x0  }
0x1f: {  	s9 =	smul.u32 $0xF7A, s1;
	s8 =	simm.s32 @!p0 $0x1BF5;
	p2 =	por !p2, p0  }
0x20: {  	[sflag:s8] =	ssyncset.s32 @!p0 $0xFFFFF086;
	s6 =	sadd.s32 @!p0 s3, s7;
	s7 =	simm.s32 @!p0 $0x108  }
0x21: {  	s3 =	sadd.s32 s3, s9;
	s6 =	sadd.s32 @!p0 $0x88, s6;
	s7 =	simm.s32 @p2 $0x1082  }
0x22: {  	[simem:s7], [sflag:s8] =	dma.local @!p0 [hbm:s6], $0xF7A  }
0x23: {  	s9 =	sor.u32 $0xD0000000, s2;
	s6 =	simm.s32 $0x108;
	_ =	swait.ge @!p0 [sflag:s8], $0x0  }
0x24: {  	s3 =	sadd.s32 $0x88, s3;
	s6 =	simm.s32 @!p1 $0x1082;
	[sflag:s4] =	ssyncset.s32 $0xFFFFF086  }
0x25: {  	[simem:s6], [sflag:s4] =	dma.local [hbm:s3], $0xF7A  }
0x26: {  	[smem:$0x3F99] =	sst s1;
	(tag) =	ssettag s2;
	_ =	strace s9  }
0x27: {  	s1 =	sld [smem:$0x3FA9]  }
0x28: {  	s2 =	sld [smem:$0x3FAA]  }
0x29: {  	s4 =	sld [smem:$0x3FAC]  }
0x2a: {  	p0 =	seq.s32 s5, $0x0;
	s5 =	sld [smem:$0x3FAD]  }
0x2b: {  	s6 =	sld [smem:$0x3FAE]  }
0x2c: {  	s7 =	sld [smem:$0x3FAF]  }
0x2d: {  	s3 =	simm.s32 $0x108;
	s8 =	sld [smem:$0x3FB0]  }
0x2e: {  	s3 =	simm.s32 @!p0 $0x1082;
	s9 =	sld [smem:$0x3FB1]  }
0x2f: {  	lr =	sadd.s32 s0, s3;
	s0 =	sld [smem:$0x3FA8]  }
0x30: {  	s3 =	sld [smem:$0x3FAB]  }
0x31: {  	[smem:$0x3FB4] =	sst s10  }
0x32: {  	s10 =	sld [smem:$0x3FB2];
	_ =	sdelay $0x3  }
0x33: {  	p0 =	seq.s32 s10, $0x1;
	s10 =	sld [smem:$0x3FB4];
	_ =	sdelay $0x3  }
0x34: {  	[smem:$0x3FB4] =	sst s10  }
0x35: {  	s10 =	sld [smem:$0x3FB3];
	_ =	sdelay $0x3  }
0x36: {  	p1 =	seq.s32 s10, $0x1;
	s10 =	sld [smem:$0x3FB4];
	_ =	sdelay $0x3  }
0x37: {  	[smem:$0x3FB4] =	sst s10  }
0x38: {  	s10 =	sld [smem:$0x3FB5]  }
0x39: {  	_ = 	snop;
	(pc) =	sbr.ind lr, $3  }
0x3a: {  	_ = 	snop  }
0x3b: {  	_ = 	snop  }
0x3c: {  	p2 =	seq.s32 s10, $0x1;
	s10 =	sld [smem:$0x3FB4]  }
0x3d: {  	_ =	shalt  }
0x3e: {  	_ =	shalt  }
0x3f: {  	_ =	shalt  }
0x40: {  	_ =	shalt  }
0x41: {  	_ =	shalt  }
0x42: {  	_ =	shalt  }
0x43: {  	_ =	shalt  }
0x44: {  	_ =	shalt  }
0x45: {  	_ =	shalt  }
0x46: {  	_ =	shalt  }
0x47: {  	_ =	shalt  }
0x48: {  	_ =	shalt  }
0x49: {  	_ =	shalt  }
0x4a: {  	_ =	shalt  }
0x4b: {  	_ =	shalt  }
0x4c: {  	_ =	shalt  }
0x4d: {  	_ =	shalt  }
0x4e: {  	_ =	shalt  }
0x4f: {  	_ =	shalt  }
0x50: {  	_ =	shalt  }
0x51: {  	_ =	shalt  }
0x52: {  	_ =	shalt  }
0x53: {  	_ =	shalt  }
0x54: {  	_ =	shalt  }
0x55: {  	_ =	shalt  }
0x56: {  	_ =	shalt  }
0x57: {  	_ =	shalt  }
0x58: {  	_ =	shalt  }
0x59: {  	_ =	shalt  }
0x5a: {  	_ =	shalt  }
0x5b: {  	_ =	shalt  }
0x5c: {  	_ =	shalt  }
0x5d: {  	_ =	shalt  }
0x5e: {  	_ =	shalt  }
0x5f: {  	_ =	shalt  }
0x60: {  	_ =	shalt  }
0x61: {  	_ =	shalt  }
0x62: {  	_ =	shalt  }
0x63: {  	_ =	shalt  }
0x64: {  	_ =	shalt  }
0x65: {  	_ =	shalt  }
0x66: {  	_ =	shalt  }
0x67: {  	_ =	shalt  }
0x68: {  	_ =	shalt  }
0x69: {  	_ =	shalt  }
0x6a: {  	_ =	shalt  }
0x6b: {  	_ =	shalt  }
0x6c: {  	_ =	shalt  }
0x6d: {  	_ =	shalt  }
0x6e: {  	_ =	shalt  }
0x6f: {  	_ =	shalt  }
0x70: {  	_ =	shalt  }
0x71: {  	_ =	shalt  }
0x72: {  	_ =	shalt  }
0x73: {  	_ =	shalt  }
0x74: {  	_ =	shalt  }
0x75: {  	_ =	shalt  }
0x76: {  	_ =	shalt  }
0x77: {  	_ =	shalt  }
0x78: {  	_ =	shalt  }
0x79: {  	_ =	shalt  }
0x7a: {  	_ =	shalt  }
0x7b: {  	_ =	shalt  }
0x7c: {  	_ =	shalt  }
0x7d: {  	_ =	shalt  }
0x7e: {  	_ =	shalt  }
0x7f: {  	_ =	shalt  }
0x80: {  	_ =	shalt  }
0x81: {  	_ =	shalt  }
0x82: {  	_ =	shalt  }
0x83: {  	_ =	shalt  }
0x84: {  	_ =	shalt  }
0x85: {  	_ =	shalt  }
0x86: {  	_ =	shalt  }
0x87: {  	_ =	shalt  }
.Lfunc_end0:
.L_simem_size_0:
called_computation_lowered:
.L_overlay_start_0:
0x88: {  	s2 =	sld [smem:$0x3FD9]  }
0x89: {  	s3 =	sld [smem:$0x3FFE];
	_ =	sdelay $0x1  }
0x8a: {  	s1 =	srdreg.scid  }
0x8b: {  	s0 =	sand.u32 $0x1, s1  }
0x8c: {  	s17 =	sshll.u32 s0, $0xA;
	s2 =	sadd.s32 s3, s2  }
0x8d: {  	s2 =	sadd.s32 s2, s17  }
0x8e: {  	[smem:$0x3FC0] =	sst s2  }
0x8f: {  	_ = 	snop  }
0x90: {  	(tm) =	ssettm $0x1  }
0x91: {  	s18 =	sld [smem:$0x3FFB];
	_ =	sdelay $0x3  }
0x92: {  	_ =	strace s18  }
0x93: {  	s2 =	sld [smem:$0x3FFC];
	_ =	sdelay $0x3  }
0x94: {  	_ =	strace s2  }
0x95: {  	s2 =	sld [smem:$0x3FFD];
	_ =	sdelay $0x3  }
0x96: {  	_ =	strace s2  }
0x97: {  	_ =	strace $0x8FFFFFFF  }
0x98: {  	s19 =	sld [smem:$0x3FDB];
	_ =	sdelay $0x1  }
0x99: {  	s20 =	simm.s32 $_scs_section_size  }
0x9a: {  	s4 =	simm.s32 $_size__tile_overlayer_lowered;
	s5 =	simm.s32 $_tile_overlayer_lowered  }
0x9b: {  	s6 =	simm.s32 $0x1BFF;
	s21 =	sshll.u32 s5, $0x1;
	s3 =	sadd.s32 s20, s19  }
0x9c: {  	s22 =	simm.s32 $0x0;
	s4 =	sshll.u32 s4, $0x1;
	s5 =	sadd.s32 s21, s3  }
0x9d: {  	[timem:s22], [sflag:s6] =	dma.local [hbm:s5], s4  }
0x9e: {  	_ =	swait.ge [sflag:s6], s4  }
0x9f: {  	s4 =	ssub.s32 $0x0, s4;
	[sflag:s6] =	ssyncset.done $0x0  }
0xa0: {  	[sflag:s6] =	ssyncadd.s32 s4;
	_ =	sdelay $0x1  }
0xa1: {  	s23 =	simm.s32 $0x1B8B  }
0xa2: {  	_ =	swait.ge [sflag:s23], $0x1  }
0xa3: {  	[sflag:s23] =	ssyncset.done $0x0  }
0xa4: {  	[sflag:s23] =	ssyncadd.s32 $0xFFFFFFFF  }
0xa5: {  	s4 =	sld [smem:$0x0]  }
0xa6: {  	s5 =	sand.u32 $0xFFFFFFFE, s1  }
0xa7: {  	p0 =	sne.s32 s1, s5  }
0xa8: {  	s5 =	sshll.u32 @p0 s5, $0xE  }
0xa9: {  	s5 =	sadd.s32 @p0 $0x11B8D, s5;
	s6 =	sshll.u32 @p0 s4, $0x11  }
0xaa: {  	s5 =	sor.u32 @p0 s6, s5  }
0xab: {  	[sflag:s5] =	ssyncadd.remote.s32 @p0 $0x1;
	_ =	sdelay $0x1  }
0xac: {  	s5 =	simm.s32 @p0 $0x1B8D  }
0xad: {  	_ =	swait.eq @p0 [sflag:s5], $0x1  }
0xae: {  	[sflag:s5] =	ssyncadd.s32 @p0 $0xFFFFFFFF  }
0xaf: {  	s6 =	sshll.u32 @!p0 s1, $0xE  }
0xb0: {  	s6 =	sor.u32 @!p0 $0x4000, s6;
	s5 =	simm.s32 @!p0 $0x1B8D  }
0xb1: {  	s4 =	sshll.u32 @!p0 s4, $0x11;
	s6 =	sadd.s32 @!p0 $0x11B8D, s6;
	_ =	swait.eq @!p0 [sflag:s5], $0x1  }
0xb2: {  	s4 =	sor.u32 @!p0 s4, s6;
	[sflag:s5] =	ssyncadd.s32 @!p0 $0xFFFFFFFF  }
0xb3: {  	s25 =	simm.s32 $0x1B8E;
	s24 =	sld [smem:$0x3FFE];
	[sflag:s4] =	ssyncadd.remote.s32 @!p0 $0x1  }
0xb4: {  	s26 =	simm.s32 $execute0_lowered;
	[smem:$0x3FD2] =	sst s25  }
0xb5: {  	s5 =	sshll.u32 s26, $0x1;
	_ =	strace $0x8000004C;
	[dreg:$0x1] =	wrdreg $0xFFFFFFFF  }
0xb6: {  	s28 =	simm.s32 $_size_execute0_lowered;
	s3 =	sadd.s32 s3, s5;
	[dreg:$0x0] =	wrdreg $0x0  }
0xb7: {  	s5 =	sshll.u32 s28, $0x1;
	[dreg:$0x2] =	wrdreg s3  }
0xb8: {  	[dreg:$0x3] =	wrdreg s5  }
0xb9: {  	[dreg:$0x4] =	wrdreg $0xC0  }
0xba: {  	_ =	task [dreg:s22], $0x5FFFF  }
0xbb: {  	[dreg:$0x1] =	wrdreg $0xFFFFFFFF  }
0xbc: {  	[dreg:$0x0] =	wrdreg $0x60  }
0xbd: {  	[dreg:$0x2] =	wrdreg s24  }
0xbe: {  	[dreg:$0x3] =	wrdreg $0x9  }
0xbf: {  	_ =	task.clear_ibuf [dreg:s22], $0x4FFFF;
	_ =	strace $0x9000004C  }
0xc0: {  	s29 =	simm.s32 $0x9;
	_ =	strace $0x8000004E  }
0xc1: {  	_ =	swait.ge [sflag:s29], $0x1  }
0xc2: {  	[sflag:s29] =	ssyncadd.s32 $0xFFFFFFFF  }
0xc3: {  	_ =	strace $0x9000004E  }
0xc4: {  	_ =	sfence  }
0xc5: {  	s30 =	sld [smem:$0x0];
	_ =	sdelay $0x2  }
0xc6: {  	s31 =	sshll.u32 s1, $0xD;
	s1 =	sshrl.u32 s1, $0x2  }
0xc7: {  	s4 =	sand.u32 $0x4000, s31;
	s1 =	sadd.s32 s1, s30  }
0xc8: {  	s0 =	sor.u32 s4, s0;
	s1 =	sshll.u32 s1, $0x11  }
0xc9: {  	s0 =	sor.u32 s1, s0  }
0xca: {  	s0 =	sadd.s32 $0x8F2B, s0  }
0xcb: {  	[sflag:s0] =	ssyncadd.remote.s32 $0x1  }
0xcc: {  	_ =	sfence.sel $0xFFFF  }
0xcd: {  	[dreg:$0x0] =	wrdreg $0xFFFFFFFF;
	(pc) =	sbr.abs _section_cstart, $3  }
0xce: {  	[dreg:$0x1] =	wrdreg $0xFFFFFFFF  }
0xcf: {  	_ =	task.clear_ibuf [dreg:s22], $0x2FFFF;
	_ =	strace $0x9FFFFFFF  }
0xd0: {  	(tm) =	ssettm $0x7FFFFFFF  }
0xd1: {  	_ =	shalt  }
tec
execute0_lowered:
.L_overlay_start_1:
0x0: {  	(tag) =	ssettag $0x1  }
0x1: {  	s0 =	rddreg [dreg:$0x0];
	s2 =	simm.s32 $0x0  }
0x2: {  	s1 =	srdreg.scid;
	s4 =	stileid.u32;
	s12 =	simm.s32 $0x1  }
0x3: {  	s14 =	simm.s32 $0x900;
	s15 =	simm.s32 $0x1100;
	s16 =	simm.s32 $0x1900  }
0x4: {  	s17 =	simm.s32 $0x2100;
	s18 =	simm.s32 $0x2900;
	s19 =	simm.s32 $0x3100  }
0x5: {  	s20 =	simm.s32 $0x3900;
	s21 =	simm.s32 $0x4100;
	s22 =	simm.s32 $0x4900  }
0x6: {  	s23 =	simm.s32 $0x5100;
	s28 =	simm.s32 $0x7100;
	s29 =	simm.s32 $0x7900  }
0x7: {  	s30 =	simm.s32 $0x8100;
	s31 =	simm.s32 $0x8900;
	s9 =	simm.s32 $0xB100  }
0x8: {  	s10 =	simm.s32 $0xB900;
	s11 =	simm.s32 $0xC100;
	[smem:$0x7FF] =	sst s2  }
0x9: {  	s1 =	sand.u32 $0x1, s1;
	s3 =	sadd.s32 $0x8DE00, s0;
	s6 =	sadd.s32 $0x14DE00, s0  }
0xa: {  	s4 =	sshll.u32 s4, $0xA;
	s0 =	sadd.s32 $0x14E600, s0;
	s5 =	sshll.u32 s1, $0x9  }
0xb: {  	_ =	strace $0x8000004D;
	s1 =	ssub.s32 $0x2, s1;
	s4 =	sor.u32 s5, s4  }
0xc: {  	s24 =	sshrl.u32 s1, $0x1;
	s5 =	simm.s32 $0x2;
	s7 =	sshrl.u32 s4, $0x3  }
0xd: {  	s8 =	sshll.u32 s4, $0x5;
	s4 =	sor.u32 $0x100, s4;
	s1 =	ssub.s32 s1, s24  }
0xe: {  	s24 =	simm.s32 $0x5900;
	s7 =	sadd.s32 s6, s7;
	s25 =	sadd.s32 s0, s8  }
0xf: {  	s26 =	sshrl.u32 s4, $0x3;
	s4 =	sshll.u32 s4, $0x5;
	[dreg:$0x2] =	wrdreg s7  }
0x10: {  	s8 =	simm.s32 $0xA900;
	[dreg:$0x3] =	wrdreg s25;
	s6 =	sadd.s32 s6, s26  }
0x11: {  	v2 =	vlaneseq.u32;
	s0 =	sadd.s32 s0, s4;
	s4 =	smax.u32 s1, $0x1;
	s25 =	simm.s32 $0x6100  }
0x12: {  	vm0 =	vmmov $0xffff;
	v1 =	vshrl.u32 v2, $0x3;
	s26 =	simm.s32 $0x6900;
	s1 =	simm.s32 $0x9900;
	[dreg:$0x4] =	wrdreg s6  }
0x13: {  	v0 =	vand.u32 $0x7, v2;
	v2 =	vor.u32 $0x8, v2;
	v1 =	vmul.u32 $0x8, v1;
	s7 =	simm.s32 $0xA100;
	[dreg:$0x5] =	wrdreg s0;
	s6 =	simm.s32 $0xC900  }
.LBB2_1:
0x14: {  	s13 =	rddreg [dreg:$0x2]  }
0x15: {  	[tilespmem:s2], [sflag:$0x2] =	stream.linear.gather [hbm4b:s13+s2], $0x100, $0x38;
	[tilespmem:$0x10100] =	vst v63  }
0x16: {  	_ =	swait.ge [sflag:s5], $0x100  }
0x17: {  	[sflag:s5] =	ssyncset.done $0x0  }
0x18: {  	[sflag:s5] =	ssyncadd.s32 $0xFFFFFF00  }
0x19: {  	v3 =	vld [tilespmem:$0x0];
	_ =	sdelay $0x4  }
0x1a: {  	v4 =	vshll.u32 v3, $0x1  }
0x1b: {  	v3 =	vand.u32 $0x7, v3;
	v4 =	vand.u32 $0xFFFFFFF0, v4  }
0x1c: {  	v3 =	vor.u32 v3, v4  }
0x1d: {  	v4 =	vperm.xlane v3, v0;
	_ =	sdelay $0x1  }
0x1e: {  	v3 =	vperm.xlane v3, v2;
	v4 =	vadd.s32 v1, v4;
	_ =	sdelay $0x1  }
0x1f: {  	v3 =	vadd.s32 v1, v3;
	_ =	sdelay $0x1  }
0x20: {  	s0 =	simm.s32 $0x100  }
0x21: {  	[tilespmem:s0], [sflag:$0x1] =	stream.indirect_vreg.gather [hbm4b:s3+s2], $0x80, v4, vm0, $0xb8;
	[tilespmem:$0x10100] =	vst v63  }
0x22: {  	_ = 	snop  }
0x23: {  	[tilespmem:s14], [sflag:$0x1] =	stream.indirect_vreg.gather [hbm4b:s3+s2], $0x80, v3, vm0, $0xb8;
	[tilespmem:$0x10100] =	vst v63  }
0x24: {  	v3 =	vld [tilespmem:$0x10];
	_ =	sdelay $0x4  }
0x25: {  	v33 =	vshll.u32 v3, $0x1  }
0x26: {  	v3 =	vand.u32 $0x7, v3;
	v4 =	vand.u32 $0xFFFFFFF0, v33  }
0x27: {  	v3 =	vor.u32 v3, v4  }
0x28: {  	v4 =	vperm.xlane v3, v0;
	_ =	sdelay $0x1  }
0x29: {  	v3 =	vperm.xlane v3, v2;
	v4 =	vadd.s32 v1, v4;
	_ =	sdelay $0x1  }
0x2a: {  	v3 =	vadd.s32 v1, v3;
	_ =	sdelay $0x2  }
0x2b: {  	[tilespmem:s15], [sflag:$0x1] =	stream.indirect_vreg.gather [hbm4b:s3+s2], $0x80, v4, vm0, $0xb8;
	[tilespmem:$0x10100] =	vst v63  }
0x2c: {  	_ = 	snop  }
0x2d: {  	[tilespmem:s16], [sflag:$0x1] =	stream.indirect_vreg.gather [hbm4b:s3+s2], $0x80, v3, vm0, $0xb8;
	[tilespmem:$0x10100] =	vst v63  }
0x2e: {  	v3 =	vld [tilespmem:$0x20];
	_ =	sdelay $0x4  }
0x2f: {  	v34 =	vshll.u32 v3, $0x1  }
0x30: {  	v3 =	vand.u32 $0x7, v3;
	v4 =	vand.u32 $0xFFFFFFF0, v34  }
0x31: {  	v3 =	vor.u32 v3, v4  }
0x32: {  	v4 =	vperm.xlane v3, v0;
	_ =	sdelay $0x1  }
0x33: {  	v3 =	vperm.xlane v3, v2;
	v4 =	vadd.s32 v1, v4;
	_ =	sdelay $0x1  }
0x34: {  	v3 =	vadd.s32 v1, v3;
	_ =	sdelay $0x2  }
0x35: {  	[tilespmem:s17], [sflag:$0x1] =	stream.indirect_vreg.gather [hbm4b:s3+s2], $0x80, v4, vm0, $0xb8;
	[tilespmem:$0x10100] =	vst v63  }
0x36: {  	_ = 	snop  }
0x37: {  	[tilespmem:s18], [sflag:$0x1] =	stream.indirect_vreg.gather [hbm4b:s3+s2], $0x80, v3, vm0, $0xb8;
	[tilespmem:$0x10100] =	vst v63  }
0x38: {  	v3 =	vld [tilespmem:$0x30];
	_ =	sdelay $0x4  }
0x39: {  	v35 =	vshll.u32 v3, $0x1  }
0x3a: {  	v3 =	vand.u32 $0x7, v3;
	v4 =	vand.u32 $0xFFFFFFF0, v35  }
0x3b: {  	v3 =	vor.u32 v3, v4  }
0x3c: {  	v4 =	vperm.xlane v3, v0;
	_ =	sdelay $0x1  }
0x3d: {  	v3 =	vperm.xlane v3, v2;
	v4 =	vadd.s32 v1, v4;
	_ =	sdelay $0x1  }
0x3e: {  	v3 =	vadd.s32 v1, v3;
	_ =	sdelay $0x2  }
0x3f: {  	[tilespmem:s19], [sflag:$0x1] =	stream.indirect_vreg.gather [hbm4b:s3+s2], $0x80, v4, vm0, $0xb8;
	[tilespmem:$0x10100] =	vst v63  }
0x40: {  	_ = 	snop  }
0x41: {  	[tilespmem:s20], [sflag:$0x1] =	stream.indirect_vreg.gather [hbm4b:s3+s2], $0x80, v3, vm0, $0xb8;
	[tilespmem:$0x10100] =	vst v63  }
0x42: {  	v3 =	vld [tilespmem:$0x40];
	_ =	sdelay $0x4  }
0x43: {  	v36 =	vshll.u32 v3, $0x1  }
0x44: {  	v3 =	vand.u32 $0x7, v3;
	v4 =	vand.u32 $0xFFFFFFF0, v36  }
0x45: {  	v3 =	vor.u32 v3, v4  }
0x46: {  	v4 =	vperm.xlane v3, v0;
	_ =	sdelay $0x1  }
0x47: {  	v3 =	vperm.xlane v3, v2;
	v4 =	vadd.s32 v1, v4;
	_ =	sdelay $0x1  }
0x48: {  	v3 =	vadd.s32 v1, v3;
	_ =	sdelay $0x2  }
0x49: {  	[tilespmem:s21], [sflag:$0x1] =	stream.indirect_vreg.gather [hbm4b:s3+s2], $0x80, v4, vm0, $0xb8;
	[tilespmem:$0x10100] =	vst v63  }
0x4a: {  	_ = 	snop  }
0x4b: {  	[tilespmem:s22], [sflag:$0x1] =	stream.indirect_vreg.gather [hbm4b:s3+s2], $0x80, v3, vm0, $0xb8;
	[tilespmem:$0x10100] =	vst v63  }
0x4c: {  	v3 =	vld [tilespmem:$0x50];
	_ =	sdelay $0x4  }
0x4d: {  	v37 =	vshll.u32 v3, $0x1  }
0x4e: {  	v3 =	vand.u32 $0x7, v3;
	v4 =	vand.u32 $0xFFFFFFF0, v37  }
0x4f: {  	v3 =	vor.u32 v3, v4  }
0x50: {  	v4 =	vperm.xlane v3, v0;
	_ =	sdelay $0x1  }
0x51: {  	v3 =	vperm.xlane v3, v2;
	v4 =	vadd.s32 v1, v4;
	_ =	sdelay $0x1  }
0x52: {  	v3 =	vadd.s32 v1, v3;
	_ =	sdelay $0x2  }
0x53: {  	[tilespmem:s23], [sflag:$0x1] =	stream.indirect_vreg.gather [hbm4b:s3+s2], $0x80, v4, vm0, $0xb8;
	[tilespmem:$0x10100] =	vst v63  }
0x54: {  	_ = 	snop  }
0x55: {  	[tilespmem:s24], [sflag:$0x1] =	stream.indirect_vreg.gather [hbm4b:s3+s2], $0x80, v3, vm0, $0xb8;
	[tilespmem:$0x10100] =	vst v63  }
0x56: {  	v3 =	vld [tilespmem:$0x60];
	_ =	sdelay $0x4  }
0x57: {  	v38 =	vshll.u32 v3, $0x1  }
0x58: {  	v3 =	vand.u32 $0x7, v3;
	v4 =	vand.u32 $0xFFFFFFF0, v38  }
0x59: {  	v3 =	vor.u32 v3, v4  }
0x5a: {  	v4 =	vperm.xlane v3, v0;
	_ =	sdelay $0x1  }
0x5b: {  	v3 =	vperm.xlane v3, v2;
	v4 =	vadd.s32 v1, v4;
	_ =	sdelay $0x1  }
0x5c: {  	v3 =	vadd.s32 v1, v3;
	_ =	sdelay $0x2  }
0x5d: {  	[tilespmem:s25], [sflag:$0x1] =	stream.indirect_vreg.gather [hbm4b:s3+s2], $0x80, v4, vm0, $0xb8;
	[tilespmem:$0x10100] =	vst v63  }
0x5e: {  	_ = 	snop  }
0x5f: {  	[tilespmem:s26], [sflag:$0x1] =	stream.indirect_vreg.gather [hbm4b:s3+s2], $0x80, v3, vm0, $0xb8;
	[tilespmem:$0x10100] =	vst v63  }
0x60: {  	v3 =	vld [tilespmem:$0x70];
	_ =	sdelay $0x4  }
0x61: {  	v39 =	vshll.u32 v3, $0x1  }
0x62: {  	v3 =	vand.u32 $0x7, v3;
	v4 =	vand.u32 $0xFFFFFFF0, v39  }
0x63: {  	v3 =	vor.u32 v3, v4  }
0x64: {  	v4 =	vperm.xlane v3, v0;
	_ =	sdelay $0x1  }
0x65: {  	v3 =	vperm.xlane v3, v2;
	v4 =	vadd.s32 v1, v4;
	_ =	sdelay $0x1  }
0x66: {  	v3 =	vadd.s32 v1, v3;
	_ =	sdelay $0x2  }
0x67: {  	[tilespmem:s28], [sflag:$0x1] =	stream.indirect_vreg.gather [hbm4b:s3+s2], $0x80, v4, vm0, $0xb8;
	[tilespmem:$0x10100] =	vst v63  }
0x68: {  	_ = 	snop  }
0x69: {  	[tilespmem:s29], [sflag:$0x1] =	stream.indirect_vreg.gather [hbm4b:s3+s2], $0x80, v3, vm0, $0xb8;
	[tilespmem:$0x10100] =	vst v63  }
0x6a: {  	v3 =	vld [tilespmem:$0x80];
	_ =	sdelay $0x4  }
0x6b: {  	v40 =	vshll.u32 v3, $0x1  }
0x6c: {  	v3 =	vand.u32 $0x7, v3;
	v4 =	vand.u32 $0xFFFFFFF0, v40  }
0x6d: {  	v3 =	vor.u32 v3, v4  }
0x6e: {  	v4 =	vperm.xlane v3, v0;
	_ =	sdelay $0x1  }
0x6f: {  	v3 =	vperm.xlane v3, v2;
	v4 =	vadd.s32 v1, v4;
	_ =	sdelay $0x1  }
0x70: {  	v3 =	vadd.s32 v1, v3;
	_ =	sdelay $0x2  }
0x71: {  	[tilespmem:s30], [sflag:$0x1] =	stream.indirect_vreg.gather [hbm4b:s3+s2], $0x80, v4, vm0, $0xb8;
	[tilespmem:$0x10100] =	vst v63  }
0x72: {  	_ = 	snop  }
0x73: {  	[tilespmem:s31], [sflag:$0x1] =	stream.indirect_vreg.gather [hbm4b:s3+s2], $0x80, v3, vm0, $0xb8;
	[tilespmem:$0x10100] =	vst v63  }
0x74: {  	v3 =	vld [tilespmem:$0x90];
	_ =	sdelay $0x4  }
0x75: {  	v41 =	vshll.u32 v3, $0x1  }
0x76: {  	v3 =	vand.u32 $0x7, v3;
	v4 =	vand.u32 $0xFFFFFFF0, v41  }
0x77: {  	v3 =	vor.u32 v3, v4  }
0x78: {  	v4 =	vperm.xlane v3, v0;
	_ =	sdelay $0x1  }
0x79: {  	v3 =	vperm.xlane v3, v2;
	v4 =	vadd.s32 v1, v4;
	_ =	sdelay $0x1  }
0x7a: {  	v3 =	vadd.s32 v1, v3;
	_ =	sdelay $0x1  }
0x7b: {  	s13 =	simm.s32 $0x9100  }
0x7c: {  	[tilespmem:s13], [sflag:$0x1] =	stream.indirect_vreg.gather [hbm4b:s3+s2], $0x80, v4, vm0, $0xb8;
	[tilespmem:$0x10100] =	vst v63  }
0x7d: {  	_ = 	snop  }
0x7e: {  	[tilespmem:s1], [sflag:$0x1] =	stream.indirect_vreg.gather [hbm4b:s3+s2], $0x80, v3, vm0, $0xb8;
	[tilespmem:$0x10100] =	vst v63  }
0x7f: {  	v3 =	vld [tilespmem:$0xA0];
	_ =	sdelay $0x4  }
0x80: {  	v42 =	vshll.u32 v3, $0x1  }
0x81: {  	v3 =	vand.u32 $0x7, v3;
	v4 =	vand.u32 $0xFFFFFFF0, v42  }
0x82: {  	v3 =	vor.u32 v3, v4  }
0x83: {  	v4 =	vperm.xlane v3, v0;
	_ =	sdelay $0x1  }
0x84: {  	v3 =	vperm.xlane v3, v2;
	v4 =	vadd.s32 v1, v4;
	_ =	sdelay $0x1  }
0x85: {  	v3 =	vadd.s32 v1, v3;
	_ =	sdelay $0x2  }
0x86: {  	[tilespmem:s7], [sflag:$0x1] =	stream.indirect_vreg.gather [hbm4b:s3+s2], $0x80, v4, vm0, $0xb8;
	[tilespmem:$0x10100] =	vst v63  }
0x87: {  	_ = 	snop  }
0x88: {  	[tilespmem:s8], [sflag:$0x1] =	stream.indirect_vreg.gather [hbm4b:s3+s2], $0x80, v3, vm0, $0xb8;
	[tilespmem:$0x10100] =	vst v63  }
0x89: {  	v3 =	vld [tilespmem:$0xB0];
	_ =	sdelay $0x4  }
0x8a: {  	v43 =	vshll.u32 v3, $0x1  }
0x8b: {  	v3 =	vand.u32 $0x7, v3;
	v4 =	vand.u32 $0xFFFFFFF0, v43  }
0x8c: {  	v3 =	vor.u32 v3, v4  }
0x8d: {  	v4 =	vperm.xlane v3, v0;
	_ =	sdelay $0x1  }
0x8e: {  	v3 =	vperm.xlane v3, v2;
	v4 =	vadd.s32 v1, v4;
	_ =	sdelay $0x1  }
0x8f: {  	v3 =	vadd.s32 v1, v3;
	_ =	sdelay $0x2  }
0x90: {  	[tilespmem:s9], [sflag:$0x1] =	stream.indirect_vreg.gather [hbm4b:s3+s2], $0x80, v4, vm0, $0xb8;
	[tilespmem:$0x10100] =	vst v63  }
0x91: {  	_ = 	snop  }
0x92: {  	[tilespmem:s10], [sflag:$0x1] =	stream.indirect_vreg.gather [hbm4b:s3+s2], $0x80, v3, vm0, $0xb8;
	[tilespmem:$0x10100] =	vst v63  }
0x93: {  	v3 =	vld [tilespmem:$0xC0];
	_ =	sdelay $0x4  }
0x94: {  	v44 =	vshll.u32 v3, $0x1  }
0x95: {  	v3 =	vand.u32 $0x7, v3;
	v4 =	vand.u32 $0xFFFFFFF0, v44  }
0x96: {  	v3 =	vor.u32 v3, v4  }
0x97: {  	v4 =	vperm.xlane v3, v0;
	_ =	sdelay $0x1  }
0x98: {  	v3 =	vperm.xlane v3, v2;
	v4 =	vadd.s32 v1, v4;
	_ =	sdelay $0x1  }
0x99: {  	v3 =	vadd.s32 v1, v3;
	_ =	sdelay $0x2  }
0x9a: {  	[tilespmem:s11], [sflag:$0x1] =	stream.indirect_vreg.gather [hbm4b:s3+s2], $0x80, v4, vm0, $0xb8;
	[tilespmem:$0x10100] =	vst v63  }
0x9b: {  	_ = 	snop  }
0x9c: {  	[tilespmem:s6], [sflag:$0x1] =	stream.indirect_vreg.gather [hbm4b:s3+s2], $0x80, v3, vm0, $0xb8;
	[tilespmem:$0x10100] =	vst v63  }
0x9d: {  	v3 =	vld [tilespmem:$0xD0];
	_ =	sdelay $0x4  }
0x9e: {  	v45 =	vshll.u32 v3, $0x1  }
0x9f: {  	v3 =	vand.u32 $0x7, v3;
	v4 =	vand.u32 $0xFFFFFFF0, v45  }
0xa0: {  	v3 =	vor.u32 v3, v4  }
0xa1: {  	v4 =	vperm.xlane v3, v0;
	_ =	sdelay $0x1  }
0xa2: {  	v3 =	vperm.xlane v3, v2;
	v4 =	vadd.s32 v1, v4;
	_ =	sdelay $0x1  }
0xa3: {  	v3 =	vadd.s32 v1, v3;
	_ =	sdelay $0x1  }
0xa4: {  	s13 =	simm.s32 $0xD100  }
0xa5: {  	[tilespmem:s13], [sflag:$0x1] =	stream.indirect_vreg.gather [hbm4b:s3+s2], $0x80, v4, vm0, $0xb8;
	[tilespmem:$0x10100] =	vst v63  }
0xa6: {  	s13 =	simm.s32 $0xD900  }
0xa7: {  	[tilespmem:s13], [sflag:$0x1] =	stream.indirect_vreg.gather [hbm4b:s3+s2], $0x80, v3, vm0, $0xb8;
	[tilespmem:$0x10100] =	vst v63  }
0xa8: {  	v3 =	vld [tilespmem:$0xE0];
	_ =	sdelay $0x4  }
0xa9: {  	v46 =	vshll.u32 v3, $0x1  }
0xaa: {  	v3 =	vand.u32 $0x7, v3;
	v4 =	vand.u32 $0xFFFFFFF0, v46  }
0xab: {  	v3 =	vor.u32 v3, v4  }
0xac: {  	v4 =	vperm.xlane v3, v0;
	_ =	sdelay $0x1  }
0xad: {  	v3 =	vperm.xlane v3, v2;
	v4 =	vadd.s32 v1, v4;
	_ =	sdelay $0x1  }
0xae: {  	v3 =	vadd.s32 v1, v3;
	_ =	sdelay $0x1  }
0xaf: {  	s13 =	simm.s32 $0xE100  }
0xb0: {  	[tilespmem:s13], [sflag:$0x1] =	stream.indirect_vreg.gather [hbm4b:s3+s2], $0x80, v4, vm0, $0xb8;
	[tilespmem:$0x10100] =	vst v63  }
0xb1: {  	s13 =	simm.s32 $0xE900  }
0xb2: {  	[tilespmem:s13], [sflag:$0x1] =	stream.indirect_vreg.gather [hbm4b:s3+s2], $0x80, v3, vm0, $0xb8;
	[tilespmem:$0x10100] =	vst v63  }
0xb3: {  	v3 =	vld [tilespmem:$0xF0];
	_ =	sdelay $0x4  }
0xb4: {  	v47 =	vshll.u32 v3, $0x1  }
0xb5: {  	v3 =	vand.u32 $0x7, v3;
	v4 =	vand.u32 $0xFFFFFFF0, v47  }
0xb6: {  	v3 =	vor.u32 v3, v4  }
0xb7: {  	v4 =	vperm.xlane v3, v0;
	_ =	sdelay $0x1  }
0xb8: {  	v3 =	vperm.xlane v3, v2;
	v4 =	vadd.s32 v1, v4;
	_ =	sdelay $0x1  }
0xb9: {  	v3 =	vadd.s32 v1, v3;
	_ =	sdelay $0x1  }
0xba: {  	s13 =	simm.s32 $0xF100  }
0xbb: {  	[tilespmem:s13], [sflag:$0x1] =	stream.indirect_vreg.gather [hbm4b:s3+s2], $0x80, v4, vm0, $0xb8;
	[tilespmem:$0x10100] =	vst v63  }
0xbc: {  	s13 =	simm.s32 $0xF900  }
0xbd: {  	[tilespmem:s13], [sflag:$0x1] =	stream.indirect_vreg.gather [hbm4b:s3+s2], $0x80, v3, vm0, $0xb8;
	[tilespmem:$0x10100] =	vst v63  }
0xbe: {  	_ =	swait.ge [sflag:s12], $0x10000  }
0xbf: {  	[sflag:s12] =	ssyncset.done $0x0  }
0xc0: {  	s0 =	simm.s32 $0x100;
	s13 =	rddreg [dreg:$0x3];
	[sflag:s12] =	ssyncadd.s32 $0xFFFF0000  }
0xc1: {  	[hbm4b:s13+s2] =	stream.linear.scatter [tilespmem:s0], [sflag:$0x2], $0x10000, $0x38;
	[tilespmem:$0x10100] =	vst v63  }
0xc2: {  	_ =	swait.ge [sflag:s5], $0x10000  }
0xc3: {  	[sflag:s5] =	ssyncset.done $0x0  }
0xc4: {  	s13 =	rddreg [dreg:$0x4];
	[sflag:s5] =	ssyncadd.s32 $0xFFFF0000  }
0xc5: {  	[tilespmem:s2], [sflag:$0x2] =	stream.linear.gather [hbm4b:s13+s2], $0x100, $0x38;
	[tilespmem:$0x10100] =	vst v63  }
0xc6: {  	_ =	swait.ge [sflag:s5], $0x100  }
0xc7: {  	[sflag:s5] =	ssyncset.done $0x0  }
0xc8: {  	[sflag:s5] =	ssyncadd.s32 $0xFFFFFF00  }
0xc9: {  	v3 =	vld [tilespmem:$0x0];
	_ =	sdelay $0x4  }
0xca: {  	v48 =	vshll.u32 v3, $0x1  }
0xcb: {  	v3 =	vand.u32 $0x7, v3;
	v4 =	vand.u32 $0xFFFFFFF0, v48  }
0xcc: {  	v3 =	vor.u32 v3, v4  }
0xcd: {  	v4 =	vperm.xlane v3, v0;
	_ =	sdelay $0x1  }
0xce: {  	v3 =	vperm.xlane v3, v2;
	v4 =	vadd.s32 v1, v4;
	_ =	sdelay $0x1  }
0xcf: {  	v3 =	vadd.s32 v1, v3;
	_ =	sdelay $0x2  }
0xd0: {  	[tilespmem:s0], [sflag:$0x1] =	stream.indirect_vreg.gather [hbm4b:s3+s2], $0x80, v4, vm0, $0xb8;
	[tilespmem:$0x10100] =	vst v63  }
0xd1: {  	_ = 	snop  }
0xd2: {  	[tilespmem:s14], [sflag:$0x1] =	stream.indirect_vreg.gather [hbm4b:s3+s2], $0x80, v3, vm0, $0xb8;
	[tilespmem:$0x10100] =	vst v63  }
0xd3: {  	v3 =	vld [tilespmem:$0x10];
	_ =	sdelay $0x4  }
0xd4: {  	v49 =	vshll.u32 v3, $0x1  }
0xd5: {  	v3 =	vand.u32 $0x7, v3;
	v4 =	vand.u32 $0xFFFFFFF0, v49  }
0xd6: {  	v3 =	vor.u32 v3, v4  }
0xd7: {  	v4 =	vperm.xlane v3, v0;
	_ =	sdelay $0x1  }
0xd8: {  	v3 =	vperm.xlane v3, v2;
	v4 =	vadd.s32 v1, v4;
	_ =	sdelay $0x1  }
0xd9: {  	v3 =	vadd.s32 v1, v3;
	_ =	sdelay $0x2  }
0xda: {  	[tilespmem:s15], [sflag:$0x1] =	stream.indirect_vreg.gather [hbm4b:s3+s2], $0x80, v4, vm0, $0xb8;
	[tilespmem:$0x10100] =	vst v63  }
0xdb: {  	_ = 	snop  }
0xdc: {  	[tilespmem:s16], [sflag:$0x1] =	stream.indirect_vreg.gather [hbm4b:s3+s2], $0x80, v3, vm0, $0xb8;
	[tilespmem:$0x10100] =	vst v63  }
0xdd: {  	v3 =	vld [tilespmem:$0x20];
	_ =	sdelay $0x4  }
0xde: {  	v50 =	vshll.u32 v3, $0x1  }
0xdf: {  	v3 =	vand.u32 $0x7, v3;
	v4 =	vand.u32 $0xFFFFFFF0, v50  }
0xe0: {  	v3 =	vor.u32 v3, v4  }
0xe1: {  	v4 =	vperm.xlane v3, v0;
	_ =	sdelay $0x1  }
0xe2: {  	v3 =	vperm.xlane v3, v2;
	v4 =	vadd.s32 v1, v4;
	_ =	sdelay $0x1  }
0xe3: {  	v3 =	vadd.s32 v1, v3;
	_ =	sdelay $0x2  }
0xe4: {  	[tilespmem:s17], [sflag:$0x1] =	stream.indirect_vreg.gather [hbm4b:s3+s2], $0x80, v4, vm0, $0xb8;
	[tilespmem:$0x10100] =	vst v63  }
0xe5: {  	_ = 	snop  }
0xe6: {  	[tilespmem:s18], [sflag:$0x1] =	stream.indirect_vreg.gather [hbm4b:s3+s2], $0x80, v3, vm0, $0xb8;
	[tilespmem:$0x10100] =	vst v63  }
0xe7: {  	v3 =	vld [tilespmem:$0x30];
	_ =	sdelay $0x4  }
0xe8: {  	v51 =	vshll.u32 v3, $0x1  }
0xe9: {  	v3 =	vand.u32 $0x7, v3;
	v4 =	vand.u32 $0xFFFFFFF0, v51  }
0xea: {  	v3 =	vor.u32 v3, v4  }
0xeb: {  	v4 =	vperm.xlane v3, v0;
	_ =	sdelay $0x1  }
0xec: {  	v3 =	vperm.xlane v3, v2;
	v4 =	vadd.s32 v1, v4;
	_ =	sdelay $0x1  }
0xed: {  	v3 =	vadd.s32 v1, v3;
	_ =	sdelay $0x2  }
0xee: {  	[tilespmem:s19], [sflag:$0x1] =	stream.indirect_vreg.gather [hbm4b:s3+s2], $0x80, v4, vm0, $0xb8;
	[tilespmem:$0x10100] =	vst v63  }
0xef: {  	_ = 	snop  }
0xf0: {  	[tilespmem:s20], [sflag:$0x1] =	stream.indirect_vreg.gather [hbm4b:s3+s2], $0x80, v3, vm0, $0xb8;
	[tilespmem:$0x10100] =	vst v63  }
0xf1: {  	v3 =	vld [tilespmem:$0x40];
	_ =	sdelay $0x4  }
0xf2: {  	v52 =	vshll.u32 v3, $0x1  }
0xf3: {  	v3 =	vand.u32 $0x7, v3;
	v4 =	vand.u32 $0xFFFFFFF0, v52  }
0xf4: {  	v3 =	vor.u32 v3, v4  }
0xf5: {  	v4 =	vperm.xlane v3, v0;
	_ =	sdelay $0x1  }
0xf6: {  	v3 =	vperm.xlane v3, v2;
	v4 =	vadd.s32 v1, v4;
	_ =	sdelay $0x1  }
0xf7: {  	v3 =	vadd.s32 v1, v3;
	_ =	sdelay $0x2  }
0xf8: {  	[tilespmem:s21], [sflag:$0x1] =	stream.indirect_vreg.gather [hbm4b:s3+s2], $0x80, v4, vm0, $0xb8;
	[tilespmem:$0x10100] =	vst v63  }
0xf9: {  	_ = 	snop  }
0xfa: {  	[tilespmem:s22], [sflag:$0x1] =	stream.indirect_vreg.gather [hbm4b:s3+s2], $0x80, v3, vm0, $0xb8;
	[tilespmem:$0x10100] =	vst v63  }
0xfb: {  	v3 =	vld [tilespmem:$0x50];
	_ =	sdelay $0x4  }
0xfc: {  	v53 =	vshll.u32 v3, $0x1  }
0xfd: {  	v3 =	vand.u32 $0x7, v3;
	v4 =	vand.u32 $0xFFFFFFF0, v53  }
0xfe: {  	v3 =	vor.u32 v3, v4  }
0xff: {  	v4 =	vperm.xlane v3, v0;
	_ =	sdelay $0x1  }
0x100: {  	v3 =	vperm.xlane v3, v2;
	v4 =	vadd.s32 v1, v4;
	_ =	sdelay $0x1  }
0x101: {  	v3 =	vadd.s32 v1, v3;
	_ =	sdelay $0x2  }
0x102: {  	[tilespmem:s23], [sflag:$0x1] =	stream.indirect_vreg.gather [hbm4b:s3+s2], $0x80, v4, vm0, $0xb8;
	[tilespmem:$0x10100] =	vst v63  }
0x103: {  	_ = 	snop  }
0x104: {  	[tilespmem:s24], [sflag:$0x1] =	stream.indirect_vreg.gather [hbm4b:s3+s2], $0x80, v3, vm0, $0xb8;
	[tilespmem:$0x10100] =	vst v63  }
0x105: {  	v3 =	vld [tilespmem:$0x60];
	_ =	sdelay $0x4  }
0x106: {  	v54 =	vshll.u32 v3, $0x1  }
0x107: {  	v3 =	vand.u32 $0x7, v3;
	v4 =	vand.u32 $0xFFFFFFF0, v54  }
0x108: {  	v3 =	vor.u32 v3, v4  }
0x109: {  	v4 =	vperm.xlane v3, v0;
	_ =	sdelay $0x1  }
0x10a: {  	v3 =	vperm.xlane v3, v2;
	v4 =	vadd.s32 v1, v4;
	_ =	sdelay $0x1  }
0x10b: {  	v3 =	vadd.s32 v1, v3;
	_ =	sdelay $0x2  }
0x10c: {  	[tilespmem:s25], [sflag:$0x1] =	stream.indirect_vreg.gather [hbm4b:s3+s2], $0x80, v4, vm0, $0xb8;
	[tilespmem:$0x10100] =	vst v63  }
0x10d: {  	_ = 	snop  }
0x10e: {  	[tilespmem:s26], [sflag:$0x1] =	stream.indirect_vreg.gather [hbm4b:s3+s2], $0x80, v3, vm0, $0xb8;
	[tilespmem:$0x10100] =	vst v63  }
0x10f: {  	v3 =	vld [tilespmem:$0x70];
	_ =	sdelay $0x4  }
0x110: {  	v55 =	vshll.u32 v3, $0x1  }
0x111: {  	v3 =	vand.u32 $0x7, v3;
	v4 =	vand.u32 $0xFFFFFFF0, v55  }
0x112: {  	v3 =	vor.u32 v3, v4  }
0x113: {  	v4 =	vperm.xlane v3, v0;
	_ =	sdelay $0x1  }
0x114: {  	v3 =	vperm.xlane v3, v2;
	v4 =	vadd.s32 v1, v4;
	_ =	sdelay $0x1  }
0x115: {  	v3 =	vadd.s32 v1, v3;
	_ =	sdelay $0x2  }
0x116: {  	[tilespmem:s28], [sflag:$0x1] =	stream.indirect_vreg.gather [hbm4b:s3+s2], $0x80, v4, vm0, $0xb8;
	[tilespmem:$0x10100] =	vst v63  }
0x117: {  	_ = 	snop  }
0x118: {  	[tilespmem:s29], [sflag:$0x1] =	stream.indirect_vreg.gather [hbm4b:s3+s2], $0x80, v3, vm0, $0xb8;
	[tilespmem:$0x10100] =	vst v63  }
0x119: {  	v3 =	vld [tilespmem:$0x80];
	_ =	sdelay $0x4  }
0x11a: {  	v56 =	vshll.u32 v3, $0x1  }
0x11b: {  	v3 =	vand.u32 $0x7, v3;
	v4 =	vand.u32 $0xFFFFFFF0, v56  }
0x11c: {  	v3 =	vor.u32 v3, v4  }
0x11d: {  	v4 =	vperm.xlane v3, v0;
	_ =	sdelay $0x1  }
0x11e: {  	v3 =	vperm.xlane v3, v2;
	v4 =	vadd.s32 v1, v4;
	_ =	sdelay $0x1  }
0x11f: {  	v3 =	vadd.s32 v1, v3;
	_ =	sdelay $0x2  }
0x120: {  	[tilespmem:s30], [sflag:$0x1] =	stream.indirect_vreg.gather [hbm4b:s3+s2], $0x80, v4, vm0, $0xb8;
	[tilespmem:$0x10100] =	vst v63  }
0x121: {  	_ = 	snop  }
0x122: {  	[tilespmem:s31], [sflag:$0x1] =	stream.indirect_vreg.gather [hbm4b:s3+s2], $0x80, v3, vm0, $0xb8;
	[tilespmem:$0x10100] =	vst v63  }
0x123: {  	v3 =	vld [tilespmem:$0x90];
	_ =	sdelay $0x4  }
0x124: {  	v57 =	vshll.u32 v3, $0x1  }
0x125: {  	v3 =	vand.u32 $0x7, v3;
	v4 =	vand.u32 $0xFFFFFFF0, v57  }
0x126: {  	v3 =	vor.u32 v3, v4  }
0x127: {  	v4 =	vperm.xlane v3, v0;
	_ =	sdelay $0x1  }
0x128: {  	v3 =	vperm.xlane v3, v2;
	v4 =	vadd.s32 v1, v4;
	_ =	sdelay $0x1  }
0x129: {  	v3 =	vadd.s32 v1, v3;
	_ =	sdelay $0x1  }
0x12a: {  	s13 =	simm.s32 $0x9100  }
0x12b: {  	[tilespmem:s13], [sflag:$0x1] =	stream.indirect_vreg.gather [hbm4b:s3+s2], $0x80, v4, vm0, $0xb8;
	[tilespmem:$0x10100] =	vst v63  }
0x12c: {  	_ = 	snop  }
0x12d: {  	[tilespmem:s1], [sflag:$0x1] =	stream.indirect_vreg.gather [hbm4b:s3+s2], $0x80, v3, vm0, $0xb8;
	[tilespmem:$0x10100] =	vst v63  }
0x12e: {  	v3 =	vld [tilespmem:$0xA0];
	_ =	sdelay $0x4  }
0x12f: {  	v58 =	vshll.u32 v3, $0x1  }
0x130: {  	v3 =	vand.u32 $0x7, v3;
	v4 =	vand.u32 $0xFFFFFFF0, v58  }
0x131: {  	v3 =	vor.u32 v3, v4  }
0x132: {  	v4 =	vperm.xlane v3, v0;
	_ =	sdelay $0x1  }
0x133: {  	v3 =	vperm.xlane v3, v2;
	v4 =	vadd.s32 v1, v4;
	_ =	sdelay $0x1  }
0x134: {  	v3 =	vadd.s32 v1, v3;
	_ =	sdelay $0x2  }
0x135: {  	[tilespmem:s7], [sflag:$0x1] =	stream.indirect_vreg.gather [hbm4b:s3+s2], $0x80, v4, vm0, $0xb8;
	[tilespmem:$0x10100] =	vst v63  }
0x136: {  	_ = 	snop  }
0x137: {  	[tilespmem:s8], [sflag:$0x1] =	stream.indirect_vreg.gather [hbm4b:s3+s2], $0x80, v3, vm0, $0xb8;
	[tilespmem:$0x10100] =	vst v63  }
0x138: {  	v3 =	vld [tilespmem:$0xB0];
	_ =	sdelay $0x4  }
0x139: {  	v59 =	vshll.u32 v3, $0x1  }
0x13a: {  	v3 =	vand.u32 $0x7, v3;
	v4 =	vand.u32 $0xFFFFFFF0, v59  }
0x13b: {  	v3 =	vor.u32 v3, v4  }
0x13c: {  	v4 =	vperm.xlane v3, v0;
	_ =	sdelay $0x1  }
0x13d: {  	v3 =	vperm.xlane v3, v2;
	v4 =	vadd.s32 v1, v4;
	_ =	sdelay $0x1  }
0x13e: {  	v3 =	vadd.s32 v1, v3;
	_ =	sdelay $0x2  }
0x13f: {  	[tilespmem:s9], [sflag:$0x1] =	stream.indirect_vreg.gather [hbm4b:s3+s2], $0x80, v4, vm0, $0xb8;
	[tilespmem:$0x10100] =	vst v63  }
0x140: {  	_ = 	snop  }
0x141: {  	[tilespmem:s10], [sflag:$0x1] =	stream.indirect_vreg.gather [hbm4b:s3+s2], $0x80, v3, vm0, $0xb8;
	[tilespmem:$0x10100] =	vst v63  }
0x142: {  	v3 =	vld [tilespmem:$0xC0];
	_ =	sdelay $0x4  }
0x143: {  	v60 =	vshll.u32 v3, $0x1  }
0x144: {  	v3 =	vand.u32 $0x7, v3;
	v4 =	vand.u32 $0xFFFFFFF0, v60  }
0x145: {  	v3 =	vor.u32 v3, v4  }
0x146: {  	v4 =	vperm.xlane v3, v0;
	_ =	sdelay $0x1  }
0x147: {  	v3 =	vperm.xlane v3, v2;
	v4 =	vadd.s32 v1, v4;
	_ =	sdelay $0x1  }
0x148: {  	v3 =	vadd.s32 v1, v3;
	_ =	sdelay $0x2  }
0x149: {  	[tilespmem:s11], [sflag:$0x1] =	stream.indirect_vreg.gather [hbm4b:s3+s2], $0x80, v4, vm0, $0xb8;
	[tilespmem:$0x10100] =	vst v63  }
0x14a: {  	_ = 	snop  }
0x14b: {  	[tilespmem:s6], [sflag:$0x1] =	stream.indirect_vreg.gather [hbm4b:s3+s2], $0x80, v3, vm0, $0xb8;
	[tilespmem:$0x10100] =	vst v63  }
0x14c: {  	v3 =	vld [tilespmem:$0xD0];
	_ =	sdelay $0x4  }
0x14d: {  	v61 =	vshll.u32 v3, $0x1  }
0x14e: {  	v3 =	vand.u32 $0x7, v3;
	v4 =	vand.u32 $0xFFFFFFF0, v61  }
0x14f: {  	v3 =	vor.u32 v3, v4  }
0x150: {  	v4 =	vperm.xlane v3, v0;
	_ =	sdelay $0x1  }
0x151: {  	v3 =	vperm.xlane v3, v2;
	v4 =	vadd.s32 v1, v4;
	_ =	sdelay $0x1  }
0x152: {  	v3 =	vadd.s32 v1, v3;
	_ =	sdelay $0x1  }
0x153: {  	s13 =	simm.s32 $0xD100  }
0x154: {  	[tilespmem:s13], [sflag:$0x1] =	stream.indirect_vreg.gather [hbm4b:s3+s2], $0x80, v4, vm0, $0xb8;
	[tilespmem:$0x10100] =	vst v63  }
0x155: {  	s13 =	simm.s32 $0xD900  }
0x156: {  	[tilespmem:s13], [sflag:$0x1] =	stream.indirect_vreg.gather [hbm4b:s3+s2], $0x80, v3, vm0, $0xb8;
	[tilespmem:$0x10100] =	vst v63  }
0x157: {  	v3 =	vld [tilespmem:$0xE0];
	_ =	sdelay $0x4  }
0x158: {  	v62 =	vshll.u32 v3, $0x1  }
0x159: {  	v3 =	vand.u32 $0x7, v3;
	v4 =	vand.u32 $0xFFFFFFF0, v62  }
0x15a: {  	v3 =	vor.u32 v3, v4  }
0x15b: {  	v4 =	vperm.xlane v3, v0;
	_ =	sdelay $0x1  }
0x15c: {  	v3 =	vperm.xlane v3, v2;
	v4 =	vadd.s32 v1, v4;
	_ =	sdelay $0x1  }
0x15d: {  	v3 =	vadd.s32 v1, v3;
	_ =	sdelay $0x1  }
0x15e: {  	s13 =	simm.s32 $0xE100  }
0x15f: {  	[tilespmem:s13], [sflag:$0x1] =	stream.indirect_vreg.gather [hbm4b:s3+s2], $0x80, v4, vm0, $0xb8;
	[tilespmem:$0x10100] =	vst v63  }
0x160: {  	s13 =	simm.s32 $0xE900  }
0x161: {  	[tilespmem:s13], [sflag:$0x1] =	stream.indirect_vreg.gather [hbm4b:s3+s2], $0x80, v3, vm0, $0xb8;
	[tilespmem:$0x10100] =	vst v63  }
0x162: {  	v3 =	vld [tilespmem:$0xF0];
	_ =	sdelay $0x4  }
0x163: {  	v63 =	vshll.u32 v3, $0x1  }
0x164: {  	v3 =	vand.u32 $0x7, v3;
	v4 =	vand.u32 $0xFFFFFFF0, v63  }
0x165: {  	v3 =	vor.u32 v3, v4  }
0x166: {  	v4 =	vperm.xlane v3, v0;
	_ =	sdelay $0x1  }
0x167: {  	v3 =	vperm.xlane v3, v2;
	v4 =	vadd.s32 v1, v4;
	_ =	sdelay $0x1  }
0x168: {  	v3 =	vadd.s32 v1, v3;
	_ =	sdelay $0x1  }
0x169: {  	s13 =	simm.s32 $0xF100  }
0x16a: {  	[tilespmem:s13], [sflag:$0x1] =	stream.indirect_vreg.gather [hbm4b:s3+s2], $0x80, v4, vm0, $0xb8;
	[tilespmem:$0x10100] =	vst v63  }
0x16b: {  	s13 =	simm.s32 $0xF900  }
0x16c: {  	[tilespmem:s13], [sflag:$0x1] =	stream.indirect_vreg.gather [hbm4b:s3+s2], $0x80, v3, vm0, $0xb8;
	[tilespmem:$0x10100] =	vst v63  }
0x16d: {  	_ =	swait.ge [sflag:s12], $0x10000  }
0x16e: {  	p0 =	sne.s32 s4, $0x1;
	s0 =	simm.s32 $0x100;
	[sflag:s12] =	ssyncset.done $0x0  }
.Ltmp0:
0x16f: {  	s13 =	rddreg [dreg:$0x5];
	[sflag:s12] =	ssyncadd.s32 $0xFFFF0000;
	(pc) =	sbr.rel @p0 .LBB2_1-.Ltmp0, $4  }
0x170: {  	[hbm4b:s13+s2] =	stream.linear.scatter [tilespmem:s0], [sflag:$0x2], $0x10000, $0x38;
	[tilespmem:$0x10100] =	vst v63  }
0x171: {  	_ =	swait.ge [sflag:s5], $0x10000  }
0x172: {  	[sflag:s5] =	ssyncset.done $0x0  }
0x173: {  	s4 =	sadd.s32 $0xFFFFFFFF, s4;
	[sflag:s5] =	ssyncadd.s32 $0xFFFF0000  }
0x174: {  	_ =	sfence.sel $0x180000  }
0x175: {  	[bflag:$0x0] =	sbarrier.arrive $0xFFFF  }
0x176: {  	_ =	strace $0x9000004D  }
0x177: {  	s0 =	stileid.u32;
	[bflag:$0x2] =	sbarrier.arrive $0xFFFF  }
0x178: {  	p0 =	sne.s32 s0, $0x0;
	s0 =	rddreg [dreg:$0x1]  }
0x179: {  	s0 =	sadd.s32 @!p0 $0x100000, s0  }
0x17a: {  	[sflag:s0] =	ssyncadd.tile.s32 @!p0 $0x1;
	_ =	shalt  }
.Lfunc_end2:
_tile_overlayer_lowered:
.L_overlay_start_2:
0x17b: {  	(tag) =	ssettag $0x2  }
0x17c: {  	s0 =	rddreg [dreg:$0x0];
	s2 =	stileid.u32  }
0x17d: {  	s1 =	rddreg [dreg:$0x1];
	p0 =	sne.s32 s2, $0x0  }
0x17e: {  	s3 =	rddreg [dreg:$0x2];
	[bflag:$0x3] =	sbarrier.arrive $0xFFFF;
	s2 =	simm.s32 @!p0 $0x1C02  }
0x17f: {  	[timem:s3], [sflag:s2] =	dma.local @!p0 [hbm:s0], s1  }
0x180: {  	s0 =	simm.s32 @!p0 $0x2  }
0x181: {  	_ =	swait.ge @!p0 [sflag:s0], s1  }
0x182: {  	s1 =	ssub.s32 @!p0 $0x0, s1;
	[sflag:s0] =	ssyncset.done @!p0 $0x0  }
0x183: {  	[sflag:s0] =	ssyncadd.s32 @!p0 s1  }
0x184: {  	[bflag:$0x3] =	sbarrier.arrive $0xFFFF  }
0x185: {  	_ =	shalt  }

// kernel: kernel.17.cloned.1.call-start
scs
__scs_entry_jumppad:
0x0: {  	(pc) =	sbr.rel $0x88, $3  }
0x1: {  	(tag) =	ssettag $0x0;
	lr =	simm.s32 $0x1  }
0x2: {  	[smem:$0x3F99] =	sst lr;
	_ =	strace $0xD0000000  }
0x3: {  	_ = 	snop  }
0x4: {  	_ = 	snop  }
0x5: {  	_ = 	snop  }
0x6: {  	_ = 	snop  }
0x7: {  	_ = 	snop  }
__scs_overlays_trampoline_lowered:
0x8: {  	[smem:$0x3FA8] =	sst s0  }
0x9: {  	[smem:$0x3FA9] =	sst s1  }
0xa: {  	[smem:$0x3FAA] =	sst s2  }
0xb: {  	[smem:$0x3FAB] =	sst s3  }
0xc: {  	[smem:$0x3FAC] =	sst s4  }
0xd: {  	[smem:$0x3FAD] =	sst s5  }
0xe: {  	[smem:$0x3FAE] =	sst s6  }
0xf: {  	[smem:$0x3FAF] =	sst s7  }
0x10: {  	[smem:$0x3FB0] =	sst s8  }
0x11: {  	[smem:$0x3FB1] =	sst s9;
	s0 =	simm.s32 @!p0 $0x0  }
0x12: {  	s1 =	sld [smem:$0x3F97];
	s0 =	simm.s32 @p0 $0x1  }
0x13: {  	[smem:$0x3FB2] =	sst s0;
	s0 =	simm.s32 @!p1 $0x0  }
0x14: {  	s2 =	sld [smem:$0x3F96];
	s0 =	simm.s32 @p1 $0x1  }
0x15: {  	[smem:$0x3FB3] =	sst s0;
	s0 =	simm.s32 @!p2 $0x0  }
0x16: {  	s3 =	sld [smem:$0x3FDB];
	s0 =	simm.s32 @p2 $0x1  }
0x17: {  	s4 =	simm.s32 $0x1BF5;
	[smem:$0x3FB5] =	sst s0  }
0x18: {  	s0 =	sld [smem:$0x3F98];
	_ =	swait.ge [sflag:s4], $0x0  }
0x19: {  	s7 =	sld [smem:$0x3F99]  }
0x1a: {  	s8 =	sadd.s32 $0xFFFFE003, lr  }
0x1b: {  	s9 =	sadd.s32 $0xFFFFFEF7, lr;
	s5 =	simm.s32 $0xFFFFFFFF;
	p2 =	slt.u32 s8, $0xFFFFF086  }
0x1c: {  	p1 =	slt.u32 s9, $0xF7A;
	s5 =	simm.s32 @!p2 $0x0  }
0x1d: {  	s5 =	simm.s32 @p1 $0x1;
	p0 =	seq.s32 s7, s2  }
0x1e: {  	s7 =	smul.u32 @!p0 $0xF7A, s2;
	p2 =	seq.s32 @!p0 s5, $0x0  }
0x1f: {  	s9 =	smul.u32 $0xF7A, s1;
	s8 =	simm.s32 @!p0 $0x1BF5;
	p2 =	por !p2, p0  }
0x20: {  	[sflag:s8] =	ssyncset.s32 @!p0 $0xFFFFF086;
	s6 =	sadd.s32 @!p0 s3, s7;
	s7 =	simm.s32 @!p0 $0x108  }
0x21: {  	s3 =	sadd.s32 s3, s9;
	s6 =	sadd.s32 @!p0 $0x88, s6;
	s7 =	simm.s32 @p2 $0x1082  }
0x22: {  	[simem:s7], [sflag:s8] =	dma.local @!p0 [hbm:s6], $0xF7A  }
0x23: {  	s9 =	sor.u32 $0xD0000000, s2;
	s6 =	simm.s32 $0x108;
	_ =	swait.ge @!p0 [sflag:s8], $0x0  }
0x24: {  	s3 =	sadd.s32 $0x88, s3;
	s6 =	simm.s32 @!p1 $0x1082;
	[sflag:s4] =	ssyncset.s32 $0xFFFFF086  }
0x25: {  	[simem:s6], [sflag:s4] =	dma.local [hbm:s3], $0xF7A  }
0x26: {  	[smem:$0x3F99] =	sst s1;
	(tag) =	ssettag s2;
	_ =	strace s9  }
0x27: {  	s1 =	sld [smem:$0x3FA9]  }
0x28: {  	s2 =	sld [smem:$0x3FAA]  }
0x29: {  	s4 =	sld [smem:$0x3FAC]  }
0x2a: {  	p0 =	seq.s32 s5, $0x0;
	s5 =	sld [smem:$0x3FAD]  }
0x2b: {  	s6 =	sld [smem:$0x3FAE]  }
0x2c: {  	s7 =	sld [smem:$0x3FAF]  }
0x2d: {  	s3 =	simm.s32 $0x108;
	s8 =	sld [smem:$0x3FB0]  }
0x2e: {  	s3 =	simm.s32 @!p0 $0x1082;
	s9 =	sld [smem:$0x3FB1]  }
0x2f: {  	lr =	sadd.s32 s0, s3;
	s0 =	sld [smem:$0x3FA8]  }
0x30: {  	s3 =	sld [smem:$0x3FAB]  }
0x31: {  	[smem:$0x3FB4] =	sst s10  }
0x32: {  	s10 =	sld [smem:$0x3FB2];
	_ =	sdelay $0x3  }
0x33: {  	p0 =	seq.s32 s10, $0x1;
	s10 =	sld [smem:$0x3FB4];
	_ =	sdelay $0x3  }
0x34: {  	[smem:$0x3FB4] =	sst s10  }
0x35: {  	s10 =	sld [smem:$0x3FB3];
	_ =	sdelay $0x3  }
0x36: {  	p1 =	seq.s32 s10, $0x1;
	s10 =	sld [smem:$0x3FB4];
	_ =	sdelay $0x3  }
0x37: {  	[smem:$0x3FB4] =	sst s10  }
0x38: {  	s10 =	sld [smem:$0x3FB5]  }
0x39: {  	_ = 	snop;
	(pc) =	sbr.ind lr, $3  }
0x3a: {  	_ = 	snop  }
0x3b: {  	_ = 	snop  }
0x3c: {  	p2 =	seq.s32 s10, $0x1;
	s10 =	sld [smem:$0x3FB4]  }
0x3d: {  	_ =	shalt  }
0x3e: {  	_ =	shalt  }
0x3f: {  	_ =	shalt  }
0x40: {  	_ =	shalt  }
0x41: {  	_ =	shalt  }
0x42: {  	_ =	shalt  }
0x43: {  	_ =	shalt  }
0x44: {  	_ =	shalt  }
0x45: {  	_ =	shalt  }
0x46: {  	_ =	shalt  }
0x47: {  	_ =	shalt  }
0x48: {  	_ =	shalt  }
0x49: {  	_ =	shalt  }
0x4a: {  	_ =	shalt  }
0x4b: {  	_ =	shalt  }
0x4c: {  	_ =	shalt  }
0x4d: {  	_ =	shalt  }
0x4e: {  	_ =	shalt  }
0x4f: {  	_ =	shalt  }
0x50: {  	_ =	shalt  }
0x51: {  	_ =	shalt  }
0x52: {  	_ =	shalt  }
0x53: {  	_ =	shalt  }
0x54: {  	_ =	shalt  }
0x55: {  	_ =	shalt  }
0x56: {  	_ =	shalt  }
0x57: {  	_ =	shalt  }
0x58: {  	_ =	shalt  }
0x59: {  	_ =	shalt  }
0x5a: {  	_ =	shalt  }
0x5b: {  	_ =	shalt  }
0x5c: {  	_ =	shalt  }
0x5d: {  	_ =	shalt  }
0x5e: {  	_ =	shalt  }
0x5f: {  	_ =	shalt  }
0x60: {  	_ =	shalt  }
0x61: {  	_ =	shalt  }
0x62: {  	_ =	shalt  }
0x63: {  	_ =	shalt  }
0x64: {  	_ =	shalt  }
0x65: {  	_ =	shalt  }
0x66: {  	_ =	shalt  }
0x67: {  	_ =	shalt  }
0x68: {  	_ =	shalt  }
0x69: {  	_ =	shalt  }
0x6a: {  	_ =	shalt  }
0x6b: {  	_ =	shalt  }
0x6c: {  	_ =	shalt  }
0x6d: {  	_ =	shalt  }
0x6e: {  	_ =	shalt  }
0x6f: {  	_ =	shalt  }
0x70: {  	_ =	shalt  }
0x71: {  	_ =	shalt  }
0x72: {  	_ =	shalt  }
0x73: {  	_ =	shalt  }
0x74: {  	_ =	shalt  }
0x75: {  	_ =	shalt  }
0x76: {  	_ =	shalt  }
0x77: {  	_ =	shalt  }
0x78: {  	_ =	shalt  }
0x79: {  	_ =	shalt  }
0x7a: {  	_ =	shalt  }
0x7b: {  	_ =	shalt  }
0x7c: {  	_ =	shalt  }
0x7d: {  	_ =	shalt  }
0x7e: {  	_ =	shalt  }
0x7f: {  	_ =	shalt  }
0x80: {  	_ =	shalt  }
0x81: {  	_ =	shalt  }
0x82: {  	_ =	shalt  }
0x83: {  	_ =	shalt  }
0x84: {  	_ =	shalt  }
0x85: {  	_ =	shalt  }
0x86: {  	_ =	shalt  }
0x87: {  	_ =	shalt  }
.Lfunc_end0:
.L_simem_size_0:
called_computation.1_lowered:
.L_overlay_start_0:
0x88: {  	s2 =	sld [smem:$0x3FD9]  }
0x89: {  	s3 =	sld [smem:$0x3FFE];
	_ =	sdelay $0x1  }
0x8a: {  	s1 =	srdreg.scid  }
0x8b: {  	s0 =	sand.u32 $0x1, s1  }
0x8c: {  	s17 =	sshll.u32 s0, $0xA;
	s2 =	sadd.s32 s3, s2  }
0x8d: {  	s2 =	sadd.s32 s2, s17  }
0x8e: {  	[smem:$0x3FC0] =	sst s2  }
0x8f: {  	_ = 	snop  }
0x90: {  	(tm) =	ssettm $0x1  }
0x91: {  	s18 =	sld [smem:$0x3FFB];
	_ =	sdelay $0x3  }
0x92: {  	_ =	strace s18  }
0x93: {  	s2 =	sld [smem:$0x3FFC];
	_ =	sdelay $0x3  }
0x94: {  	_ =	strace s2  }
0x95: {  	s2 =	sld [smem:$0x3FFD];
	_ =	sdelay $0x3  }
0x96: {  	_ =	strace s2  }
0x97: {  	_ =	strace $0x8FFFFFFF  }
0x98: {  	s19 =	sld [smem:$0x3FDB];
	_ =	sdelay $0x1  }
0x99: {  	s20 =	simm.s32 $_scs_section_size  }
0x9a: {  	s4 =	simm.s32 $_size__tile_overlayer_lowered;
	s5 =	simm.s32 $_tile_overlayer_lowered  }
0x9b: {  	s6 =	simm.s32 $0x1BFF;
	s21 =	sshll.u32 s5, $0x1;
	s3 =	sadd.s32 s20, s19  }
0x9c: {  	s22 =	simm.s32 $0x0;
	s4 =	sshll.u32 s4, $0x1;
	s5 =	sadd.s32 s21, s3  }
0x9d: {  	[timem:s22], [sflag:s6] =	dma.local [hbm:s5], s4  }
0x9e: {  	_ =	swait.ge [sflag:s6], s4  }
0x9f: {  	s4 =	ssub.s32 $0x0, s4;
	[sflag:s6] =	ssyncset.done $0x0  }
0xa0: {  	[sflag:s6] =	ssyncadd.s32 s4;
	_ =	sdelay $0x1  }
0xa1: {  	s23 =	simm.s32 $0x1B8B  }
0xa2: {  	_ =	swait.ge [sflag:s23], $0x1  }
0xa3: {  	[sflag:s23] =	ssyncset.done $0x0  }
0xa4: {  	[sflag:s23] =	ssyncadd.s32 $0xFFFFFFFF  }
0xa5: {  	s4 =	sld [smem:$0x0]  }
0xa6: {  	s5 =	sand.u32 $0xFFFFFFFE, s1  }
0xa7: {  	p0 =	sne.s32 s1, s5  }
0xa8: {  	s5 =	sshll.u32 @p0 s5, $0xE  }
0xa9: {  	s5 =	sadd.s32 @p0 $0x11B8D, s5;
	s6 =	sshll.u32 @p0 s4, $0x11  }
0xaa: {  	s5 =	sor.u32 @p0 s6, s5  }
0xab: {  	[sflag:s5] =	ssyncadd.remote.s32 @p0 $0x1;
	_ =	sdelay $0x1  }
0xac: {  	s5 =	simm.s32 @p0 $0x1B8D  }
0xad: {  	_ =	swait.eq @p0 [sflag:s5], $0x1  }
0xae: {  	[sflag:s5] =	ssyncadd.s32 @p0 $0xFFFFFFFF  }
0xaf: {  	s6 =	sshll.u32 @!p0 s1, $0xE  }
0xb0: {  	s6 =	sor.u32 @!p0 $0x4000, s6;
	s5 =	simm.s32 @!p0 $0x1B8D  }
0xb1: {  	s4 =	sshll.u32 @!p0 s4, $0x11;
	s6 =	sadd.s32 @!p0 $0x11B8D, s6;
	_ =	swait.eq @!p0 [sflag:s5], $0x1  }
0xb2: {  	s4 =	sor.u32 @!p0 s4, s6;
	[sflag:s5] =	ssyncadd.s32 @!p0 $0xFFFFFFFF  }
0xb3: {  	s25 =	simm.s32 $0x1B8E;
	s24 =	sld [smem:$0x3FFE];
	[sflag:s4] =	ssyncadd.remote.s32 @!p0 $0x1  }
0xb4: {  	s26 =	simm.s32 $execute0_lowered;
	[smem:$0x3FD2] =	sst s25  }
0xb5: {  	s5 =	sshll.u32 s26, $0x1;
	_ =	strace $0x8000004F;
	[dreg:$0x1] =	wrdreg $0xFFFFFFFF  }
0xb6: {  	s28 =	simm.s32 $_size_execute0_lowered;
	s3 =	sadd.s32 s3, s5;
	[dreg:$0x0] =	wrdreg $0x0  }
0xb7: {  	s5 =	sshll.u32 s28, $0x1;
	[dreg:$0x2] =	wrdreg s3  }
0xb8: {  	[dreg:$0x3] =	wrdreg s5  }
0xb9: {  	[dreg:$0x4] =	wrdreg $0xC0  }
0xba: {  	_ =	task [dreg:s22], $0x5FFFF  }
0xbb: {  	[dreg:$0x1] =	wrdreg $0xFFFFFFFF  }
0xbc: {  	[dreg:$0x0] =	wrdreg $0x60  }
0xbd: {  	[dreg:$0x2] =	wrdreg s24  }
0xbe: {  	[dreg:$0x3] =	wrdreg $0xA  }
0xbf: {  	_ =	task.clear_ibuf [dreg:s22], $0x4FFFF;
	_ =	strace $0x9000004F  }
0xc0: {  	s29 =	simm.s32 $0xA;
	_ =	strace $0x80000051  }
0xc1: {  	_ =	swait.ge [sflag:s29], $0x1  }
0xc2: {  	[sflag:s29] =	ssyncadd.s32 $0xFFFFFFFF  }
0xc3: {  	_ =	strace $0x90000051  }
0xc4: {  	_ =	sfence  }
0xc5: {  	s30 =	sld [smem:$0x0];
	_ =	sdelay $0x2  }
0xc6: {  	s31 =	sshll.u32 s1, $0xD;
	s1 =	sshrl.u32 s1, $0x2  }
0xc7: {  	s4 =	sand.u32 $0x4000, s31;
	s1 =	sadd.s32 s1, s30  }
0xc8: {  	s0 =	sor.u32 s4, s0;
	s1 =	sshll.u32 s1, $0x11  }
0xc9: {  	s0 =	sor.u32 s1, s0  }
0xca: {  	s0 =	sadd.s32 $0x8F2B, s0  }
0xcb: {  	[sflag:s0] =	ssyncadd.remote.s32 $0x1  }
0xcc: {  	_ =	sfence.sel $0xFFFF  }
0xcd: {  	[dreg:$0x0] =	wrdreg $0xFFFFFFFF;
	(pc) =	sbr.abs _section_cstart, $3  }
0xce: {  	[dreg:$0x1] =	wrdreg $0xFFFFFFFF  }
0xcf: {  	_ =	task.clear_ibuf [dreg:s22], $0x2FFFF;
	_ =	strace $0x9FFFFFFF  }
0xd0: {  	(tm) =	ssettm $0x7FFFFFFF  }
0xd1: {  	_ =	shalt  }
tec
execute0_lowered:
.L_overlay_start_1:
0x0: {  	(tag) =	ssettag $0x1  }
0x1: {  	s0 =	rddreg [dreg:$0x0];
	s2 =	simm.s32 $0x0  }
0x2: {  	s1 =	srdreg.scid;
	s4 =	stileid.u32;
	s12 =	simm.s32 $0x1  }
0x3: {  	s14 =	simm.s32 $0x900;
	s15 =	simm.s32 $0x1100;
	s16 =	simm.s32 $0x1900  }
0x4: {  	s17 =	simm.s32 $0x2100;
	s18 =	simm.s32 $0x2900;
	s19 =	simm.s32 $0x3100  }
0x5: {  	s20 =	simm.s32 $0x3900;
	s21 =	simm.s32 $0x4100;
	s22 =	simm.s32 $0x4900  }
0x6: {  	s23 =	simm.s32 $0x5100;
	s28 =	simm.s32 $0x7100;
	s29 =	simm.s32 $0x7900  }
0x7: {  	s30 =	simm.s32 $0x8100;
	s31 =	simm.s32 $0x8900;
	s9 =	simm.s32 $0xB100  }
0x8: {  	s10 =	simm.s32 $0xB900;
	s11 =	simm.s32 $0xC100;
	[smem:$0x7FF] =	sst s2  }
0x9: {  	s1 =	sand.u32 $0x1, s1;
	s3 =	sadd.s32 $0x1CE600, s0;
	s4 =	sshll.u32 s4, $0xA  }
0xa: {  	s6 =	sadd.s32 $0xCDE00, s0;
	s0 =	sadd.s32 $0x1EE600, s0;
	s5 =	sshll.u32 s1, $0x9  }
0xb: {  	_ =	strace $0x80000050;
	s1 =	ssub.s32 $0x2, s1;
	s4 =	sor.u32 s5, s4  }
0xc: {  	s24 =	sshrl.u32 s1, $0x1;
	s5 =	simm.s32 $0x2;
	s7 =	sshrl.u32 s4, $0x3  }
0xd: {  	s8 =	sshll.u32 s4, $0x5;
	s4 =	sor.u32 $0x100, s4;
	s1 =	ssub.s32 s1, s24  }
0xe: {  	s24 =	simm.s32 $0x5900;
	s7 =	sadd.s32 s6, s7;
	s25 =	sadd.s32 s0, s8  }
0xf: {  	s26 =	sshrl.u32 s4, $0x3;
	s4 =	sshll.u32 s4, $0x5;
	[dreg:$0x2] =	wrdreg s7  }
0x10: {  	s8 =	simm.s32 $0xA900;
	[dreg:$0x3] =	wrdreg s25;
	s6 =	sadd.s32 s6, s26  }
0x11: {  	v2 =	vlaneseq.u32;
	s0 =	sadd.s32 s0, s4;
	s4 =	smax.u32 s1, $0x1;
	s25 =	simm.s32 $0x6100  }
0x12: {  	vm0 =	vmmov $0xffff;
	v1 =	vshrl.u32 v2, $0x3;
	s26 =	simm.s32 $0x6900;
	s1 =	simm.s32 $0x9900;
	[dreg:$0x4] =	wrdreg s6  }
0x13: {  	v0 =	vand.u32 $0x7, v2;
	v2 =	vor.u32 $0x8, v2;
	v1 =	vmul.u32 $0x8, v1;
	s7 =	simm.s32 $0xA100;
	[dreg:$0x5] =	wrdreg s0;
	s6 =	simm.s32 $0xC900  }
.LBB2_1:
0x14: {  	s13 =	rddreg [dreg:$0x2]  }
0x15: {  	[tilespmem:s2], [sflag:$0x2] =	stream.linear.gather [hbm4b:s13+s2], $0x100, $0x38;
	[tilespmem:$0x10100] =	vst v63  }
0x16: {  	_ =	swait.ge [sflag:s5], $0x100  }
0x17: {  	[sflag:s5] =	ssyncset.done $0x0  }
0x18: {  	[sflag:s5] =	ssyncadd.s32 $0xFFFFFF00  }
0x19: {  	v3 =	vld [tilespmem:$0x0];
	_ =	sdelay $0x4  }
0x1a: {  	v4 =	vshll.u32 v3, $0x1  }
0x1b: {  	v3 =	vand.u32 $0x7, v3;
	v4 =	vand.u32 $0xFFFFFFF0, v4  }
0x1c: {  	v3 =	vor.u32 v3, v4  }
0x1d: {  	v4 =	vperm.xlane v3, v0;
	_ =	sdelay $0x1  }
0x1e: {  	v3 =	vperm.xlane v3, v2;
	v4 =	vadd.s32 v1, v4;
	_ =	sdelay $0x1  }
0x1f: {  	v3 =	vadd.s32 v1, v3;
	_ =	sdelay $0x1  }
0x20: {  	s0 =	simm.s32 $0x100  }
0x21: {  	[tilespmem:s0], [sflag:$0x1] =	stream.indirect_vreg.gather [hbm4b:s3+s2], $0x80, v4, vm0, $0xb8;
	[tilespmem:$0x10100] =	vst v63  }
0x22: {  	_ = 	snop  }
0x23: {  	[tilespmem:s14], [sflag:$0x1] =	stream.indirect_vreg.gather [hbm4b:s3+s2], $0x80, v3, vm0, $0xb8;
	[tilespmem:$0x10100] =	vst v63  }
0x24: {  	v3 =	vld [tilespmem:$0x10];
	_ =	sdelay $0x4  }
0x25: {  	v33 =	vshll.u32 v3, $0x1  }
0x26: {  	v3 =	vand.u32 $0x7, v3;
	v4 =	vand.u32 $0xFFFFFFF0, v33  }
0x27: {  	v3 =	vor.u32 v3, v4  }
0x28: {  	v4 =	vperm.xlane v3, v0;
	_ =	sdelay $0x1  }
0x29: {  	v3 =	vperm.xlane v3, v2;
	v4 =	vadd.s32 v1, v4;
	_ =	sdelay $0x1  }
0x2a: {  	v3 =	vadd.s32 v1, v3;
	_ =	sdelay $0x2  }
0x2b: {  	[tilespmem:s15], [sflag:$0x1] =	stream.indirect_vreg.gather [hbm4b:s3+s2], $0x80, v4, vm0, $0xb8;
	[tilespmem:$0x10100] =	vst v63  }
0x2c: {  	_ = 	snop  }
0x2d: {  	[tilespmem:s16], [sflag:$0x1] =	stream.indirect_vreg.gather [hbm4b:s3+s2], $0x80, v3, vm0, $0xb8;
	[tilespmem:$0x10100] =	vst v63  }
0x2e: {  	v3 =	vld [tilespmem:$0x20];
	_ =	sdelay $0x4  }
0x2f: {  	v34 =	vshll.u32 v3, $0x1  }
0x30: {  	v3 =	vand.u32 $0x7, v3;
	v4 =	vand.u32 $0xFFFFFFF0, v34  }
0x31: {  	v3 =	vor.u32 v3, v4  }
0x32: {  	v4 =	vperm.xlane v3, v0;
	_ =	sdelay $0x1  }
0x33: {  	v3 =	vperm.xlane v3, v2;
	v4 =	vadd.s32 v1, v4;
	_ =	sdelay $0x1  }
0x34: {  	v3 =	vadd.s32 v1, v3;
	_ =	sdelay $0x2  }
0x35: {  	[tilespmem:s17], [sflag:$0x1] =	stream.indirect_vreg.gather [hbm4b:s3+s2], $0x80, v4, vm0, $0xb8;
	[tilespmem:$0x10100] =	vst v63  }
0x36: {  	_ = 	snop  }
0x37: {  	[tilespmem:s18], [sflag:$0x1] =	stream.indirect_vreg.gather [hbm4b:s3+s2], $0x80, v3, vm0, $0xb8;
	[tilespmem:$0x10100] =	vst v63  }
0x38: {  	v3 =	vld [tilespmem:$0x30];
	_ =	sdelay $0x4  }
0x39: {  	v35 =	vshll.u32 v3, $0x1  }
0x3a: {  	v3 =	vand.u32 $0x7, v3;
	v4 =	vand.u32 $0xFFFFFFF0, v35  }
0x3b: {  	v3 =	vor.u32 v3, v4  }
0x3c: {  	v4 =	vperm.xlane v3, v0;
	_ =	sdelay $0x1  }
0x3d: {  	v3 =	vperm.xlane v3, v2;
	v4 =	vadd.s32 v1, v4;
	_ =	sdelay $0x1  }
0x3e: {  	v3 =	vadd.s32 v1, v3;
	_ =	sdelay $0x2  }
0x3f: {  	[tilespmem:s19], [sflag:$0x1] =	stream.indirect_vreg.gather [hbm4b:s3+s2], $0x80, v4, vm0, $0xb8;
	[tilespmem:$0x10100] =	vst v63  }
0x40: {  	_ = 	snop  }
0x41: {  	[tilespmem:s20], [sflag:$0x1] =	stream.indirect_vreg.gather [hbm4b:s3+s2], $0x80, v3, vm0, $0xb8;
	[tilespmem:$0x10100] =	vst v63  }
0x42: {  	v3 =	vld [tilespmem:$0x40];
	_ =	sdelay $0x4  }
0x43: {  	v36 =	vshll.u32 v3, $0x1  }
0x44: {  	v3 =	vand.u32 $0x7, v3;
	v4 =	vand.u32 $0xFFFFFFF0, v36  }
0x45: {  	v3 =	vor.u32 v3, v4  }
0x46: {  	v4 =	vperm.xlane v3, v0;
	_ =	sdelay $0x1  }
0x47: {  	v3 =	vperm.xlane v3, v2;
	v4 =	vadd.s32 v1, v4;
	_ =	sdelay $0x1  }
0x48: {  	v3 =	vadd.s32 v1, v3;
	_ =	sdelay $0x2  }
0x49: {  	[tilespmem:s21], [sflag:$0x1] =	stream.indirect_vreg.gather [hbm4b:s3+s2], $0x80, v4, vm0, $0xb8;
	[tilespmem:$0x10100] =	vst v63  }
0x4a: {  	_ = 	snop  }
0x4b: {  	[tilespmem:s22], [sflag:$0x1] =	stream.indirect_vreg.gather [hbm4b:s3+s2], $0x80, v3, vm0, $0xb8;
	[tilespmem:$0x10100] =	vst v63  }
0x4c: {  	v3 =	vld [tilespmem:$0x50];
	_ =	sdelay $0x4  }
0x4d: {  	v37 =	vshll.u32 v3, $0x1  }
0x4e: {  	v3 =	vand.u32 $0x7, v3;
	v4 =	vand.u32 $0xFFFFFFF0, v37  }
0x4f: {  	v3 =	vor.u32 v3, v4  }
0x50: {  	v4 =	vperm.xlane v3, v0;
	_ =	sdelay $0x1  }
0x51: {  	v3 =	vperm.xlane v3, v2;
	v4 =	vadd.s32 v1, v4;
	_ =	sdelay $0x1  }
0x52: {  	v3 =	vadd.s32 v1, v3;
	_ =	sdelay $0x2  }
0x53: {  	[tilespmem:s23], [sflag:$0x1] =	stream.indirect_vreg.gather [hbm4b:s3+s2], $0x80, v4, vm0, $0xb8;
	[tilespmem:$0x10100] =	vst v63  }
0x54: {  	_ = 	snop  }
0x55: {  	[tilespmem:s24], [sflag:$0x1] =	stream.indirect_vreg.gather [hbm4b:s3+s2], $0x80, v3, vm0, $0xb8;
	[tilespmem:$0x10100] =	vst v63  }
0x56: {  	v3 =	vld [tilespmem:$0x60];
	_ =	sdelay $0x4  }
0x57: {  	v38 =	vshll.u32 v3, $0x1  }
0x58: {  	v3 =	vand.u32 $0x7, v3;
	v4 =	vand.u32 $0xFFFFFFF0, v38  }
0x59: {  	v3 =	vor.u32 v3, v4  }
0x5a: {  	v4 =	vperm.xlane v3, v0;
	_ =	sdelay $0x1  }
0x5b: {  	v3 =	vperm.xlane v3, v2;
	v4 =	vadd.s32 v1, v4;
	_ =	sdelay $0x1  }
0x5c: {  	v3 =	vadd.s32 v1, v3;
	_ =	sdelay $0x2  }
0x5d: {  	[tilespmem:s25], [sflag:$0x1] =	stream.indirect_vreg.gather [hbm4b:s3+s2], $0x80, v4, vm0, $0xb8;
	[tilespmem:$0x10100] =	vst v63  }
0x5e: {  	_ = 	snop  }
0x5f: {  	[tilespmem:s26], [sflag:$0x1] =	stream.indirect_vreg.gather [hbm4b:s3+s2], $0x80, v3, vm0, $0xb8;
	[tilespmem:$0x10100] =	vst v63  }
0x60: {  	v3 =	vld [tilespmem:$0x70];
	_ =	sdelay $0x4  }
0x61: {  	v39 =	vshll.u32 v3, $0x1  }
0x62: {  	v3 =	vand.u32 $0x7, v3;
	v4 =	vand.u32 $0xFFFFFFF0, v39  }
0x63: {  	v3 =	vor.u32 v3, v4  }
0x64: {  	v4 =	vperm.xlane v3, v0;
	_ =	sdelay $0x1  }
0x65: {  	v3 =	vperm.xlane v3, v2;
	v4 =	vadd.s32 v1, v4;
	_ =	sdelay $0x1  }
0x66: {  	v3 =	vadd.s32 v1, v3;
	_ =	sdelay $0x2  }
0x67: {  	[tilespmem:s28], [sflag:$0x1] =	stream.indirect_vreg.gather [hbm4b:s3+s2], $0x80, v4, vm0, $0xb8;
	[tilespmem:$0x10100] =	vst v63  }
0x68: {  	_ = 	snop  }
0x69: {  	[tilespmem:s29], [sflag:$0x1] =	stream.indirect_vreg.gather [hbm4b:s3+s2], $0x80, v3, vm0, $0xb8;
	[tilespmem:$0x10100] =	vst v63  }
0x6a: {  	v3 =	vld [tilespmem:$0x80];
	_ =	sdelay $0x4  }
0x6b: {  	v40 =	vshll.u32 v3, $0x1  }
0x6c: {  	v3 =	vand.u32 $0x7, v3;
	v4 =	vand.u32 $0xFFFFFFF0, v40  }
0x6d: {  	v3 =	vor.u32 v3, v4  }
0x6e: {  	v4 =	vperm.xlane v3, v0;
	_ =	sdelay $0x1  }
0x6f: {  	v3 =	vperm.xlane v3, v2;
	v4 =	vadd.s32 v1, v4;
	_ =	sdelay $0x1  }
0x70: {  	v3 =	vadd.s32 v1, v3;
	_ =	sdelay $0x2  }
0x71: {  	[tilespmem:s30], [sflag:$0x1] =	stream.indirect_vreg.gather [hbm4b:s3+s2], $0x80, v4, vm0, $0xb8;
	[tilespmem:$0x10100] =	vst v63  }
0x72: {  	_ = 	snop  }
0x73: {  	[tilespmem:s31], [sflag:$0x1] =	stream.indirect_vreg.gather [hbm4b:s3+s2], $0x80, v3, vm0, $0xb8;
	[tilespmem:$0x10100] =	vst v63  }
0x74: {  	v3 =	vld [tilespmem:$0x90];
	_ =	sdelay $0x4  }
0x75: {  	v41 =	vshll.u32 v3, $0x1  }
0x76: {  	v3 =	vand.u32 $0x7, v3;
	v4 =	vand.u32 $0xFFFFFFF0, v41  }
0x77: {  	v3 =	vor.u32 v3, v4  }
0x78: {  	v4 =	vperm.xlane v3, v0;
	_ =	sdelay $0x1  }
0x79: {  	v3 =	vperm.xlane v3, v2;
	v4 =	vadd.s32 v1, v4;
	_ =	sdelay $0x1  }
0x7a: {  	v3 =	vadd.s32 v1, v3;
	_ =	sdelay $0x1  }
0x7b: {  	s13 =	simm.s32 $0x9100  }
0x7c: {  	[tilespmem:s13], [sflag:$0x1] =	stream.indirect_vreg.gather [hbm4b:s3+s2], $0x80, v4, vm0, $0xb8;
	[tilespmem:$0x10100] =	vst v63  }
0x7d: {  	_ = 	snop  }
0x7e: {  	[tilespmem:s1], [sflag:$0x1] =	stream.indirect_vreg.gather [hbm4b:s3+s2], $0x80, v3, vm0, $0xb8;
	[tilespmem:$0x10100] =	vst v63  }
0x7f: {  	v3 =	vld [tilespmem:$0xA0];
	_ =	sdelay $0x4  }
0x80: {  	v42 =	vshll.u32 v3, $0x1  }
0x81: {  	v3 =	vand.u32 $0x7, v3;
	v4 =	vand.u32 $0xFFFFFFF0, v42  }
0x82: {  	v3 =	vor.u32 v3, v4  }
0x83: {  	v4 =	vperm.xlane v3, v0;
	_ =	sdelay $0x1  }
0x84: {  	v3 =	vperm.xlane v3, v2;
	v4 =	vadd.s32 v1, v4;
	_ =	sdelay $0x1  }
0x85: {  	v3 =	vadd.s32 v1, v3;
	_ =	sdelay $0x2  }
0x86: {  	[tilespmem:s7], [sflag:$0x1] =	stream.indirect_vreg.gather [hbm4b:s3+s2], $0x80, v4, vm0, $0xb8;
	[tilespmem:$0x10100] =	vst v63  }
0x87: {  	_ = 	snop  }
0x88: {  	[tilespmem:s8], [sflag:$0x1] =	stream.indirect_vreg.gather [hbm4b:s3+s2], $0x80, v3, vm0, $0xb8;
	[tilespmem:$0x10100] =	vst v63  }
0x89: {  	v3 =	vld [tilespmem:$0xB0];
	_ =	sdelay $0x4  }
0x8a: {  	v43 =	vshll.u32 v3, $0x1  }
0x8b: {  	v3 =	vand.u32 $0x7, v3;
	v4 =	vand.u32 $0xFFFFFFF0, v43  }
0x8c: {  	v3 =	vor.u32 v3, v4  }
0x8d: {  	v4 =	vperm.xlane v3, v0;
	_ =	sdelay $0x1  }
0x8e: {  	v3 =	vperm.xlane v3, v2;
	v4 =	vadd.s32 v1, v4;
	_ =	sdelay $0x1  }
0x8f: {  	v3 =	vadd.s32 v1, v3;
	_ =	sdelay $0x2  }
0x90: {  	[tilespmem:s9], [sflag:$0x1] =	stream.indirect_vreg.gather [hbm4b:s3+s2], $0x80, v4, vm0, $0xb8;
	[tilespmem:$0x10100] =	vst v63  }
0x91: {  	_ = 	snop  }
0x92: {  	[tilespmem:s10], [sflag:$0x1] =	stream.indirect_vreg.gather [hbm4b:s3+s2], $0x80, v3, vm0, $0xb8;
	[tilespmem:$0x10100] =	vst v63  }
0x93: {  	v3 =	vld [tilespmem:$0xC0];
	_ =	sdelay $0x4  }
0x94: {  	v44 =	vshll.u32 v3, $0x1  }
0x95: {  	v3 =	vand.u32 $0x7, v3;
	v4 =	vand.u32 $0xFFFFFFF0, v44  }
0x96: {  	v3 =	vor.u32 v3, v4  }
0x97: {  	v4 =	vperm.xlane v3, v0;
	_ =	sdelay $0x1  }
0x98: {  	v3 =	vperm.xlane v3, v2;
	v4 =	vadd.s32 v1, v4;
	_ =	sdelay $0x1  }
0x99: {  	v3 =	vadd.s32 v1, v3;
	_ =	sdelay $0x2  }
0x9a: {  	[tilespmem:s11], [sflag:$0x1] =	stream.indirect_vreg.gather [hbm4b:s3+s2], $0x80, v4, vm0, $0xb8;
	[tilespmem:$0x10100] =	vst v63  }
0x9b: {  	_ = 	snop  }
0x9c: {  	[tilespmem:s6], [sflag:$0x1] =	stream.indirect_vreg.gather [hbm4b:s3+s2], $0x80, v3, vm0, $0xb8;
	[tilespmem:$0x10100] =	vst v63  }
0x9d: {  	v3 =	vld [tilespmem:$0xD0];
	_ =	sdelay $0x4  }
0x9e: {  	v45 =	vshll.u32 v3, $0x1  }
0x9f: {  	v3 =	vand.u32 $0x7, v3;
	v4 =	vand.u32 $0xFFFFFFF0, v45  }
0xa0: {  	v3 =	vor.u32 v3, v4  }
0xa1: {  	v4 =	vperm.xlane v3, v0;
	_ =	sdelay $0x1  }
0xa2: {  	v3 =	vperm.xlane v3, v2;
	v4 =	vadd.s32 v1, v4;
	_ =	sdelay $0x1  }
0xa3: {  	v3 =	vadd.s32 v1, v3;
	_ =	sdelay $0x1  }
0xa4: {  	s13 =	simm.s32 $0xD100  }
0xa5: {  	[tilespmem:s13], [sflag:$0x1] =	stream.indirect_vreg.gather [hbm4b:s3+s2], $0x80, v4, vm0, $0xb8;
	[tilespmem:$0x10100] =	vst v63  }
0xa6: {  	s13 =	simm.s32 $0xD900  }
0xa7: {  	[tilespmem:s13], [sflag:$0x1] =	stream.indirect_vreg.gather [hbm4b:s3+s2], $0x80, v3, vm0, $0xb8;
	[tilespmem:$0x10100] =	vst v63  }
0xa8: {  	v3 =	vld [tilespmem:$0xE0];
	_ =	sdelay $0x4  }
0xa9: {  	v46 =	vshll.u32 v3, $0x1  }
0xaa: {  	v3 =	vand.u32 $0x7, v3;
	v4 =	vand.u32 $0xFFFFFFF0, v46  }
0xab: {  	v3 =	vor.u32 v3, v4  }
0xac: {  	v4 =	vperm.xlane v3, v0;
	_ =	sdelay $0x1  }
0xad: {  	v3 =	vperm.xlane v3, v2;
	v4 =	vadd.s32 v1, v4;
	_ =	sdelay $0x1  }
0xae: {  	v3 =	vadd.s32 v1, v3;
	_ =	sdelay $0x1  }
0xaf: {  	s13 =	simm.s32 $0xE100  }
0xb0: {  	[tilespmem:s13], [sflag:$0x1] =	stream.indirect_vreg.gather [hbm4b:s3+s2], $0x80, v4, vm0, $0xb8;
	[tilespmem:$0x10100] =	vst v63  }
0xb1: {  	s13 =	simm.s32 $0xE900  }
0xb2: {  	[tilespmem:s13], [sflag:$0x1] =	stream.indirect_vreg.gather [hbm4b:s3+s2], $0x80, v3, vm0, $0xb8;
	[tilespmem:$0x10100] =	vst v63  }
0xb3: {  	v3 =	vld [tilespmem:$0xF0];
	_ =	sdelay $0x4  }
0xb4: {  	v47 =	vshll.u32 v3, $0x1  }
0xb5: {  	v3 =	vand.u32 $0x7, v3;
	v4 =	vand.u32 $0xFFFFFFF0, v47  }
0xb6: {  	v3 =	vor.u32 v3, v4  }
0xb7: {  	v4 =	vperm.xlane v3, v0;
	_ =	sdelay $0x1  }
0xb8: {  	v3 =	vperm.xlane v3, v2;
	v4 =	vadd.s32 v1, v4;
	_ =	sdelay $0x1  }
0xb9: {  	v3 =	vadd.s32 v1, v3;
	_ =	sdelay $0x1  }
0xba: {  	s13 =	simm.s32 $0xF100  }
0xbb: {  	[tilespmem:s13], [sflag:$0x1] =	stream.indirect_vreg.gather [hbm4b:s3+s2], $0x80, v4, vm0, $0xb8;
	[tilespmem:$0x10100] =	vst v63  }
0xbc: {  	s13 =	simm.s32 $0xF900  }
0xbd: {  	[tilespmem:s13], [sflag:$0x1] =	stream.indirect_vreg.gather [hbm4b:s3+s2], $0x80, v3, vm0, $0xb8;
	[tilespmem:$0x10100] =	vst v63  }
0xbe: {  	_ =	swait.ge [sflag:s12], $0x10000  }
0xbf: {  	[sflag:s12] =	ssyncset.done $0x0  }
0xc0: {  	s0 =	simm.s32 $0x100;
	s13 =	rddreg [dreg:$0x3];
	[sflag:s12] =	ssyncadd.s32 $0xFFFF0000  }
0xc1: {  	[hbm4b:s13+s2] =	stream.linear.scatter [tilespmem:s0], [sflag:$0x2], $0x10000, $0x38;
	[tilespmem:$0x10100] =	vst v63  }
0xc2: {  	_ =	swait.ge [sflag:s5], $0x10000  }
0xc3: {  	[sflag:s5] =	ssyncset.done $0x0  }
0xc4: {  	s13 =	rddreg [dreg:$0x4];
	[sflag:s5] =	ssyncadd.s32 $0xFFFF0000  }
0xc5: {  	[tilespmem:s2], [sflag:$0x2] =	stream.linear.gather [hbm4b:s13+s2], $0x100, $0x38;
	[tilespmem:$0x10100] =	vst v63  }
0xc6: {  	_ =	swait.ge [sflag:s5], $0x100  }
0xc7: {  	[sflag:s5] =	ssyncset.done $0x0  }
0xc8: {  	[sflag:s5] =	ssyncadd.s32 $0xFFFFFF00  }
0xc9: {  	v3 =	vld [tilespmem:$0x0];
	_ =	sdelay $0x4  }
0xca: {  	v48 =	vshll.u32 v3, $0x1  }
0xcb: {  	v3 =	vand.u32 $0x7, v3;
	v4 =	vand.u32 $0xFFFFFFF0, v48  }
0xcc: {  	v3 =	vor.u32 v3, v4  }
0xcd: {  	v4 =	vperm.xlane v3, v0;
	_ =	sdelay $0x1  }
0xce: {  	v3 =	vperm.xlane v3, v2;
	v4 =	vadd.s32 v1, v4;
	_ =	sdelay $0x1  }
0xcf: {  	v3 =	vadd.s32 v1, v3;
	_ =	sdelay $0x2  }
0xd0: {  	[tilespmem:s0], [sflag:$0x1] =	stream.indirect_vreg.gather [hbm4b:s3+s2], $0x80, v4, vm0, $0xb8;
	[tilespmem:$0x10100] =	vst v63  }
0xd1: {  	_ = 	snop  }
0xd2: {  	[tilespmem:s14], [sflag:$0x1] =	stream.indirect_vreg.gather [hbm4b:s3+s2], $0x80, v3, vm0, $0xb8;
	[tilespmem:$0x10100] =	vst v63  }
0xd3: {  	v3 =	vld [tilespmem:$0x10];
	_ =	sdelay $0x4  }
0xd4: {  	v49 =	vshll.u32 v3, $0x1  }
0xd5: {  	v3 =	vand.u32 $0x7, v3;
	v4 =	vand.u32 $0xFFFFFFF0, v49  }
0xd6: {  	v3 =	vor.u32 v3, v4  }
0xd7: {  	v4 =	vperm.xlane v3, v0;
	_ =	sdelay $0x1  }
0xd8: {  	v3 =	vperm.xlane v3, v2;
	v4 =	vadd.s32 v1, v4;
	_ =	sdelay $0x1  }
0xd9: {  	v3 =	vadd.s32 v1, v3;
	_ =	sdelay $0x2  }
0xda: {  	[tilespmem:s15], [sflag:$0x1] =	stream.indirect_vreg.gather [hbm4b:s3+s2], $0x80, v4, vm0, $0xb8;
	[tilespmem:$0x10100] =	vst v63  }
0xdb: {  	_ = 	snop  }
0xdc: {  	[tilespmem:s16], [sflag:$0x1] =	stream.indirect_vreg.gather [hbm4b:s3+s2], $0x80, v3, vm0, $0xb8;
	[tilespmem:$0x10100] =	vst v63  }
0xdd: {  	v3 =	vld [tilespmem:$0x20];
	_ =	sdelay $0x4  }
0xde: {  	v50 =	vshll.u32 v3, $0x1  }
0xdf: {  	v3 =	vand.u32 $0x7, v3;
	v4 =	vand.u32 $0xFFFFFFF0, v50  }
0xe0: {  	v3 =	vor.u32 v3, v4  }
0xe1: {  	v4 =	vperm.xlane v3, v0;
	_ =	sdelay $0x1  }
0xe2: {  	v3 =	vperm.xlane v3, v2;
	v4 =	vadd.s32 v1, v4;
	_ =	sdelay $0x1  }
0xe3: {  	v3 =	vadd.s32 v1, v3;
	_ =	sdelay $0x2  }
0xe4: {  	[tilespmem:s17], [sflag:$0x1] =	stream.indirect_vreg.gather [hbm4b:s3+s2], $0x80, v4, vm0, $0xb8;
	[tilespmem:$0x10100] =	vst v63  }
0xe5: {  	_ = 	snop  }
0xe6: {  	[tilespmem:s18], [sflag:$0x1] =	stream.indirect_vreg.gather [hbm4b:s3+s2], $0x80, v3, vm0, $0xb8;
	[tilespmem:$0x10100] =	vst v63  }
0xe7: {  	v3 =	vld [tilespmem:$0x30];
	_ =	sdelay $0x4  }
0xe8: {  	v51 =	vshll.u32 v3, $0x1  }
0xe9: {  	v3 =	vand.u32 $0x7, v3;
	v4 =	vand.u32 $0xFFFFFFF0, v51  }
0xea: {  	v3 =	vor.u32 v3, v4  }
0xeb: {  	v4 =	vperm.xlane v3, v0;
	_ =	sdelay $0x1  }
0xec: {  	v3 =	vperm.xlane v3, v2;
	v4 =	vadd.s32 v1, v4;
	_ =	sdelay $0x1  }
0xed: {  	v3 =	vadd.s32 v1, v3;
	_ =	sdelay $0x2  }
0xee: {  	[tilespmem:s19], [sflag:$0x1] =	stream.indirect_vreg.gather [hbm4b:s3+s2], $0x80, v4, vm0, $0xb8;
	[tilespmem:$0x10100] =	vst v63  }
0xef: {  	_ = 	snop  }
0xf0: {  	[tilespmem:s20], [sflag:$0x1] =	stream.indirect_vreg.gather [hbm4b:s3+s2], $0x80, v3, vm0, $0xb8;
	[tilespmem:$0x10100] =	vst v63  }
0xf1: {  	v3 =	vld [tilespmem:$0x40];
	_ =	sdelay $0x4  }
0xf2: {  	v52 =	vshll.u32 v3, $0x1  }
0xf3: {  	v3 =	vand.u32 $0x7, v3;
	v4 =	vand.u32 $0xFFFFFFF0, v52  }
0xf4: {  	v3 =	vor.u32 v3, v4  }
0xf5: {  	v4 =	vperm.xlane v3, v0;
	_ =	sdelay $0x1  }
0xf6: {  	v3 =	vperm.xlane v3, v2;
	v4 =	vadd.s32 v1, v4;
	_ =	sdelay $0x1  }
0xf7: {  	v3 =	vadd.s32 v1, v3;
	_ =	sdelay $0x2  }
0xf8: {  	[tilespmem:s21], [sflag:$0x1] =	stream.indirect_vreg.gather [hbm4b:s3+s2], $0x80, v4, vm0, $0xb8;
	[tilespmem:$0x10100] =	vst v63  }
0xf9: {  	_ = 	snop  }
0xfa: {  	[tilespmem:s22], [sflag:$0x1] =	stream.indirect_vreg.gather [hbm4b:s3+s2], $0x80, v3, vm0, $0xb8;
	[tilespmem:$0x10100] =	vst v63  }
0xfb: {  	v3 =	vld [tilespmem:$0x50];
	_ =	sdelay $0x4  }
0xfc: {  	v53 =	vshll.u32 v3, $0x1  }
0xfd: {  	v3 =	vand.u32 $0x7, v3;
	v4 =	vand.u32 $0xFFFFFFF0, v53  }
0xfe: {  	v3 =	vor.u32 v3, v4  }
0xff: {  	v4 =	vperm.xlane v3, v0;
	_ =	sdelay $0x1  }
0x100: {  	v3 =	vperm.xlane v3, v2;
	v4 =	vadd.s32 v1, v4;
	_ =	sdelay $0x1  }
0x101: {  	v3 =	vadd.s32 v1, v3;
	_ =	sdelay $0x2  }
0x102: {  	[tilespmem:s23], [sflag:$0x1] =	stream.indirect_vreg.gather [hbm4b:s3+s2], $0x80, v4, vm0, $0xb8;
	[tilespmem:$0x10100] =	vst v63  }
0x103: {  	_ = 	snop  }
0x104: {  	[tilespmem:s24], [sflag:$0x1] =	stream.indirect_vreg.gather [hbm4b:s3+s2], $0x80, v3, vm0, $0xb8;
	[tilespmem:$0x10100] =	vst v63  }
0x105: {  	v3 =	vld [tilespmem:$0x60];
	_ =	sdelay $0x4  }
0x106: {  	v54 =	vshll.u32 v3, $0x1  }
0x107: {  	v3 =	vand.u32 $0x7, v3;
	v4 =	vand.u32 $0xFFFFFFF0, v54  }
0x108: {  	v3 =	vor.u32 v3, v4  }
0x109: {  	v4 =	vperm.xlane v3, v0;
	_ =	sdelay $0x1  }
0x10a: {  	v3 =	vperm.xlane v3, v2;
	v4 =	vadd.s32 v1, v4;
	_ =	sdelay $0x1  }
0x10b: {  	v3 =	vadd.s32 v1, v3;
	_ =	sdelay $0x2  }
0x10c: {  	[tilespmem:s25], [sflag:$0x1] =	stream.indirect_vreg.gather [hbm4b:s3+s2], $0x80, v4, vm0, $0xb8;
	[tilespmem:$0x10100] =	vst v63  }
0x10d: {  	_ = 	snop  }
0x10e: {  	[tilespmem:s26], [sflag:$0x1] =	stream.indirect_vreg.gather [hbm4b:s3+s2], $0x80, v3, vm0, $0xb8;
	[tilespmem:$0x10100] =	vst v63  }
0x10f: {  	v3 =	vld [tilespmem:$0x70];
	_ =	sdelay $0x4  }
0x110: {  	v55 =	vshll.u32 v3, $0x1  }
0x111: {  	v3 =	vand.u32 $0x7, v3;
	v4 =	vand.u32 $0xFFFFFFF0, v55  }
0x112: {  	v3 =	vor.u32 v3, v4  }
0x113: {  	v4 =	vperm.xlane v3, v0;
	_ =	sdelay $0x1  }
0x114: {  	v3 =	vperm.xlane v3, v2;
	v4 =	vadd.s32 v1, v4;
	_ =	sdelay $0x1  }
0x115: {  	v3 =	vadd.s32 v1, v3;
	_ =	sdelay $0x2  }
0x116: {  	[tilespmem:s28], [sflag:$0x1] =	stream.indirect_vreg.gather [hbm4b:s3+s2], $0x80, v4, vm0, $0xb8;
	[tilespmem:$0x10100] =	vst v63  }
0x117: {  	_ = 	snop  }
0x118: {  	[tilespmem:s29], [sflag:$0x1] =	stream.indirect_vreg.gather [hbm4b:s3+s2], $0x80, v3, vm0, $0xb8;
	[tilespmem:$0x10100] =	vst v63  }
0x119: {  	v3 =	vld [tilespmem:$0x80];
	_ =	sdelay $0x4  }
0x11a: {  	v56 =	vshll.u32 v3, $0x1  }
0x11b: {  	v3 =	vand.u32 $0x7, v3;
	v4 =	vand.u32 $0xFFFFFFF0, v56  }
0x11c: {  	v3 =	vor.u32 v3, v4  }
0x11d: {  	v4 =	vperm.xlane v3, v0;
	_ =	sdelay $0x1  }
0x11e: {  	v3 =	vperm.xlane v3, v2;
	v4 =	vadd.s32 v1, v4;
	_ =	sdelay $0x1  }
0x11f: {  	v3 =	vadd.s32 v1, v3;
	_ =	sdelay $0x2  }
0x120: {  	[tilespmem:s30], [sflag:$0x1] =	stream.indirect_vreg.gather [hbm4b:s3+s2], $0x80, v4, vm0, $0xb8;
	[tilespmem:$0x10100] =	vst v63  }
0x121: {  	_ = 	snop  }
0x122: {  	[tilespmem:s31], [sflag:$0x1] =	stream.indirect_vreg.gather [hbm4b:s3+s2], $0x80, v3, vm0, $0xb8;
	[tilespmem:$0x10100] =	vst v63  }
0x123: {  	v3 =	vld [tilespmem:$0x90];
	_ =	sdelay $0x4  }
0x124: {  	v57 =	vshll.u32 v3, $0x1  }
0x125: {  	v3 =	vand.u32 $0x7, v3;
	v4 =	vand.u32 $0xFFFFFFF0, v57  }
0x126: {  	v3 =	vor.u32 v3, v4  }
0x127: {  	v4 =	vperm.xlane v3, v0;
	_ =	sdelay $0x1  }
0x128: {  	v3 =	vperm.xlane v3, v2;
	v4 =	vadd.s32 v1, v4;
	_ =	sdelay $0x1  }
0x129: {  	v3 =	vadd.s32 v1, v3;
	_ =	sdelay $0x1  }
0x12a: {  	s13 =	simm.s32 $0x9100  }
0x12b: {  	[tilespmem:s13], [sflag:$0x1] =	stream.indirect_vreg.gather [hbm4b:s3+s2], $0x80, v4, vm0, $0xb8;
	[tilespmem:$0x10100] =	vst v63  }
0x12c: {  	_ = 	snop  }
0x12d: {  	[tilespmem:s1], [sflag:$0x1] =	stream.indirect_vreg.gather [hbm4b:s3+s2], $0x80, v3, vm0, $0xb8;
	[tilespmem:$0x10100] =	vst v63  }
0x12e: {  	v3 =	vld [tilespmem:$0xA0];
	_ =	sdelay $0x4  }
0x12f: {  	v58 =	vshll.u32 v3, $0x1  }
0x130: {  	v3 =	vand.u32 $0x7, v3;
	v4 =	vand.u32 $0xFFFFFFF0, v58  }
0x131: {  	v3 =	vor.u32 v3, v4  }
0x132: {  	v4 =	vperm.xlane v3, v0;
	_ =	sdelay $0x1  }
0x133: {  	v3 =	vperm.xlane v3, v2;
	v4 =	vadd.s32 v1, v4;
	_ =	sdelay $0x1  }
0x134: {  	v3 =	vadd.s32 v1, v3;
	_ =	sdelay $0x2  }
0x135: {  	[tilespmem:s7], [sflag:$0x1] =	stream.indirect_vreg.gather [hbm4b:s3+s2], $0x80, v4, vm0, $0xb8;
	[tilespmem:$0x10100] =	vst v63  }
0x136: {  	_ = 	snop  }
0x137: {  	[tilespmem:s8], [sflag:$0x1] =	stream.indirect_vreg.gather [hbm4b:s3+s2], $0x80, v3, vm0, $0xb8;
	[tilespmem:$0x10100] =	vst v63  }
0x138: {  	v3 =	vld [tilespmem:$0xB0];
	_ =	sdelay $0x4  }
0x139: {  	v59 =	vshll.u32 v3, $0x1  }
0x13a: {  	v3 =	vand.u32 $0x7, v3;
	v4 =	vand.u32 $0xFFFFFFF0, v59  }
0x13b: {  	v3 =	vor.u32 v3, v4  }
0x13c: {  	v4 =	vperm.xlane v3, v0;
	_ =	sdelay $0x1  }
0x13d: {  	v3 =	vperm.xlane v3, v2;
	v4 =	vadd.s32 v1, v4;
	_ =	sdelay $0x1  }
0x13e: {  	v3 =	vadd.s32 v1, v3;
	_ =	sdelay $0x2  }
0x13f: {  	[tilespmem:s9], [sflag:$0x1] =	stream.indirect_vreg.gather [hbm4b:s3+s2], $0x80, v4, vm0, $0xb8;
	[tilespmem:$0x10100] =	vst v63  }
0x140: {  	_ = 	snop  }
0x141: {  	[tilespmem:s10], [sflag:$0x1] =	stream.indirect_vreg.gather [hbm4b:s3+s2], $0x80, v3, vm0, $0xb8;
	[tilespmem:$0x10100] =	vst v63  }
0x142: {  	v3 =	vld [tilespmem:$0xC0];
	_ =	sdelay $0x4  }
0x143: {  	v60 =	vshll.u32 v3, $0x1  }
0x144: {  	v3 =	vand.u32 $0x7, v3;
	v4 =	vand.u32 $0xFFFFFFF0, v60  }
0x145: {  	v3 =	vor.u32 v3, v4  }
0x146: {  	v4 =	vperm.xlane v3, v0;
	_ =	sdelay $0x1  }
0x147: {  	v3 =	vperm.xlane v3, v2;
	v4 =	vadd.s32 v1, v4;
	_ =	sdelay $0x1  }
0x148: {  	v3 =	vadd.s32 v1, v3;
	_ =	sdelay $0x2  }
0x149: {  	[tilespmem:s11], [sflag:$0x1] =	stream.indirect_vreg.gather [hbm4b:s3+s2], $0x80, v4, vm0, $0xb8;
	[tilespmem:$0x10100] =	vst v63  }
0x14a: {  	_ = 	snop  }
0x14b: {  	[tilespmem:s6], [sflag:$0x1] =	stream.indirect_vreg.gather [hbm4b:s3+s2], $0x80, v3, vm0, $0xb8;
	[tilespmem:$0x10100] =	vst v63  }
0x14c: {  	v3 =	vld [tilespmem:$0xD0];
	_ =	sdelay $0x4  }
0x14d: {  	v61 =	vshll.u32 v3, $0x1  }
0x14e: {  	v3 =	vand.u32 $0x7, v3;
	v4 =	vand.u32 $0xFFFFFFF0, v61  }
0x14f: {  	v3 =	vor.u32 v3, v4  }
0x150: {  	v4 =	vperm.xlane v3, v0;
	_ =	sdelay $0x1  }
0x151: {  	v3 =	vperm.xlane v3, v2;
	v4 =	vadd.s32 v1, v4;
	_ =	sdelay $0x1  }
0x152: {  	v3 =	vadd.s32 v1, v3;
	_ =	sdelay $0x1  }
0x153: {  	s13 =	simm.s32 $0xD100  }
0x154: {  	[tilespmem:s13], [sflag:$0x1] =	stream.indirect_vreg.gather [hbm4b:s3+s2], $0x80, v4, vm0, $0xb8;
	[tilespmem:$0x10100] =	vst v63  }
0x155: {  	s13 =	simm.s32 $0xD900  }
0x156: {  	[tilespmem:s13], [sflag:$0x1] =	stream.indirect_vreg.gather [hbm4b:s3+s2], $0x80, v3, vm0, $0xb8;
	[tilespmem:$0x10100] =	vst v63  }
0x157: {  	v3 =	vld [tilespmem:$0xE0];
	_ =	sdelay $0x4  }
0x158: {  	v62 =	vshll.u32 v3, $0x1  }
0x159: {  	v3 =	vand.u32 $0x7, v3;
	v4 =	vand.u32 $0xFFFFFFF0, v62  }
0x15a: {  	v3 =	vor.u32 v3, v4  }
0x15b: {  	v4 =	vperm.xlane v3, v0;
	_ =	sdelay $0x1  }
0x15c: {  	v3 =	vperm.xlane v3, v2;
	v4 =	vadd.s32 v1, v4;
	_ =	sdelay $0x1  }
0x15d: {  	v3 =	vadd.s32 v1, v3;
	_ =	sdelay $0x1  }
0x15e: {  	s13 =	simm.s32 $0xE100  }
0x15f: {  	[tilespmem:s13], [sflag:$0x1] =	stream.indirect_vreg.gather [hbm4b:s3+s2], $0x80, v4, vm0, $0xb8;
	[tilespmem:$0x10100] =	vst v63  }
0x160: {  	s13 =	simm.s32 $0xE900  }
0x161: {  	[tilespmem:s13], [sflag:$0x1] =	stream.indirect_vreg.gather [hbm4b:s3+s2], $0x80, v3, vm0, $0xb8;
	[tilespmem:$0x10100] =	vst v63  }
0x162: {  	v3 =	vld [tilespmem:$0xF0];
	_ =	sdelay $0x4  }
0x163: {  	v63 =	vshll.u32 v3, $0x1  }
0x164: {  	v3 =	vand.u32 $0x7, v3;
	v4 =	vand.u32 $0xFFFFFFF0, v63  }
0x165: {  	v3 =	vor.u32 v3, v4  }
0x166: {  	v4 =	vperm.xlane v3, v0;
	_ =	sdelay $0x1  }
0x167: {  	v3 =	vperm.xlane v3, v2;
	v4 =	vadd.s32 v1, v4;
	_ =	sdelay $0x1  }
0x168: {  	v3 =	vadd.s32 v1, v3;
	_ =	sdelay $0x1  }
0x169: {  	s13 =	simm.s32 $0xF100  }
0x16a: {  	[tilespmem:s13], [sflag:$0x1] =	stream.indirect_vreg.gather [hbm4b:s3+s2], $0x80, v4, vm0, $0xb8;
	[tilespmem:$0x10100] =	vst v63  }
0x16b: {  	s13 =	simm.s32 $0xF900  }
0x16c: {  	[tilespmem:s13], [sflag:$0x1] =	stream.indirect_vreg.gather [hbm4b:s3+s2], $0x80, v3, vm0, $0xb8;
	[tilespmem:$0x10100] =	vst v63  }
0x16d: {  	_ =	swait.ge [sflag:s12], $0x10000  }
0x16e: {  	p0 =	sne.s32 s4, $0x1;
	s0 =	simm.s32 $0x100;
	[sflag:s12] =	ssyncset.done $0x0  }
.Ltmp0:
0x16f: {  	s13 =	rddreg [dreg:$0x5];
	[sflag:s12] =	ssyncadd.s32 $0xFFFF0000;
	(pc) =	sbr.rel @p0 .LBB2_1-.Ltmp0, $4  }
0x170: {  	[hbm4b:s13+s2] =	stream.linear.scatter [tilespmem:s0], [sflag:$0x2], $0x10000, $0x38;
	[tilespmem:$0x10100] =	vst v63  }
0x171: {  	_ =	swait.ge [sflag:s5], $0x10000  }
0x172: {  	[sflag:s5] =	ssyncset.done $0x0  }
0x173: {  	s4 =	sadd.s32 $0xFFFFFFFF, s4;
	[sflag:s5] =	ssyncadd.s32 $0xFFFF0000  }
0x174: {  	_ =	sfence.sel $0x180000  }
0x175: {  	[bflag:$0x0] =	sbarrier.arrive $0xFFFF  }
0x176: {  	_ =	strace $0x90000050  }
0x177: {  	s0 =	stileid.u32;
	[bflag:$0x2] =	sbarrier.arrive $0xFFFF  }
0x178: {  	p0 =	sne.s32 s0, $0x0;
	s0 =	rddreg [dreg:$0x1]  }
0x179: {  	s0 =	sadd.s32 @!p0 $0x100000, s0  }
0x17a: {  	[sflag:s0] =	ssyncadd.tile.s32 @!p0 $0x1;
	_ =	shalt  }
.Lfunc_end2:
_tile_overlayer_lowered:
.L_overlay_start_2:
0x17b: {  	(tag) =	ssettag $0x2  }
0x17c: {  	s0 =	rddreg [dreg:$0x0];
	s2 =	stileid.u32  }
0x17d: {  	s1 =	rddreg [dreg:$0x1];
	p0 =	sne.s32 s2, $0x0  }
0x17e: {  	s3 =	rddreg [dreg:$0x2];
	[bflag:$0x3] =	sbarrier.arrive $0xFFFF;
	s2 =	simm.s32 @!p0 $0x1C02  }
0x17f: {  	[timem:s3], [sflag:s2] =	dma.local @!p0 [hbm:s0], s1  }
0x180: {  	s0 =	simm.s32 @!p0 $0x2  }
0x181: {  	_ =	swait.ge @!p0 [sflag:s0], s1  }
0x182: {  	s1 =	ssub.s32 @!p0 $0x0, s1;
	[sflag:s0] =	ssyncset.done @!p0 $0x0  }
0x183: {  	[sflag:s0] =	ssyncadd.s32 @!p0 s1  }
0x184: {  	[bflag:$0x3] =	sbarrier.arrive $0xFFFF  }
0x185: {  	_ =	shalt  }

// kernel: kernel.20.cloned.1.call-start
scs
__scs_entry_jumppad:
0x0: {  	(pc) =	sbr.rel $0x88, $3  }
0x1: {  	(tag) =	ssettag $0x0;
	lr =	simm.s32 $0x1  }
0x2: {  	[smem:$0x3F99] =	sst lr;
	_ =	strace $0xD0000000  }
0x3: {  	_ = 	snop  }
0x4: {  	_ = 	snop  }
0x5: {  	_ = 	snop  }
0x6: {  	_ = 	snop  }
0x7: {  	_ = 	snop  }
__scs_overlays_trampoline_lowered:
0x8: {  	[smem:$0x3FA8] =	sst s0  }
0x9: {  	[smem:$0x3FA9] =	sst s1  }
0xa: {  	[smem:$0x3FAA] =	sst s2  }
0xb: {  	[smem:$0x3FAB] =	sst s3  }
0xc: {  	[smem:$0x3FAC] =	sst s4  }
0xd: {  	[smem:$0x3FAD] =	sst s5  }
0xe: {  	[smem:$0x3FAE] =	sst s6  }
0xf: {  	[smem:$0x3FAF] =	sst s7  }
0x10: {  	[smem:$0x3FB0] =	sst s8  }
0x11: {  	[smem:$0x3FB1] =	sst s9;
	s0 =	simm.s32 @!p0 $0x0  }
0x12: {  	s1 =	sld [smem:$0x3F97];
	s0 =	simm.s32 @p0 $0x1  }
0x13: {  	[smem:$0x3FB2] =	sst s0;
	s0 =	simm.s32 @!p1 $0x0  }
0x14: {  	s2 =	sld [smem:$0x3F96];
	s0 =	simm.s32 @p1 $0x1  }
0x15: {  	[smem:$0x3FB3] =	sst s0;
	s0 =	simm.s32 @!p2 $0x0  }
0x16: {  	s3 =	sld [smem:$0x3FDB];
	s0 =	simm.s32 @p2 $0x1  }
0x17: {  	s4 =	simm.s32 $0x1BF5;
	[smem:$0x3FB5] =	sst s0  }
0x18: {  	s0 =	sld [smem:$0x3F98];
	_ =	swait.ge [sflag:s4], $0x0  }
0x19: {  	s7 =	sld [smem:$0x3F99]  }
0x1a: {  	s8 =	sadd.s32 $0xFFFFE003, lr  }
0x1b: {  	s9 =	sadd.s32 $0xFFFFFEF7, lr;
	s5 =	simm.s32 $0xFFFFFFFF;
	p2 =	slt.u32 s8, $0xFFFFF086  }
0x1c: {  	p1 =	slt.u32 s9, $0xF7A;
	s5 =	simm.s32 @!p2 $0x0  }
0x1d: {  	s5 =	simm.s32 @p1 $0x1;
	p0 =	seq.s32 s7, s2  }
0x1e: {  	s7 =	smul.u32 @!p0 $0xF7A, s2;
	p2 =	seq.s32 @!p0 s5, $0x0  }
0x1f: {  	s9 =	smul.u32 $0xF7A, s1;
	s8 =	simm.s32 @!p0 $0x1BF5;
	p2 =	por !p2, p0  }
0x20: {  	[sflag:s8] =	ssyncset.s32 @!p0 $0xFFFFF086;
	s6 =	sadd.s32 @!p0 s3, s7;
	s7 =	simm.s32 @!p0 $0x108  }
0x21: {  	s3 =	sadd.s32 s3, s9;
	s6 =	sadd.s32 @!p0 $0x88, s6;
	s7 =	simm.s32 @p2 $0x1082  }
0x22: {  	[simem:s7], [sflag:s8] =	dma.local @!p0 [hbm:s6], $0xF7A  }
0x23: {  	s9 =	sor.u32 $0xD0000000, s2;
	s6 =	simm.s32 $0x108;
	_ =	swait.ge @!p0 [sflag:s8], $0x0  }
0x24: {  	s3 =	sadd.s32 $0x88, s3;
	s6 =	simm.s32 @!p1 $0x1082;
	[sflag:s4] =	ssyncset.s32 $0xFFFFF086  }
0x25: {  	[simem:s6], [sflag:s4] =	dma.local [hbm:s3], $0xF7A  }
0x26: {  	[smem:$0x3F99] =	sst s1;
	(tag) =	ssettag s2;
	_ =	strace s9  }
0x27: {  	s1 =	sld [smem:$0x3FA9]  }
0x28: {  	s2 =	sld [smem:$0x3FAA]  }
0x29: {  	s4 =	sld [smem:$0x3FAC]  }
0x2a: {  	p0 =	seq.s32 s5, $0x0;
	s5 =	sld [smem:$0x3FAD]  }
0x2b: {  	s6 =	sld [smem:$0x3FAE]  }
0x2c: {  	s7 =	sld [smem:$0x3FAF]  }
0x2d: {  	s3 =	simm.s32 $0x108;
	s8 =	sld [smem:$0x3FB0]  }
0x2e: {  	s3 =	simm.s32 @!p0 $0x1082;
	s9 =	sld [smem:$0x3FB1]  }
0x2f: {  	lr =	sadd.s32 s0, s3;
	s0 =	sld [smem:$0x3FA8]  }
0x30: {  	s3 =	sld [smem:$0x3FAB]  }
0x31: {  	[smem:$0x3FB4] =	sst s10  }
0x32: {  	s10 =	sld [smem:$0x3FB2];
	_ =	sdelay $0x3  }
0x33: {  	p0 =	seq.s32 s10, $0x1;
	s10 =	sld [smem:$0x3FB4];
	_ =	sdelay $0x3  }
0x34: {  	[smem:$0x3FB4] =	sst s10  }
0x35: {  	s10 =	sld [smem:$0x3FB3];
	_ =	sdelay $0x3  }
0x36: {  	p1 =	seq.s32 s10, $0x1;
	s10 =	sld [smem:$0x3FB4];
	_ =	sdelay $0x3  }
0x37: {  	[smem:$0x3FB4] =	sst s10  }
0x38: {  	s10 =	sld [smem:$0x3FB5]  }
0x39: {  	_ = 	snop;
	(pc) =	sbr.ind lr, $3  }
0x3a: {  	_ = 	snop  }
0x3b: {  	_ = 	snop  }
0x3c: {  	p2 =	seq.s32 s10, $0x1;
	s10 =	sld [smem:$0x3FB4]  }
0x3d: {  	_ =	shalt  }
0x3e: {  	_ =	shalt  }
0x3f: {  	_ =	shalt  }
0x40: {  	_ =	shalt  }
0x41: {  	_ =	shalt  }
0x42: {  	_ =	shalt  }
0x43: {  	_ =	shalt  }
0x44: {  	_ =	shalt  }
0x45: {  	_ =	shalt  }
0x46: {  	_ =	shalt  }
0x47: {  	_ =	shalt  }
0x48: {  	_ =	shalt  }
0x49: {  	_ =	shalt  }
0x4a: {  	_ =	shalt  }
0x4b: {  	_ =	shalt  }
0x4c: {  	_ =	shalt  }
0x4d: {  	_ =	shalt  }
0x4e: {  	_ =	shalt  }
0x4f: {  	_ =	shalt  }
0x50: {  	_ =	shalt  }
0x51: {  	_ =	shalt  }
0x52: {  	_ =	shalt  }
0x53: {  	_ =	shalt  }
0x54: {  	_ =	shalt  }
0x55: {  	_ =	shalt  }
0x56: {  	_ =	shalt  }
0x57: {  	_ =	shalt  }
0x58: {  	_ =	shalt  }
0x59: {  	_ =	shalt  }
0x5a: {  	_ =	shalt  }
0x5b: {  	_ =	shalt  }
0x5c: {  	_ =	shalt  }
0x5d: {  	_ =	shalt  }
0x5e: {  	_ =	shalt  }
0x5f: {  	_ =	shalt  }
0x60: {  	_ =	shalt  }
0x61: {  	_ =	shalt  }
0x62: {  	_ =	shalt  }
0x63: {  	_ =	shalt  }
0x64: {  	_ =	shalt  }
0x65: {  	_ =	shalt  }
0x66: {  	_ =	shalt  }
0x67: {  	_ =	shalt  }
0x68: {  	_ =	shalt  }
0x69: {  	_ =	shalt  }
0x6a: {  	_ =	shalt  }
0x6b: {  	_ =	shalt  }
0x6c: {  	_ =	shalt  }
0x6d: {  	_ =	shalt  }
0x6e: {  	_ =	shalt  }
0x6f: {  	_ =	shalt  }
0x70: {  	_ =	shalt  }
0x71: {  	_ =	shalt  }
0x72: {  	_ =	shalt  }
0x73: {  	_ =	shalt  }
0x74: {  	_ =	shalt  }
0x75: {  	_ =	shalt  }
0x76: {  	_ =	shalt  }
0x77: {  	_ =	shalt  }
0x78: {  	_ =	shalt  }
0x79: {  	_ =	shalt  }
0x7a: {  	_ =	shalt  }
0x7b: {  	_ =	shalt  }
0x7c: {  	_ =	shalt  }
0x7d: {  	_ =	shalt  }
0x7e: {  	_ =	shalt  }
0x7f: {  	_ =	shalt  }
0x80: {  	_ =	shalt  }
0x81: {  	_ =	shalt  }
0x82: {  	_ =	shalt  }
0x83: {  	_ =	shalt  }
0x84: {  	_ =	shalt  }
0x85: {  	_ =	shalt  }
0x86: {  	_ =	shalt  }
0x87: {  	_ =	shalt  }
.Lfunc_end0:
.L_simem_size_0:
called_computation.2_lowered:
.L_overlay_start_0:
0x88: {  	s2 =	sld [smem:$0x3FD9]  }
0x89: {  	s3 =	sld [smem:$0x3FFE];
	_ =	sdelay $0x1  }
0x8a: {  	s1 =	srdreg.scid  }
0x8b: {  	s0 =	sand.u32 $0x1, s1  }
0x8c: {  	s17 =	sshll.u32 s0, $0xA;
	s2 =	sadd.s32 s3, s2  }
0x8d: {  	s2 =	sadd.s32 s2, s17  }
0x8e: {  	[smem:$0x3FC0] =	sst s2  }
0x8f: {  	_ = 	snop  }
0x90: {  	(tm) =	ssettm $0x1  }
0x91: {  	s18 =	sld [smem:$0x3FFB];
	_ =	sdelay $0x3  }
0x92: {  	_ =	strace s18  }
0x93: {  	s2 =	sld [smem:$0x3FFC];
	_ =	sdelay $0x3  }
0x94: {  	_ =	strace s2  }
0x95: {  	s2 =	sld [smem:$0x3FFD];
	_ =	sdelay $0x3  }
0x96: {  	_ =	strace s2  }
0x97: {  	_ =	strace $0x8FFFFFFF  }
0x98: {  	s19 =	sld [smem:$0x3FDB];
	_ =	sdelay $0x1  }
0x99: {  	s20 =	simm.s32 $_scs_section_size  }
0x9a: {  	s4 =	simm.s32 $_size__tile_overlayer_lowered;
	s5 =	simm.s32 $_tile_overlayer_lowered  }
0x9b: {  	s6 =	simm.s32 $0x1BFF;
	s21 =	sshll.u32 s5, $0x1;
	s3 =	sadd.s32 s20, s19  }
0x9c: {  	s22 =	simm.s32 $0x0;
	s4 =	sshll.u32 s4, $0x1;
	s5 =	sadd.s32 s21, s3  }
0x9d: {  	[timem:s22], [sflag:s6] =	dma.local [hbm:s5], s4  }
0x9e: {  	_ =	swait.ge [sflag:s6], s4  }
0x9f: {  	s4 =	ssub.s32 $0x0, s4;
	[sflag:s6] =	ssyncset.done $0x0  }
0xa0: {  	[sflag:s6] =	ssyncadd.s32 s4;
	_ =	sdelay $0x1  }
0xa1: {  	s23 =	simm.s32 $0x1B8B  }
0xa2: {  	_ =	swait.ge [sflag:s23], $0x1  }
0xa3: {  	[sflag:s23] =	ssyncset.done $0x0  }
0xa4: {  	[sflag:s23] =	ssyncadd.s32 $0xFFFFFFFF  }
0xa5: {  	s4 =	sld [smem:$0x0]  }
0xa6: {  	s5 =	sand.u32 $0xFFFFFFFE, s1  }
0xa7: {  	p0 =	sne.s32 s1, s5  }
0xa8: {  	s5 =	sshll.u32 @p0 s5, $0xE  }
0xa9: {  	s5 =	sadd.s32 @p0 $0x11B8D, s5;
	s6 =	sshll.u32 @p0 s4, $0x11  }
0xaa: {  	s5 =	sor.u32 @p0 s6, s5  }
0xab: {  	[sflag:s5] =	ssyncadd.remote.s32 @p0 $0x1;
	_ =	sdelay $0x1  }
0xac: {  	s5 =	simm.s32 @p0 $0x1B8D  }
0xad: {  	_ =	swait.eq @p0 [sflag:s5], $0x1  }
0xae: {  	[sflag:s5] =	ssyncadd.s32 @p0 $0xFFFFFFFF  }
0xaf: {  	s6 =	sshll.u32 @!p0 s1, $0xE  }
0xb0: {  	s6 =	sor.u32 @!p0 $0x4000, s6;
	s5 =	simm.s32 @!p0 $0x1B8D  }
0xb1: {  	s4 =	sshll.u32 @!p0 s4, $0x11;
	s6 =	sadd.s32 @!p0 $0x11B8D, s6;
	_ =	swait.eq @!p0 [sflag:s5], $0x1  }
0xb2: {  	s4 =	sor.u32 @!p0 s4, s6;
	[sflag:s5] =	ssyncadd.s32 @!p0 $0xFFFFFFFF  }
0xb3: {  	s25 =	simm.s32 $0x1B8E;
	s24 =	sld [smem:$0x3FFE];
	[sflag:s4] =	ssyncadd.remote.s32 @!p0 $0x1  }
0xb4: {  	s26 =	simm.s32 $execute0_lowered;
	[smem:$0x3FD2] =	sst s25  }
0xb5: {  	s5 =	sshll.u32 s26, $0x1;
	_ =	strace $0x80000052;
	[dreg:$0x1] =	wrdreg $0xFFFFFFFF  }
0xb6: {  	s28 =	simm.s32 $_size_execute0_lowered;
	s3 =	sadd.s32 s3, s5;
	[dreg:$0x0] =	wrdreg $0x0  }
0xb7: {  	s5 =	sshll.u32 s28, $0x1;
	[dreg:$0x2] =	wrdreg s3  }
0xb8: {  	[dreg:$0x3] =	wrdreg s5  }
0xb9: {  	[dreg:$0x4] =	wrdreg $0xC0  }
0xba: {  	_ =	task [dreg:s22], $0x5FFFF  }
0xbb: {  	[dreg:$0x1] =	wrdreg $0xFFFFFFFF  }
0xbc: {  	[dreg:$0x0] =	wrdreg $0x60  }
0xbd: {  	[dreg:$0x2] =	wrdreg s24  }
0xbe: {  	[dreg:$0x3] =	wrdreg $0xB  }
0xbf: {  	_ =	task.clear_ibuf [dreg:s22], $0x4FFFF;
	_ =	strace $0x90000052  }
0xc0: {  	s29 =	simm.s32 $0xB;
	_ =	strace $0x80000054  }
0xc1: {  	_ =	swait.ge [sflag:s29], $0x1  }
0xc2: {  	[sflag:s29] =	ssyncadd.s32 $0xFFFFFFFF  }
0xc3: {  	_ =	strace $0x90000054  }
0xc4: {  	_ =	sfence  }
0xc5: {  	s30 =	sld [smem:$0x0];
	_ =	sdelay $0x2  }
0xc6: {  	s31 =	sshll.u32 s1, $0xD;
	s1 =	sshrl.u32 s1, $0x2  }
0xc7: {  	s4 =	sand.u32 $0x4000, s31;
	s1 =	sadd.s32 s1, s30  }
0xc8: {  	s0 =	sor.u32 s4, s0;
	s1 =	sshll.u32 s1, $0x11  }
0xc9: {  	s0 =	sor.u32 s1, s0  }
0xca: {  	s0 =	sadd.s32 $0x8F2B, s0  }
0xcb: {  	[sflag:s0] =	ssyncadd.remote.s32 $0x1  }
0xcc: {  	_ =	sfence.sel $0xFFFF  }
0xcd: {  	[dreg:$0x0] =	wrdreg $0xFFFFFFFF;
	(pc) =	sbr.abs _section_cstart, $3  }
0xce: {  	[dreg:$0x1] =	wrdreg $0xFFFFFFFF  }
0xcf: {  	_ =	task.clear_ibuf [dreg:s22], $0x2FFFF;
	_ =	strace $0x9FFFFFFF  }
0xd0: {  	(tm) =	ssettm $0x7FFFFFFF  }
0xd1: {  	_ =	shalt  }
tec
execute0_lowered:
.L_overlay_start_1:
0x0: {  	(tag) =	ssettag $0x1  }
0x1: {  	s0 =	rddreg [dreg:$0x0];
	s2 =	simm.s32 $0x0  }
0x2: {  	s1 =	srdreg.scid;
	s4 =	stileid.u32;
	s12 =	simm.s32 $0x1  }
0x3: {  	s14 =	simm.s32 $0x900;
	s15 =	simm.s32 $0x1100;
	s16 =	simm.s32 $0x1900  }
0x4: {  	s17 =	simm.s32 $0x2100;
	s18 =	simm.s32 $0x2900;
	s19 =	simm.s32 $0x3100  }
0x5: {  	s20 =	simm.s32 $0x3900;
	s21 =	simm.s32 $0x4100;
	s22 =	simm.s32 $0x4900  }
0x6: {  	s23 =	simm.s32 $0x5100;
	s28 =	simm.s32 $0x7100;
	s29 =	simm.s32 $0x7900  }
0x7: {  	s30 =	simm.s32 $0x8100;
	s31 =	simm.s32 $0x8900;
	s9 =	simm.s32 $0xB100  }
0x8: {  	s10 =	simm.s32 $0xB900;
	s11 =	simm.s32 $0xC100;
	[smem:$0x7FF] =	sst s2  }
0x9: {  	s1 =	sand.u32 $0x1, s1;
	s3 =	sadd.s32 $0xCE600, s0;
	s4 =	sshll.u32 s4, $0xA  }
0xa: {  	s6 =	sadd.s32 $0xDE600, s0;
	s0 =	sadd.s32 $0x26E600, s0;
	s5 =	sshll.u32 s1, $0x9  }
0xb: {  	_ =	strace $0x80000053;
	s1 =	ssub.s32 $0x2, s1;
	s4 =	sor.u32 s5, s4  }
0xc: {  	s24 =	sshrl.u32 s1, $0x1;
	s5 =	simm.s32 $0x2;
	s7 =	sshrl.u32 s4, $0x3  }
0xd: {  	s8 =	sshll.u32 s4, $0x5;
	s4 =	sor.u32 $0x100, s4;
	s1 =	ssub.s32 s1, s24  }
0xe: {  	s24 =	simm.s32 $0x5900;
	s7 =	sadd.s32 s6, s7;
	s25 =	sadd.s32 s0, s8  }
0xf: {  	s26 =	sshrl.u32 s4, $0x3;
	s4 =	sshll.u32 s4, $0x5;
	[dreg:$0x2] =	wrdreg s7  }
0x10: {  	s8 =	simm.s32 $0xA900;
	[dreg:$0x3] =	wrdreg s25;
	s6 =	sadd.s32 s6, s26  }
0x11: {  	v2 =	vlaneseq.u32;
	s0 =	sadd.s32 s0, s4;
	s4 =	smax.u32 s1, $0x1;
	s25 =	simm.s32 $0x6100  }
0x12: {  	vm0 =	vmmov $0xffff;
	v1 =	vshrl.u32 v2, $0x3;
	s26 =	simm.s32 $0x6900;
	s1 =	simm.s32 $0x9900;
	[dreg:$0x4] =	wrdreg s6  }
0x13: {  	v0 =	vand.u32 $0x7, v2;
	v2 =	vor.u32 $0x8, v2;
	v1 =	vmul.u32 $0x8, v1;
	s7 =	simm.s32 $0xA100;
	[dreg:$0x5] =	wrdreg s0;
	s6 =	simm.s32 $0xC900  }
.LBB2_1:
0x14: {  	s13 =	rddreg [dreg:$0x2]  }
0x15: {  	[tilespmem:s2], [sflag:$0x2] =	stream.linear.gather [hbm4b:s13+s2], $0x100, $0x38;
	[tilespmem:$0x10100] =	vst v63  }
0x16: {  	_ =	swait.ge [sflag:s5], $0x100  }
0x17: {  	[sflag:s5] =	ssyncset.done $0x0  }
0x18: {  	[sflag:s5] =	ssyncadd.s32 $0xFFFFFF00  }
0x19: {  	v3 =	vld [tilespmem:$0x0];
	_ =	sdelay $0x4  }
0x1a: {  	v4 =	vshll.u32 v3, $0x1  }
0x1b: {  	v3 =	vand.u32 $0x7, v3;
	v4 =	vand.u32 $0xFFFFFFF0, v4  }
0x1c: {  	v3 =	vor.u32 v3, v4  }
0x1d: {  	v4 =	vperm.xlane v3, v0;
	_ =	sdelay $0x1  }
0x1e: {  	v3 =	vperm.xlane v3, v2;
	v4 =	vadd.s32 v1, v4;
	_ =	sdelay $0x1  }
0x1f: {  	v3 =	vadd.s32 v1, v3;
	_ =	sdelay $0x1  }
0x20: {  	s0 =	simm.s32 $0x100  }
0x21: {  	[tilespmem:s0], [sflag:$0x1] =	stream.indirect_vreg.gather [hbm4b:s3+s2], $0x80, v4, vm0, $0xb8;
	[tilespmem:$0x10100] =	vst v63  }
0x22: {  	_ = 	snop  }
0x23: {  	[tilespmem:s14], [sflag:$0x1] =	stream.indirect_vreg.gather [hbm4b:s3+s2], $0x80, v3, vm0, $0xb8;
	[tilespmem:$0x10100] =	vst v63  }
0x24: {  	v3 =	vld [tilespmem:$0x10];
	_ =	sdelay $0x4  }
0x25: {  	v33 =	vshll.u32 v3, $0x1  }
0x26: {  	v3 =	vand.u32 $0x7, v3;
	v4 =	vand.u32 $0xFFFFFFF0, v33  }
0x27: {  	v3 =	vor.u32 v3, v4  }
0x28: {  	v4 =	vperm.xlane v3, v0;
	_ =	sdelay $0x1  }
0x29: {  	v3 =	vperm.xlane v3, v2;
	v4 =	vadd.s32 v1, v4;
	_ =	sdelay $0x1  }
0x2a: {  	v3 =	vadd.s32 v1, v3;
	_ =	sdelay $0x2  }
0x2b: {  	[tilespmem:s15], [sflag:$0x1] =	stream.indirect_vreg.gather [hbm4b:s3+s2], $0x80, v4, vm0, $0xb8;
	[tilespmem:$0x10100] =	vst v63  }
0x2c: {  	_ = 	snop  }
0x2d: {  	[tilespmem:s16], [sflag:$0x1] =	stream.indirect_vreg.gather [hbm4b:s3+s2], $0x80, v3, vm0, $0xb8;
	[tilespmem:$0x10100] =	vst v63  }
0x2e: {  	v3 =	vld [tilespmem:$0x20];
	_ =	sdelay $0x4  }
0x2f: {  	v34 =	vshll.u32 v3, $0x1  }
0x30: {  	v3 =	vand.u32 $0x7, v3;
	v4 =	vand.u32 $0xFFFFFFF0, v34  }
0x31: {  	v3 =	vor.u32 v3, v4  }
0x32: {  	v4 =	vperm.xlane v3, v0;
	_ =	sdelay $0x1  }
0x33: {  	v3 =	vperm.xlane v3, v2;
	v4 =	vadd.s32 v1, v4;
	_ =	sdelay $0x1  }
0x34: {  	v3 =	vadd.s32 v1, v3;
	_ =	sdelay $0x2  }
0x35: {  	[tilespmem:s17], [sflag:$0x1] =	stream.indirect_vreg.gather [hbm4b:s3+s2], $0x80, v4, vm0, $0xb8;
	[tilespmem:$0x10100] =	vst v63  }
0x36: {  	_ = 	snop  }
0x37: {  	[tilespmem:s18], [sflag:$0x1] =	stream.indirect_vreg.gather [hbm4b:s3+s2], $0x80, v3, vm0, $0xb8;
	[tilespmem:$0x10100] =	vst v63  }
0x38: {  	v3 =	vld [tilespmem:$0x30];
	_ =	sdelay $0x4  }
0x39: {  	v35 =	vshll.u32 v3, $0x1  }
0x3a: {  	v3 =	vand.u32 $0x7, v3;
	v4 =	vand.u32 $0xFFFFFFF0, v35  }
0x3b: {  	v3 =	vor.u32 v3, v4  }
0x3c: {  	v4 =	vperm.xlane v3, v0;
	_ =	sdelay $0x1  }
0x3d: {  	v3 =	vperm.xlane v3, v2;
	v4 =	vadd.s32 v1, v4;
	_ =	sdelay $0x1  }
0x3e: {  	v3 =	vadd.s32 v1, v3;
	_ =	sdelay $0x2  }
0x3f: {  	[tilespmem:s19], [sflag:$0x1] =	stream.indirect_vreg.gather [hbm4b:s3+s2], $0x80, v4, vm0, $0xb8;
	[tilespmem:$0x10100] =	vst v63  }
0x40: {  	_ = 	snop  }
0x41: {  	[tilespmem:s20], [sflag:$0x1] =	stream.indirect_vreg.gather [hbm4b:s3+s2], $0x80, v3, vm0, $0xb8;
	[tilespmem:$0x10100] =	vst v63  }
0x42: {  	v3 =	vld [tilespmem:$0x40];
	_ =	sdelay $0x4  }
0x43: {  	v36 =	vshll.u32 v3, $0x1  }
0x44: {  	v3 =	vand.u32 $0x7, v3;
	v4 =	vand.u32 $0xFFFFFFF0, v36  }
0x45: {  	v3 =	vor.u32 v3, v4  }
0x46: {  	v4 =	vperm.xlane v3, v0;
	_ =	sdelay $0x1  }
0x47: {  	v3 =	vperm.xlane v3, v2;
	v4 =	vadd.s32 v1, v4;
	_ =	sdelay $0x1  }
0x48: {  	v3 =	vadd.s32 v1, v3;
	_ =	sdelay $0x2  }
0x49: {  	[tilespmem:s21], [sflag:$0x1] =	stream.indirect_vreg.gather [hbm4b:s3+s2], $0x80, v4, vm0, $0xb8;
	[tilespmem:$0x10100] =	vst v63  }
0x4a: {  	_ = 	snop  }
0x4b: {  	[tilespmem:s22], [sflag:$0x1] =	stream.indirect_vreg.gather [hbm4b:s3+s2], $0x80, v3, vm0, $0xb8;
	[tilespmem:$0x10100] =	vst v63  }
0x4c: {  	v3 =	vld [tilespmem:$0x50];
	_ =	sdelay $0x4  }
0x4d: {  	v37 =	vshll.u32 v3, $0x1  }
0x4e: {  	v3 =	vand.u32 $0x7, v3;
	v4 =	vand.u32 $0xFFFFFFF0, v37  }
0x4f: {  	v3 =	vor.u32 v3, v4  }
0x50: {  	v4 =	vperm.xlane v3, v0;
	_ =	sdelay $0x1  }
0x51: {  	v3 =	vperm.xlane v3, v2;
	v4 =	vadd.s32 v1, v4;
	_ =	sdelay $0x1  }
0x52: {  	v3 =	vadd.s32 v1, v3;
	_ =	sdelay $0x2  }
0x53: {  	[tilespmem:s23], [sflag:$0x1] =	stream.indirect_vreg.gather [hbm4b:s3+s2], $0x80, v4, vm0, $0xb8;
	[tilespmem:$0x10100] =	vst v63  }
0x54: {  	_ = 	snop  }
0x55: {  	[tilespmem:s24], [sflag:$0x1] =	stream.indirect_vreg.gather [hbm4b:s3+s2], $0x80, v3, vm0, $0xb8;
	[tilespmem:$0x10100] =	vst v63  }
0x56: {  	v3 =	vld [tilespmem:$0x60];
	_ =	sdelay $0x4  }
0x57: {  	v38 =	vshll.u32 v3, $0x1  }
0x58: {  	v3 =	vand.u32 $0x7, v3;
	v4 =	vand.u32 $0xFFFFFFF0, v38  }
0x59: {  	v3 =	vor.u32 v3, v4  }
0x5a: {  	v4 =	vperm.xlane v3, v0;
	_ =	sdelay $0x1  }
0x5b: {  	v3 =	vperm.xlane v3, v2;
	v4 =	vadd.s32 v1, v4;
	_ =	sdelay $0x1  }
0x5c: {  	v3 =	vadd.s32 v1, v3;
	_ =	sdelay $0x2  }
0x5d: {  	[tilespmem:s25], [sflag:$0x1] =	stream.indirect_vreg.gather [hbm4b:s3+s2], $0x80, v4, vm0, $0xb8;
	[tilespmem:$0x10100] =	vst v63  }
0x5e: {  	_ = 	snop  }
0x5f: {  	[tilespmem:s26], [sflag:$0x1] =	stream.indirect_vreg.gather [hbm4b:s3+s2], $0x80, v3, vm0, $0xb8;
	[tilespmem:$0x10100] =	vst v63  }
0x60: {  	v3 =	vld [tilespmem:$0x70];
	_ =	sdelay $0x4  }
0x61: {  	v39 =	vshll.u32 v3, $0x1  }
0x62: {  	v3 =	vand.u32 $0x7, v3;
	v4 =	vand.u32 $0xFFFFFFF0, v39  }
0x63: {  	v3 =	vor.u32 v3, v4  }
0x64: {  	v4 =	vperm.xlane v3, v0;
	_ =	sdelay $0x1  }
0x65: {  	v3 =	vperm.xlane v3, v2;
	v4 =	vadd.s32 v1, v4;
	_ =	sdelay $0x1  }
0x66: {  	v3 =	vadd.s32 v1, v3;
	_ =	sdelay $0x2  }
0x67: {  	[tilespmem:s28], [sflag:$0x1] =	stream.indirect_vreg.gather [hbm4b:s3+s2], $0x80, v4, vm0, $0xb8;
	[tilespmem:$0x10100] =	vst v63  }
0x68: {  	_ = 	snop  }
0x69: {  	[tilespmem:s29], [sflag:$0x1] =	stream.indirect_vreg.gather [hbm4b:s3+s2], $0x80, v3, vm0, $0xb8;
	[tilespmem:$0x10100] =	vst v63  }
0x6a: {  	v3 =	vld [tilespmem:$0x80];
	_ =	sdelay $0x4  }
0x6b: {  	v40 =	vshll.u32 v3, $0x1  }
0x6c: {  	v3 =	vand.u32 $0x7, v3;
	v4 =	vand.u32 $0xFFFFFFF0, v40  }
0x6d: {  	v3 =	vor.u32 v3, v4  }
0x6e: {  	v4 =	vperm.xlane v3, v0;
	_ =	sdelay $0x1  }
0x6f: {  	v3 =	vperm.xlane v3, v2;
	v4 =	vadd.s32 v1, v4;
	_ =	sdelay $0x1  }
0x70: {  	v3 =	vadd.s32 v1, v3;
	_ =	sdelay $0x2  }
0x71: {  	[tilespmem:s30], [sflag:$0x1] =	stream.indirect_vreg.gather [hbm4b:s3+s2], $0x80, v4, vm0, $0xb8;
	[tilespmem:$0x10100] =	vst v63  }
0x72: {  	_ = 	snop  }
0x73: {  	[tilespmem:s31], [sflag:$0x1] =	stream.indirect_vreg.gather [hbm4b:s3+s2], $0x80, v3, vm0, $0xb8;
	[tilespmem:$0x10100] =	vst v63  }
0x74: {  	v3 =	vld [tilespmem:$0x90];
	_ =	sdelay $0x4  }
0x75: {  	v41 =	vshll.u32 v3, $0x1  }
0x76: {  	v3 =	vand.u32 $0x7, v3;
	v4 =	vand.u32 $0xFFFFFFF0, v41  }
0x77: {  	v3 =	vor.u32 v3, v4  }
0x78: {  	v4 =	vperm.xlane v3, v0;
	_ =	sdelay $0x1  }
0x79: {  	v3 =	vperm.xlane v3, v2;
	v4 =	vadd.s32 v1, v4;
	_ =	sdelay $0x1  }
0x7a: {  	v3 =	vadd.s32 v1, v3;
	_ =	sdelay $0x1  }
0x7b: {  	s13 =	simm.s32 $0x9100  }
0x7c: {  	[tilespmem:s13], [sflag:$0x1] =	stream.indirect_vreg.gather [hbm4b:s3+s2], $0x80, v4, vm0, $0xb8;
	[tilespmem:$0x10100] =	vst v63  }
0x7d: {  	_ = 	snop  }
0x7e: {  	[tilespmem:s1], [sflag:$0x1] =	stream.indirect_vreg.gather [hbm4b:s3+s2], $0x80, v3, vm0, $0xb8;
	[tilespmem:$0x10100] =	vst v63  }
0x7f: {  	v3 =	vld [tilespmem:$0xA0];
	_ =	sdelay $0x4  }
0x80: {  	v42 =	vshll.u32 v3, $0x1  }
0x81: {  	v3 =	vand.u32 $0x7, v3;
	v4 =	vand.u32 $0xFFFFFFF0, v42  }
0x82: {  	v3 =	vor.u32 v3, v4  }
0x83: {  	v4 =	vperm.xlane v3, v0;
	_ =	sdelay $0x1  }
0x84: {  	v3 =	vperm.xlane v3, v2;
	v4 =	vadd.s32 v1, v4;
	_ =	sdelay $0x1  }
0x85: {  	v3 =	vadd.s32 v1, v3;
	_ =	sdelay $0x2  }
0x86: {  	[tilespmem:s7], [sflag:$0x1] =	stream.indirect_vreg.gather [hbm4b:s3+s2], $0x80, v4, vm0, $0xb8;
	[tilespmem:$0x10100] =	vst v63  }
0x87: {  	_ = 	snop  }
0x88: {  	[tilespmem:s8], [sflag:$0x1] =	stream.indirect_vreg.gather [hbm4b:s3+s2], $0x80, v3, vm0, $0xb8;
	[tilespmem:$0x10100] =	vst v63  }
0x89: {  	v3 =	vld [tilespmem:$0xB0];
	_ =	sdelay $0x4  }
0x8a: {  	v43 =	vshll.u32 v3, $0x1  }
0x8b: {  	v3 =	vand.u32 $0x7, v3;
	v4 =	vand.u32 $0xFFFFFFF0, v43  }
0x8c: {  	v3 =	vor.u32 v3, v4  }
0x8d: {  	v4 =	vperm.xlane v3, v0;
	_ =	sdelay $0x1  }
0x8e: {  	v3 =	vperm.xlane v3, v2;
	v4 =	vadd.s32 v1, v4;
	_ =	sdelay $0x1  }
0x8f: {  	v3 =	vadd.s32 v1, v3;
	_ =	sdelay $0x2  }
0x90: {  	[tilespmem:s9], [sflag:$0x1] =	stream.indirect_vreg.gather [hbm4b:s3+s2], $0x80, v4, vm0, $0xb8;
	[tilespmem:$0x10100] =	vst v63  }
0x91: {  	_ = 	snop  }
0x92: {  	[tilespmem:s10], [sflag:$0x1] =	stream.indirect_vreg.gather [hbm4b:s3+s2], $0x80, v3, vm0, $0xb8;
	[tilespmem:$0x10100] =	vst v63  }
0x93: {  	v3 =	vld [tilespmem:$0xC0];
	_ =	sdelay $0x4  }
0x94: {  	v44 =	vshll.u32 v3, $0x1  }
0x95: {  	v3 =	vand.u32 $0x7, v3;
	v4 =	vand.u32 $0xFFFFFFF0, v44  }
0x96: {  	v3 =	vor.u32 v3, v4  }
0x97: {  	v4 =	vperm.xlane v3, v0;
	_ =	sdelay $0x1  }
0x98: {  	v3 =	vperm.xlane v3, v2;
	v4 =	vadd.s32 v1, v4;
	_ =	sdelay $0x1  }
0x99: {  	v3 =	vadd.s32 v1, v3;
	_ =	sdelay $0x2  }
0x9a: {  	[tilespmem:s11], [sflag:$0x1] =	stream.indirect_vreg.gather [hbm4b:s3+s2], $0x80, v4, vm0, $0xb8;
	[tilespmem:$0x10100] =	vst v63  }
0x9b: {  	_ = 	snop  }
0x9c: {  	[tilespmem:s6], [sflag:$0x1] =	stream.indirect_vreg.gather [hbm4b:s3+s2], $0x80, v3, vm0, $0xb8;
	[tilespmem:$0x10100] =	vst v63  }
0x9d: {  	v3 =	vld [tilespmem:$0xD0];
	_ =	sdelay $0x4  }
0x9e: {  	v45 =	vshll.u32 v3, $0x1  }
0x9f: {  	v3 =	vand.u32 $0x7, v3;
	v4 =	vand.u32 $0xFFFFFFF0, v45  }
0xa0: {  	v3 =	vor.u32 v3, v4  }
0xa1: {  	v4 =	vperm.xlane v3, v0;
	_ =	sdelay $0x1  }
0xa2: {  	v3 =	vperm.xlane v3, v2;
	v4 =	vadd.s32 v1, v4;
	_ =	sdelay $0x1  }
0xa3: {  	v3 =	vadd.s32 v1, v3;
	_ =	sdelay $0x1  }
0xa4: {  	s13 =	simm.s32 $0xD100  }
0xa5: {  	[tilespmem:s13], [sflag:$0x1] =	stream.indirect_vreg.gather [hbm4b:s3+s2], $0x80, v4, vm0, $0xb8;
	[tilespmem:$0x10100] =	vst v63  }
0xa6: {  	s13 =	simm.s32 $0xD900  }
0xa7: {  	[tilespmem:s13], [sflag:$0x1] =	stream.indirect_vreg.gather [hbm4b:s3+s2], $0x80, v3, vm0, $0xb8;
	[tilespmem:$0x10100] =	vst v63  }
0xa8: {  	v3 =	vld [tilespmem:$0xE0];
	_ =	sdelay $0x4  }
0xa9: {  	v46 =	vshll.u32 v3, $0x1  }
0xaa: {  	v3 =	vand.u32 $0x7, v3;
	v4 =	vand.u32 $0xFFFFFFF0, v46  }
0xab: {  	v3 =	vor.u32 v3, v4  }
0xac: {  	v4 =	vperm.xlane v3, v0;
	_ =	sdelay $0x1  }
0xad: {  	v3 =	vperm.xlane v3, v2;
	v4 =	vadd.s32 v1, v4;
	_ =	sdelay $0x1  }
0xae: {  	v3 =	vadd.s32 v1, v3;
	_ =	sdelay $0x1  }
0xaf: {  	s13 =	simm.s32 $0xE100  }
0xb0: {  	[tilespmem:s13], [sflag:$0x1] =	stream.indirect_vreg.gather [hbm4b:s3+s2], $0x80, v4, vm0, $0xb8;
	[tilespmem:$0x10100] =	vst v63  }
0xb1: {  	s13 =	simm.s32 $0xE900  }
0xb2: {  	[tilespmem:s13], [sflag:$0x1] =	stream.indirect_vreg.gather [hbm4b:s3+s2], $0x80, v3, vm0, $0xb8;
	[tilespmem:$0x10100] =	vst v63  }
0xb3: {  	v3 =	vld [tilespmem:$0xF0];
	_ =	sdelay $0x4  }
0xb4: {  	v47 =	vshll.u32 v3, $0x1  }
0xb5: {  	v3 =	vand.u32 $0x7, v3;
	v4 =	vand.u32 $0xFFFFFFF0, v47  }
0xb6: {  	v3 =	vor.u32 v3, v4  }
0xb7: {  	v4 =	vperm.xlane v3, v0;
	_ =	sdelay $0x1  }
0xb8: {  	v3 =	vperm.xlane v3, v2;
	v4 =	vadd.s32 v1, v4;
	_ =	sdelay $0x1  }
0xb9: {  	v3 =	vadd.s32 v1, v3;
	_ =	sdelay $0x1  }
0xba: {  	s13 =	simm.s32 $0xF100  }
0xbb: {  	[tilespmem:s13], [sflag:$0x1] =	stream.indirect_vreg.gather [hbm4b:s3+s2], $0x80, v4, vm0, $0xb8;
	[tilespmem:$0x10100] =	vst v63  }
0xbc: {  	s13 =	simm.s32 $0xF900  }
0xbd: {  	[tilespmem:s13], [sflag:$0x1] =	stream.indirect_vreg.gather [hbm4b:s3+s2], $0x80, v3, vm0, $0xb8;
	[tilespmem:$0x10100] =	vst v63  }
0xbe: {  	_ =	swait.ge [sflag:s12], $0x10000  }
0xbf: {  	[sflag:s12] =	ssyncset.done $0x0  }
0xc0: {  	s0 =	simm.s32 $0x100;
	s13 =	rddreg [dreg:$0x3];
	[sflag:s12] =	ssyncadd.s32 $0xFFFF0000  }
0xc1: {  	[hbm4b:s13+s2] =	stream.linear.scatter [tilespmem:s0], [sflag:$0x2], $0x10000, $0x38;
	[tilespmem:$0x10100] =	vst v63  }
0xc2: {  	_ =	swait.ge [sflag:s5], $0x10000  }
0xc3: {  	[sflag:s5] =	ssyncset.done $0x0  }
0xc4: {  	s13 =	rddreg [dreg:$0x4];
	[sflag:s5] =	ssyncadd.s32 $0xFFFF0000  }
0xc5: {  	[tilespmem:s2], [sflag:$0x2] =	stream.linear.gather [hbm4b:s13+s2], $0x100, $0x38;
	[tilespmem:$0x10100] =	vst v63  }
0xc6: {  	_ =	swait.ge [sflag:s5], $0x100  }
0xc7: {  	[sflag:s5] =	ssyncset.done $0x0  }
0xc8: {  	[sflag:s5] =	ssyncadd.s32 $0xFFFFFF00  }
0xc9: {  	v3 =	vld [tilespmem:$0x0];
	_ =	sdelay $0x4  }
0xca: {  	v48 =	vshll.u32 v3, $0x1  }
0xcb: {  	v3 =	vand.u32 $0x7, v3;
	v4 =	vand.u32 $0xFFFFFFF0, v48  }
0xcc: {  	v3 =	vor.u32 v3, v4  }
0xcd: {  	v4 =	vperm.xlane v3, v0;
	_ =	sdelay $0x1  }
0xce: {  	v3 =	vperm.xlane v3, v2;
	v4 =	vadd.s32 v1, v4;
	_ =	sdelay $0x1  }
0xcf: {  	v3 =	vadd.s32 v1, v3;
	_ =	sdelay $0x2  }
0xd0: {  	[tilespmem:s0], [sflag:$0x1] =	stream.indirect_vreg.gather [hbm4b:s3+s2], $0x80, v4, vm0, $0xb8;
	[tilespmem:$0x10100] =	vst v63  }
0xd1: {  	_ = 	snop  }
0xd2: {  	[tilespmem:s14], [sflag:$0x1] =	stream.indirect_vreg.gather [hbm4b:s3+s2], $0x80, v3, vm0, $0xb8;
	[tilespmem:$0x10100] =	vst v63  }
0xd3: {  	v3 =	vld [tilespmem:$0x10];
	_ =	sdelay $0x4  }
0xd4: {  	v49 =	vshll.u32 v3, $0x1  }
0xd5: {  	v3 =	vand.u32 $0x7, v3;
	v4 =	vand.u32 $0xFFFFFFF0, v49  }
0xd6: {  	v3 =	vor.u32 v3, v4  }
0xd7: {  	v4 =	vperm.xlane v3, v0;
	_ =	sdelay $0x1  }
0xd8: {  	v3 =	vperm.xlane v3, v2;
	v4 =	vadd.s32 v1, v4;
	_ =	sdelay $0x1  }
0xd9: {  	v3 =	vadd.s32 v1, v3;
	_ =	sdelay $0x2  }
0xda: {  	[tilespmem:s15], [sflag:$0x1] =	stream.indirect_vreg.gather [hbm4b:s3+s2], $0x80, v4, vm0, $0xb8;
	[tilespmem:$0x10100] =	vst v63  }
0xdb: {  	_ = 	snop  }
0xdc: {  	[tilespmem:s16], [sflag:$0x1] =	stream.indirect_vreg.gather [hbm4b:s3+s2], $0x80, v3, vm0, $0xb8;
	[tilespmem:$0x10100] =	vst v63  }
0xdd: {  	v3 =	vld [tilespmem:$0x20];
	_ =	sdelay $0x4  }
0xde: {  	v50 =	vshll.u32 v3, $0x1  }
0xdf: {  	v3 =	vand.u32 $0x7, v3;
	v4 =	vand.u32 $0xFFFFFFF0, v50  }
0xe0: {  	v3 =	vor.u32 v3, v4  }
0xe1: {  	v4 =	vperm.xlane v3, v0;
	_ =	sdelay $0x1  }
0xe2: {  	v3 =	vperm.xlane v3, v2;
	v4 =	vadd.s32 v1, v4;
	_ =	sdelay $0x1  }
0xe3: {  	v3 =	vadd.s32 v1, v3;
	_ =	sdelay $0x2  }
0xe4: {  	[tilespmem:s17], [sflag:$0x1] =	stream.indirect_vreg.gather [hbm4b:s3+s2], $0x80, v4, vm0, $0xb8;
	[tilespmem:$0x10100] =	vst v63  }
0xe5: {  	_ = 	snop  }
0xe6: {  	[tilespmem:s18], [sflag:$0x1] =	stream.indirect_vreg.gather [hbm4b:s3+s2], $0x80, v3, vm0, $0xb8;
	[tilespmem:$0x10100] =	vst v63  }
0xe7: {  	v3 =	vld [tilespmem:$0x30];
	_ =	sdelay $0x4  }
0xe8: {  	v51 =	vshll.u32 v3, $0x1  }
0xe9: {  	v3 =	vand.u32 $0x7, v3;
	v4 =	vand.u32 $0xFFFFFFF0, v51  }
0xea: {  	v3 =	vor.u32 v3, v4  }
0xeb: {  	v4 =	vperm.xlane v3, v0;
	_ =	sdelay $0x1  }
0xec: {  	v3 =	vperm.xlane v3, v2;
	v4 =	vadd.s32 v1, v4;
	_ =	sdelay $0x1  }
0xed: {  	v3 =	vadd.s32 v1, v3;
	_ =	sdelay $0x2  }
0xee: {  	[tilespmem:s19], [sflag:$0x1] =	stream.indirect_vreg.gather [hbm4b:s3+s2], $0x80, v4, vm0, $0xb8;
	[tilespmem:$0x10100] =	vst v63  }
0xef: {  	_ = 	snop  }
0xf0: {  	[tilespmem:s20], [sflag:$0x1] =	stream.indirect_vreg.gather [hbm4b:s3+s2], $0x80, v3, vm0, $0xb8;
	[tilespmem:$0x10100] =	vst v63  }
0xf1: {  	v3 =	vld [tilespmem:$0x40];
	_ =	sdelay $0x4  }
0xf2: {  	v52 =	vshll.u32 v3, $0x1  }
0xf3: {  	v3 =	vand.u32 $0x7, v3;
	v4 =	vand.u32 $0xFFFFFFF0, v52  }
0xf4: {  	v3 =	vor.u32 v3, v4  }
0xf5: {  	v4 =	vperm.xlane v3, v0;
	_ =	sdelay $0x1  }
0xf6: {  	v3 =	vperm.xlane v3, v2;
	v4 =	vadd.s32 v1, v4;
	_ =	sdelay $0x1  }
0xf7: {  	v3 =	vadd.s32 v1, v3;
	_ =	sdelay $0x2  }
0xf8: {  	[tilespmem:s21], [sflag:$0x1] =	stream.indirect_vreg.gather [hbm4b:s3+s2], $0x80, v4, vm0, $0xb8;
	[tilespmem:$0x10100] =	vst v63  }
0xf9: {  	_ = 	snop  }
0xfa: {  	[tilespmem:s22], [sflag:$0x1] =	stream.indirect_vreg.gather [hbm4b:s3+s2], $0x80, v3, vm0, $0xb8;
	[tilespmem:$0x10100] =	vst v63  }
0xfb: {  	v3 =	vld [tilespmem:$0x50];
	_ =	sdelay $0x4  }
0xfc: {  	v53 =	vshll.u32 v3, $0x1  }
0xfd: {  	v3 =	vand.u32 $0x7, v3;
	v4 =	vand.u32 $0xFFFFFFF0, v53  }
0xfe: {  	v3 =	vor.u32 v3, v4  }
0xff: {  	v4 =	vperm.xlane v3, v0;
	_ =	sdelay $0x1  }
0x100: {  	v3 =	vperm.xlane v3, v2;
	v4 =	vadd.s32 v1, v4;
	_ =	sdelay $0x1  }
0x101: {  	v3 =	vadd.s32 v1, v3;
	_ =	sdelay $0x2  }
0x102: {  	[tilespmem:s23], [sflag:$0x1] =	stream.indirect_vreg.gather [hbm4b:s3+s2], $0x80, v4, vm0, $0xb8;
	[tilespmem:$0x10100] =	vst v63  }
0x103: {  	_ = 	snop  }
0x104: {  	[tilespmem:s24], [sflag:$0x1] =	stream.indirect_vreg.gather [hbm4b:s3+s2], $0x80, v3, vm0, $0xb8;
	[tilespmem:$0x10100] =	vst v63  }
0x105: {  	v3 =	vld [tilespmem:$0x60];
	_ =	sdelay $0x4  }
0x106: {  	v54 =	vshll.u32 v3, $0x1  }
0x107: {  	v3 =	vand.u32 $0x7, v3;
	v4 =	vand.u32 $0xFFFFFFF0, v54  }
0x108: {  	v3 =	vor.u32 v3, v4  }
0x109: {  	v4 =	vperm.xlane v3, v0;
	_ =	sdelay $0x1  }
0x10a: {  	v3 =	vperm.xlane v3, v2;
	v4 =	vadd.s32 v1, v4;
	_ =	sdelay $0x1  }
0x10b: {  	v3 =	vadd.s32 v1, v3;
	_ =	sdelay $0x2  }
0x10c: {  	[tilespmem:s25], [sflag:$0x1] =	stream.indirect_vreg.gather [hbm4b:s3+s2], $0x80, v4, vm0, $0xb8;
	[tilespmem:$0x10100] =	vst v63  }
0x10d: {  	_ = 	snop  }
0x10e: {  	[tilespmem:s26], [sflag:$0x1] =	stream.indirect_vreg.gather [hbm4b:s3+s2], $0x80, v3, vm0, $0xb8;
	[tilespmem:$0x10100] =	vst v63  }
0x10f: {  	v3 =	vld [tilespmem:$0x70];
	_ =	sdelay $0x4  }
0x110: {  	v55 =	vshll.u32 v3, $0x1  }
0x111: {  	v3 =	vand.u32 $0x7, v3;
	v4 =	vand.u32 $0xFFFFFFF0, v55  }
0x112: {  	v3 =	vor.u32 v3, v4  }
0x113: {  	v4 =	vperm.xlane v3, v0;
	_ =	sdelay $0x1  }
0x114: {  	v3 =	vperm.xlane v3, v2;
	v4 =	vadd.s32 v1, v4;
	_ =	sdelay $0x1  }
0x115: {  	v3 =	vadd.s32 v1, v3;
	_ =	sdelay $0x2  }
0x116: {  	[tilespmem:s28], [sflag:$0x1] =	stream.indirect_vreg.gather [hbm4b:s3+s2], $0x80, v4, vm0, $0xb8;
	[tilespmem:$0x10100] =	vst v63  }
0x117: {  	_ = 	snop  }
0x118: {  	[tilespmem:s29], [sflag:$0x1] =	stream.indirect_vreg.gather [hbm4b:s3+s2], $0x80, v3, vm0, $0xb8;
	[tilespmem:$0x10100] =	vst v63  }
0x119: {  	v3 =	vld [tilespmem:$0x80];
	_ =	sdelay $0x4  }
0x11a: {  	v56 =	vshll.u32 v3, $0x1  }
0x11b: {  	v3 =	vand.u32 $0x7, v3;
	v4 =	vand.u32 $0xFFFFFFF0, v56  }
0x11c: {  	v3 =	vor.u32 v3, v4  }
0x11d: {  	v4 =	vperm.xlane v3, v0;
	_ =	sdelay $0x1  }
0x11e: {  	v3 =	vperm.xlane v3, v2;
	v4 =	vadd.s32 v1, v4;
	_ =	sdelay $0x1  }
0x11f: {  	v3 =	vadd.s32 v1, v3;
	_ =	sdelay $0x2  }
0x120: {  	[tilespmem:s30], [sflag:$0x1] =	stream.indirect_vreg.gather [hbm4b:s3+s2], $0x80, v4, vm0, $0xb8;
	[tilespmem:$0x10100] =	vst v63  }
0x121: {  	_ = 	snop  }
0x122: {  	[tilespmem:s31], [sflag:$0x1] =	stream.indirect_vreg.gather [hbm4b:s3+s2], $0x80, v3, vm0, $0xb8;
	[tilespmem:$0x10100] =	vst v63  }
0x123: {  	v3 =	vld [tilespmem:$0x90];
	_ =	sdelay $0x4  }
0x124: {  	v57 =	vshll.u32 v3, $0x1  }
0x125: {  	v3 =	vand.u32 $0x7, v3;
	v4 =	vand.u32 $0xFFFFFFF0, v57  }
0x126: {  	v3 =	vor.u32 v3, v4  }
0x127: {  	v4 =	vperm.xlane v3, v0;
	_ =	sdelay $0x1  }
0x128: {  	v3 =	vperm.xlane v3, v2;
	v4 =	vadd.s32 v1, v4;
	_ =	sdelay $0x1  }
0x129: {  	v3 =	vadd.s32 v1, v3;
	_ =	sdelay $0x1  }
0x12a: {  	s13 =	simm.s32 $0x9100  }
0x12b: {  	[tilespmem:s13], [sflag:$0x1] =	stream.indirect_vreg.gather [hbm4b:s3+s2], $0x80, v4, vm0, $0xb8;
	[tilespmem:$0x10100] =	vst v63  }
0x12c: {  	_ = 	snop  }
0x12d: {  	[tilespmem:s1], [sflag:$0x1] =	stream.indirect_vreg.gather [hbm4b:s3+s2], $0x80, v3, vm0, $0xb8;
	[tilespmem:$0x10100] =	vst v63  }
0x12e: {  	v3 =	vld [tilespmem:$0xA0];
	_ =	sdelay $0x4  }
0x12f: {  	v58 =	vshll.u32 v3, $0x1  }
0x130: {  	v3 =	vand.u32 $0x7, v3;
	v4 =	vand.u32 $0xFFFFFFF0, v58  }
0x131: {  	v3 =	vor.u32 v3, v4  }
0x132: {  	v4 =	vperm.xlane v3, v0;
	_ =	sdelay $0x1  }
0x133: {  	v3 =	vperm.xlane v3, v2;
	v4 =	vadd.s32 v1, v4;
	_ =	sdelay $0x1  }
0x134: {  	v3 =	vadd.s32 v1, v3;
	_ =	sdelay $0x2  }
0x135: {  	[tilespmem:s7], [sflag:$0x1] =	stream.indirect_vreg.gather [hbm4b:s3+s2], $0x80, v4, vm0, $0xb8;
	[tilespmem:$0x10100] =	vst v63  }
0x136: {  	_ = 	snop  }
0x137: {  	[tilespmem:s8], [sflag:$0x1] =	stream.indirect_vreg.gather [hbm4b:s3+s2], $0x80, v3, vm0, $0xb8;
	[tilespmem:$0x10100] =	vst v63  }
0x138: {  	v3 =	vld [tilespmem:$0xB0];
	_ =	sdelay $0x4  }
0x139: {  	v59 =	vshll.u32 v3, $0x1  }
0x13a: {  	v3 =	vand.u32 $0x7, v3;
	v4 =	vand.u32 $0xFFFFFFF0, v59  }
0x13b: {  	v3 =	vor.u32 v3, v4  }
0x13c: {  	v4 =	vperm.xlane v3, v0;
	_ =	sdelay $0x1  }
0x13d: {  	v3 =	vperm.xlane v3, v2;
	v4 =	vadd.s32 v1, v4;
	_ =	sdelay $0x1  }
0x13e: {  	v3 =	vadd.s32 v1, v3;
	_ =	sdelay $0x2  }
0x13f: {  	[tilespmem:s9], [sflag:$0x1] =	stream.indirect_vreg.gather [hbm4b:s3+s2], $0x80, v4, vm0, $0xb8;
	[tilespmem:$0x10100] =	vst v63  }
0x140: {  	_ = 	snop  }
0x141: {  	[tilespmem:s10], [sflag:$0x1] =	stream.indirect_vreg.gather [hbm4b:s3+s2], $0x80, v3, vm0, $0xb8;
	[tilespmem:$0x10100] =	vst v63  }
0x142: {  	v3 =	vld [tilespmem:$0xC0];
	_ =	sdelay $0x4  }
0x143: {  	v60 =	vshll.u32 v3, $0x1  }
0x144: {  	v3 =	vand.u32 $0x7, v3;
	v4 =	vand.u32 $0xFFFFFFF0, v60  }
0x145: {  	v3 =	vor.u32 v3, v4  }
0x146: {  	v4 =	vperm.xlane v3, v0;
	_ =	sdelay $0x1  }
0x147: {  	v3 =	vperm.xlane v3, v2;
	v4 =	vadd.s32 v1, v4;
	_ =	sdelay $0x1  }
0x148: {  	v3 =	vadd.s32 v1, v3;
	_ =	sdelay $0x2  }
0x149: {  	[tilespmem:s11], [sflag:$0x1] =	stream.indirect_vreg.gather [hbm4b:s3+s2], $0x80, v4, vm0, $0xb8;
	[tilespmem:$0x10100] =	vst v63  }
0x14a: {  	_ = 	snop  }
0x14b: {  	[tilespmem:s6], [sflag:$0x1] =	stream.indirect_vreg.gather [hbm4b:s3+s2], $0x80, v3, vm0, $0xb8;
	[tilespmem:$0x10100] =	vst v63  }
0x14c: {  	v3 =	vld [tilespmem:$0xD0];
	_ =	sdelay $0x4  }
0x14d: {  	v61 =	vshll.u32 v3, $0x1  }
0x14e: {  	v3 =	vand.u32 $0x7, v3;
	v4 =	vand.u32 $0xFFFFFFF0, v61  }
0x14f: {  	v3 =	vor.u32 v3, v4  }
0x150: {  	v4 =	vperm.xlane v3, v0;
	_ =	sdelay $0x1  }
0x151: {  	v3 =	vperm.xlane v3, v2;
	v4 =	vadd.s32 v1, v4;
	_ =	sdelay $0x1  }
0x152: {  	v3 =	vadd.s32 v1, v3;
	_ =	sdelay $0x1  }
0x153: {  	s13 =	simm.s32 $0xD100  }
0x154: {  	[tilespmem:s13], [sflag:$0x1] =	stream.indirect_vreg.gather [hbm4b:s3+s2], $0x80, v4, vm0, $0xb8;
	[tilespmem:$0x10100] =	vst v63  }
0x155: {  	s13 =	simm.s32 $0xD900  }
0x156: {  	[tilespmem:s13], [sflag:$0x1] =	stream.indirect_vreg.gather [hbm4b:s3+s2], $0x80, v3, vm0, $0xb8;
	[tilespmem:$0x10100] =	vst v63  }
0x157: {  	v3 =	vld [tilespmem:$0xE0];
	_ =	sdelay $0x4  }
0x158: {  	v62 =	vshll.u32 v3, $0x1  }
0x159: {  	v3 =	vand.u32 $0x7, v3;
	v4 =	vand.u32 $0xFFFFFFF0, v62  }
0x15a: {  	v3 =	vor.u32 v3, v4  }
0x15b: {  	v4 =	vperm.xlane v3, v0;
	_ =	sdelay $0x1  }
0x15c: {  	v3 =	vperm.xlane v3, v2;
	v4 =	vadd.s32 v1, v4;
	_ =	sdelay $0x1  }
0x15d: {  	v3 =	vadd.s32 v1, v3;
	_ =	sdelay $0x1  }
0x15e: {  	s13 =	simm.s32 $0xE100  }
0x15f: {  	[tilespmem:s13], [sflag:$0x1] =	stream.indirect_vreg.gather [hbm4b:s3+s2], $0x80, v4, vm0, $0xb8;
	[tilespmem:$0x10100] =	vst v63  }
0x160: {  	s13 =	simm.s32 $0xE900  }
0x161: {  	[tilespmem:s13], [sflag:$0x1] =	stream.indirect_vreg.gather [hbm4b:s3+s2], $0x80, v3, vm0, $0xb8;
	[tilespmem:$0x10100] =	vst v63  }
0x162: {  	v3 =	vld [tilespmem:$0xF0];
	_ =	sdelay $0x4  }
0x163: {  	v63 =	vshll.u32 v3, $0x1  }
0x164: {  	v3 =	vand.u32 $0x7, v3;
	v4 =	vand.u32 $0xFFFFFFF0, v63  }
0x165: {  	v3 =	vor.u32 v3, v4  }
0x166: {  	v4 =	vperm.xlane v3, v0;
	_ =	sdelay $0x1  }
0x167: {  	v3 =	vperm.xlane v3, v2;
	v4 =	vadd.s32 v1, v4;
	_ =	sdelay $0x1  }
0x168: {  	v3 =	vadd.s32 v1, v3;
	_ =	sdelay $0x1  }
0x169: {  	s13 =	simm.s32 $0xF100  }
0x16a: {  	[tilespmem:s13], [sflag:$0x1] =	stream.indirect_vreg.gather [hbm4b:s3+s2], $0x80, v4, vm0, $0xb8;
	[tilespmem:$0x10100] =	vst v63  }
0x16b: {  	s13 =	simm.s32 $0xF900  }
0x16c: {  	[tilespmem:s13], [sflag:$0x1] =	stream.indirect_vreg.gather [hbm4b:s3+s2], $0x80, v3, vm0, $0xb8;
	[tilespmem:$0x10100] =	vst v63  }
0x16d: {  	_ =	swait.ge [sflag:s12], $0x10000  }
0x16e: {  	p0 =	sne.s32 s4, $0x1;
	s0 =	simm.s32 $0x100;
	[sflag:s12] =	ssyncset.done $0x0  }
.Ltmp0:
0x16f: {  	s13 =	rddreg [dreg:$0x5];
	[sflag:s12] =	ssyncadd.s32 $0xFFFF0000;
	(pc) =	sbr.rel @p0 .LBB2_1-.Ltmp0, $4  }
0x170: {  	[hbm4b:s13+s2] =	stream.linear.scatter [tilespmem:s0], [sflag:$0x2], $0x10000, $0x38;
	[tilespmem:$0x10100] =	vst v63  }
0x171: {  	_ =	swait.ge [sflag:s5], $0x10000  }
0x172: {  	[sflag:s5] =	ssyncset.done $0x0  }
0x173: {  	s4 =	sadd.s32 $0xFFFFFFFF, s4;
	[sflag:s5] =	ssyncadd.s32 $0xFFFF0000  }
0x174: {  	_ =	sfence.sel $0x180000  }
0x175: {  	[bflag:$0x0] =	sbarrier.arrive $0xFFFF  }
0x176: {  	_ =	strace $0x90000053  }
0x177: {  	s0 =	stileid.u32;
	[bflag:$0x2] =	sbarrier.arrive $0xFFFF  }
0x178: {  	p0 =	sne.s32 s0, $0x0;
	s0 =	rddreg [dreg:$0x1]  }
0x179: {  	s0 =	sadd.s32 @!p0 $0x100000, s0  }
0x17a: {  	[sflag:s0] =	ssyncadd.tile.s32 @!p0 $0x1;
	_ =	shalt  }
.Lfunc_end2:
_tile_overlayer_lowered:
.L_overlay_start_2:
0x17b: {  	(tag) =	ssettag $0x2  }
0x17c: {  	s0 =	rddreg [dreg:$0x0];
	s2 =	stileid.u32  }
0x17d: {  	s1 =	rddreg [dreg:$0x1];
	p0 =	sne.s32 s2, $0x0  }
0x17e: {  	s3 =	rddreg [dreg:$0x2];
	[bflag:$0x3] =	sbarrier.arrive $0xFFFF;
	s2 =	simm.s32 @!p0 $0x1C02  }
0x17f: {  	[timem:s3], [sflag:s2] =	dma.local @!p0 [hbm:s0], s1  }
0x180: {  	s0 =	simm.s32 @!p0 $0x2  }
0x181: {  	_ =	swait.ge @!p0 [sflag:s0], s1  }
0x182: {  	s1 =	ssub.s32 @!p0 $0x0, s1;
	[sflag:s0] =	ssyncset.done @!p0 $0x0  }
0x183: {  	[sflag:s0] =	ssyncadd.s32 @!p0 s1  }
0x184: {  	[bflag:$0x3] =	sbarrier.arrive $0xFFFF  }
0x185: {  	_ =	shalt  }

// kernel: kernel.23.cloned.1.call-start
scs
__scs_entry_jumppad:
0x0: {  	(pc) =	sbr.rel $0x88, $3  }
0x1: {  	(tag) =	ssettag $0x0;
	lr =	simm.s32 $0x1  }
0x2: {  	[smem:$0x3F99] =	sst lr;
	_ =	strace $0xD0000000  }
0x3: {  	_ = 	snop  }
0x4: {  	_ = 	snop  }
0x5: {  	_ = 	snop  }
0x6: {  	_ = 	snop  }
0x7: {  	_ = 	snop  }
__scs_overlays_trampoline_lowered:
0x8: {  	[smem:$0x3FA8] =	sst s0  }
0x9: {  	[smem:$0x3FA9] =	sst s1  }
0xa: {  	[smem:$0x3FAA] =	sst s2  }
0xb: {  	[smem:$0x3FAB] =	sst s3  }
0xc: {  	[smem:$0x3FAC] =	sst s4  }
0xd: {  	[smem:$0x3FAD] =	sst s5  }
0xe: {  	[smem:$0x3FAE] =	sst s6  }
0xf: {  	[smem:$0x3FAF] =	sst s7  }
0x10: {  	[smem:$0x3FB0] =	sst s8  }
0x11: {  	[smem:$0x3FB1] =	sst s9;
	s0 =	simm.s32 @!p0 $0x0  }
0x12: {  	s1 =	sld [smem:$0x3F97];
	s0 =	simm.s32 @p0 $0x1  }
0x13: {  	[smem:$0x3FB2] =	sst s0;
	s0 =	simm.s32 @!p1 $0x0  }
0x14: {  	s2 =	sld [smem:$0x3F96];
	s0 =	simm.s32 @p1 $0x1  }
0x15: {  	[smem:$0x3FB3] =	sst s0;
	s0 =	simm.s32 @!p2 $0x0  }
0x16: {  	s3 =	sld [smem:$0x3FDB];
	s0 =	simm.s32 @p2 $0x1  }
0x17: {  	s4 =	simm.s32 $0x1BF5;
	[smem:$0x3FB5] =	sst s0  }
0x18: {  	s0 =	sld [smem:$0x3F98];
	_ =	swait.ge [sflag:s4], $0x0  }
0x19: {  	s7 =	sld [smem:$0x3F99]  }
0x1a: {  	s8 =	sadd.s32 $0xFFFFE003, lr  }
0x1b: {  	s9 =	sadd.s32 $0xFFFFFEF7, lr;
	s5 =	simm.s32 $0xFFFFFFFF;
	p2 =	slt.u32 s8, $0xFFFFF086  }
0x1c: {  	p1 =	slt.u32 s9, $0xF7A;
	s5 =	simm.s32 @!p2 $0x0  }
0x1d: {  	s5 =	simm.s32 @p1 $0x1;
	p0 =	seq.s32 s7, s2  }
0x1e: {  	s7 =	smul.u32 @!p0 $0xF7A, s2;
	p2 =	seq.s32 @!p0 s5, $0x0  }
0x1f: {  	s9 =	smul.u32 $0xF7A, s1;
	s8 =	simm.s32 @!p0 $0x1BF5;
	p2 =	por !p2, p0  }
0x20: {  	[sflag:s8] =	ssyncset.s32 @!p0 $0xFFFFF086;
	s6 =	sadd.s32 @!p0 s3, s7;
	s7 =	simm.s32 @!p0 $0x108  }
0x21: {  	s3 =	sadd.s32 s3, s9;
	s6 =	sadd.s32 @!p0 $0x88, s6;
	s7 =	simm.s32 @p2 $0x1082  }
0x22: {  	[simem:s7], [sflag:s8] =	dma.local @!p0 [hbm:s6], $0xF7A  }
0x23: {  	s9 =	sor.u32 $0xD0000000, s2;
	s6 =	simm.s32 $0x108;
	_ =	swait.ge @!p0 [sflag:s8], $0x0  }
0x24: {  	s3 =	sadd.s32 $0x88, s3;
	s6 =	simm.s32 @!p1 $0x1082;
	[sflag:s4] =	ssyncset.s32 $0xFFFFF086  }
0x25: {  	[simem:s6], [sflag:s4] =	dma.local [hbm:s3], $0xF7A  }
0x26: {  	[smem:$0x3F99] =	sst s1;
	(tag) =	ssettag s2;
	_ =	strace s9  }
0x27: {  	s1 =	sld [smem:$0x3FA9]  }
0x28: {  	s2 =	sld [smem:$0x3FAA]  }
0x29: {  	s4 =	sld [smem:$0x3FAC]  }
0x2a: {  	p0 =	seq.s32 s5, $0x0;
	s5 =	sld [smem:$0x3FAD]  }
0x2b: {  	s6 =	sld [smem:$0x3FAE]  }
0x2c: {  	s7 =	sld [smem:$0x3FAF]  }
0x2d: {  	s3 =	simm.s32 $0x108;
	s8 =	sld [smem:$0x3FB0]  }
0x2e: {  	s3 =	simm.s32 @!p0 $0x1082;
	s9 =	sld [smem:$0x3FB1]  }
0x2f: {  	lr =	sadd.s32 s0, s3;
	s0 =	sld [smem:$0x3FA8]  }
0x30: {  	s3 =	sld [smem:$0x3FAB]  }
0x31: {  	[smem:$0x3FB4] =	sst s10  }
0x32: {  	s10 =	sld [smem:$0x3FB2];
	_ =	sdelay $0x3  }
0x33: {  	p0 =	seq.s32 s10, $0x1;
	s10 =	sld [smem:$0x3FB4];
	_ =	sdelay $0x3  }
0x34: {  	[smem:$0x3FB4] =	sst s10  }
0x35: {  	s10 =	sld [smem:$0x3FB3];
	_ =	sdelay $0x3  }
0x36: {  	p1 =	seq.s32 s10, $0x1;
	s10 =	sld [smem:$0x3FB4];
	_ =	sdelay $0x3  }
0x37: {  	[smem:$0x3FB4] =	sst s10  }
0x38: {  	s10 =	sld [smem:$0x3FB5]  }
0x39: {  	_ = 	snop;
	(pc) =	sbr.ind lr, $3  }
0x3a: {  	_ = 	snop  }
0x3b: {  	_ = 	snop  }
0x3c: {  	p2 =	seq.s32 s10, $0x1;
	s10 =	sld [smem:$0x3FB4]  }
0x3d: {  	_ =	shalt  }
0x3e: {  	_ =	shalt  }
0x3f: {  	_ =	shalt  }
0x40: {  	_ =	shalt  }
0x41: {  	_ =	shalt  }
0x42: {  	_ =	shalt  }
0x43: {  	_ =	shalt  }
0x44: {  	_ =	shalt  }
0x45: {  	_ =	shalt  }
0x46: {  	_ =	shalt  }
0x47: {  	_ =	shalt  }
0x48: {  	_ =	shalt  }
0x49: {  	_ =	shalt  }
0x4a: {  	_ =	shalt  }
0x4b: {  	_ =	shalt  }
0x4c: {  	_ =	shalt  }
0x4d: {  	_ =	shalt  }
0x4e: {  	_ =	shalt  }
0x4f: {  	_ =	shalt  }
0x50: {  	_ =	shalt  }
0x51: {  	_ =	shalt  }
0x52: {  	_ =	shalt  }
0x53: {  	_ =	shalt  }
0x54: {  	_ =	shalt  }
0x55: {  	_ =	shalt  }
0x56: {  	_ =	shalt  }
0x57: {  	_ =	shalt  }
0x58: {  	_ =	shalt  }
0x59: {  	_ =	shalt  }
0x5a: {  	_ =	shalt  }
0x5b: {  	_ =	shalt  }
0x5c: {  	_ =	shalt  }
0x5d: {  	_ =	shalt  }
0x5e: {  	_ =	shalt  }
0x5f: {  	_ =	shalt  }
0x60: {  	_ =	shalt  }
0x61: {  	_ =	shalt  }
0x62: {  	_ =	shalt  }
0x63: {  	_ =	shalt  }
0x64: {  	_ =	shalt  }
0x65: {  	_ =	shalt  }
0x66: {  	_ =	shalt  }
0x67: {  	_ =	shalt  }
0x68: {  	_ =	shalt  }
0x69: {  	_ =	shalt  }
0x6a: {  	_ =	shalt  }
0x6b: {  	_ =	shalt  }
0x6c: {  	_ =	shalt  }
0x6d: {  	_ =	shalt  }
0x6e: {  	_ =	shalt  }
0x6f: {  	_ =	shalt  }
0x70: {  	_ =	shalt  }
0x71: {  	_ =	shalt  }
0x72: {  	_ =	shalt  }
0x73: {  	_ =	shalt  }
0x74: {  	_ =	shalt  }
0x75: {  	_ =	shalt  }
0x76: {  	_ =	shalt  }
0x77: {  	_ =	shalt  }
0x78: {  	_ =	shalt  }
0x79: {  	_ =	shalt  }
0x7a: {  	_ =	shalt  }
0x7b: {  	_ =	shalt  }
0x7c: {  	_ =	shalt  }
0x7d: {  	_ =	shalt  }
0x7e: {  	_ =	shalt  }
0x7f: {  	_ =	shalt  }
0x80: {  	_ =	shalt  }
0x81: {  	_ =	shalt  }
0x82: {  	_ =	shalt  }
0x83: {  	_ =	shalt  }
0x84: {  	_ =	shalt  }
0x85: {  	_ =	shalt  }
0x86: {  	_ =	shalt  }
0x87: {  	_ =	shalt  }
.Lfunc_end0:
.L_simem_size_0:
called_computation.3_lowered:
.L_overlay_start_0:
0x88: {  	s2 =	sld [smem:$0x3FD9]  }
0x89: {  	s3 =	sld [smem:$0x3FFE];
	_ =	sdelay $0x1  }
0x8a: {  	s1 =	srdreg.scid  }
0x8b: {  	s0 =	sand.u32 $0x1, s1  }
0x8c: {  	s16 =	sshll.u32 s0, $0xA;
	s2 =	sadd.s32 s3, s2  }
0x8d: {  	s2 =	sadd.s32 s2, s16  }
0x8e: {  	[smem:$0x3FC0] =	sst s2  }
0x8f: {  	_ = 	snop  }
0x90: {  	(tm) =	ssettm $0x1  }
0x91: {  	s17 =	sld [smem:$0x3FFB];
	_ =	sdelay $0x3  }
0x92: {  	_ =	strace s17  }
0x93: {  	s2 =	sld [smem:$0x3FFC];
	_ =	sdelay $0x3  }
0x94: {  	_ =	strace s2  }
0x95: {  	s2 =	sld [smem:$0x3FFD];
	_ =	sdelay $0x3  }
0x96: {  	_ =	strace s2  }
0x97: {  	_ =	strace $0x8FFFFFFF  }
0x98: {  	s18 =	sld [smem:$0x3FDB];
	_ =	sdelay $0x1  }
0x99: {  	s19 =	simm.s32 $_scs_section_size  }
0x9a: {  	s4 =	simm.s32 $_size__tile_overlayer_lowered;
	s5 =	simm.s32 $_tile_overlayer_lowered  }
0x9b: {  	s22 =	simm.s32 $0x1BFF;
	s21 =	sshll.u32 s5, $0x1;
	s2 =	sadd.s32 s19, s18  }
0x9c: {  	s6 =	simm.s32 $0x0;
	s20 =	sshll.u32 s4, $0x1;
	s4 =	sadd.s32 s21, s2  }
0x9d: {  	[timem:s6], [sflag:s22] =	dma.local [hbm:s4], s20  }
0x9e: {  	_ =	swait.ge [sflag:s22], s20  }
0x9f: {  	s3 =	ssub.s32 $0x0, s20;
	[sflag:s22] =	ssyncset.done $0x0  }
0xa0: {  	[sflag:s22] =	ssyncadd.s32 s3;
	_ =	sdelay $0x1  }
0xa1: {  	s23 =	simm.s32 $0x1B8B  }
0xa2: {  	_ =	swait.ge [sflag:s23], $0x1  }
0xa3: {  	[sflag:s23] =	ssyncset.done $0x0  }
0xa4: {  	s25 =	simm.s32 $0x1B8E;
	s24 =	sld [smem:$0x3FFE];
	[sflag:s23] =	ssyncadd.s32 $0xFFFFFFFF  }
0xa5: {  	s26 =	simm.s32 $execute0_lowered;
	[smem:$0x3FD2] =	sst s25  }
0xa6: {  	s4 =	sshll.u32 s26, $0x1;
	_ =	strace $0x80000046;
	[dreg:$0x1] =	wrdreg $0xFFFFFFFF  }
0xa7: {  	s28 =	simm.s32 $_size_execute0_lowered;
	s2 =	sadd.s32 s2, s4;
	[dreg:$0x0] =	wrdreg $0x0  }
0xa8: {  	s4 =	sshll.u32 s28, $0x1;
	[dreg:$0x2] =	wrdreg s2  }
0xa9: {  	[dreg:$0x3] =	wrdreg s4  }
0xaa: {  	[dreg:$0x4] =	wrdreg $0xC0  }
0xab: {  	_ =	task [dreg:s6], $0x5FFFF  }
0xac: {  	[dreg:$0x1] =	wrdreg $0xFFFFFFFF  }
0xad: {  	[dreg:$0x0] =	wrdreg $0x60  }
0xae: {  	[dreg:$0x2] =	wrdreg s24  }
0xaf: {  	[dreg:$0x3] =	wrdreg $0xC  }
0xb0: {  	_ =	task.clear_ibuf [dreg:s6], $0x4FFFF;
	_ =	strace $0x90000046  }
0xb1: {  	s29 =	simm.s32 $0xC;
	_ =	strace $0x80000048  }
0xb2: {  	_ =	swait.ge [sflag:s29], $0x1  }
0xb3: {  	[sflag:s29] =	ssyncadd.s32 $0xFFFFFFFF  }
0xb4: {  	_ =	strace $0x90000048  }
0xb5: {  	_ =	sfence  }
0xb6: {  	s30 =	sld [smem:$0x0];
	_ =	sdelay $0x2  }
0xb7: {  	s31 =	sshll.u32 s1, $0xD;
	s1 =	sshrl.u32 s1, $0x2  }
0xb8: {  	s3 =	sand.u32 $0x4000, s31;
	s1 =	sadd.s32 s1, s30  }
0xb9: {  	s0 =	sor.u32 s3, s0;
	s1 =	sshll.u32 s1, $0x11  }
0xba: {  	s0 =	sor.u32 s1, s0  }
0xbb: {  	s0 =	sadd.s32 $0x8F2B, s0  }
0xbc: {  	[sflag:s0] =	ssyncadd.remote.s32 $0x1  }
0xbd: {  	_ =	sfence.sel $0xFFFF  }
0xbe: {  	[dreg:$0x0] =	wrdreg $0xFFFFFFFF;
	(pc) =	sbr.abs _section_cstart, $3  }
0xbf: {  	[dreg:$0x1] =	wrdreg $0xFFFFFFFF  }
0xc0: {  	_ =	task.clear_ibuf [dreg:s6], $0x2FFFF;
	_ =	strace $0x9FFFFFFF  }
0xc1: {  	(tm) =	ssettm $0x7FFFFFFF  }
tec
execute0_lowered:
.L_overlay_start_1:
0x0: {  	(tag) =	ssettag $0x1  }
0x1: {  	s1 =	srdreg.scid  }
0x2: {  	s0 =	stileid.u32;
	s4 =	rddreg [dreg:$0x0]  }
0x3: {  	s19 =	simm.s32 $0x900;
	s20 =	simm.s32 $0x1100;
	s21 =	simm.s32 $0x1900  }
0x4: {  	s23 =	simm.s32 $0x2100;
	s24 =	simm.s32 $0x2900;
	s25 =	simm.s32 $0x3100  }
0x5: {  	s26 =	simm.s32 $0x3900;
	s6 =	simm.s32 $0x100;
	s8 =	simm.s32 $0x4900  }
0x6: {  	s9 =	simm.s32 $0x5100;
	s10 =	simm.s32 $0x5900;
	s11 =	simm.s32 $0x6100  }
0x7: {  	s12 =	simm.s32 $0x6900;
	s13 =	simm.s32 $0x7100;
	s1 =	sand.u32 $0x1, s1  }
0x8: {  	s14 =	simm.s32 $0x7900;
	s2 =	sshll.u32 s0, $0x9;
	s3 =	sshll.u32 s1, $0x8  }
0x9: {  	s15 =	simm.s32 $0x8100;
	s3 =	sor.u32 s3, s2;
	s2 =	simm.s32 $0x0  }
0xa: {  	s16 =	simm.s32 $0x8900;
	s17 =	simm.s32 $0x9100;
	[smem:$0x7FF] =	sst s2  }
0xb: {  	s18 =	simm.s32 $0x9900;
	_ =	strace $0x80000047;
	[dreg:$0x4] =	wrdreg s19  }
0xc: {  	s28 =	simm.s32 $0xE100;
	s29 =	simm.s32 $0xE900;
	[dreg:$0x5] =	wrdreg s20  }
0xd: {  	s30 =	simm.s32 $0xF100;
	s1 =	ssub.s32 $0x2, s1;
	[dreg:$0x6] =	wrdreg s21  }
0xe: {  	s31 =	simm.s32 $0xF900;
	s22 =	sshrl.u32 s1, $0x1;
	[dreg:$0x7] =	wrdreg s23  }
0xf: {  	s5 =	sshrl.u32 s3, $0x3;
	s3 =	sshll.u32 s3, $0x5;
	[dreg:$0x8] =	wrdreg s24  }
0x10: {  	s1 =	ssub.s32 s1, s22;
	s22 =	simm.s32 $0xB900;
	[dreg:$0x9] =	wrdreg s25  }
0x11: {  	s5 =	sadd.s32 s5, s4;
	s3 =	sadd.s32 s3, s4;
	[dreg:$0xa] =	wrdreg s26  }
0x12: {  	s19 =	simm.s32 $0xA100;
	s20 =	simm.s32 $0xA900;
	s21 =	simm.s32 $0xB100  }
0x13: {  	s23 =	simm.s32 $0xC100;
	s24 =	simm.s32 $0xC900;
	s5 =	sadd.s32 $0x9600, s5  }
0x14: {  	v2 =	vlaneseq.u32;
	s25 =	simm.s32 $0xD100;
	s3 =	sadd.s32 $0x9A00, s3;
	[dreg:$0x2] =	wrdreg s5  }
0x15: {  	vm0 =	vmmov $0xffff;
	v1 =	vshrl.u32 v2, $0x3;
	s26 =	simm.s32 $0xD900;
	[dreg:$0x3] =	wrdreg s3;
	s3 =	sadd.s32 $0x1600, s4  }
0x16: {  	v0 =	vand.u32 $0x7, v2;
	v2 =	vor.u32 $0x8, v2;
	v1 =	vmul.u32 $0x8, v1;
	s4 =	smax.u32 s1, $0x1;
	s5 =	simm.s32 $0x2;
	s1 =	simm.s32 $0x1  }
.LBB2_1:
0x17: {  	s0 =	rddreg [dreg:$0x2]  }
0x18: {  	[tilespmem:s2], [sflag:$0x2] =	stream.linear.gather [hbm4b:s0+s2], $0x100, $0x38;
	[tilespmem:$0x10100] =	vst v63  }
0x19: {  	_ =	swait.ge [sflag:s5], $0x100  }
0x1a: {  	[sflag:s5] =	ssyncset.done $0x0  }
0x1b: {  	[sflag:s5] =	ssyncadd.s32 $0xFFFFFF00  }
0x1c: {  	v3 =	vld [tilespmem:$0x0];
	_ =	sdelay $0x4  }
0x1d: {  	v4 =	vshll.u32 v3, $0x1  }
0x1e: {  	v3 =	vand.u32 $0x7, v3;
	v4 =	vand.u32 $0xFFFFFFF0, v4  }
0x1f: {  	v3 =	vor.u32 v3, v4  }
0x20: {  	v4 =	vperm.xlane v3, v0;
	_ =	sdelay $0x1  }
0x21: {  	v3 =	vperm.xlane v3, v2;
	v4 =	vadd.s32 v1, v4;
	_ =	sdelay $0x1  }
0x22: {  	v3 =	vadd.s32 v1, v3;
	_ =	sdelay $0x2  }
0x23: {  	[tilespmem:s6], [sflag:$0x1] =	stream.indirect_vreg.gather [hbm4b:s3+s2], $0x80, v4, vm0, $0xb8;
	[tilespmem:$0x10100] =	vst v63  }
0x24: {  	s7 =	rddreg [dreg:$0x4]  }
0x25: {  	[tilespmem:s7], [sflag:$0x1] =	stream.indirect_vreg.gather [hbm4b:s3+s2], $0x80, v3, vm0, $0xb8;
	[tilespmem:$0x10100] =	vst v63  }
0x26: {  	v3 =	vld [tilespmem:$0x10];
	_ =	sdelay $0x4  }
0x27: {  	v49 =	vshll.u32 v3, $0x1  }
0x28: {  	v3 =	vand.u32 $0x7, v3;
	v4 =	vand.u32 $0xFFFFFFF0, v49  }
0x29: {  	v3 =	vor.u32 v3, v4  }
0x2a: {  	v4 =	vperm.xlane v3, v0;
	_ =	sdelay $0x1  }
0x2b: {  	v3 =	vperm.xlane v3, v2;
	v4 =	vadd.s32 v1, v4;
	_ =	sdelay $0x1  }
0x2c: {  	v3 =	vadd.s32 v1, v3;
	_ =	sdelay $0x1  }
0x2d: {  	s0 =	rddreg [dreg:$0x5]  }
0x2e: {  	[tilespmem:s0], [sflag:$0x1] =	stream.indirect_vreg.gather [hbm4b:s3+s2], $0x80, v4, vm0, $0xb8;
	[tilespmem:$0x10100] =	vst v63  }
0x2f: {  	s7 =	rddreg [dreg:$0x6]  }
0x30: {  	[tilespmem:s7], [sflag:$0x1] =	stream.indirect_vreg.gather [hbm4b:s3+s2], $0x80, v3, vm0, $0xb8;
	[tilespmem:$0x10100] =	vst v63  }
0x31: {  	v3 =	vld [tilespmem:$0x20];
	_ =	sdelay $0x4  }
0x32: {  	v50 =	vshll.u32 v3, $0x1  }
0x33: {  	v3 =	vand.u32 $0x7, v3;
	v4 =	vand.u32 $0xFFFFFFF0, v50  }
0x34: {  	v3 =	vor.u32 v3, v4  }
0x35: {  	v4 =	vperm.xlane v3, v0;
	_ =	sdelay $0x1  }
0x36: {  	v3 =	vperm.xlane v3, v2;
	v4 =	vadd.s32 v1, v4;
	_ =	sdelay $0x1  }
0x37: {  	v3 =	vadd.s32 v1, v3;
	_ =	sdelay $0x1  }
0x38: {  	s0 =	rddreg [dreg:$0x7]  }
0x39: {  	[tilespmem:s0], [sflag:$0x1] =	stream.indirect_vreg.gather [hbm4b:s3+s2], $0x80, v4, vm0, $0xb8;
	[tilespmem:$0x10100] =	vst v63  }
0x3a: {  	s7 =	rddreg [dreg:$0x8]  }
0x3b: {  	[tilespmem:s7], [sflag:$0x1] =	stream.indirect_vreg.gather [hbm4b:s3+s2], $0x80, v3, vm0, $0xb8;
	[tilespmem:$0x10100] =	vst v63  }
0x3c: {  	v3 =	vld [tilespmem:$0x30];
	_ =	sdelay $0x4  }
0x3d: {  	v51 =	vshll.u32 v3, $0x1  }
0x3e: {  	v3 =	vand.u32 $0x7, v3;
	v4 =	vand.u32 $0xFFFFFFF0, v51  }
0x3f: {  	v3 =	vor.u32 v3, v4  }
0x40: {  	v4 =	vperm.xlane v3, v0;
	_ =	sdelay $0x1  }
0x41: {  	v3 =	vperm.xlane v3, v2;
	v4 =	vadd.s32 v1, v4;
	_ =	sdelay $0x1  }
0x42: {  	v3 =	vadd.s32 v1, v3;
	_ =	sdelay $0x1  }
0x43: {  	s0 =	rddreg [dreg:$0x9]  }
0x44: {  	[tilespmem:s0], [sflag:$0x1] =	stream.indirect_vreg.gather [hbm4b:s3+s2], $0x80, v4, vm0, $0xb8;
	[tilespmem:$0x10100] =	vst v63  }
0x45: {  	s7 =	rddreg [dreg:$0xa]  }
0x46: {  	[tilespmem:s7], [sflag:$0x1] =	stream.indirect_vreg.gather [hbm4b:s3+s2], $0x80, v3, vm0, $0xb8;
	[tilespmem:$0x10100] =	vst v63  }
0x47: {  	v3 =	vld [tilespmem:$0x40];
	_ =	sdelay $0x4  }
0x48: {  	v52 =	vshll.u32 v3, $0x1  }
0x49: {  	v3 =	vand.u32 $0x7, v3;
	v4 =	vand.u32 $0xFFFFFFF0, v52  }
0x4a: {  	v3 =	vor.u32 v3, v4  }
0x4b: {  	v4 =	vperm.xlane v3, v0;
	_ =	sdelay $0x1  }
0x4c: {  	v3 =	vperm.xlane v3, v2;
	v4 =	vadd.s32 v1, v4;
	_ =	sdelay $0x1  }
0x4d: {  	v3 =	vadd.s32 v1, v3;
	_ =	sdelay $0x1  }
0x4e: {  	s7 =	simm.s32 $0x4100  }
0x4f: {  	[tilespmem:s7], [sflag:$0x1] =	stream.indirect_vreg.gather [hbm4b:s3+s2], $0x80, v4, vm0, $0xb8;
	[tilespmem:$0x10100] =	vst v63  }
0x50: {  	_ = 	snop  }
0x51: {  	[tilespmem:s8], [sflag:$0x1] =	stream.indirect_vreg.gather [hbm4b:s3+s2], $0x80, v3, vm0, $0xb8;
	[tilespmem:$0x10100] =	vst v63  }
0x52: {  	v3 =	vld [tilespmem:$0x50];
	_ =	sdelay $0x4  }
0x53: {  	v53 =	vshll.u32 v3, $0x1  }
0x54: {  	v3 =	vand.u32 $0x7, v3;
	v4 =	vand.u32 $0xFFFFFFF0, v53  }
0x55: {  	v3 =	vor.u32 v3, v4  }
0x56: {  	v4 =	vperm.xlane v3, v0;
	_ =	sdelay $0x1  }
0x57: {  	v3 =	vperm.xlane v3, v2;
	v4 =	vadd.s32 v1, v4;
	_ =	sdelay $0x1  }
0x58: {  	v3 =	vadd.s32 v1, v3;
	_ =	sdelay $0x2  }
0x59: {  	[tilespmem:s9], [sflag:$0x1] =	stream.indirect_vreg.gather [hbm4b:s3+s2], $0x80, v4, vm0, $0xb8;
	[tilespmem:$0x10100] =	vst v63  }
0x5a: {  	_ = 	snop  }
0x5b: {  	[tilespmem:s10], [sflag:$0x1] =	stream.indirect_vreg.gather [hbm4b:s3+s2], $0x80, v3, vm0, $0xb8;
	[tilespmem:$0x10100] =	vst v63  }
0x5c: {  	v3 =	vld [tilespmem:$0x60];
	_ =	sdelay $0x4  }
0x5d: {  	v54 =	vshll.u32 v3, $0x1  }
0x5e: {  	v3 =	vand.u32 $0x7, v3;
	v4 =	vand.u32 $0xFFFFFFF0, v54  }
0x5f: {  	v3 =	vor.u32 v3, v4  }
0x60: {  	v4 =	vperm.xlane v3, v0;
	_ =	sdelay $0x1  }
0x61: {  	v3 =	vperm.xlane v3, v2;
	v4 =	vadd.s32 v1, v4;
	_ =	sdelay $0x1  }
0x62: {  	v3 =	vadd.s32 v1, v3;
	_ =	sdelay $0x2  }
0x63: {  	[tilespmem:s11], [sflag:$0x1] =	stream.indirect_vreg.gather [hbm4b:s3+s2], $0x80, v4, vm0, $0xb8;
	[tilespmem:$0x10100] =	vst v63  }
0x64: {  	_ = 	snop  }
0x65: {  	[tilespmem:s12], [sflag:$0x1] =	stream.indirect_vreg.gather [hbm4b:s3+s2], $0x80, v3, vm0, $0xb8;
	[tilespmem:$0x10100] =	vst v63  }
0x66: {  	v3 =	vld [tilespmem:$0x70];
	_ =	sdelay $0x4  }
0x67: {  	v55 =	vshll.u32 v3, $0x1  }
0x68: {  	v3 =	vand.u32 $0x7, v3;
	v4 =	vand.u32 $0xFFFFFFF0, v55  }
0x69: {  	v3 =	vor.u32 v3, v4  }
0x6a: {  	v4 =	vperm.xlane v3, v0;
	_ =	sdelay $0x1  }
0x6b: {  	v3 =	vperm.xlane v3, v2;
	v4 =	vadd.s32 v1, v4;
	_ =	sdelay $0x1  }
0x6c: {  	v3 =	vadd.s32 v1, v3;
	_ =	sdelay $0x2  }
0x6d: {  	[tilespmem:s13], [sflag:$0x1] =	stream.indirect_vreg.gather [hbm4b:s3+s2], $0x80, v4, vm0, $0xb8;
	[tilespmem:$0x10100] =	vst v63  }
0x6e: {  	_ = 	snop  }
0x6f: {  	[tilespmem:s14], [sflag:$0x1] =	stream.indirect_vreg.gather [hbm4b:s3+s2], $0x80, v3, vm0, $0xb8;
	[tilespmem:$0x10100] =	vst v63  }
0x70: {  	v3 =	vld [tilespmem:$0x80];
	_ =	sdelay $0x4  }
0x71: {  	v56 =	vshll.u32 v3, $0x1  }
0x72: {  	v3 =	vand.u32 $0x7, v3;
	v4 =	vand.u32 $0xFFFFFFF0, v56  }
0x73: {  	v3 =	vor.u32 v3, v4  }
0x74: {  	v4 =	vperm.xlane v3, v0;
	_ =	sdelay $0x1  }
0x75: {  	v3 =	vperm.xlane v3, v2;
	v4 =	vadd.s32 v1, v4;
	_ =	sdelay $0x1  }
0x76: {  	v3 =	vadd.s32 v1, v3;
	_ =	sdelay $0x2  }
0x77: {  	[tilespmem:s15], [sflag:$0x1] =	stream.indirect_vreg.gather [hbm4b:s3+s2], $0x80, v4, vm0, $0xb8;
	[tilespmem:$0x10100] =	vst v63  }
0x78: {  	_ = 	snop  }
0x79: {  	[tilespmem:s16], [sflag:$0x1] =	stream.indirect_vreg.gather [hbm4b:s3+s2], $0x80, v3, vm0, $0xb8;
	[tilespmem:$0x10100] =	vst v63  }
0x7a: {  	v3 =	vld [tilespmem:$0x90];
	_ =	sdelay $0x4  }
0x7b: {  	v57 =	vshll.u32 v3, $0x1  }
0x7c: {  	v3 =	vand.u32 $0x7, v3;
	v4 =	vand.u32 $0xFFFFFFF0, v57  }
0x7d: {  	v3 =	vor.u32 v3, v4  }
0x7e: {  	v4 =	vperm.xlane v3, v0;
	_ =	sdelay $0x1  }
0x7f: {  	v3 =	vperm.xlane v3, v2;
	v4 =	vadd.s32 v1, v4;
	_ =	sdelay $0x1  }
0x80: {  	v3 =	vadd.s32 v1, v3;
	_ =	sdelay $0x2  }
0x81: {  	[tilespmem:s17], [sflag:$0x1] =	stream.indirect_vreg.gather [hbm4b:s3+s2], $0x80, v4, vm0, $0xb8;
	[tilespmem:$0x10100] =	vst v63  }
0x82: {  	_ = 	snop  }
0x83: {  	[tilespmem:s18], [sflag:$0x1] =	stream.indirect_vreg.gather [hbm4b:s3+s2], $0x80, v3, vm0, $0xb8;
	[tilespmem:$0x10100] =	vst v63  }
0x84: {  	v3 =	vld [tilespmem:$0xA0];
	_ =	sdelay $0x4  }
0x85: {  	v58 =	vshll.u32 v3, $0x1  }
0x86: {  	v3 =	vand.u32 $0x7, v3;
	v4 =	vand.u32 $0xFFFFFFF0, v58  }
0x87: {  	v3 =	vor.u32 v3, v4  }
0x88: {  	v4 =	vperm.xlane v3, v0;
	_ =	sdelay $0x1  }
0x89: {  	v3 =	vperm.xlane v3, v2;
	v4 =	vadd.s32 v1, v4;
	_ =	sdelay $0x1  }
0x8a: {  	v3 =	vadd.s32 v1, v3;
	_ =	sdelay $0x2  }
0x8b: {  	[tilespmem:s19], [sflag:$0x1] =	stream.indirect_vreg.gather [hbm4b:s3+s2], $0x80, v4, vm0, $0xb8;
	[tilespmem:$0x10100] =	vst v63  }
0x8c: {  	_ = 	snop  }
0x8d: {  	[tilespmem:s20], [sflag:$0x1] =	stream.indirect_vreg.gather [hbm4b:s3+s2], $0x80, v3, vm0, $0xb8;
	[tilespmem:$0x10100] =	vst v63  }
0x8e: {  	v3 =	vld [tilespmem:$0xB0];
	_ =	sdelay $0x4  }
0x8f: {  	v59 =	vshll.u32 v3, $0x1  }
0x90: {  	v3 =	vand.u32 $0x7, v3;
	v4 =	vand.u32 $0xFFFFFFF0, v59  }
0x91: {  	v3 =	vor.u32 v3, v4  }
0x92: {  	v4 =	vperm.xlane v3, v0;
	_ =	sdelay $0x1  }
0x93: {  	v3 =	vperm.xlane v3, v2;
	v4 =	vadd.s32 v1, v4;
	_ =	sdelay $0x1  }
0x94: {  	v3 =	vadd.s32 v1, v3;
	_ =	sdelay $0x2  }
0x95: {  	[tilespmem:s21], [sflag:$0x1] =	stream.indirect_vreg.gather [hbm4b:s3+s2], $0x80, v4, vm0, $0xb8;
	[tilespmem:$0x10100] =	vst v63  }
0x96: {  	_ = 	snop  }
0x97: {  	[tilespmem:s22], [sflag:$0x1] =	stream.indirect_vreg.gather [hbm4b:s3+s2], $0x80, v3, vm0, $0xb8;
	[tilespmem:$0x10100] =	vst v63  }
0x98: {  	v3 =	vld [tilespmem:$0xC0];
	_ =	sdelay $0x4  }
0x99: {  	v60 =	vshll.u32 v3, $0x1  }
0x9a: {  	v3 =	vand.u32 $0x7, v3;
	v4 =	vand.u32 $0xFFFFFFF0, v60  }
0x9b: {  	v3 =	vor.u32 v3, v4  }
0x9c: {  	v4 =	vperm.xlane v3, v0;
	_ =	sdelay $0x1  }
0x9d: {  	v3 =	vperm.xlane v3, v2;
	v4 =	vadd.s32 v1, v4;
	_ =	sdelay $0x1  }
0x9e: {  	v3 =	vadd.s32 v1, v3;
	_ =	sdelay $0x2  }
0x9f: {  	[tilespmem:s23], [sflag:$0x1] =	stream.indirect_vreg.gather [hbm4b:s3+s2], $0x80, v4, vm0, $0xb8;
	[tilespmem:$0x10100] =	vst v63  }
0xa0: {  	_ = 	snop  }
0xa1: {  	[tilespmem:s24], [sflag:$0x1] =	stream.indirect_vreg.gather [hbm4b:s3+s2], $0x80, v3, vm0, $0xb8;
	[tilespmem:$0x10100] =	vst v63  }
0xa2: {  	v3 =	vld [tilespmem:$0xD0];
	_ =	sdelay $0x4  }
0xa3: {  	v61 =	vshll.u32 v3, $0x1  }
0xa4: {  	v3 =	vand.u32 $0x7, v3;
	v4 =	vand.u32 $0xFFFFFFF0, v61  }
0xa5: {  	v3 =	vor.u32 v3, v4  }
0xa6: {  	v4 =	vperm.xlane v3, v0;
	_ =	sdelay $0x1  }
0xa7: {  	v3 =	vperm.xlane v3, v2;
	v4 =	vadd.s32 v1, v4;
	_ =	sdelay $0x1  }
0xa8: {  	v3 =	vadd.s32 v1, v3;
	_ =	sdelay $0x2  }
0xa9: {  	[tilespmem:s25], [sflag:$0x1] =	stream.indirect_vreg.gather [hbm4b:s3+s2], $0x80, v4, vm0, $0xb8;
	[tilespmem:$0x10100] =	vst v63  }
0xaa: {  	_ = 	snop  }
0xab: {  	[tilespmem:s26], [sflag:$0x1] =	stream.indirect_vreg.gather [hbm4b:s3+s2], $0x80, v3, vm0, $0xb8;
	[tilespmem:$0x10100] =	vst v63  }
0xac: {  	v3 =	vld [tilespmem:$0xE0];
	_ =	sdelay $0x4  }
0xad: {  	v62 =	vshll.u32 v3, $0x1  }
0xae: {  	v3 =	vand.u32 $0x7, v3;
	v4 =	vand.u32 $0xFFFFFFF0, v62  }
0xaf: {  	v3 =	vor.u32 v3, v4  }
0xb0: {  	v4 =	vperm.xlane v3, v0;
	_ =	sdelay $0x1  }
0xb1: {  	v3 =	vperm.xlane v3, v2;
	v4 =	vadd.s32 v1, v4;
	_ =	sdelay $0x1  }
0xb2: {  	v3 =	vadd.s32 v1, v3;
	_ =	sdelay $0x2  }
0xb3: {  	[tilespmem:s28], [sflag:$0x1] =	stream.indirect_vreg.gather [hbm4b:s3+s2], $0x80, v4, vm0, $0xb8;
	[tilespmem:$0x10100] =	vst v63  }
0xb4: {  	_ = 	snop  }
0xb5: {  	[tilespmem:s29], [sflag:$0x1] =	stream.indirect_vreg.gather [hbm4b:s3+s2], $0x80, v3, vm0, $0xb8;
	[tilespmem:$0x10100] =	vst v63  }
0xb6: {  	v3 =	vld [tilespmem:$0xF0];
	_ =	sdelay $0x4  }
0xb7: {  	v63 =	vshll.u32 v3, $0x1  }
0xb8: {  	v3 =	vand.u32 $0x7, v3;
	v4 =	vand.u32 $0xFFFFFFF0, v63  }
0xb9: {  	v3 =	vor.u32 v3, v4  }
0xba: {  	v4 =	vperm.xlane v3, v0;
	_ =	sdelay $0x1  }
0xbb: {  	v3 =	vperm.xlane v3, v2;
	v4 =	vadd.s32 v1, v4;
	_ =	sdelay $0x1  }
0xbc: {  	v3 =	vadd.s32 v1, v3;
	_ =	sdelay $0x2  }
0xbd: {  	[tilespmem:s30], [sflag:$0x1] =	stream.indirect_vreg.gather [hbm4b:s3+s2], $0x80, v4, vm0, $0xb8;
	[tilespmem:$0x10100] =	vst v63  }
0xbe: {  	_ = 	snop  }
0xbf: {  	[tilespmem:s31], [sflag:$0x1] =	stream.indirect_vreg.gather [hbm4b:s3+s2], $0x80, v3, vm0, $0xb8;
	[tilespmem:$0x10100] =	vst v63  }
0xc0: {  	_ =	swait.ge [sflag:s1], $0x10000  }
0xc1: {  	p0 =	sne.s32 s4, $0x1;
	[sflag:s1] =	ssyncset.done $0x0  }
.Ltmp0:
0xc2: {  	s7 =	rddreg [dreg:$0x3];
	[sflag:s1] =	ssyncadd.s32 $0xFFFF0000;
	(pc) =	sbr.rel @p0 .LBB2_1-.Ltmp0, $4  }
0xc3: {  	[hbm4b:s7+s2] =	stream.linear.scatter [tilespmem:s6], [sflag:$0x2], $0x10000, $0x38;
	[tilespmem:$0x10100] =	vst v63  }
0xc4: {  	_ =	swait.ge [sflag:s5], $0x10000  }
0xc5: {  	[sflag:s5] =	ssyncset.done $0x0  }
0xc6: {  	s4 =	sadd.s32 $0xFFFFFFFF, s4;
	[sflag:s5] =	ssyncadd.s32 $0xFFFF0000  }
0xc7: {  	_ =	sfence.sel $0x180000  }
0xc8: {  	[bflag:$0x0] =	sbarrier.arrive $0xFFFF  }
0xc9: {  	_ =	strace $0x90000047  }
0xca: {  	s0 =	stileid.u32;
	[bflag:$0x2] =	sbarrier.arrive $0xFFFF  }
0xcb: {  	p0 =	sne.s32 s0, $0x0;
	s0 =	rddreg [dreg:$0x1]  }
0xcc: {  	s0 =	sadd.s32 @!p0 $0x100000, s0  }
0xcd: {  	[sflag:s0] =	ssyncadd.tile.s32 @!p0 $0x1;
	_ =	shalt  }
.Lfunc_end2:
_tile_overlayer_lowered:
.L_overlay_start_2:
0xce: {  	(tag) =	ssettag $0x2  }
0xcf: {  	s0 =	rddreg [dreg:$0x0];
	s2 =	stileid.u32  }
0xd0: {  	s1 =	rddreg [dreg:$0x1];
	p0 =	sne.s32 s2, $0x0  }
0xd1: {  	s3 =	rddreg [dreg:$0x2];
	[bflag:$0x3] =	sbarrier.arrive $0xFFFF;
	s2 =	simm.s32 @!p0 $0x1C02  }
0xd2: {  	[timem:s3], [sflag:s2] =	dma.local @!p0 [hbm:s0], s1  }
0xd3: {  	s0 =	simm.s32 @!p0 $0x2  }
0xd4: {  	_ =	swait.ge @!p0 [sflag:s0], s1  }
0xd5: {  	s1 =	ssub.s32 @!p0 $0x0, s1;
	[sflag:s0] =	ssyncset.done @!p0 $0x0  }
0xd6: {  	[sflag:s0] =	ssyncadd.s32 @!p0 s1  }
0xd7: {  	[bflag:$0x3] =	sbarrier.arrive $0xFFFF  }
0xd8: {  	_ =	shalt  }

// kernel: kernel.26.cloned.1.call-start
scs
__scs_entry_jumppad:
0x0: {  	(pc) =	sbr.rel $0x88, $3  }
0x1: {  	(tag) =	ssettag $0x0;
	lr =	simm.s32 $0x1  }
0x2: {  	[smem:$0x3F99] =	sst lr;
	_ =	strace $0xD0000000  }
0x3: {  	_ = 	snop  }
0x4: {  	_ = 	snop  }
0x5: {  	_ = 	snop  }
0x6: {  	_ = 	snop  }
0x7: {  	_ = 	snop  }
__scs_overlays_trampoline_lowered:
0x8: {  	[smem:$0x3FA8] =	sst s0  }
0x9: {  	[smem:$0x3FA9] =	sst s1  }
0xa: {  	[smem:$0x3FAA] =	sst s2  }
0xb: {  	[smem:$0x3FAB] =	sst s3  }
0xc: {  	[smem:$0x3FAC] =	sst s4  }
0xd: {  	[smem:$0x3FAD] =	sst s5  }
0xe: {  	[smem:$0x3FAE] =	sst s6  }
0xf: {  	[smem:$0x3FAF] =	sst s7  }
0x10: {  	[smem:$0x3FB0] =	sst s8  }
0x11: {  	[smem:$0x3FB1] =	sst s9;
	s0 =	simm.s32 @!p0 $0x0  }
0x12: {  	s1 =	sld [smem:$0x3F97];
	s0 =	simm.s32 @p0 $0x1  }
0x13: {  	[smem:$0x3FB2] =	sst s0;
	s0 =	simm.s32 @!p1 $0x0  }
0x14: {  	s2 =	sld [smem:$0x3F96];
	s0 =	simm.s32 @p1 $0x1  }
0x15: {  	[smem:$0x3FB3] =	sst s0;
	s0 =	simm.s32 @!p2 $0x0  }
0x16: {  	s3 =	sld [smem:$0x3FDB];
	s0 =	simm.s32 @p2 $0x1  }
0x17: {  	s4 =	simm.s32 $0x1BF5;
	[smem:$0x3FB5] =	sst s0  }
0x18: {  	s0 =	sld [smem:$0x3F98];
	_ =	swait.ge [sflag:s4], $0x0  }
0x19: {  	s7 =	sld [smem:$0x3F99]  }
0x1a: {  	s8 =	sadd.s32 $0xFFFFE003, lr  }
0x1b: {  	s9 =	sadd.s32 $0xFFFFFEF7, lr;
	s5 =	simm.s32 $0xFFFFFFFF;
	p2 =	slt.u32 s8, $0xFFFFF086  }
0x1c: {  	p1 =	slt.u32 s9, $0xF7A;
	s5 =	simm.s32 @!p2 $0x0  }
0x1d: {  	s5 =	simm.s32 @p1 $0x1;
	p0 =	seq.s32 s7, s2  }
0x1e: {  	s7 =	smul.u32 @!p0 $0xF7A, s2;
	p2 =	seq.s32 @!p0 s5, $0x0  }
0x1f: {  	s9 =	smul.u32 $0xF7A, s1;
	s8 =	simm.s32 @!p0 $0x1BF5;
	p2 =	por !p2, p0  }
0x20: {  	[sflag:s8] =	ssyncset.s32 @!p0 $0xFFFFF086;
	s6 =	sadd.s32 @!p0 s3, s7;
	s7 =	simm.s32 @!p0 $0x108  }
0x21: {  	s3 =	sadd.s32 s3, s9;
	s6 =	sadd.s32 @!p0 $0x88, s6;
	s7 =	simm.s32 @p2 $0x1082  }
0x22: {  	[simem:s7], [sflag:s8] =	dma.local @!p0 [hbm:s6], $0xF7A  }
0x23: {  	s9 =	sor.u32 $0xD0000000, s2;
	s6 =	simm.s32 $0x108;
	_ =	swait.ge @!p0 [sflag:s8], $0x0  }
0x24: {  	s3 =	sadd.s32 $0x88, s3;
	s6 =	simm.s32 @!p1 $0x1082;
	[sflag:s4] =	ssyncset.s32 $0xFFFFF086  }
0x25: {  	[simem:s6], [sflag:s4] =	dma.local [hbm:s3], $0xF7A  }
0x26: {  	[smem:$0x3F99] =	sst s1;
	(tag) =	ssettag s2;
	_ =	strace s9  }
0x27: {  	s1 =	sld [smem:$0x3FA9]  }
0x28: {  	s2 =	sld [smem:$0x3FAA]  }
0x29: {  	s4 =	sld [smem:$0x3FAC]  }
0x2a: {  	p0 =	seq.s32 s5, $0x0;
	s5 =	sld [smem:$0x3FAD]  }
0x2b: {  	s6 =	sld [smem:$0x3FAE]  }
0x2c: {  	s7 =	sld [smem:$0x3FAF]  }
0x2d: {  	s3 =	simm.s32 $0x108;
	s8 =	sld [smem:$0x3FB0]  }
0x2e: {  	s3 =	simm.s32 @!p0 $0x1082;
	s9 =	sld [smem:$0x3FB1]  }
0x2f: {  	lr =	sadd.s32 s0, s3;
	s0 =	sld [smem:$0x3FA8]  }
0x30: {  	s3 =	sld [smem:$0x3FAB]  }
0x31: {  	[smem:$0x3FB4] =	sst s10  }
0x32: {  	s10 =	sld [smem:$0x3FB2];
	_ =	sdelay $0x3  }
0x33: {  	p0 =	seq.s32 s10, $0x1;
	s10 =	sld [smem:$0x3FB4];
	_ =	sdelay $0x3  }
0x34: {  	[smem:$0x3FB4] =	sst s10  }
0x35: {  	s10 =	sld [smem:$0x3FB3];
	_ =	sdelay $0x3  }
0x36: {  	p1 =	seq.s32 s10, $0x1;
	s10 =	sld [smem:$0x3FB4];
	_ =	sdelay $0x3  }
0x37: {  	[smem:$0x3FB4] =	sst s10  }
0x38: {  	s10 =	sld [smem:$0x3FB5]  }
0x39: {  	_ = 	snop;
	(pc) =	sbr.ind lr, $3  }
0x3a: {  	_ = 	snop  }
0x3b: {  	_ = 	snop  }
0x3c: {  	p2 =	seq.s32 s10, $0x1;
	s10 =	sld [smem:$0x3FB4]  }
0x3d: {  	_ =	shalt  }
0x3e: {  	_ =	shalt  }
0x3f: {  	_ =	shalt  }
0x40: {  	_ =	shalt  }
0x41: {  	_ =	shalt  }
0x42: {  	_ =	shalt  }
0x43: {  	_ =	shalt  }
0x44: {  	_ =	shalt  }
0x45: {  	_ =	shalt  }
0x46: {  	_ =	shalt  }
0x47: {  	_ =	shalt  }
0x48: {  	_ =	shalt  }
0x49: {  	_ =	shalt  }
0x4a: {  	_ =	shalt  }
0x4b: {  	_ =	shalt  }
0x4c: {  	_ =	shalt  }
0x4d: {  	_ =	shalt  }
0x4e: {  	_ =	shalt  }
0x4f: {  	_ =	shalt  }
0x50: {  	_ =	shalt  }
0x51: {  	_ =	shalt  }
0x52: {  	_ =	shalt  }
0x53: {  	_ =	shalt  }
0x54: {  	_ =	shalt  }
0x55: {  	_ =	shalt  }
0x56: {  	_ =	shalt  }
0x57: {  	_ =	shalt  }
0x58: {  	_ =	shalt  }
0x59: {  	_ =	shalt  }
0x5a: {  	_ =	shalt  }
0x5b: {  	_ =	shalt  }
0x5c: {  	_ =	shalt  }
0x5d: {  	_ =	shalt  }
0x5e: {  	_ =	shalt  }
0x5f: {  	_ =	shalt  }
0x60: {  	_ =	shalt  }
0x61: {  	_ =	shalt  }
0x62: {  	_ =	shalt  }
0x63: {  	_ =	shalt  }
0x64: {  	_ =	shalt  }
0x65: {  	_ =	shalt  }
0x66: {  	_ =	shalt  }
0x67: {  	_ =	shalt  }
0x68: {  	_ =	shalt  }
0x69: {  	_ =	shalt  }
0x6a: {  	_ =	shalt  }
0x6b: {  	_ =	shalt  }
0x6c: {  	_ =	shalt  }
0x6d: {  	_ =	shalt  }
0x6e: {  	_ =	shalt  }
0x6f: {  	_ =	shalt  }
0x70: {  	_ =	shalt  }
0x71: {  	_ =	shalt  }
0x72: {  	_ =	shalt  }
0x73: {  	_ =	shalt  }
0x74: {  	_ =	shalt  }
0x75: {  	_ =	shalt  }
0x76: {  	_ =	shalt  }
0x77: {  	_ =	shalt  }
0x78: {  	_ =	shalt  }
0x79: {  	_ =	shalt  }
0x7a: {  	_ =	shalt  }
0x7b: {  	_ =	shalt  }
0x7c: {  	_ =	shalt  }
0x7d: {  	_ =	shalt  }
0x7e: {  	_ =	shalt  }
0x7f: {  	_ =	shalt  }
0x80: {  	_ =	shalt  }
0x81: {  	_ =	shalt  }
0x82: {  	_ =	shalt  }
0x83: {  	_ =	shalt  }
0x84: {  	_ =	shalt  }
0x85: {  	_ =	shalt  }
0x86: {  	_ =	shalt  }
0x87: {  	_ =	shalt  }
.Lfunc_end0:
.L_simem_size_0:
called_computation.4_lowered:
.L_overlay_start_0:
0x88: {  	s2 =	sld [smem:$0x3FD9]  }
0x89: {  	s3 =	sld [smem:$0x3FFE];
	_ =	sdelay $0x1  }
0x8a: {  	s1 =	srdreg.scid  }
0x8b: {  	s0 =	sand.u32 $0x1, s1  }
0x8c: {  	s17 =	sshll.u32 s0, $0xA;
	s2 =	sadd.s32 s3, s2  }
0x8d: {  	s2 =	sadd.s32 s2, s17  }
0x8e: {  	[smem:$0x3FC0] =	sst s2  }
0x8f: {  	_ = 	snop  }
0x90: {  	(tm) =	ssettm $0x1  }
0x91: {  	s18 =	sld [smem:$0x3FFB];
	_ =	sdelay $0x3  }
0x92: {  	_ =	strace s18  }
0x93: {  	s2 =	sld [smem:$0x3FFC];
	_ =	sdelay $0x3  }
0x94: {  	_ =	strace s2  }
0x95: {  	s2 =	sld [smem:$0x3FFD];
	_ =	sdelay $0x3  }
0x96: {  	_ =	strace s2  }
0x97: {  	_ =	strace $0x8FFFFFFF  }
0x98: {  	s19 =	sld [smem:$0x3FDB];
	_ =	sdelay $0x1  }
0x99: {  	s20 =	simm.s32 $_scs_section_size  }
0x9a: {  	s4 =	simm.s32 $_size__tile_overlayer_lowered;
	s5 =	simm.s32 $_tile_overlayer_lowered  }
0x9b: {  	s6 =	simm.s32 $0x1BFF;
	s21 =	sshll.u32 s5, $0x1;
	s3 =	sadd.s32 s20, s19  }
0x9c: {  	s22 =	simm.s32 $0x0;
	s4 =	sshll.u32 s4, $0x1;
	s5 =	sadd.s32 s21, s3  }
0x9d: {  	[timem:s22], [sflag:s6] =	dma.local [hbm:s5], s4  }
0x9e: {  	_ =	swait.ge [sflag:s6], s4  }
0x9f: {  	s4 =	ssub.s32 $0x0, s4;
	[sflag:s6] =	ssyncset.done $0x0  }
0xa0: {  	[sflag:s6] =	ssyncadd.s32 s4;
	_ =	sdelay $0x1  }
0xa1: {  	s23 =	simm.s32 $0x1B8B  }
0xa2: {  	_ =	swait.ge [sflag:s23], $0x1  }
0xa3: {  	[sflag:s23] =	ssyncset.done $0x0  }
0xa4: {  	[sflag:s23] =	ssyncadd.s32 $0xFFFFFFFF  }
0xa5: {  	s4 =	sld [smem:$0x0]  }
0xa6: {  	s5 =	sand.u32 $0xFFFFFFFE, s1  }
0xa7: {  	p0 =	sne.s32 s1, s5  }
0xa8: {  	s5 =	sshll.u32 @p0 s5, $0xE  }
0xa9: {  	s5 =	sadd.s32 @p0 $0x11B8D, s5;
	s6 =	sshll.u32 @p0 s4, $0x11  }
0xaa: {  	s5 =	sor.u32 @p0 s6, s5  }
0xab: {  	[sflag:s5] =	ssyncadd.remote.s32 @p0 $0x1;
	_ =	sdelay $0x1  }
0xac: {  	s5 =	simm.s32 @p0 $0x1B8D  }
0xad: {  	_ =	swait.eq @p0 [sflag:s5], $0x1  }
0xae: {  	[sflag:s5] =	ssyncadd.s32 @p0 $0xFFFFFFFF  }
0xaf: {  	s6 =	sshll.u32 @!p0 s1, $0xE  }
0xb0: {  	s6 =	sor.u32 @!p0 $0x4000, s6;
	s5 =	simm.s32 @!p0 $0x1B8D  }
0xb1: {  	s4 =	sshll.u32 @!p0 s4, $0x11;
	s6 =	sadd.s32 @!p0 $0x11B8D, s6;
	_ =	swait.eq @!p0 [sflag:s5], $0x1  }
0xb2: {  	s4 =	sor.u32 @!p0 s4, s6;
	[sflag:s5] =	ssyncadd.s32 @!p0 $0xFFFFFFFF  }
0xb3: {  	s25 =	simm.s32 $0x1B8E;
	s24 =	sld [smem:$0x3FFE];
	[sflag:s4] =	ssyncadd.remote.s32 @!p0 $0x1  }
0xb4: {  	s26 =	simm.s32 $execute0_lowered;
	[smem:$0x3FD2] =	sst s25  }
0xb5: {  	s5 =	sshll.u32 s26, $0x1;
	_ =	strace $0x80000049;
	[dreg:$0x1] =	wrdreg $0xFFFFFFFF  }
0xb6: {  	s28 =	simm.s32 $_size_execute0_lowered;
	s3 =	sadd.s32 s3, s5;
	[dreg:$0x0] =	wrdreg $0x0  }
0xb7: {  	s5 =	sshll.u32 s28, $0x1;
	[dreg:$0x2] =	wrdreg s3  }
0xb8: {  	[dreg:$0x3] =	wrdreg s5  }
0xb9: {  	[dreg:$0x4] =	wrdreg $0xC0  }
0xba: {  	_ =	task [dreg:s22], $0x5FFFF  }
0xbb: {  	[dreg:$0x1] =	wrdreg $0xFFFFFFFF  }
0xbc: {  	[dreg:$0x0] =	wrdreg $0x60  }
0xbd: {  	[dreg:$0x2] =	wrdreg s24  }
0xbe: {  	[dreg:$0x3] =	wrdreg $0xD  }
0xbf: {  	_ =	task.clear_ibuf [dreg:s22], $0x4FFFF;
	_ =	strace $0x90000049  }
0xc0: {  	s29 =	simm.s32 $0xD;
	_ =	strace $0x8000004B  }
0xc1: {  	_ =	swait.ge [sflag:s29], $0x1  }
0xc2: {  	[sflag:s29] =	ssyncadd.s32 $0xFFFFFFFF  }
0xc3: {  	_ =	strace $0x9000004B  }
0xc4: {  	_ =	sfence  }
0xc5: {  	s30 =	sld [smem:$0x0];
	_ =	sdelay $0x2  }
0xc6: {  	s31 =	sshll.u32 s1, $0xD;
	s1 =	sshrl.u32 s1, $0x2  }
0xc7: {  	s4 =	sand.u32 $0x4000, s31;
	s1 =	sadd.s32 s1, s30  }
0xc8: {  	s0 =	sor.u32 s4, s0;
	s1 =	sshll.u32 s1, $0x11  }
0xc9: {  	s0 =	sor.u32 s1, s0  }
0xca: {  	s0 =	sadd.s32 $0x8F2B, s0  }
0xcb: {  	[sflag:s0] =	ssyncadd.remote.s32 $0x1  }
0xcc: {  	_ =	sfence.sel $0xFFFF  }
0xcd: {  	[dreg:$0x0] =	wrdreg $0xFFFFFFFF;
	(pc) =	sbr.abs _section_cstart, $3  }
0xce: {  	[dreg:$0x1] =	wrdreg $0xFFFFFFFF  }
0xcf: {  	_ =	task.clear_ibuf [dreg:s22], $0x2FFFF;
	_ =	strace $0x9FFFFFFF  }
0xd0: {  	(tm) =	ssettm $0x7FFFFFFF  }
0xd1: {  	_ =	shalt  }
tec
execute0_lowered:
.L_overlay_start_1:
0x0: {  	(tag) =	ssettag $0x1  }
0x1: {  	s1 =	srdreg.scid  }
0x2: {  	s0 =	stileid.u32;
	s4 =	rddreg [dreg:$0x0]  }
0x3: {  	s19 =	simm.s32 $0x900;
	s20 =	simm.s32 $0x1100;
	s21 =	simm.s32 $0x1900  }
0x4: {  	s23 =	simm.s32 $0x2100;
	s24 =	simm.s32 $0x2900;
	s25 =	simm.s32 $0x3100  }
0x5: {  	s26 =	simm.s32 $0x3900;
	s6 =	simm.s32 $0x100;
	s8 =	simm.s32 $0x4900  }
0x6: {  	s9 =	simm.s32 $0x5100;
	s10 =	simm.s32 $0x5900;
	s11 =	simm.s32 $0x6100  }
0x7: {  	s12 =	simm.s32 $0x6900;
	s13 =	simm.s32 $0x7100;
	s1 =	sand.u32 $0x1, s1  }
0x8: {  	s14 =	simm.s32 $0x7900;
	s2 =	sshll.u32 s0, $0x9;
	s3 =	sshll.u32 s1, $0x8  }
0x9: {  	s15 =	simm.s32 $0x8100;
	s3 =	sor.u32 s3, s2;
	s2 =	simm.s32 $0x0  }
0xa: {  	s16 =	simm.s32 $0x8900;
	s17 =	simm.s32 $0x9100;
	[smem:$0x7FF] =	sst s2  }
0xb: {  	s18 =	simm.s32 $0x9900;
	_ =	strace $0x8000004A;
	[dreg:$0x4] =	wrdreg s19  }
0xc: {  	s28 =	simm.s32 $0xE100;
	s29 =	simm.s32 $0xE900;
	[dreg:$0x5] =	wrdreg s20  }
0xd: {  	s30 =	simm.s32 $0xF100;
	s1 =	ssub.s32 $0x2, s1;
	[dreg:$0x6] =	wrdreg s21  }
0xe: {  	s31 =	simm.s32 $0xF900;
	s22 =	sshrl.u32 s1, $0x1;
	[dreg:$0x7] =	wrdreg s23  }
0xf: {  	s5 =	sshrl.u32 s3, $0x3;
	s3 =	sshll.u32 s3, $0x5;
	[dreg:$0x8] =	wrdreg s24  }
0x10: {  	s1 =	ssub.s32 s1, s22;
	s22 =	simm.s32 $0xB900;
	[dreg:$0x9] =	wrdreg s25  }
0x11: {  	s5 =	sadd.s32 s5, s4;
	s3 =	sadd.s32 s3, s4;
	[dreg:$0xa] =	wrdreg s26  }
0x12: {  	s19 =	simm.s32 $0xA100;
	s20 =	simm.s32 $0xA900;
	s21 =	simm.s32 $0xB100  }
0x13: {  	s23 =	simm.s32 $0xC100;
	s24 =	simm.s32 $0xC900;
	s5 =	sadd.s32 $0x4DA00, s5  }
0x14: {  	v2 =	vlaneseq.u32;
	s25 =	simm.s32 $0xD100;
	s3 =	sadd.s32 $0x4DE00, s3;
	[dreg:$0x2] =	wrdreg s5  }
0x15: {  	vm0 =	vmmov $0xffff;
	v1 =	vshrl.u32 v2, $0x3;
	s26 =	simm.s32 $0xD900;
	[dreg:$0x3] =	wrdreg s3;
	s3 =	sadd.s32 $0x49A00, s4  }
0x16: {  	v0 =	vand.u32 $0x7, v2;
	v2 =	vor.u32 $0x8, v2;
	v1 =	vmul.u32 $0x8, v1;
	s4 =	smax.u32 s1, $0x1;
	s5 =	simm.s32 $0x2;
	s1 =	simm.s32 $0x1  }
.LBB2_1:
0x17: {  	s0 =	rddreg [dreg:$0x2]  }
0x18: {  	[tilespmem:s2], [sflag:$0x2] =	stream.linear.gather [hbm4b:s0+s2], $0x100, $0x38;
	[tilespmem:$0x10100] =	vst v63  }
0x19: {  	_ =	swait.ge [sflag:s5], $0x100  }
0x1a: {  	[sflag:s5] =	ssyncset.done $0x0  }
0x1b: {  	[sflag:s5] =	ssyncadd.s32 $0xFFFFFF00  }
0x1c: {  	v3 =	vld [tilespmem:$0x0];
	_ =	sdelay $0x4  }
0x1d: {  	v4 =	vshll.u32 v3, $0x1  }
0x1e: {  	v3 =	vand.u32 $0x7, v3;
	v4 =	vand.u32 $0xFFFFFFF0, v4  }
0x1f: {  	v3 =	vor.u32 v3, v4  }
0x20: {  	v4 =	vperm.xlane v3, v0;
	_ =	sdelay $0x1  }
0x21: {  	v3 =	vperm.xlane v3, v2;
	v4 =	vadd.s32 v1, v4;
	_ =	sdelay $0x1  }
0x22: {  	v3 =	vadd.s32 v1, v3;
	_ =	sdelay $0x2  }
0x23: {  	[tilespmem:s6], [sflag:$0x1] =	stream.indirect_vreg.gather [hbm4b:s3+s2], $0x80, v4, vm0, $0xb8;
	[tilespmem:$0x10100] =	vst v63  }
0x24: {  	s7 =	rddreg [dreg:$0x4]  }
0x25: {  	[tilespmem:s7], [sflag:$0x1] =	stream.indirect_vreg.gather [hbm4b:s3+s2], $0x80, v3, vm0, $0xb8;
	[tilespmem:$0x10100] =	vst v63  }
0x26: {  	v3 =	vld [tilespmem:$0x10];
	_ =	sdelay $0x4  }
0x27: {  	v49 =	vshll.u32 v3, $0x1  }
0x28: {  	v3 =	vand.u32 $0x7, v3;
	v4 =	vand.u32 $0xFFFFFFF0, v49  }
0x29: {  	v3 =	vor.u32 v3, v4  }
0x2a: {  	v4 =	vperm.xlane v3, v0;
	_ =	sdelay $0x1  }
0x2b: {  	v3 =	vperm.xlane v3, v2;
	v4 =	vadd.s32 v1, v4;
	_ =	sdelay $0x1  }
0x2c: {  	v3 =	vadd.s32 v1, v3;
	_ =	sdelay $0x1  }
0x2d: {  	s0 =	rddreg [dreg:$0x5]  }
0x2e: {  	[tilespmem:s0], [sflag:$0x1] =	stream.indirect_vreg.gather [hbm4b:s3+s2], $0x80, v4, vm0, $0xb8;
	[tilespmem:$0x10100] =	vst v63  }
0x2f: {  	s7 =	rddreg [dreg:$0x6]  }
0x30: {  	[tilespmem:s7], [sflag:$0x1] =	stream.indirect_vreg.gather [hbm4b:s3+s2], $0x80, v3, vm0, $0xb8;
	[tilespmem:$0x10100] =	vst v63  }
0x31: {  	v3 =	vld [tilespmem:$0x20];
	_ =	sdelay $0x4  }
0x32: {  	v50 =	vshll.u32 v3, $0x1  }
0x33: {  	v3 =	vand.u32 $0x7, v3;
	v4 =	vand.u32 $0xFFFFFFF0, v50  }
0x34: {  	v3 =	vor.u32 v3, v4  }
0x35: {  	v4 =	vperm.xlane v3, v0;
	_ =	sdelay $0x1  }
0x36: {  	v3 =	vperm.xlane v3, v2;
	v4 =	vadd.s32 v1, v4;
	_ =	sdelay $0x1  }
0x37: {  	v3 =	vadd.s32 v1, v3;
	_ =	sdelay $0x1  }
0x38: {  	s0 =	rddreg [dreg:$0x7]  }
0x39: {  	[tilespmem:s0], [sflag:$0x1] =	stream.indirect_vreg.gather [hbm4b:s3+s2], $0x80, v4, vm0, $0xb8;
	[tilespmem:$0x10100] =	vst v63  }
0x3a: {  	s7 =	rddreg [dreg:$0x8]  }
0x3b: {  	[tilespmem:s7], [sflag:$0x1] =	stream.indirect_vreg.gather [hbm4b:s3+s2], $0x80, v3, vm0, $0xb8;
	[tilespmem:$0x10100] =	vst v63  }
0x3c: {  	v3 =	vld [tilespmem:$0x30];
	_ =	sdelay $0x4  }
0x3d: {  	v51 =	vshll.u32 v3, $0x1  }
0x3e: {  	v3 =	vand.u32 $0x7, v3;
	v4 =	vand.u32 $0xFFFFFFF0, v51  }
0x3f: {  	v3 =	vor.u32 v3, v4  }
0x40: {  	v4 =	vperm.xlane v3, v0;
	_ =	sdelay $0x1  }
0x41: {  	v3 =	vperm.xlane v3, v2;
	v4 =	vadd.s32 v1, v4;
	_ =	sdelay $0x1  }
0x42: {  	v3 =	vadd.s32 v1, v3;
	_ =	sdelay $0x1  }
0x43: {  	s0 =	rddreg [dreg:$0x9]  }
0x44: {  	[tilespmem:s0], [sflag:$0x1] =	stream.indirect_vreg.gather [hbm4b:s3+s2], $0x80, v4, vm0, $0xb8;
	[tilespmem:$0x10100] =	vst v63  }
0x45: {  	s7 =	rddreg [dreg:$0xa]  }
0x46: {  	[tilespmem:s7], [sflag:$0x1] =	stream.indirect_vreg.gather [hbm4b:s3+s2], $0x80, v3, vm0, $0xb8;
	[tilespmem:$0x10100] =	vst v63  }
0x47: {  	v3 =	vld [tilespmem:$0x40];
	_ =	sdelay $0x4  }
0x48: {  	v52 =	vshll.u32 v3, $0x1  }
0x49: {  	v3 =	vand.u32 $0x7, v3;
	v4 =	vand.u32 $0xFFFFFFF0, v52  }
0x4a: {  	v3 =	vor.u32 v3, v4  }
0x4b: {  	v4 =	vperm.xlane v3, v0;
	_ =	sdelay $0x1  }
0x4c: {  	v3 =	vperm.xlane v3, v2;
	v4 =	vadd.s32 v1, v4;
	_ =	sdelay $0x1  }
0x4d: {  	v3 =	vadd.s32 v1, v3;
	_ =	sdelay $0x1  }
0x4e: {  	s7 =	simm.s32 $0x4100  }
0x4f: {  	[tilespmem:s7], [sflag:$0x1] =	stream.indirect_vreg.gather [hbm4b:s3+s2], $0x80, v4, vm0, $0xb8;
	[tilespmem:$0x10100] =	vst v63  }
0x50: {  	_ = 	snop  }
0x51: {  	[tilespmem:s8], [sflag:$0x1] =	stream.indirect_vreg.gather [hbm4b:s3+s2], $0x80, v3, vm0, $0xb8;
	[tilespmem:$0x10100] =	vst v63  }
0x52: {  	v3 =	vld [tilespmem:$0x50];
	_ =	sdelay $0x4  }
0x53: {  	v53 =	vshll.u32 v3, $0x1  }
0x54: {  	v3 =	vand.u32 $0x7, v3;
	v4 =	vand.u32 $0xFFFFFFF0, v53  }
0x55: {  	v3 =	vor.u32 v3, v4  }
0x56: {  	v4 =	vperm.xlane v3, v0;
	_ =	sdelay $0x1  }
0x57: {  	v3 =	vperm.xlane v3, v2;
	v4 =	vadd.s32 v1, v4;
	_ =	sdelay $0x1  }
0x58: {  	v3 =	vadd.s32 v1, v3;
	_ =	sdelay $0x2  }
0x59: {  	[tilespmem:s9], [sflag:$0x1] =	stream.indirect_vreg.gather [hbm4b:s3+s2], $0x80, v4, vm0, $0xb8;
	[tilespmem:$0x10100] =	vst v63  }
0x5a: {  	_ = 	snop  }
0x5b: {  	[tilespmem:s10], [sflag:$0x1] =	stream.indirect_vreg.gather [hbm4b:s3+s2], $0x80, v3, vm0, $0xb8;
	[tilespmem:$0x10100] =	vst v63  }
0x5c: {  	v3 =	vld [tilespmem:$0x60];
	_ =	sdelay $0x4  }
0x5d: {  	v54 =	vshll.u32 v3, $0x1  }
0x5e: {  	v3 =	vand.u32 $0x7, v3;
	v4 =	vand.u32 $0xFFFFFFF0, v54  }
0x5f: {  	v3 =	vor.u32 v3, v4  }
0x60: {  	v4 =	vperm.xlane v3, v0;
	_ =	sdelay $0x1  }
0x61: {  	v3 =	vperm.xlane v3, v2;
	v4 =	vadd.s32 v1, v4;
	_ =	sdelay $0x1  }
0x62: {  	v3 =	vadd.s32 v1, v3;
	_ =	sdelay $0x2  }
0x63: {  	[tilespmem:s11], [sflag:$0x1] =	stream.indirect_vreg.gather [hbm4b:s3+s2], $0x80, v4, vm0, $0xb8;
	[tilespmem:$0x10100] =	vst v63  }
0x64: {  	_ = 	snop  }
0x65: {  	[tilespmem:s12], [sflag:$0x1] =	stream.indirect_vreg.gather [hbm4b:s3+s2], $0x80, v3, vm0, $0xb8;
	[tilespmem:$0x10100] =	vst v63  }
0x66: {  	v3 =	vld [tilespmem:$0x70];
	_ =	sdelay $0x4  }
0x67: {  	v55 =	vshll.u32 v3, $0x1  }
0x68: {  	v3 =	vand.u32 $0x7, v3;
	v4 =	vand.u32 $0xFFFFFFF0, v55  }
0x69: {  	v3 =	vor.u32 v3, v4  }
0x6a: {  	v4 =	vperm.xlane v3, v0;
	_ =	sdelay $0x1  }
0x6b: {  	v3 =	vperm.xlane v3, v2;
	v4 =	vadd.s32 v1, v4;
	_ =	sdelay $0x1  }
0x6c: {  	v3 =	vadd.s32 v1, v3;
	_ =	sdelay $0x2  }
0x6d: {  	[tilespmem:s13], [sflag:$0x1] =	stream.indirect_vreg.gather [hbm4b:s3+s2], $0x80, v4, vm0, $0xb8;
	[tilespmem:$0x10100] =	vst v63  }
0x6e: {  	_ = 	snop  }
0x6f: {  	[tilespmem:s14], [sflag:$0x1] =	stream.indirect_vreg.gather [hbm4b:s3+s2], $0x80, v3, vm0, $0xb8;
	[tilespmem:$0x10100] =	vst v63  }
0x70: {  	v3 =	vld [tilespmem:$0x80];
	_ =	sdelay $0x4  }
0x71: {  	v56 =	vshll.u32 v3, $0x1  }
0x72: {  	v3 =	vand.u32 $0x7, v3;
	v4 =	vand.u32 $0xFFFFFFF0, v56  }
0x73: {  	v3 =	vor.u32 v3, v4  }
0x74: {  	v4 =	vperm.xlane v3, v0;
	_ =	sdelay $0x1  }
0x75: {  	v3 =	vperm.xlane v3, v2;
	v4 =	vadd.s32 v1, v4;
	_ =	sdelay $0x1  }
0x76: {  	v3 =	vadd.s32 v1, v3;
	_ =	sdelay $0x2  }
0x77: {  	[tilespmem:s15], [sflag:$0x1] =	stream.indirect_vreg.gather [hbm4b:s3+s2], $0x80, v4, vm0, $0xb8;
	[tilespmem:$0x10100] =	vst v63  }
0x78: {  	_ = 	snop  }
0x79: {  	[tilespmem:s16], [sflag:$0x1] =	stream.indirect_vreg.gather [hbm4b:s3+s2], $0x80, v3, vm0, $0xb8;
	[tilespmem:$0x10100] =	vst v63  }
0x7a: {  	v3 =	vld [tilespmem:$0x90];
	_ =	sdelay $0x4  }
0x7b: {  	v57 =	vshll.u32 v3, $0x1  }
0x7c: {  	v3 =	vand.u32 $0x7, v3;
	v4 =	vand.u32 $0xFFFFFFF0, v57  }
0x7d: {  	v3 =	vor.u32 v3, v4  }
0x7e: {  	v4 =	vperm.xlane v3, v0;
	_ =	sdelay $0x1  }
0x7f: {  	v3 =	vperm.xlane v3, v2;
	v4 =	vadd.s32 v1, v4;
	_ =	sdelay $0x1  }
0x80: {  	v3 =	vadd.s32 v1, v3;
	_ =	sdelay $0x2  }
0x81: {  	[tilespmem:s17], [sflag:$0x1] =	stream.indirect_vreg.gather [hbm4b:s3+s2], $0x80, v4, vm0, $0xb8;
	[tilespmem:$0x10100] =	vst v63  }
0x82: {  	_ = 	snop  }
0x83: {  	[tilespmem:s18], [sflag:$0x1] =	stream.indirect_vreg.gather [hbm4b:s3+s2], $0x80, v3, vm0, $0xb8;
	[tilespmem:$0x10100] =	vst v63  }
0x84: {  	v3 =	vld [tilespmem:$0xA0];
	_ =	sdelay $0x4  }
0x85: {  	v58 =	vshll.u32 v3, $0x1  }
0x86: {  	v3 =	vand.u32 $0x7, v3;
	v4 =	vand.u32 $0xFFFFFFF0, v58  }
0x87: {  	v3 =	vor.u32 v3, v4  }
0x88: {  	v4 =	vperm.xlane v3, v0;
	_ =	sdelay $0x1  }
0x89: {  	v3 =	vperm.xlane v3, v2;
	v4 =	vadd.s32 v1, v4;
	_ =	sdelay $0x1  }
0x8a: {  	v3 =	vadd.s32 v1, v3;
	_ =	sdelay $0x2  }
0x8b: {  	[tilespmem:s19], [sflag:$0x1] =	stream.indirect_vreg.gather [hbm4b:s3+s2], $0x80, v4, vm0, $0xb8;
	[tilespmem:$0x10100] =	vst v63  }
0x8c: {  	_ = 	snop  }
0x8d: {  	[tilespmem:s20], [sflag:$0x1] =	stream.indirect_vreg.gather [hbm4b:s3+s2], $0x80, v3, vm0, $0xb8;
	[tilespmem:$0x10100] =	vst v63  }
0x8e: {  	v3 =	vld [tilespmem:$0xB0];
	_ =	sdelay $0x4  }
0x8f: {  	v59 =	vshll.u32 v3, $0x1  }
0x90: {  	v3 =	vand.u32 $0x7, v3;
	v4 =	vand.u32 $0xFFFFFFF0, v59  }
0x91: {  	v3 =	vor.u32 v3, v4  }
0x92: {  	v4 =	vperm.xlane v3, v0;
	_ =	sdelay $0x1  }
0x93: {  	v3 =	vperm.xlane v3, v2;
	v4 =	vadd.s32 v1, v4;
	_ =	sdelay $0x1  }
0x94: {  	v3 =	vadd.s32 v1, v3;
	_ =	sdelay $0x2  }
0x95: {  	[tilespmem:s21], [sflag:$0x1] =	stream.indirect_vreg.gather [hbm4b:s3+s2], $0x80, v4, vm0, $0xb8;
	[tilespmem:$0x10100] =	vst v63  }
0x96: {  	_ = 	snop  }
0x97: {  	[tilespmem:s22], [sflag:$0x1] =	stream.indirect_vreg.gather [hbm4b:s3+s2], $0x80, v3, vm0, $0xb8;
	[tilespmem:$0x10100] =	vst v63  }
0x98: {  	v3 =	vld [tilespmem:$0xC0];
	_ =	sdelay $0x4  }
0x99: {  	v60 =	vshll.u32 v3, $0x1  }
0x9a: {  	v3 =	vand.u32 $0x7, v3;
	v4 =	vand.u32 $0xFFFFFFF0, v60  }
0x9b: {  	v3 =	vor.u32 v3, v4  }
0x9c: {  	v4 =	vperm.xlane v3, v0;
	_ =	sdelay $0x1  }
0x9d: {  	v3 =	vperm.xlane v3, v2;
	v4 =	vadd.s32 v1, v4;
	_ =	sdelay $0x1  }
0x9e: {  	v3 =	vadd.s32 v1, v3;
	_ =	sdelay $0x2  }
0x9f: {  	[tilespmem:s23], [sflag:$0x1] =	stream.indirect_vreg.gather [hbm4b:s3+s2], $0x80, v4, vm0, $0xb8;
	[tilespmem:$0x10100] =	vst v63  }
0xa0: {  	_ = 	snop  }
0xa1: {  	[tilespmem:s24], [sflag:$0x1] =	stream.indirect_vreg.gather [hbm4b:s3+s2], $0x80, v3, vm0, $0xb8;
	[tilespmem:$0x10100] =	vst v63  }
0xa2: {  	v3 =	vld [tilespmem:$0xD0];
	_ =	sdelay $0x4  }
0xa3: {  	v61 =	vshll.u32 v3, $0x1  }
0xa4: {  	v3 =	vand.u32 $0x7, v3;
	v4 =	vand.u32 $0xFFFFFFF0, v61  }
0xa5: {  	v3 =	vor.u32 v3, v4  }
0xa6: {  	v4 =	vperm.xlane v3, v0;
	_ =	sdelay $0x1  }
0xa7: {  	v3 =	vperm.xlane v3, v2;
	v4 =	vadd.s32 v1, v4;
	_ =	sdelay $0x1  }
0xa8: {  	v3 =	vadd.s32 v1, v3;
	_ =	sdelay $0x2  }
0xa9: {  	[tilespmem:s25], [sflag:$0x1] =	stream.indirect_vreg.gather [hbm4b:s3+s2], $0x80, v4, vm0, $0xb8;
	[tilespmem:$0x10100] =	vst v63  }
0xaa: {  	_ = 	snop  }
0xab: {  	[tilespmem:s26], [sflag:$0x1] =	stream.indirect_vreg.gather [hbm4b:s3+s2], $0x80, v3, vm0, $0xb8;
	[tilespmem:$0x10100] =	vst v63  }
0xac: {  	v3 =	vld [tilespmem:$0xE0];
	_ =	sdelay $0x4  }
0xad: {  	v62 =	vshll.u32 v3, $0x1  }
0xae: {  	v3 =	vand.u32 $0x7, v3;
	v4 =	vand.u32 $0xFFFFFFF0, v62  }
0xaf: {  	v3 =	vor.u32 v3, v4  }
0xb0: {  	v4 =	vperm.xlane v3, v0;
	_ =	sdelay $0x1  }
0xb1: {  	v3 =	vperm.xlane v3, v2;
	v4 =	vadd.s32 v1, v4;
	_ =	sdelay $0x1  }
0xb2: {  	v3 =	vadd.s32 v1, v3;
	_ =	sdelay $0x2  }
0xb3: {  	[tilespmem:s28], [sflag:$0x1] =	stream.indirect_vreg.gather [hbm4b:s3+s2], $0x80, v4, vm0, $0xb8;
	[tilespmem:$0x10100] =	vst v63  }
0xb4: {  	_ = 	snop  }
0xb5: {  	[tilespmem:s29], [sflag:$0x1] =	stream.indirect_vreg.gather [hbm4b:s3+s2], $0x80, v3, vm0, $0xb8;
	[tilespmem:$0x10100] =	vst v63  }
0xb6: {  	v3 =	vld [tilespmem:$0xF0];
	_ =	sdelay $0x4  }
0xb7: {  	v63 =	vshll.u32 v3, $0x1  }
0xb8: {  	v3 =	vand.u32 $0x7, v3;
	v4 =	vand.u32 $0xFFFFFFF0, v63  }
0xb9: {  	v3 =	vor.u32 v3, v4  }
0xba: {  	v4 =	vperm.xlane v3, v0;
	_ =	sdelay $0x1  }
0xbb: {  	v3 =	vperm.xlane v3, v2;
	v4 =	vadd.s32 v1, v4;
	_ =	sdelay $0x1  }
0xbc: {  	v3 =	vadd.s32 v1, v3;
	_ =	sdelay $0x2  }
0xbd: {  	[tilespmem:s30], [sflag:$0x1] =	stream.indirect_vreg.gather [hbm4b:s3+s2], $0x80, v4, vm0, $0xb8;
	[tilespmem:$0x10100] =	vst v63  }
0xbe: {  	_ = 	snop  }
0xbf: {  	[tilespmem:s31], [sflag:$0x1] =	stream.indirect_vreg.gather [hbm4b:s3+s2], $0x80, v3, vm0, $0xb8;
	[tilespmem:$0x10100] =	vst v63  }
0xc0: {  	_ =	swait.ge [sflag:s1], $0x10000  }
0xc1: {  	p0 =	sne.s32 s4, $0x1;
	[sflag:s1] =	ssyncset.done $0x0  }
.Ltmp0:
0xc2: {  	s7 =	rddreg [dreg:$0x3];
	[sflag:s1] =	ssyncadd.s32 $0xFFFF0000;
	(pc) =	sbr.rel @p0 .LBB2_1-.Ltmp0, $4  }
0xc3: {  	[hbm4b:s7+s2] =	stream.linear.scatter [tilespmem:s6], [sflag:$0x2], $0x10000, $0x38;
	[tilespmem:$0x10100] =	vst v63  }
0xc4: {  	_ =	swait.ge [sflag:s5], $0x10000  }
0xc5: {  	[sflag:s5] =	ssyncset.done $0x0  }
0xc6: {  	s4 =	sadd.s32 $0xFFFFFFFF, s4;
	[sflag:s5] =	ssyncadd.s32 $0xFFFF0000  }
0xc7: {  	_ =	sfence.sel $0x180000  }
0xc8: {  	[bflag:$0x0] =	sbarrier.arrive $0xFFFF  }
0xc9: {  	_ =	strace $0x9000004A  }
0xca: {  	s0 =	stileid.u32;
	[bflag:$0x2] =	sbarrier.arrive $0xFFFF  }
0xcb: {  	p0 =	sne.s32 s0, $0x0;
	s0 =	rddreg [dreg:$0x1]  }
0xcc: {  	s0 =	sadd.s32 @!p0 $0x100000, s0  }
0xcd: {  	[sflag:s0] =	ssyncadd.tile.s32 @!p0 $0x1;
	_ =	shalt  }
.Lfunc_end2:
_tile_overlayer_lowered:
.L_overlay_start_2:
0xce: {  	(tag) =	ssettag $0x2  }
0xcf: {  	s0 =	rddreg [dreg:$0x0];
	s2 =	stileid.u32  }
0xd0: {  	s1 =	rddreg [dreg:$0x1];
	p0 =	sne.s32 s2, $0x0  }
0xd1: {  	s3 =	rddreg [dreg:$0x2];
	[bflag:$0x3] =	sbarrier.arrive $0xFFFF;
	s2 =	simm.s32 @!p0 $0x1C02  }
0xd2: {  	[timem:s3], [sflag:s2] =	dma.local @!p0 [hbm:s0], s1  }
0xd3: {  	s0 =	simm.s32 @!p0 $0x2  }
0xd4: {  	_ =	swait.ge @!p0 [sflag:s0], s1  }
0xd5: {  	s1 =	ssub.s32 @!p0 $0x0, s1;
	[sflag:s0] =	ssyncset.done @!p0 $0x0  }
0xd6: {  	[sflag:s0] =	ssyncadd.s32 @!p0 s1  }
0xd7: {  	[bflag:$0x3] =	sbarrier.arrive $0xFFFF  }
0xd8: {  	_ =	shalt  }

// kernel: kernel.29.cloned.1.call-start
scs
__scs_entry_jumppad:
0x0: {  	(pc) =	sbr.rel $0x88, $3  }
0x1: {  	(tag) =	ssettag $0x0;
	lr =	simm.s32 $0x1  }
0x2: {  	[smem:$0x3F99] =	sst lr;
	_ =	strace $0xD0000000  }
0x3: {  	_ = 	snop  }
0x4: {  	_ = 	snop  }
0x5: {  	_ = 	snop  }
0x6: {  	_ = 	snop  }
0x7: {  	_ = 	snop  }
__scs_overlays_trampoline_lowered:
0x8: {  	[smem:$0x3FA8] =	sst s0  }
0x9: {  	[smem:$0x3FA9] =	sst s1  }
0xa: {  	[smem:$0x3FAA] =	sst s2  }
0xb: {  	[smem:$0x3FAB] =	sst s3  }
0xc: {  	[smem:$0x3FAC] =	sst s4  }
0xd: {  	[smem:$0x3FAD] =	sst s5  }
0xe: {  	[smem:$0x3FAE] =	sst s6  }
0xf: {  	[smem:$0x3FAF] =	sst s7  }
0x10: {  	[smem:$0x3FB0] =	sst s8  }
0x11: {  	[smem:$0x3FB1] =	sst s9;
	s0 =	simm.s32 @!p0 $0x0  }
0x12: {  	s1 =	sld [smem:$0x3F97];
	s0 =	simm.s32 @p0 $0x1  }
0x13: {  	[smem:$0x3FB2] =	sst s0;
	s0 =	simm.s32 @!p1 $0x0  }
0x14: {  	s2 =	sld [smem:$0x3F96];
	s0 =	simm.s32 @p1 $0x1  }
0x15: {  	[smem:$0x3FB3] =	sst s0;
	s0 =	simm.s32 @!p2 $0x0  }
0x16: {  	s3 =	sld [smem:$0x3FDB];
	s0 =	simm.s32 @p2 $0x1  }
0x17: {  	s4 =	simm.s32 $0x1BF5;
	[smem:$0x3FB5] =	sst s0  }
0x18: {  	s0 =	sld [smem:$0x3F98];
	_ =	swait.ge [sflag:s4], $0x0  }
0x19: {  	s7 =	sld [smem:$0x3F99]  }
0x1a: {  	s8 =	sadd.s32 $0xFFFFE003, lr  }
0x1b: {  	s9 =	sadd.s32 $0xFFFFFEF7, lr;
	s5 =	simm.s32 $0xFFFFFFFF;
	p2 =	slt.u32 s8, $0xFFFFF086  }
0x1c: {  	p1 =	slt.u32 s9, $0xF7A;
	s5 =	simm.s32 @!p2 $0x0  }
0x1d: {  	s5 =	simm.s32 @p1 $0x1;
	p0 =	seq.s32 s7, s2  }
0x1e: {  	s7 =	smul.u32 @!p0 $0xF7A, s2;
	p2 =	seq.s32 @!p0 s5, $0x0  }
0x1f: {  	s9 =	smul.u32 $0xF7A, s1;
	s8 =	simm.s32 @!p0 $0x1BF5;
	p2 =	por !p2, p0  }
0x20: {  	[sflag:s8] =	ssyncset.s32 @!p0 $0xFFFFF086;
	s6 =	sadd.s32 @!p0 s3, s7;
	s7 =	simm.s32 @!p0 $0x108  }
0x21: {  	s3 =	sadd.s32 s3, s9;
	s6 =	sadd.s32 @!p0 $0x88, s6;
	s7 =	simm.s32 @p2 $0x1082  }
0x22: {  	[simem:s7], [sflag:s8] =	dma.local @!p0 [hbm:s6], $0xF7A  }
0x23: {  	s9 =	sor.u32 $0xD0000000, s2;
	s6 =	simm.s32 $0x108;
	_ =	swait.ge @!p0 [sflag:s8], $0x0  }
0x24: {  	s3 =	sadd.s32 $0x88, s3;
	s6 =	simm.s32 @!p1 $0x1082;
	[sflag:s4] =	ssyncset.s32 $0xFFFFF086  }
0x25: {  	[simem:s6], [sflag:s4] =	dma.local [hbm:s3], $0xF7A  }
0x26: {  	[smem:$0x3F99] =	sst s1;
	(tag) =	ssettag s2;
	_ =	strace s9  }
0x27: {  	s1 =	sld [smem:$0x3FA9]  }
0x28: {  	s2 =	sld [smem:$0x3FAA]  }
0x29: {  	s4 =	sld [smem:$0x3FAC]  }
0x2a: {  	p0 =	seq.s32 s5, $0x0;
	s5 =	sld [smem:$0x3FAD]  }
0x2b: {  	s6 =	sld [smem:$0x3FAE]  }
0x2c: {  	s7 =	sld [smem:$0x3FAF]  }
0x2d: {  	s3 =	simm.s32 $0x108;
	s8 =	sld [smem:$0x3FB0]  }
0x2e: {  	s3 =	simm.s32 @!p0 $0x1082;
	s9 =	sld [smem:$0x3FB1]  }
0x2f: {  	lr =	sadd.s32 s0, s3;
	s0 =	sld [smem:$0x3FA8]  }
0x30: {  	s3 =	sld [smem:$0x3FAB]  }
0x31: {  	[smem:$0x3FB4] =	sst s10  }
0x32: {  	s10 =	sld [smem:$0x3FB2];
	_ =	sdelay $0x3  }
0x33: {  	p0 =	seq.s32 s10, $0x1;
	s10 =	sld [smem:$0x3FB4];
	_ =	sdelay $0x3  }
0x34: {  	[smem:$0x3FB4] =	sst s10  }
0x35: {  	s10 =	sld [smem:$0x3FB3];
	_ =	sdelay $0x3  }
0x36: {  	p1 =	seq.s32 s10, $0x1;
	s10 =	sld [smem:$0x3FB4];
	_ =	sdelay $0x3  }
0x37: {  	[smem:$0x3FB4] =	sst s10  }
0x38: {  	s10 =	sld [smem:$0x3FB5]  }
0x39: {  	_ = 	snop;
	(pc) =	sbr.ind lr, $3  }
0x3a: {  	_ = 	snop  }
0x3b: {  	_ = 	snop  }
0x3c: {  	p2 =	seq.s32 s10, $0x1;
	s10 =	sld [smem:$0x3FB4]  }
0x3d: {  	_ =	shalt  }
0x3e: {  	_ =	shalt  }
0x3f: {  	_ =	shalt  }
0x40: {  	_ =	shalt  }
0x41: {  	_ =	shalt  }
0x42: {  	_ =	shalt  }
0x43: {  	_ =	shalt  }
0x44: {  	_ =	shalt  }
0x45: {  	_ =	shalt  }
0x46: {  	_ =	shalt  }
0x47: {  	_ =	shalt  }
0x48: {  	_ =	shalt  }
0x49: {  	_ =	shalt  }
0x4a: {  	_ =	shalt  }
0x4b: {  	_ =	shalt  }
0x4c: {  	_ =	shalt  }
0x4d: {  	_ =	shalt  }
0x4e: {  	_ =	shalt  }
0x4f: {  	_ =	shalt  }
0x50: {  	_ =	shalt  }
0x51: {  	_ =	shalt  }
0x52: {  	_ =	shalt  }
0x53: {  	_ =	shalt  }
0x54: {  	_ =	shalt  }
0x55: {  	_ =	shalt  }
0x56: {  	_ =	shalt  }
0x57: {  	_ =	shalt  }
0x58: {  	_ =	shalt  }
0x59: {  	_ =	shalt  }
0x5a: {  	_ =	shalt  }
0x5b: {  	_ =	shalt  }
0x5c: {  	_ =	shalt  }
0x5d: {  	_ =	shalt  }
0x5e: {  	_ =	shalt  }
0x5f: {  	_ =	shalt  }
0x60: {  	_ =	shalt  }
0x61: {  	_ =	shalt  }
0x62: {  	_ =	shalt  }
0x63: {  	_ =	shalt  }
0x64: {  	_ =	shalt  }
0x65: {  	_ =	shalt  }
0x66: {  	_ =	shalt  }
0x67: {  	_ =	shalt  }
0x68: {  	_ =	shalt  }
0x69: {  	_ =	shalt  }
0x6a: {  	_ =	shalt  }
0x6b: {  	_ =	shalt  }
0x6c: {  	_ =	shalt  }
0x6d: {  	_ =	shalt  }
0x6e: {  	_ =	shalt  }
0x6f: {  	_ =	shalt  }
0x70: {  	_ =	shalt  }
0x71: {  	_ =	shalt  }
0x72: {  	_ =	shalt  }
0x73: {  	_ =	shalt  }
0x74: {  	_ =	shalt  }
0x75: {  	_ =	shalt  }
0x76: {  	_ =	shalt  }
0x77: {  	_ =	shalt  }
0x78: {  	_ =	shalt  }
0x79: {  	_ =	shalt  }
0x7a: {  	_ =	shalt  }
0x7b: {  	_ =	shalt  }
0x7c: {  	_ =	shalt  }
0x7d: {  	_ =	shalt  }
0x7e: {  	_ =	shalt  }
0x7f: {  	_ =	shalt  }
0x80: {  	_ =	shalt  }
0x81: {  	_ =	shalt  }
0x82: {  	_ =	shalt  }
0x83: {  	_ =	shalt  }
0x84: {  	_ =	shalt  }
0x85: {  	_ =	shalt  }
0x86: {  	_ =	shalt  }
0x87: {  	_ =	shalt  }
.Lfunc_end0:
.L_simem_size_0:
called_computation.5_lowered:
.L_overlay_start_0:
0x88: {  	s2 =	sld [smem:$0x3FD9]  }
0x89: {  	s3 =	sld [smem:$0x3FFE];
	_ =	sdelay $0x1  }
0x8a: {  	s1 =	srdreg.scid  }
0x8b: {  	s0 =	sand.u32 $0x1, s1  }
0x8c: {  	s17 =	sshll.u32 s0, $0xA;
	s2 =	sadd.s32 s3, s2  }
0x8d: {  	s2 =	sadd.s32 s2, s17  }
0x8e: {  	[smem:$0x3FC0] =	sst s2  }
0x8f: {  	_ = 	snop  }
0x90: {  	(tm) =	ssettm $0x1  }
0x91: {  	s18 =	sld [smem:$0x3FFB];
	_ =	sdelay $0x3  }
0x92: {  	_ =	strace s18  }
0x93: {  	s2 =	sld [smem:$0x3FFC];
	_ =	sdelay $0x3  }
0x94: {  	_ =	strace s2  }
0x95: {  	s2 =	sld [smem:$0x3FFD];
	_ =	sdelay $0x3  }
0x96: {  	_ =	strace s2  }
0x97: {  	_ =	strace $0x8FFFFFFF  }
0x98: {  	s19 =	sld [smem:$0x3FDB];
	_ =	sdelay $0x1  }
0x99: {  	s20 =	simm.s32 $_scs_section_size  }
0x9a: {  	s4 =	simm.s32 $_size__tile_overlayer_lowered;
	s5 =	simm.s32 $_tile_overlayer_lowered  }
0x9b: {  	s6 =	simm.s32 $0x1BFF;
	s21 =	sshll.u32 s5, $0x1;
	s3 =	sadd.s32 s20, s19  }
0x9c: {  	s22 =	simm.s32 $0x0;
	s4 =	sshll.u32 s4, $0x1;
	s5 =	sadd.s32 s21, s3  }
0x9d: {  	[timem:s22], [sflag:s6] =	dma.local [hbm:s5], s4  }
0x9e: {  	_ =	swait.ge [sflag:s6], s4  }
0x9f: {  	s4 =	ssub.s32 $0x0, s4;
	[sflag:s6] =	ssyncset.done $0x0  }
0xa0: {  	[sflag:s6] =	ssyncadd.s32 s4;
	_ =	sdelay $0x1  }
0xa1: {  	s23 =	simm.s32 $0x1B8B  }
0xa2: {  	_ =	swait.ge [sflag:s23], $0x1  }
0xa3: {  	[sflag:s23] =	ssyncset.done $0x0  }
0xa4: {  	[sflag:s23] =	ssyncadd.s32 $0xFFFFFFFF  }
0xa5: {  	s4 =	sld [smem:$0x0]  }
0xa6: {  	s5 =	sand.u32 $0xFFFFFFFE, s1  }
0xa7: {  	p0 =	sne.s32 s1, s5  }
0xa8: {  	s5 =	sshll.u32 @p0 s5, $0xE  }
0xa9: {  	s5 =	sadd.s32 @p0 $0x11B8D, s5;
	s6 =	sshll.u32 @p0 s4, $0x11  }
0xaa: {  	s5 =	sor.u32 @p0 s6, s5  }
0xab: {  	[sflag:s5] =	ssyncadd.remote.s32 @p0 $0x1;
	_ =	sdelay $0x1  }
0xac: {  	s5 =	simm.s32 @p0 $0x1B8D  }
0xad: {  	_ =	swait.eq @p0 [sflag:s5], $0x1  }
0xae: {  	[sflag:s5] =	ssyncadd.s32 @p0 $0xFFFFFFFF  }
0xaf: {  	s6 =	sshll.u32 @!p0 s1, $0xE  }
0xb0: {  	s6 =	sor.u32 @!p0 $0x4000, s6;
	s5 =	simm.s32 @!p0 $0x1B8D  }
0xb1: {  	s4 =	sshll.u32 @!p0 s4, $0x11;
	s6 =	sadd.s32 @!p0 $0x11B8D, s6;
	_ =	swait.eq @!p0 [sflag:s5], $0x1  }
0xb2: {  	s4 =	sor.u32 @!p0 s4, s6;
	[sflag:s5] =	ssyncadd.s32 @!p0 $0xFFFFFFFF  }
0xb3: {  	s25 =	simm.s32 $0x1B8E;
	s24 =	sld [smem:$0x3FFE];
	[sflag:s4] =	ssyncadd.remote.s32 @!p0 $0x1  }
0xb4: {  	s26 =	simm.s32 $execute0_lowered;
	[smem:$0x3FD2] =	sst s25  }
0xb5: {  	s5 =	sshll.u32 s26, $0x1;
	_ =	strace $0x80000055;
	[dreg:$0x1] =	wrdreg $0xFFFFFFFF  }
0xb6: {  	s28 =	simm.s32 $_size_execute0_lowered;
	s3 =	sadd.s32 s3, s5;
	[dreg:$0x0] =	wrdreg $0x0  }
0xb7: {  	s5 =	sshll.u32 s28, $0x1;
	[dreg:$0x2] =	wrdreg s3  }
0xb8: {  	[dreg:$0x3] =	wrdreg s5  }
0xb9: {  	[dreg:$0x4] =	wrdreg $0xC0  }
0xba: {  	_ =	task [dreg:s22], $0x5FFFF  }
0xbb: {  	[dreg:$0x1] =	wrdreg $0xFFFFFFFF  }
0xbc: {  	[dreg:$0x0] =	wrdreg $0x60  }
0xbd: {  	[dreg:$0x2] =	wrdreg s24  }
0xbe: {  	[dreg:$0x3] =	wrdreg $0xE  }
0xbf: {  	_ =	task.clear_ibuf [dreg:s22], $0x4FFFF;
	_ =	strace $0x90000055  }
0xc0: {  	s29 =	simm.s32 $0xE;
	_ =	strace $0x80000057  }
0xc1: {  	_ =	swait.ge [sflag:s29], $0x1  }
0xc2: {  	[sflag:s29] =	ssyncadd.s32 $0xFFFFFFFF  }
0xc3: {  	_ =	strace $0x90000057  }
0xc4: {  	_ =	sfence  }
0xc5: {  	s30 =	sld [smem:$0x0];
	_ =	sdelay $0x2  }
0xc6: {  	s31 =	sshll.u32 s1, $0xD;
	s1 =	sshrl.u32 s1, $0x2  }
0xc7: {  	s4 =	sand.u32 $0x4000, s31;
	s1 =	sadd.s32 s1, s30  }
0xc8: {  	s0 =	sor.u32 s4, s0;
	s1 =	sshll.u32 s1, $0x11  }
0xc9: {  	s0 =	sor.u32 s1, s0  }
0xca: {  	s0 =	sadd.s32 $0x8F2B, s0  }
0xcb: {  	[sflag:s0] =	ssyncadd.remote.s32 $0x1  }
0xcc: {  	_ =	sfence.sel $0xFFFF  }
0xcd: {  	[dreg:$0x0] =	wrdreg $0xFFFFFFFF;
	(pc) =	sbr.abs _section_cstart, $3  }
0xce: {  	[dreg:$0x1] =	wrdreg $0xFFFFFFFF  }
0xcf: {  	_ =	task.clear_ibuf [dreg:s22], $0x2FFFF;
	_ =	strace $0x9FFFFFFF  }
0xd0: {  	(tm) =	ssettm $0x7FFFFFFF  }
0xd1: {  	_ =	shalt  }
tec
execute0_lowered:
.L_overlay_start_1:
0x0: {  	(tag) =	ssettag $0x1  }
0x1: {  	s1 =	srdreg.scid  }
0x2: {  	s0 =	stileid.u32;
	s4 =	rddreg [dreg:$0x0]  }
0x3: {  	s19 =	simm.s32 $0x900;
	s20 =	simm.s32 $0x1100;
	s21 =	simm.s32 $0x1900  }
0x4: {  	s23 =	simm.s32 $0x2100;
	s24 =	simm.s32 $0x2900;
	s25 =	simm.s32 $0x3100  }
0x5: {  	s26 =	simm.s32 $0x3900;
	s6 =	simm.s32 $0x100;
	s8 =	simm.s32 $0x4900  }
0x6: {  	s9 =	simm.s32 $0x5100;
	s10 =	simm.s32 $0x5900;
	s11 =	simm.s32 $0x6100  }
0x7: {  	s12 =	simm.s32 $0x6900;
	s13 =	simm.s32 $0x7100;
	s1 =	sand.u32 $0x1, s1  }
0x8: {  	s14 =	simm.s32 $0x7900;
	s2 =	sshll.u32 s0, $0x9;
	s3 =	sshll.u32 s1, $0x8  }
0x9: {  	s15 =	simm.s32 $0x8100;
	s3 =	sor.u32 s3, s2;
	s2 =	simm.s32 $0x0  }
0xa: {  	s16 =	simm.s32 $0x8900;
	s17 =	simm.s32 $0x9100;
	[smem:$0x7FF] =	sst s2  }
0xb: {  	s18 =	simm.s32 $0x9900;
	_ =	strace $0x80000056;
	[dreg:$0x4] =	wrdreg s19  }
0xc: {  	s28 =	simm.s32 $0xE100;
	s29 =	simm.s32 $0xE900;
	[dreg:$0x5] =	wrdreg s20  }
0xd: {  	s30 =	simm.s32 $0xF100;
	s1 =	ssub.s32 $0x2, s1;
	[dreg:$0x6] =	wrdreg s21  }
0xe: {  	s31 =	simm.s32 $0xF900;
	s22 =	sshrl.u32 s1, $0x1;
	[dreg:$0x7] =	wrdreg s23  }
0xf: {  	s5 =	sshrl.u32 s3, $0x3;
	s3 =	sshll.u32 s3, $0x5;
	[dreg:$0x8] =	wrdreg s24  }
0x10: {  	s1 =	ssub.s32 s1, s22;
	s22 =	simm.s32 $0xB900;
	[dreg:$0x9] =	wrdreg s25  }
0x11: {  	s5 =	sadd.s32 s5, s4;
	s3 =	sadd.s32 s3, s4;
	[dreg:$0xa] =	wrdreg s26  }
0x12: {  	s19 =	simm.s32 $0xA100;
	s20 =	simm.s32 $0xA900;
	s21 =	simm.s32 $0xB100  }
0x13: {  	s23 =	simm.s32 $0xC100;
	s24 =	simm.s32 $0xC900;
	s5 =	sadd.s32 $0xDEE00, s5  }
0x14: {  	v2 =	vlaneseq.u32;
	s25 =	simm.s32 $0xD100;
	s3 =	sadd.s32 $0xDF200, s3;
	[dreg:$0x2] =	wrdreg s5  }
0x15: {  	vm0 =	vmmov $0xffff;
	v1 =	vshrl.u32 v2, $0x3;
	s26 =	simm.s32 $0xD900;
	[dreg:$0x3] =	wrdreg s3;
	s3 =	sadd.s32 $0x1600, s4  }
0x16: {  	v0 =	vand.u32 $0x7, v2;
	v2 =	vor.u32 $0x8, v2;
	v1 =	vmul.u32 $0x8, v1;
	s4 =	smax.u32 s1, $0x1;
	s5 =	simm.s32 $0x2;
	s1 =	simm.s32 $0x1  }
.LBB2_1:
0x17: {  	s0 =	rddreg [dreg:$0x2]  }
0x18: {  	[tilespmem:s2], [sflag:$0x2] =	stream.linear.gather [hbm4b:s0+s2], $0x100, $0x38;
	[tilespmem:$0x10100] =	vst v63  }
0x19: {  	_ =	swait.ge [sflag:s5], $0x100  }
0x1a: {  	[sflag:s5] =	ssyncset.done $0x0  }
0x1b: {  	[sflag:s5] =	ssyncadd.s32 $0xFFFFFF00  }
0x1c: {  	v3 =	vld [tilespmem:$0x0];
	_ =	sdelay $0x4  }
0x1d: {  	v4 =	vshll.u32 v3, $0x1  }
0x1e: {  	v3 =	vand.u32 $0x7, v3;
	v4 =	vand.u32 $0xFFFFFFF0, v4  }
0x1f: {  	v3 =	vor.u32 v3, v4  }
0x20: {  	v4 =	vperm.xlane v3, v0;
	_ =	sdelay $0x1  }
0x21: {  	v3 =	vperm.xlane v3, v2;
	v4 =	vadd.s32 v1, v4;
	_ =	sdelay $0x1  }
0x22: {  	v3 =	vadd.s32 v1, v3;
	_ =	sdelay $0x2  }
0x23: {  	[tilespmem:s6], [sflag:$0x1] =	stream.indirect_vreg.gather [hbm4b:s3+s2], $0x80, v4, vm0, $0xb8;
	[tilespmem:$0x10100] =	vst v63  }
0x24: {  	s7 =	rddreg [dreg:$0x4]  }
0x25: {  	[tilespmem:s7], [sflag:$0x1] =	stream.indirect_vreg.gather [hbm4b:s3+s2], $0x80, v3, vm0, $0xb8;
	[tilespmem:$0x10100] =	vst v63  }
0x26: {  	v3 =	vld [tilespmem:$0x10];
	_ =	sdelay $0x4  }
0x27: {  	v49 =	vshll.u32 v3, $0x1  }
0x28: {  	v3 =	vand.u32 $0x7, v3;
	v4 =	vand.u32 $0xFFFFFFF0, v49  }
0x29: {  	v3 =	vor.u32 v3, v4  }
0x2a: {  	v4 =	vperm.xlane v3, v0;
	_ =	sdelay $0x1  }
0x2b: {  	v3 =	vperm.xlane v3, v2;
	v4 =	vadd.s32 v1, v4;
	_ =	sdelay $0x1  }
0x2c: {  	v3 =	vadd.s32 v1, v3;
	_ =	sdelay $0x1  }
0x2d: {  	s0 =	rddreg [dreg:$0x5]  }
0x2e: {  	[tilespmem:s0], [sflag:$0x1] =	stream.indirect_vreg.gather [hbm4b:s3+s2], $0x80, v4, vm0, $0xb8;
	[tilespmem:$0x10100] =	vst v63  }
0x2f: {  	s7 =	rddreg [dreg:$0x6]  }
0x30: {  	[tilespmem:s7], [sflag:$0x1] =	stream.indirect_vreg.gather [hbm4b:s3+s2], $0x80, v3, vm0, $0xb8;
	[tilespmem:$0x10100] =	vst v63  }
0x31: {  	v3 =	vld [tilespmem:$0x20];
	_ =	sdelay $0x4  }
0x32: {  	v50 =	vshll.u32 v3, $0x1  }
0x33: {  	v3 =	vand.u32 $0x7, v3;
	v4 =	vand.u32 $0xFFFFFFF0, v50  }
0x34: {  	v3 =	vor.u32 v3, v4  }
0x35: {  	v4 =	vperm.xlane v3, v0;
	_ =	sdelay $0x1  }
0x36: {  	v3 =	vperm.xlane v3, v2;
	v4 =	vadd.s32 v1, v4;
	_ =	sdelay $0x1  }
0x37: {  	v3 =	vadd.s32 v1, v3;
	_ =	sdelay $0x1  }
0x38: {  	s0 =	rddreg [dreg:$0x7]  }
0x39: {  	[tilespmem:s0], [sflag:$0x1] =	stream.indirect_vreg.gather [hbm4b:s3+s2], $0x80, v4, vm0, $0xb8;
	[tilespmem:$0x10100] =	vst v63  }
0x3a: {  	s7 =	rddreg [dreg:$0x8]  }
0x3b: {  	[tilespmem:s7], [sflag:$0x1] =	stream.indirect_vreg.gather [hbm4b:s3+s2], $0x80, v3, vm0, $0xb8;
	[tilespmem:$0x10100] =	vst v63  }
0x3c: {  	v3 =	vld [tilespmem:$0x30];
	_ =	sdelay $0x4  }
0x3d: {  	v51 =	vshll.u32 v3, $0x1  }
0x3e: {  	v3 =	vand.u32 $0x7, v3;
	v4 =	vand.u32 $0xFFFFFFF0, v51  }
0x3f: {  	v3 =	vor.u32 v3, v4  }
0x40: {  	v4 =	vperm.xlane v3, v0;
	_ =	sdelay $0x1  }
0x41: {  	v3 =	vperm.xlane v3, v2;
	v4 =	vadd.s32 v1, v4;
	_ =	sdelay $0x1  }
0x42: {  	v3 =	vadd.s32 v1, v3;
	_ =	sdelay $0x1  }
0x43: {  	s0 =	rddreg [dreg:$0x9]  }
0x44: {  	[tilespmem:s0], [sflag:$0x1] =	stream.indirect_vreg.gather [hbm4b:s3+s2], $0x80, v4, vm0, $0xb8;
	[tilespmem:$0x10100] =	vst v63  }
0x45: {  	s7 =	rddreg [dreg:$0xa]  }
0x46: {  	[tilespmem:s7], [sflag:$0x1] =	stream.indirect_vreg.gather [hbm4b:s3+s2], $0x80, v3, vm0, $0xb8;
	[tilespmem:$0x10100] =	vst v63  }
0x47: {  	v3 =	vld [tilespmem:$0x40];
	_ =	sdelay $0x4  }
0x48: {  	v52 =	vshll.u32 v3, $0x1  }
0x49: {  	v3 =	vand.u32 $0x7, v3;
	v4 =	vand.u32 $0xFFFFFFF0, v52  }
0x4a: {  	v3 =	vor.u32 v3, v4  }
0x4b: {  	v4 =	vperm.xlane v3, v0;
	_ =	sdelay $0x1  }
0x4c: {  	v3 =	vperm.xlane v3, v2;
	v4 =	vadd.s32 v1, v4;
	_ =	sdelay $0x1  }
0x4d: {  	v3 =	vadd.s32 v1, v3;
	_ =	sdelay $0x1  }
0x4e: {  	s7 =	simm.s32 $0x4100  }
0x4f: {  	[tilespmem:s7], [sflag:$0x1] =	stream.indirect_vreg.gather [hbm4b:s3+s2], $0x80, v4, vm0, $0xb8;
	[tilespmem:$0x10100] =	vst v63  }
0x50: {  	_ = 	snop  }
0x51: {  	[tilespmem:s8], [sflag:$0x1] =	stream.indirect_vreg.gather [hbm4b:s3+s2], $0x80, v3, vm0, $0xb8;
	[tilespmem:$0x10100] =	vst v63  }
0x52: {  	v3 =	vld [tilespmem:$0x50];
	_ =	sdelay $0x4  }
0x53: {  	v53 =	vshll.u32 v3, $0x1  }
0x54: {  	v3 =	vand.u32 $0x7, v3;
	v4 =	vand.u32 $0xFFFFFFF0, v53  }
0x55: {  	v3 =	vor.u32 v3, v4  }
0x56: {  	v4 =	vperm.xlane v3, v0;
	_ =	sdelay $0x1  }
0x57: {  	v3 =	vperm.xlane v3, v2;
	v4 =	vadd.s32 v1, v4;
	_ =	sdelay $0x1  }
0x58: {  	v3 =	vadd.s32 v1, v3;
	_ =	sdelay $0x2  }
0x59: {  	[tilespmem:s9], [sflag:$0x1] =	stream.indirect_vreg.gather [hbm4b:s3+s2], $0x80, v4, vm0, $0xb8;
	[tilespmem:$0x10100] =	vst v63  }
0x5a: {  	_ = 	snop  }
0x5b: {  	[tilespmem:s10], [sflag:$0x1] =	stream.indirect_vreg.gather [hbm4b:s3+s2], $0x80, v3, vm0, $0xb8;
	[tilespmem:$0x10100] =	vst v63  }
0x5c: {  	v3 =	vld [tilespmem:$0x60];
	_ =	sdelay $0x4  }
0x5d: {  	v54 =	vshll.u32 v3, $0x1  }
0x5e: {  	v3 =	vand.u32 $0x7, v3;
	v4 =	vand.u32 $0xFFFFFFF0, v54  }
0x5f: {  	v3 =	vor.u32 v3, v4  }
0x60: {  	v4 =	vperm.xlane v3, v0;
	_ =	sdelay $0x1  }
0x61: {  	v3 =	vperm.xlane v3, v2;
	v4 =	vadd.s32 v1, v4;
	_ =	sdelay $0x1  }
0x62: {  	v3 =	vadd.s32 v1, v3;
	_ =	sdelay $0x2  }
0x63: {  	[tilespmem:s11], [sflag:$0x1] =	stream.indirect_vreg.gather [hbm4b:s3+s2], $0x80, v4, vm0, $0xb8;
	[tilespmem:$0x10100] =	vst v63  }
0x64: {  	_ = 	snop  }
0x65: {  	[tilespmem:s12], [sflag:$0x1] =	stream.indirect_vreg.gather [hbm4b:s3+s2], $0x80, v3, vm0, $0xb8;
	[tilespmem:$0x10100] =	vst v63  }
0x66: {  	v3 =	vld [tilespmem:$0x70];
	_ =	sdelay $0x4  }
0x67: {  	v55 =	vshll.u32 v3, $0x1  }
0x68: {  	v3 =	vand.u32 $0x7, v3;
	v4 =	vand.u32 $0xFFFFFFF0, v55  }
0x69: {  	v3 =	vor.u32 v3, v4  }
0x6a: {  	v4 =	vperm.xlane v3, v0;
	_ =	sdelay $0x1  }
0x6b: {  	v3 =	vperm.xlane v3, v2;
	v4 =	vadd.s32 v1, v4;
	_ =	sdelay $0x1  }
0x6c: {  	v3 =	vadd.s32 v1, v3;
	_ =	sdelay $0x2  }
0x6d: {  	[tilespmem:s13], [sflag:$0x1] =	stream.indirect_vreg.gather [hbm4b:s3+s2], $0x80, v4, vm0, $0xb8;
	[tilespmem:$0x10100] =	vst v63  }
0x6e: {  	_ = 	snop  }
0x6f: {  	[tilespmem:s14], [sflag:$0x1] =	stream.indirect_vreg.gather [hbm4b:s3+s2], $0x80, v3, vm0, $0xb8;
	[tilespmem:$0x10100] =	vst v63  }
0x70: {  	v3 =	vld [tilespmem:$0x80];
	_ =	sdelay $0x4  }
0x71: {  	v56 =	vshll.u32 v3, $0x1  }
0x72: {  	v3 =	vand.u32 $0x7, v3;
	v4 =	vand.u32 $0xFFFFFFF0, v56  }
0x73: {  	v3 =	vor.u32 v3, v4  }
0x74: {  	v4 =	vperm.xlane v3, v0;
	_ =	sdelay $0x1  }
0x75: {  	v3 =	vperm.xlane v3, v2;
	v4 =	vadd.s32 v1, v4;
	_ =	sdelay $0x1  }
0x76: {  	v3 =	vadd.s32 v1, v3;
	_ =	sdelay $0x2  }
0x77: {  	[tilespmem:s15], [sflag:$0x1] =	stream.indirect_vreg.gather [hbm4b:s3+s2], $0x80, v4, vm0, $0xb8;
	[tilespmem:$0x10100] =	vst v63  }
0x78: {  	_ = 	snop  }
0x79: {  	[tilespmem:s16], [sflag:$0x1] =	stream.indirect_vreg.gather [hbm4b:s3+s2], $0x80, v3, vm0, $0xb8;
	[tilespmem:$0x10100] =	vst v63  }
0x7a: {  	v3 =	vld [tilespmem:$0x90];
	_ =	sdelay $0x4  }
0x7b: {  	v57 =	vshll.u32 v3, $0x1  }
0x7c: {  	v3 =	vand.u32 $0x7, v3;
	v4 =	vand.u32 $0xFFFFFFF0, v57  }
0x7d: {  	v3 =	vor.u32 v3, v4  }
0x7e: {  	v4 =	vperm.xlane v3, v0;
	_ =	sdelay $0x1  }
0x7f: {  	v3 =	vperm.xlane v3, v2;
	v4 =	vadd.s32 v1, v4;
	_ =	sdelay $0x1  }
0x80: {  	v3 =	vadd.s32 v1, v3;
	_ =	sdelay $0x2  }
0x81: {  	[tilespmem:s17], [sflag:$0x1] =	stream.indirect_vreg.gather [hbm4b:s3+s2], $0x80, v4, vm0, $0xb8;
	[tilespmem:$0x10100] =	vst v63  }
0x82: {  	_ = 	snop  }
0x83: {  	[tilespmem:s18], [sflag:$0x1] =	stream.indirect_vreg.gather [hbm4b:s3+s2], $0x80, v3, vm0, $0xb8;
	[tilespmem:$0x10100] =	vst v63  }
0x84: {  	v3 =	vld [tilespmem:$0xA0];
	_ =	sdelay $0x4  }
0x85: {  	v58 =	vshll.u32 v3, $0x1  }
0x86: {  	v3 =	vand.u32 $0x7, v3;
	v4 =	vand.u32 $0xFFFFFFF0, v58  }
0x87: {  	v3 =	vor.u32 v3, v4  }
0x88: {  	v4 =	vperm.xlane v3, v0;
	_ =	sdelay $0x1  }
0x89: {  	v3 =	vperm.xlane v3, v2;
	v4 =	vadd.s32 v1, v4;
	_ =	sdelay $0x1  }
0x8a: {  	v3 =	vadd.s32 v1, v3;
	_ =	sdelay $0x2  }
0x8b: {  	[tilespmem:s19], [sflag:$0x1] =	stream.indirect_vreg.gather [hbm4b:s3+s2], $0x80, v4, vm0, $0xb8;
	[tilespmem:$0x10100] =	vst v63  }
0x8c: {  	_ = 	snop  }
0x8d: {  	[tilespmem:s20], [sflag:$0x1] =	stream.indirect_vreg.gather [hbm4b:s3+s2], $0x80, v3, vm0, $0xb8;
	[tilespmem:$0x10100] =	vst v63  }
0x8e: {  	v3 =	vld [tilespmem:$0xB0];
	_ =	sdelay $0x4  }
0x8f: {  	v59 =	vshll.u32 v3, $0x1  }
0x90: {  	v3 =	vand.u32 $0x7, v3;
	v4 =	vand.u32 $0xFFFFFFF0, v59  }
0x91: {  	v3 =	vor.u32 v3, v4  }
0x92: {  	v4 =	vperm.xlane v3, v0;
	_ =	sdelay $0x1  }
0x93: {  	v3 =	vperm.xlane v3, v2;
	v4 =	vadd.s32 v1, v4;
	_ =	sdelay $0x1  }
0x94: {  	v3 =	vadd.s32 v1, v3;
	_ =	sdelay $0x2  }
0x95: {  	[tilespmem:s21], [sflag:$0x1] =	stream.indirect_vreg.gather [hbm4b:s3+s2], $0x80, v4, vm0, $0xb8;
	[tilespmem:$0x10100] =	vst v63  }
0x96: {  	_ = 	snop  }
0x97: {  	[tilespmem:s22], [sflag:$0x1] =	stream.indirect_vreg.gather [hbm4b:s3+s2], $0x80, v3, vm0, $0xb8;
	[tilespmem:$0x10100] =	vst v63  }
0x98: {  	v3 =	vld [tilespmem:$0xC0];
	_ =	sdelay $0x4  }
0x99: {  	v60 =	vshll.u32 v3, $0x1  }
0x9a: {  	v3 =	vand.u32 $0x7, v3;
	v4 =	vand.u32 $0xFFFFFFF0, v60  }
0x9b: {  	v3 =	vor.u32 v3, v4  }
0x9c: {  	v4 =	vperm.xlane v3, v0;
	_ =	sdelay $0x1  }
0x9d: {  	v3 =	vperm.xlane v3, v2;
	v4 =	vadd.s32 v1, v4;
	_ =	sdelay $0x1  }
0x9e: {  	v3 =	vadd.s32 v1, v3;
	_ =	sdelay $0x2  }
0x9f: {  	[tilespmem:s23], [sflag:$0x1] =	stream.indirect_vreg.gather [hbm4b:s3+s2], $0x80, v4, vm0, $0xb8;
	[tilespmem:$0x10100] =	vst v63  }
0xa0: {  	_ = 	snop  }
0xa1: {  	[tilespmem:s24], [sflag:$0x1] =	stream.indirect_vreg.gather [hbm4b:s3+s2], $0x80, v3, vm0, $0xb8;
	[tilespmem:$0x10100] =	vst v63  }
0xa2: {  	v3 =	vld [tilespmem:$0xD0];
	_ =	sdelay $0x4  }
0xa3: {  	v61 =	vshll.u32 v3, $0x1  }
0xa4: {  	v3 =	vand.u32 $0x7, v3;
	v4 =	vand.u32 $0xFFFFFFF0, v61  }
0xa5: {  	v3 =	vor.u32 v3, v4  }
0xa6: {  	v4 =	vperm.xlane v3, v0;
	_ =	sdelay $0x1  }
0xa7: {  	v3 =	vperm.xlane v3, v2;
	v4 =	vadd.s32 v1, v4;
	_ =	sdelay $0x1  }
0xa8: {  	v3 =	vadd.s32 v1, v3;
	_ =	sdelay $0x2  }
0xa9: {  	[tilespmem:s25], [sflag:$0x1] =	stream.indirect_vreg.gather [hbm4b:s3+s2], $0x80, v4, vm0, $0xb8;
	[tilespmem:$0x10100] =	vst v63  }
0xaa: {  	_ = 	snop  }
0xab: {  	[tilespmem:s26], [sflag:$0x1] =	stream.indirect_vreg.gather [hbm4b:s3+s2], $0x80, v3, vm0, $0xb8;
	[tilespmem:$0x10100] =	vst v63  }
0xac: {  	v3 =	vld [tilespmem:$0xE0];
	_ =	sdelay $0x4  }
0xad: {  	v62 =	vshll.u32 v3, $0x1  }
0xae: {  	v3 =	vand.u32 $0x7, v3;
	v4 =	vand.u32 $0xFFFFFFF0, v62  }
0xaf: {  	v3 =	vor.u32 v3, v4  }
0xb0: {  	v4 =	vperm.xlane v3, v0;
	_ =	sdelay $0x1  }
0xb1: {  	v3 =	vperm.xlane v3, v2;
	v4 =	vadd.s32 v1, v4;
	_ =	sdelay $0x1  }
0xb2: {  	v3 =	vadd.s32 v1, v3;
	_ =	sdelay $0x2  }
0xb3: {  	[tilespmem:s28], [sflag:$0x1] =	stream.indirect_vreg.gather [hbm4b:s3+s2], $0x80, v4, vm0, $0xb8;
	[tilespmem:$0x10100] =	vst v63  }
0xb4: {  	_ = 	snop  }
0xb5: {  	[tilespmem:s29], [sflag:$0x1] =	stream.indirect_vreg.gather [hbm4b:s3+s2], $0x80, v3, vm0, $0xb8;
	[tilespmem:$0x10100] =	vst v63  }
0xb6: {  	v3 =	vld [tilespmem:$0xF0];
	_ =	sdelay $0x4  }
0xb7: {  	v63 =	vshll.u32 v3, $0x1  }
0xb8: {  	v3 =	vand.u32 $0x7, v3;
	v4 =	vand.u32 $0xFFFFFFF0, v63  }
0xb9: {  	v3 =	vor.u32 v3, v4  }
0xba: {  	v4 =	vperm.xlane v3, v0;
	_ =	sdelay $0x1  }
0xbb: {  	v3 =	vperm.xlane v3, v2;
	v4 =	vadd.s32 v1, v4;
	_ =	sdelay $0x1  }
0xbc: {  	v3 =	vadd.s32 v1, v3;
	_ =	sdelay $0x2  }
0xbd: {  	[tilespmem:s30], [sflag:$0x1] =	stream.indirect_vreg.gather [hbm4b:s3+s2], $0x80, v4, vm0, $0xb8;
	[tilespmem:$0x10100] =	vst v63  }
0xbe: {  	_ = 	snop  }
0xbf: {  	[tilespmem:s31], [sflag:$0x1] =	stream.indirect_vreg.gather [hbm4b:s3+s2], $0x80, v3, vm0, $0xb8;
	[tilespmem:$0x10100] =	vst v63  }
0xc0: {  	_ =	swait.ge [sflag:s1], $0x10000  }
0xc1: {  	p0 =	sne.s32 s4, $0x1;
	[sflag:s1] =	ssyncset.done $0x0  }
.Ltmp0:
0xc2: {  	s7 =	rddreg [dreg:$0x3];
	[sflag:s1] =	ssyncadd.s32 $0xFFFF0000;
	(pc) =	sbr.rel @p0 .LBB2_1-.Ltmp0, $4  }
0xc3: {  	[hbm4b:s7+s2] =	stream.linear.scatter [tilespmem:s6], [sflag:$0x2], $0x10000, $0x38;
	[tilespmem:$0x10100] =	vst v63  }
0xc4: {  	_ =	swait.ge [sflag:s5], $0x10000  }
0xc5: {  	[sflag:s5] =	ssyncset.done $0x0  }
0xc6: {  	s4 =	sadd.s32 $0xFFFFFFFF, s4;
	[sflag:s5] =	ssyncadd.s32 $0xFFFF0000  }
0xc7: {  	_ =	sfence.sel $0x180000  }
0xc8: {  	[bflag:$0x0] =	sbarrier.arrive $0xFFFF  }
0xc9: {  	_ =	strace $0x90000056  }
0xca: {  	s0 =	stileid.u32;
	[bflag:$0x2] =	sbarrier.arrive $0xFFFF  }
0xcb: {  	p0 =	sne.s32 s0, $0x0;
	s0 =	rddreg [dreg:$0x1]  }
0xcc: {  	s0 =	sadd.s32 @!p0 $0x100000, s0  }
0xcd: {  	[sflag:s0] =	ssyncadd.tile.s32 @!p0 $0x1;
	_ =	shalt  }
.Lfunc_end2:
_tile_overlayer_lowered:
.L_overlay_start_2:
0xce: {  	(tag) =	ssettag $0x2  }
0xcf: {  	s0 =	rddreg [dreg:$0x0];
	s2 =	stileid.u32  }
0xd0: {  	s1 =	rddreg [dreg:$0x1];
	p0 =	sne.s32 s2, $0x0  }
0xd1: {  	s3 =	rddreg [dreg:$0x2];
	[bflag:$0x3] =	sbarrier.arrive $0xFFFF;
	s2 =	simm.s32 @!p0 $0x1C02  }
0xd2: {  	[timem:s3], [sflag:s2] =	dma.local @!p0 [hbm:s0], s1  }
0xd3: {  	s0 =	simm.s32 @!p0 $0x2  }
0xd4: {  	_ =	swait.ge @!p0 [sflag:s0], s1  }
0xd5: {  	s1 =	ssub.s32 @!p0 $0x0, s1;
	[sflag:s0] =	ssyncset.done @!p0 $0x0  }
0xd6: {  	[sflag:s0] =	ssyncadd.s32 @!p0 s1  }
0xd7: {  	[bflag:$0x3] =	sbarrier.arrive $0xFFFF  }
0xd8: {  	_ =	shalt  }

// kernel: kernel.32.cloned.1.call-start
scs
__scs_entry_jumppad:
0x0: {  	(pc) =	sbr.rel $0x88, $3  }
0x1: {  	(tag) =	ssettag $0x0;
	lr =	simm.s32 $0x1  }
0x2: {  	[smem:$0x3F99] =	sst lr;
	_ =	strace $0xD0000000  }
0x3: {  	_ = 	snop  }
0x4: {  	_ = 	snop  }
0x5: {  	_ = 	snop  }
0x6: {  	_ = 	snop  }
0x7: {  	_ = 	snop  }
__scs_overlays_trampoline_lowered:
0x8: {  	[smem:$0x3FA8] =	sst s0  }
0x9: {  	[smem:$0x3FA9] =	sst s1  }
0xa: {  	[smem:$0x3FAA] =	sst s2  }
0xb: {  	[smem:$0x3FAB] =	sst s3  }
0xc: {  	[smem:$0x3FAC] =	sst s4  }
0xd: {  	[smem:$0x3FAD] =	sst s5  }
0xe: {  	[smem:$0x3FAE] =	sst s6  }
0xf: {  	[smem:$0x3FAF] =	sst s7  }
0x10: {  	[smem:$0x3FB0] =	sst s8  }
0x11: {  	[smem:$0x3FB1] =	sst s9;
	s0 =	simm.s32 @!p0 $0x0  }
0x12: {  	s1 =	sld [smem:$0x3F97];
	s0 =	simm.s32 @p0 $0x1  }
0x13: {  	[smem:$0x3FB2] =	sst s0;
	s0 =	simm.s32 @!p1 $0x0  }
0x14: {  	s2 =	sld [smem:$0x3F96];
	s0 =	simm.s32 @p1 $0x1  }
0x15: {  	[smem:$0x3FB3] =	sst s0;
	s0 =	simm.s32 @!p2 $0x0  }
0x16: {  	s3 =	sld [smem:$0x3FDB];
	s0 =	simm.s32 @p2 $0x1  }
0x17: {  	s4 =	simm.s32 $0x1BF5;
	[smem:$0x3FB5] =	sst s0  }
0x18: {  	s0 =	sld [smem:$0x3F98];
	_ =	swait.ge [sflag:s4], $0x0  }
0x19: {  	s7 =	sld [smem:$0x3F99]  }
0x1a: {  	s8 =	sadd.s32 $0xFFFFE003, lr  }
0x1b: {  	s9 =	sadd.s32 $0xFFFFFEF7, lr;
	s5 =	simm.s32 $0xFFFFFFFF;
	p2 =	slt.u32 s8, $0xFFFFF086  }
0x1c: {  	p1 =	slt.u32 s9, $0xF7A;
	s5 =	simm.s32 @!p2 $0x0  }
0x1d: {  	s5 =	simm.s32 @p1 $0x1;
	p0 =	seq.s32 s7, s2  }
0x1e: {  	s7 =	smul.u32 @!p0 $0xF7A, s2;
	p2 =	seq.s32 @!p0 s5, $0x0  }
0x1f: {  	s9 =	smul.u32 $0xF7A, s1;
	s8 =	simm.s32 @!p0 $0x1BF5;
	p2 =	por !p2, p0  }
0x20: {  	[sflag:s8] =	ssyncset.s32 @!p0 $0xFFFFF086;
	s6 =	sadd.s32 @!p0 s3, s7;
	s7 =	simm.s32 @!p0 $0x108  }
0x21: {  	s3 =	sadd.s32 s3, s9;
	s6 =	sadd.s32 @!p0 $0x88, s6;
	s7 =	simm.s32 @p2 $0x1082  }
0x22: {  	[simem:s7], [sflag:s8] =	dma.local @!p0 [hbm:s6], $0xF7A  }
0x23: {  	s9 =	sor.u32 $0xD0000000, s2;
	s6 =	simm.s32 $0x108;
	_ =	swait.ge @!p0 [sflag:s8], $0x0  }
0x24: {  	s3 =	sadd.s32 $0x88, s3;
	s6 =	simm.s32 @!p1 $0x1082;
	[sflag:s4] =	ssyncset.s32 $0xFFFFF086  }
0x25: {  	[simem:s6], [sflag:s4] =	dma.local [hbm:s3], $0xF7A  }
0x26: {  	[smem:$0x3F99] =	sst s1;
	(tag) =	ssettag s2;
	_ =	strace s9  }
0x27: {  	s1 =	sld [smem:$0x3FA9]  }
0x28: {  	s2 =	sld [smem:$0x3FAA]  }
0x29: {  	s4 =	sld [smem:$0x3FAC]  }
0x2a: {  	p0 =	seq.s32 s5, $0x0;
	s5 =	sld [smem:$0x3FAD]  }
0x2b: {  	s6 =	sld [smem:$0x3FAE]  }
0x2c: {  	s7 =	sld [smem:$0x3FAF]  }
0x2d: {  	s3 =	simm.s32 $0x108;
	s8 =	sld [smem:$0x3FB0]  }
0x2e: {  	s3 =	simm.s32 @!p0 $0x1082;
	s9 =	sld [smem:$0x3FB1]  }
0x2f: {  	lr =	sadd.s32 s0, s3;
	s0 =	sld [smem:$0x3FA8]  }
0x30: {  	s3 =	sld [smem:$0x3FAB]  }
0x31: {  	[smem:$0x3FB4] =	sst s10  }
0x32: {  	s10 =	sld [smem:$0x3FB2];
	_ =	sdelay $0x3  }
0x33: {  	p0 =	seq.s32 s10, $0x1;
	s10 =	sld [smem:$0x3FB4];
	_ =	sdelay $0x3  }
0x34: {  	[smem:$0x3FB4] =	sst s10  }
0x35: {  	s10 =	sld [smem:$0x3FB3];
	_ =	sdelay $0x3  }
0x36: {  	p1 =	seq.s32 s10, $0x1;
	s10 =	sld [smem:$0x3FB4];
	_ =	sdelay $0x3  }
0x37: {  	[smem:$0x3FB4] =	sst s10  }
0x38: {  	s10 =	sld [smem:$0x3FB5]  }
0x39: {  	_ = 	snop;
	(pc) =	sbr.ind lr, $3  }
0x3a: {  	_ = 	snop  }
0x3b: {  	_ = 	snop  }
0x3c: {  	p2 =	seq.s32 s10, $0x1;
	s10 =	sld [smem:$0x3FB4]  }
0x3d: {  	_ =	shalt  }
0x3e: {  	_ =	shalt  }
0x3f: {  	_ =	shalt  }
0x40: {  	_ =	shalt  }
0x41: {  	_ =	shalt  }
0x42: {  	_ =	shalt  }
0x43: {  	_ =	shalt  }
0x44: {  	_ =	shalt  }
0x45: {  	_ =	shalt  }
0x46: {  	_ =	shalt  }
0x47: {  	_ =	shalt  }
0x48: {  	_ =	shalt  }
0x49: {  	_ =	shalt  }
0x4a: {  	_ =	shalt  }
0x4b: {  	_ =	shalt  }
0x4c: {  	_ =	shalt  }
0x4d: {  	_ =	shalt  }
0x4e: {  	_ =	shalt  }
0x4f: {  	_ =	shalt  }
0x50: {  	_ =	shalt  }
0x51: {  	_ =	shalt  }
0x52: {  	_ =	shalt  }
0x53: {  	_ =	shalt  }
0x54: {  	_ =	shalt  }
0x55: {  	_ =	shalt  }
0x56: {  	_ =	shalt  }
0x57: {  	_ =	shalt  }
0x58: {  	_ =	shalt  }
0x59: {  	_ =	shalt  }
0x5a: {  	_ =	shalt  }
0x5b: {  	_ =	shalt  }
0x5c: {  	_ =	shalt  }
0x5d: {  	_ =	shalt  }
0x5e: {  	_ =	shalt  }
0x5f: {  	_ =	shalt  }
0x60: {  	_ =	shalt  }
0x61: {  	_ =	shalt  }
0x62: {  	_ =	shalt  }
0x63: {  	_ =	shalt  }
0x64: {  	_ =	shalt  }
0x65: {  	_ =	shalt  }
0x66: {  	_ =	shalt  }
0x67: {  	_ =	shalt  }
0x68: {  	_ =	shalt  }
0x69: {  	_ =	shalt  }
0x6a: {  	_ =	shalt  }
0x6b: {  	_ =	shalt  }
0x6c: {  	_ =	shalt  }
0x6d: {  	_ =	shalt  }
0x6e: {  	_ =	shalt  }
0x6f: {  	_ =	shalt  }
0x70: {  	_ =	shalt  }
0x71: {  	_ =	shalt  }
0x72: {  	_ =	shalt  }
0x73: {  	_ =	shalt  }
0x74: {  	_ =	shalt  }
0x75: {  	_ =	shalt  }
0x76: {  	_ =	shalt  }
0x77: {  	_ =	shalt  }
0x78: {  	_ =	shalt  }
0x79: {  	_ =	shalt  }
0x7a: {  	_ =	shalt  }
0x7b: {  	_ =	shalt  }
0x7c: {  	_ =	shalt  }
0x7d: {  	_ =	shalt  }
0x7e: {  	_ =	shalt  }
0x7f: {  	_ =	shalt  }
0x80: {  	_ =	shalt  }
0x81: {  	_ =	shalt  }
0x82: {  	_ =	shalt  }
0x83: {  	_ =	shalt  }
0x84: {  	_ =	shalt  }
0x85: {  	_ =	shalt  }
0x86: {  	_ =	shalt  }
0x87: {  	_ =	shalt  }
.Lfunc_end0:
.L_simem_size_0:
called_computation.6_lowered:
.L_overlay_start_0:
0x88: {  	s2 =	sld [smem:$0x3FD9]  }
0x89: {  	s3 =	sld [smem:$0x3FFE];
	_ =	sdelay $0x1  }
0x8a: {  	s1 =	srdreg.scid  }
0x8b: {  	s0 =	sand.u32 $0x1, s1  }
0x8c: {  	s17 =	sshll.u32 s0, $0xA;
	s2 =	sadd.s32 s3, s2  }
0x8d: {  	s2 =	sadd.s32 s2, s17  }
0x8e: {  	[smem:$0x3FC0] =	sst s2  }
0x8f: {  	_ = 	snop  }
0x90: {  	(tm) =	ssettm $0x1  }
0x91: {  	s18 =	sld [smem:$0x3FFB];
	_ =	sdelay $0x3  }
0x92: {  	_ =	strace s18  }
0x93: {  	s2 =	sld [smem:$0x3FFC];
	_ =	sdelay $0x3  }
0x94: {  	_ =	strace s2  }
0x95: {  	s2 =	sld [smem:$0x3FFD];
	_ =	sdelay $0x3  }
0x96: {  	_ =	strace s2  }
0x97: {  	_ =	strace $0x8FFFFFFF  }
0x98: {  	s19 =	sld [smem:$0x3FDB];
	_ =	sdelay $0x1  }
0x99: {  	s20 =	simm.s32 $_scs_section_size  }
0x9a: {  	s4 =	simm.s32 $_size__tile_overlayer_lowered;
	s5 =	simm.s32 $_tile_overlayer_lowered  }
0x9b: {  	s6 =	simm.s32 $0x1BFF;
	s21 =	sshll.u32 s5, $0x1;
	s3 =	sadd.s32 s20, s19  }
0x9c: {  	s22 =	simm.s32 $0x0;
	s4 =	sshll.u32 s4, $0x1;
	s5 =	sadd.s32 s21, s3  }
0x9d: {  	[timem:s22], [sflag:s6] =	dma.local [hbm:s5], s4  }
0x9e: {  	_ =	swait.ge [sflag:s6], s4  }
0x9f: {  	s4 =	ssub.s32 $0x0, s4;
	[sflag:s6] =	ssyncset.done $0x0  }
0xa0: {  	[sflag:s6] =	ssyncadd.s32 s4;
	_ =	sdelay $0x1  }
0xa1: {  	s23 =	simm.s32 $0x1B8B  }
0xa2: {  	_ =	swait.ge [sflag:s23], $0x1  }
0xa3: {  	[sflag:s23] =	ssyncset.done $0x0  }
0xa4: {  	[sflag:s23] =	ssyncadd.s32 $0xFFFFFFFF  }
0xa5: {  	s4 =	sld [smem:$0x0]  }
0xa6: {  	s5 =	sand.u32 $0xFFFFFFFE, s1  }
0xa7: {  	p0 =	sne.s32 s1, s5  }
0xa8: {  	s5 =	sshll.u32 @p0 s5, $0xE  }
0xa9: {  	s5 =	sadd.s32 @p0 $0x11B8D, s5;
	s6 =	sshll.u32 @p0 s4, $0x11  }
0xaa: {  	s5 =	sor.u32 @p0 s6, s5  }
0xab: {  	[sflag:s5] =	ssyncadd.remote.s32 @p0 $0x1;
	_ =	sdelay $0x1  }
0xac: {  	s5 =	simm.s32 @p0 $0x1B8D  }
0xad: {  	_ =	swait.eq @p0 [sflag:s5], $0x1  }
0xae: {  	[sflag:s5] =	ssyncadd.s32 @p0 $0xFFFFFFFF  }
0xaf: {  	s6 =	sshll.u32 @!p0 s1, $0xE  }
0xb0: {  	s6 =	sor.u32 @!p0 $0x4000, s6;
	s5 =	simm.s32 @!p0 $0x1B8D  }
0xb1: {  	s4 =	sshll.u32 @!p0 s4, $0x11;
	s6 =	sadd.s32 @!p0 $0x11B8D, s6;
	_ =	swait.eq @!p0 [sflag:s5], $0x1  }
0xb2: {  	s4 =	sor.u32 @!p0 s4, s6;
	[sflag:s5] =	ssyncadd.s32 @!p0 $0xFFFFFFFF  }
0xb3: {  	s25 =	simm.s32 $0x1B8E;
	s24 =	sld [smem:$0x3FFE];
	[sflag:s4] =	ssyncadd.remote.s32 @!p0 $0x1  }
0xb4: {  	s26 =	simm.s32 $execute0_lowered;
	[smem:$0x3FD2] =	sst s25  }
0xb5: {  	s5 =	sshll.u32 s26, $0x1;
	_ =	strace $0x80000058;
	[dreg:$0x1] =	wrdreg $0xFFFFFFFF  }
0xb6: {  	s28 =	simm.s32 $_size_execute0_lowered;
	s3 =	sadd.s32 s3, s5;
	[dreg:$0x0] =	wrdreg $0x0  }
0xb7: {  	s5 =	sshll.u32 s28, $0x1;
	[dreg:$0x2] =	wrdreg s3  }
0xb8: {  	[dreg:$0x3] =	wrdreg s5  }
0xb9: {  	[dreg:$0x4] =	wrdreg $0xC0  }
0xba: {  	_ =	task [dreg:s22], $0x5FFFF  }
0xbb: {  	[dreg:$0x1] =	wrdreg $0xFFFFFFFF  }
0xbc: {  	[dreg:$0x0] =	wrdreg $0x60  }
0xbd: {  	[dreg:$0x2] =	wrdreg s24  }
0xbe: {  	[dreg:$0x3] =	wrdreg $0xF  }
0xbf: {  	_ =	task.clear_ibuf [dreg:s22], $0x4FFFF;
	_ =	strace $0x90000058  }
0xc0: {  	s29 =	simm.s32 $0xF;
	_ =	strace $0x8000005A  }
0xc1: {  	_ =	swait.ge [sflag:s29], $0x1  }
0xc2: {  	[sflag:s29] =	ssyncadd.s32 $0xFFFFFFFF  }
0xc3: {  	_ =	strace $0x9000005A  }
0xc4: {  	_ =	sfence  }
0xc5: {  	s30 =	sld [smem:$0x0];
	_ =	sdelay $0x2  }
0xc6: {  	s31 =	sshll.u32 s1, $0xD;
	s1 =	sshrl.u32 s1, $0x2  }
0xc7: {  	s4 =	sand.u32 $0x4000, s31;
	s1 =	sadd.s32 s1, s30  }
0xc8: {  	s0 =	sor.u32 s4, s0;
	s1 =	sshll.u32 s1, $0x11  }
0xc9: {  	s0 =	sor.u32 s1, s0  }
0xca: {  	s0 =	sadd.s32 $0x8F2B, s0  }
0xcb: {  	[sflag:s0] =	ssyncadd.remote.s32 $0x1  }
0xcc: {  	_ =	sfence.sel $0xFFFF  }
0xcd: {  	[dreg:$0x0] =	wrdreg $0xFFFFFFFF;
	(pc) =	sbr.abs _section_cstart, $3  }
0xce: {  	[dreg:$0x1] =	wrdreg $0xFFFFFFFF  }
0xcf: {  	_ =	task.clear_ibuf [dreg:s22], $0x2FFFF;
	_ =	strace $0x9FFFFFFF  }
0xd0: {  	(tm) =	ssettm $0x7FFFFFFF  }
0xd1: {  	_ =	shalt  }
tec
execute0_lowered:
.L_overlay_start_1:
0x0: {  	(tag) =	ssettag $0x1  }
0x1: {  	s1 =	srdreg.scid  }
0x2: {  	s0 =	stileid.u32;
	s4 =	rddreg [dreg:$0x0]  }
0x3: {  	s19 =	simm.s32 $0x900;
	s20 =	simm.s32 $0x1100;
	s21 =	simm.s32 $0x1900  }
0x4: {  	s23 =	simm.s32 $0x2100;
	s24 =	simm.s32 $0x2900;
	s25 =	simm.s32 $0x3100  }
0x5: {  	s26 =	simm.s32 $0x3900;
	s6 =	simm.s32 $0x100;
	s8 =	simm.s32 $0x4900  }
0x6: {  	s9 =	simm.s32 $0x5100;
	s10 =	simm.s32 $0x5900;
	s11 =	simm.s32 $0x6100  }
0x7: {  	s12 =	simm.s32 $0x6900;
	s13 =	simm.s32 $0x7100;
	s1 =	sand.u32 $0x1, s1  }
0x8: {  	s14 =	simm.s32 $0x7900;
	s2 =	sshll.u32 s0, $0x9;
	s3 =	sshll.u32 s1, $0x8  }
0x9: {  	s15 =	simm.s32 $0x8100;
	s3 =	sor.u32 s3, s2;
	s2 =	simm.s32 $0x0  }
0xa: {  	s16 =	simm.s32 $0x8900;
	s17 =	simm.s32 $0x9100;
	[smem:$0x7FF] =	sst s2  }
0xb: {  	s18 =	simm.s32 $0x9900;
	_ =	strace $0x80000059;
	[dreg:$0x4] =	wrdreg s19  }
0xc: {  	s28 =	simm.s32 $0xE100;
	s29 =	simm.s32 $0xE900;
	[dreg:$0x5] =	wrdreg s20  }
0xd: {  	s30 =	simm.s32 $0xF100;
	s1 =	ssub.s32 $0x2, s1;
	[dreg:$0x6] =	wrdreg s21  }
0xe: {  	s31 =	simm.s32 $0xF900;
	s22 =	sshrl.u32 s1, $0x1;
	[dreg:$0x7] =	wrdreg s23  }
0xf: {  	s5 =	sshrl.u32 s3, $0x3;
	s3 =	sshll.u32 s3, $0x5;
	[dreg:$0x8] =	wrdreg s24  }
0x10: {  	s1 =	ssub.s32 s1, s22;
	s22 =	simm.s32 $0xB900;
	[dreg:$0x9] =	wrdreg s25  }
0x11: {  	s5 =	sadd.s32 s5, s4;
	s3 =	sadd.s32 s3, s4;
	[dreg:$0xa] =	wrdreg s26  }
0x12: {  	s19 =	simm.s32 $0xA100;
	s20 =	simm.s32 $0xA900;
	s21 =	simm.s32 $0xB100  }
0x13: {  	s23 =	simm.s32 $0xC100;
	s24 =	simm.s32 $0xC900;
	s5 =	sadd.s32 $0x11F200, s5  }
0x14: {  	v2 =	vlaneseq.u32;
	s25 =	simm.s32 $0xD100;
	s3 =	sadd.s32 $0x2EE600, s3;
	[dreg:$0x2] =	wrdreg s5  }
0x15: {  	vm0 =	vmmov $0xffff;
	v1 =	vshrl.u32 v2, $0x3;
	s26 =	simm.s32 $0xD900;
	[dreg:$0x3] =	wrdreg s3;
	s3 =	sadd.s32 $0x49A00, s4  }
0x16: {  	v0 =	vand.u32 $0x7, v2;
	v2 =	vor.u32 $0x8, v2;
	v1 =	vmul.u32 $0x8, v1;
	s4 =	smax.u32 s1, $0x1;
	s5 =	simm.s32 $0x2;
	s1 =	simm.s32 $0x1  }
.LBB2_1:
0x17: {  	s0 =	rddreg [dreg:$0x2]  }
0x18: {  	[tilespmem:s2], [sflag:$0x2] =	stream.linear.gather [hbm4b:s0+s2], $0x100, $0x38;
	[tilespmem:$0x10100] =	vst v63  }
0x19: {  	_ =	swait.ge [sflag:s5], $0x100  }
0x1a: {  	[sflag:s5] =	ssyncset.done $0x0  }
0x1b: {  	[sflag:s5] =	ssyncadd.s32 $0xFFFFFF00  }
0x1c: {  	v3 =	vld [tilespmem:$0x0];
	_ =	sdelay $0x4  }
0x1d: {  	v4 =	vshll.u32 v3, $0x1  }
0x1e: {  	v3 =	vand.u32 $0x7, v3;
	v4 =	vand.u32 $0xFFFFFFF0, v4  }
0x1f: {  	v3 =	vor.u32 v3, v4  }
0x20: {  	v4 =	vperm.xlane v3, v0;
	_ =	sdelay $0x1  }
0x21: {  	v3 =	vperm.xlane v3, v2;
	v4 =	vadd.s32 v1, v4;
	_ =	sdelay $0x1  }
0x22: {  	v3 =	vadd.s32 v1, v3;
	_ =	sdelay $0x2  }
0x23: {  	[tilespmem:s6], [sflag:$0x1] =	stream.indirect_vreg.gather [hbm4b:s3+s2], $0x80, v4, vm0, $0xb8;
	[tilespmem:$0x10100] =	vst v63  }
0x24: {  	s7 =	rddreg [dreg:$0x4]  }
0x25: {  	[tilespmem:s7], [sflag:$0x1] =	stream.indirect_vreg.gather [hbm4b:s3+s2], $0x80, v3, vm0, $0xb8;
	[tilespmem:$0x10100] =	vst v63  }
0x26: {  	v3 =	vld [tilespmem:$0x10];
	_ =	sdelay $0x4  }
0x27: {  	v49 =	vshll.u32 v3, $0x1  }
0x28: {  	v3 =	vand.u32 $0x7, v3;
	v4 =	vand.u32 $0xFFFFFFF0, v49  }
0x29: {  	v3 =	vor.u32 v3, v4  }
0x2a: {  	v4 =	vperm.xlane v3, v0;
	_ =	sdelay $0x1  }
0x2b: {  	v3 =	vperm.xlane v3, v2;
	v4 =	vadd.s32 v1, v4;
	_ =	sdelay $0x1  }
0x2c: {  	v3 =	vadd.s32 v1, v3;
	_ =	sdelay $0x1  }
0x2d: {  	s0 =	rddreg [dreg:$0x5]  }
0x2e: {  	[tilespmem:s0], [sflag:$0x1] =	stream.indirect_vreg.gather [hbm4b:s3+s2], $0x80, v4, vm0, $0xb8;
	[tilespmem:$0x10100] =	vst v63  }
0x2f: {  	s7 =	rddreg [dreg:$0x6]  }
0x30: {  	[tilespmem:s7], [sflag:$0x1] =	stream.indirect_vreg.gather [hbm4b:s3+s2], $0x80, v3, vm0, $0xb8;
	[tilespmem:$0x10100] =	vst v63  }
0x31: {  	v3 =	vld [tilespmem:$0x20];
	_ =	sdelay $0x4  }
0x32: {  	v50 =	vshll.u32 v3, $0x1  }
0x33: {  	v3 =	vand.u32 $0x7, v3;
	v4 =	vand.u32 $0xFFFFFFF0, v50  }
0x34: {  	v3 =	vor.u32 v3, v4  }
0x35: {  	v4 =	vperm.xlane v3, v0;
	_ =	sdelay $0x1  }
0x36: {  	v3 =	vperm.xlane v3, v2;
	v4 =	vadd.s32 v1, v4;
	_ =	sdelay $0x1  }
0x37: {  	v3 =	vadd.s32 v1, v3;
	_ =	sdelay $0x1  }
0x38: {  	s0 =	rddreg [dreg:$0x7]  }
0x39: {  	[tilespmem:s0], [sflag:$0x1] =	stream.indirect_vreg.gather [hbm4b:s3+s2], $0x80, v4, vm0, $0xb8;
	[tilespmem:$0x10100] =	vst v63  }
0x3a: {  	s7 =	rddreg [dreg:$0x8]  }
0x3b: {  	[tilespmem:s7], [sflag:$0x1] =	stream.indirect_vreg.gather [hbm4b:s3+s2], $0x80, v3, vm0, $0xb8;
	[tilespmem:$0x10100] =	vst v63  }
0x3c: {  	v3 =	vld [tilespmem:$0x30];
	_ =	sdelay $0x4  }
0x3d: {  	v51 =	vshll.u32 v3, $0x1  }
0x3e: {  	v3 =	vand.u32 $0x7, v3;
	v4 =	vand.u32 $0xFFFFFFF0, v51  }
0x3f: {  	v3 =	vor.u32 v3, v4  }
0x40: {  	v4 =	vperm.xlane v3, v0;
	_ =	sdelay $0x1  }
0x41: {  	v3 =	vperm.xlane v3, v2;
	v4 =	vadd.s32 v1, v4;
	_ =	sdelay $0x1  }
0x42: {  	v3 =	vadd.s32 v1, v3;
	_ =	sdelay $0x1  }
0x43: {  	s0 =	rddreg [dreg:$0x9]  }
0x44: {  	[tilespmem:s0], [sflag:$0x1] =	stream.indirect_vreg.gather [hbm4b:s3+s2], $0x80, v4, vm0, $0xb8;
	[tilespmem:$0x10100] =	vst v63  }
0x45: {  	s7 =	rddreg [dreg:$0xa]  }
0x46: {  	[tilespmem:s7], [sflag:$0x1] =	stream.indirect_vreg.gather [hbm4b:s3+s2], $0x80, v3, vm0, $0xb8;
	[tilespmem:$0x10100] =	vst v63  }
0x47: {  	v3 =	vld [tilespmem:$0x40];
	_ =	sdelay $0x4  }
0x48: {  	v52 =	vshll.u32 v3, $0x1  }
0x49: {  	v3 =	vand.u32 $0x7, v3;
	v4 =	vand.u32 $0xFFFFFFF0, v52  }
0x4a: {  	v3 =	vor.u32 v3, v4  }
0x4b: {  	v4 =	vperm.xlane v3, v0;
	_ =	sdelay $0x1  }
0x4c: {  	v3 =	vperm.xlane v3, v2;
	v4 =	vadd.s32 v1, v4;
	_ =	sdelay $0x1  }
0x4d: {  	v3 =	vadd.s32 v1, v3;
	_ =	sdelay $0x1  }
0x4e: {  	s7 =	simm.s32 $0x4100  }
0x4f: {  	[tilespmem:s7], [sflag:$0x1] =	stream.indirect_vreg.gather [hbm4b:s3+s2], $0x80, v4, vm0, $0xb8;
	[tilespmem:$0x10100] =	vst v63  }
0x50: {  	_ = 	snop  }
0x51: {  	[tilespmem:s8], [sflag:$0x1] =	stream.indirect_vreg.gather [hbm4b:s3+s2], $0x80, v3, vm0, $0xb8;
	[tilespmem:$0x10100] =	vst v63  }
0x52: {  	v3 =	vld [tilespmem:$0x50];
	_ =	sdelay $0x4  }
0x53: {  	v53 =	vshll.u32 v3, $0x1  }
0x54: {  	v3 =	vand.u32 $0x7, v3;
	v4 =	vand.u32 $0xFFFFFFF0, v53  }
0x55: {  	v3 =	vor.u32 v3, v4  }
0x56: {  	v4 =	vperm.xlane v3, v0;
	_ =	sdelay $0x1  }
0x57: {  	v3 =	vperm.xlane v3, v2;
	v4 =	vadd.s32 v1, v4;
	_ =	sdelay $0x1  }
0x58: {  	v3 =	vadd.s32 v1, v3;
	_ =	sdelay $0x2  }
0x59: {  	[tilespmem:s9], [sflag:$0x1] =	stream.indirect_vreg.gather [hbm4b:s3+s2], $0x80, v4, vm0, $0xb8;
	[tilespmem:$0x10100] =	vst v63  }
0x5a: {  	_ = 	snop  }
0x5b: {  	[tilespmem:s10], [sflag:$0x1] =	stream.indirect_vreg.gather [hbm4b:s3+s2], $0x80, v3, vm0, $0xb8;
	[tilespmem:$0x10100] =	vst v63  }
0x5c: {  	v3 =	vld [tilespmem:$0x60];
	_ =	sdelay $0x4  }
0x5d: {  	v54 =	vshll.u32 v3, $0x1  }
0x5e: {  	v3 =	vand.u32 $0x7, v3;
	v4 =	vand.u32 $0xFFFFFFF0, v54  }
0x5f: {  	v3 =	vor.u32 v3, v4  }
0x60: {  	v4 =	vperm.xlane v3, v0;
	_ =	sdelay $0x1  }
0x61: {  	v3 =	vperm.xlane v3, v2;
	v4 =	vadd.s32 v1, v4;
	_ =	sdelay $0x1  }
0x62: {  	v3 =	vadd.s32 v1, v3;
	_ =	sdelay $0x2  }
0x63: {  	[tilespmem:s11], [sflag:$0x1] =	stream.indirect_vreg.gather [hbm4b:s3+s2], $0x80, v4, vm0, $0xb8;
	[tilespmem:$0x10100] =	vst v63  }
0x64: {  	_ = 	snop  }
0x65: {  	[tilespmem:s12], [sflag:$0x1] =	stream.indirect_vreg.gather [hbm4b:s3+s2], $0x80, v3, vm0, $0xb8;
	[tilespmem:$0x10100] =	vst v63  }
0x66: {  	v3 =	vld [tilespmem:$0x70];
	_ =	sdelay $0x4  }
0x67: {  	v55 =	vshll.u32 v3, $0x1  }
0x68: {  	v3 =	vand.u32 $0x7, v3;
	v4 =	vand.u32 $0xFFFFFFF0, v55  }
0x69: {  	v3 =	vor.u32 v3, v4  }
0x6a: {  	v4 =	vperm.xlane v3, v0;
	_ =	sdelay $0x1  }
0x6b: {  	v3 =	vperm.xlane v3, v2;
	v4 =	vadd.s32 v1, v4;
	_ =	sdelay $0x1  }
0x6c: {  	v3 =	vadd.s32 v1, v3;
	_ =	sdelay $0x2  }
0x6d: {  	[tilespmem:s13], [sflag:$0x1] =	stream.indirect_vreg.gather [hbm4b:s3+s2], $0x80, v4, vm0, $0xb8;
	[tilespmem:$0x10100] =	vst v63  }
0x6e: {  	_ = 	snop  }
0x6f: {  	[tilespmem:s14], [sflag:$0x1] =	stream.indirect_vreg.gather [hbm4b:s3+s2], $0x80, v3, vm0, $0xb8;
	[tilespmem:$0x10100] =	vst v63  }
0x70: {  	v3 =	vld [tilespmem:$0x80];
	_ =	sdelay $0x4  }
0x71: {  	v56 =	vshll.u32 v3, $0x1  }
0x72: {  	v3 =	vand.u32 $0x7, v3;
	v4 =	vand.u32 $0xFFFFFFF0, v56  }
0x73: {  	v3 =	vor.u32 v3, v4  }
0x74: {  	v4 =	vperm.xlane v3, v0;
	_ =	sdelay $0x1  }
0x75: {  	v3 =	vperm.xlane v3, v2;
	v4 =	vadd.s32 v1, v4;
	_ =	sdelay $0x1  }
0x76: {  	v3 =	vadd.s32 v1, v3;
	_ =	sdelay $0x2  }
0x77: {  	[tilespmem:s15], [sflag:$0x1] =	stream.indirect_vreg.gather [hbm4b:s3+s2], $0x80, v4, vm0, $0xb8;
	[tilespmem:$0x10100] =	vst v63  }
0x78: {  	_ = 	snop  }
0x79: {  	[tilespmem:s16], [sflag:$0x1] =	stream.indirect_vreg.gather [hbm4b:s3+s2], $0x80, v3, vm0, $0xb8;
	[tilespmem:$0x10100] =	vst v63  }
0x7a: {  	v3 =	vld [tilespmem:$0x90];
	_ =	sdelay $0x4  }
0x7b: {  	v57 =	vshll.u32 v3, $0x1  }
0x7c: {  	v3 =	vand.u32 $0x7, v3;
	v4 =	vand.u32 $0xFFFFFFF0, v57  }
0x7d: {  	v3 =	vor.u32 v3, v4  }
0x7e: {  	v4 =	vperm.xlane v3, v0;
	_ =	sdelay $0x1  }
0x7f: {  	v3 =	vperm.xlane v3, v2;
	v4 =	vadd.s32 v1, v4;
	_ =	sdelay $0x1  }
0x80: {  	v3 =	vadd.s32 v1, v3;
	_ =	sdelay $0x2  }
0x81: {  	[tilespmem:s17], [sflag:$0x1] =	stream.indirect_vreg.gather [hbm4b:s3+s2], $0x80, v4, vm0, $0xb8;
	[tilespmem:$0x10100] =	vst v63  }
0x82: {  	_ = 	snop  }
0x83: {  	[tilespmem:s18], [sflag:$0x1] =	stream.indirect_vreg.gather [hbm4b:s3+s2], $0x80, v3, vm0, $0xb8;
	[tilespmem:$0x10100] =	vst v63  }
0x84: {  	v3 =	vld [tilespmem:$0xA0];
	_ =	sdelay $0x4  }
0x85: {  	v58 =	vshll.u32 v3, $0x1  }
0x86: {  	v3 =	vand.u32 $0x7, v3;
	v4 =	vand.u32 $0xFFFFFFF0, v58  }
0x87: {  	v3 =	vor.u32 v3, v4  }
0x88: {  	v4 =	vperm.xlane v3, v0;
	_ =	sdelay $0x1  }
0x89: {  	v3 =	vperm.xlane v3, v2;
	v4 =	vadd.s32 v1, v4;
	_ =	sdelay $0x1  }
0x8a: {  	v3 =	vadd.s32 v1, v3;
	_ =	sdelay $0x2  }
0x8b: {  	[tilespmem:s19], [sflag:$0x1] =	stream.indirect_vreg.gather [hbm4b:s3+s2], $0x80, v4, vm0, $0xb8;
	[tilespmem:$0x10100] =	vst v63  }
0x8c: {  	_ = 	snop  }
0x8d: {  	[tilespmem:s20], [sflag:$0x1] =	stream.indirect_vreg.gather [hbm4b:s3+s2], $0x80, v3, vm0, $0xb8;
	[tilespmem:$0x10100] =	vst v63  }
0x8e: {  	v3 =	vld [tilespmem:$0xB0];
	_ =	sdelay $0x4  }
0x8f: {  	v59 =	vshll.u32 v3, $0x1  }
0x90: {  	v3 =	vand.u32 $0x7, v3;
	v4 =	vand.u32 $0xFFFFFFF0, v59  }
0x91: {  	v3 =	vor.u32 v3, v4  }
0x92: {  	v4 =	vperm.xlane v3, v0;
	_ =	sdelay $0x1  }
0x93: {  	v3 =	vperm.xlane v3, v2;
	v4 =	vadd.s32 v1, v4;
	_ =	sdelay $0x1  }
0x94: {  	v3 =	vadd.s32 v1, v3;
	_ =	sdelay $0x2  }
0x95: {  	[tilespmem:s21], [sflag:$0x1] =	stream.indirect_vreg.gather [hbm4b:s3+s2], $0x80, v4, vm0, $0xb8;
	[tilespmem:$0x10100] =	vst v63  }
0x96: {  	_ = 	snop  }
0x97: {  	[tilespmem:s22], [sflag:$0x1] =	stream.indirect_vreg.gather [hbm4b:s3+s2], $0x80, v3, vm0, $0xb8;
	[tilespmem:$0x10100] =	vst v63  }
0x98: {  	v3 =	vld [tilespmem:$0xC0];
	_ =	sdelay $0x4  }
0x99: {  	v60 =	vshll.u32 v3, $0x1  }
0x9a: {  	v3 =	vand.u32 $0x7, v3;
	v4 =	vand.u32 $0xFFFFFFF0, v60  }
0x9b: {  	v3 =	vor.u32 v3, v4  }
0x9c: {  	v4 =	vperm.xlane v3, v0;
	_ =	sdelay $0x1  }
0x9d: {  	v3 =	vperm.xlane v3, v2;
	v4 =	vadd.s32 v1, v4;
	_ =	sdelay $0x1  }
0x9e: {  	v3 =	vadd.s32 v1, v3;
	_ =	sdelay $0x2  }
0x9f: {  	[tilespmem:s23], [sflag:$0x1] =	stream.indirect_vreg.gather [hbm4b:s3+s2], $0x80, v4, vm0, $0xb8;
	[tilespmem:$0x10100] =	vst v63  }
0xa0: {  	_ = 	snop  }
0xa1: {  	[tilespmem:s24], [sflag:$0x1] =	stream.indirect_vreg.gather [hbm4b:s3+s2], $0x80, v3, vm0, $0xb8;
	[tilespmem:$0x10100] =	vst v63  }
0xa2: {  	v3 =	vld [tilespmem:$0xD0];
	_ =	sdelay $0x4  }
0xa3: {  	v61 =	vshll.u32 v3, $0x1  }
0xa4: {  	v3 =	vand.u32 $0x7, v3;
	v4 =	vand.u32 $0xFFFFFFF0, v61  }
0xa5: {  	v3 =	vor.u32 v3, v4  }
0xa6: {  	v4 =	vperm.xlane v3, v0;
	_ =	sdelay $0x1  }
0xa7: {  	v3 =	vperm.xlane v3, v2;
	v4 =	vadd.s32 v1, v4;
	_ =	sdelay $0x1  }
0xa8: {  	v3 =	vadd.s32 v1, v3;
	_ =	sdelay $0x2  }
0xa9: {  	[tilespmem:s25], [sflag:$0x1] =	stream.indirect_vreg.gather [hbm4b:s3+s2], $0x80, v4, vm0, $0xb8;
	[tilespmem:$0x10100] =	vst v63  }
0xaa: {  	_ = 	snop  }
0xab: {  	[tilespmem:s26], [sflag:$0x1] =	stream.indirect_vreg.gather [hbm4b:s3+s2], $0x80, v3, vm0, $0xb8;
	[tilespmem:$0x10100] =	vst v63  }
0xac: {  	v3 =	vld [tilespmem:$0xE0];
	_ =	sdelay $0x4  }
0xad: {  	v62 =	vshll.u32 v3, $0x1  }
0xae: {  	v3 =	vand.u32 $0x7, v3;
	v4 =	vand.u32 $0xFFFFFFF0, v62  }
0xaf: {  	v3 =	vor.u32 v3, v4  }
0xb0: {  	v4 =	vperm.xlane v3, v0;
	_ =	sdelay $0x1  }
0xb1: {  	v3 =	vperm.xlane v3, v2;
	v4 =	vadd.s32 v1, v4;
	_ =	sdelay $0x1  }
0xb2: {  	v3 =	vadd.s32 v1, v3;
	_ =	sdelay $0x2  }
0xb3: {  	[tilespmem:s28], [sflag:$0x1] =	stream.indirect_vreg.gather [hbm4b:s3+s2], $0x80, v4, vm0, $0xb8;
	[tilespmem:$0x10100] =	vst v63  }
0xb4: {  	_ = 	snop  }
0xb5: {  	[tilespmem:s29], [sflag:$0x1] =	stream.indirect_vreg.gather [hbm4b:s3+s2], $0x80, v3, vm0, $0xb8;
	[tilespmem:$0x10100] =	vst v63  }
0xb6: {  	v3 =	vld [tilespmem:$0xF0];
	_ =	sdelay $0x4  }
0xb7: {  	v63 =	vshll.u32 v3, $0x1  }
0xb8: {  	v3 =	vand.u32 $0x7, v3;
	v4 =	vand.u32 $0xFFFFFFF0, v63  }
0xb9: {  	v3 =	vor.u32 v3, v4  }
0xba: {  	v4 =	vperm.xlane v3, v0;
	_ =	sdelay $0x1  }
0xbb: {  	v3 =	vperm.xlane v3, v2;
	v4 =	vadd.s32 v1, v4;
	_ =	sdelay $0x1  }
0xbc: {  	v3 =	vadd.s32 v1, v3;
	_ =	sdelay $0x2  }
0xbd: {  	[tilespmem:s30], [sflag:$0x1] =	stream.indirect_vreg.gather [hbm4b:s3+s2], $0x80, v4, vm0, $0xb8;
	[tilespmem:$0x10100] =	vst v63  }
0xbe: {  	_ = 	snop  }
0xbf: {  	[tilespmem:s31], [sflag:$0x1] =	stream.indirect_vreg.gather [hbm4b:s3+s2], $0x80, v3, vm0, $0xb8;
	[tilespmem:$0x10100] =	vst v63  }
0xc0: {  	_ =	swait.ge [sflag:s1], $0x10000  }
0xc1: {  	p0 =	sne.s32 s4, $0x1;
	[sflag:s1] =	ssyncset.done $0x0  }
.Ltmp0:
0xc2: {  	s7 =	rddreg [dreg:$0x3];
	[sflag:s1] =	ssyncadd.s32 $0xFFFF0000;
	(pc) =	sbr.rel @p0 .LBB2_1-.Ltmp0, $4  }
0xc3: {  	[hbm4b:s7+s2] =	stream.linear.scatter [tilespmem:s6], [sflag:$0x2], $0x10000, $0x38;
	[tilespmem:$0x10100] =	vst v63  }
0xc4: {  	_ =	swait.ge [sflag:s5], $0x10000  }
0xc5: {  	[sflag:s5] =	ssyncset.done $0x0  }
0xc6: {  	s4 =	sadd.s32 $0xFFFFFFFF, s4;
	[sflag:s5] =	ssyncadd.s32 $0xFFFF0000  }
0xc7: {  	_ =	sfence.sel $0x180000  }
0xc8: {  	[bflag:$0x0] =	sbarrier.arrive $0xFFFF  }
0xc9: {  	_ =	strace $0x90000059  }
0xca: {  	s0 =	stileid.u32;
	[bflag:$0x2] =	sbarrier.arrive $0xFFFF  }
0xcb: {  	p0 =	sne.s32 s0, $0x0;
	s0 =	rddreg [dreg:$0x1]  }
0xcc: {  	s0 =	sadd.s32 @!p0 $0x100000, s0  }
0xcd: {  	[sflag:s0] =	ssyncadd.tile.s32 @!p0 $0x1;
	_ =	shalt  }
.Lfunc_end2:
_tile_overlayer_lowered:
.L_overlay_start_2:
0xce: {  	(tag) =	ssettag $0x2  }
0xcf: {  	s0 =	rddreg [dreg:$0x0];
	s2 =	stileid.u32  }
0xd0: {  	s1 =	rddreg [dreg:$0x1];
	p0 =	sne.s32 s2, $0x0  }
0xd1: {  	s3 =	rddreg [dreg:$0x2];
	[bflag:$0x3] =	sbarrier.arrive $0xFFFF;
	s2 =	simm.s32 @!p0 $0x1C02  }
0xd2: {  	[timem:s3], [sflag:s2] =	dma.local @!p0 [hbm:s0], s1  }
0xd3: {  	s0 =	simm.s32 @!p0 $0x2  }
0xd4: {  	_ =	swait.ge @!p0 [sflag:s0], s1  }
0xd5: {  	s1 =	ssub.s32 @!p0 $0x0, s1;
	[sflag:s0] =	ssyncset.done @!p0 $0x0  }
0xd6: {  	[sflag:s0] =	ssyncadd.s32 @!p0 s1  }
0xd7: {  	[bflag:$0x3] =	sbarrier.arrive $0xFFFF  }
0xd8: {  	_ =	shalt  }

</sc_bundles>
